<compile_context>
chip_gen: v7x
topology: tpu7x:2x2x1
jax: 0.10.2.dev20260603
libtpu: 0.0.44.dev20260713+nightly
codegen_flags: <defaults>
</compile_context>

<pallas_src>
import dataclasses
import functools

import jax
import jax.numpy as jnp
from jax import lax
from jax.experimental import pallas as pl
from jax.experimental.pallas import tpu as pltpu
from jax.experimental.pallas import tpu_sc as plsc

NC = 2
NS = 16
LANES = 16
B = 128
F = 128
D = 4


def _tc_linear(x, weight, bias):
    n, f_in = x.shape
    f_out = weight.shape[1]
    blk = 1000

    def mm_kernel(x_ref, w_ref, b_ref, o_ref):
        o_ref[...] = jnp.dot(
            x_ref[...], w_ref[...],
            preferred_element_type=jnp.float32,
            precision=lax.Precision.HIGHEST,
        ) + b_ref[...]

    return pl.pallas_call(
        mm_kernel,
        grid=(n // blk,),
        in_specs=[
            pl.BlockSpec((blk, f_in), lambda i: (i, 0)),
            pl.BlockSpec((f_in, f_out), lambda i: (0, 0)),
            pl.BlockSpec((1, f_out), lambda i: (0, 0)),
        ],
        out_specs=pl.BlockSpec((blk, f_out), lambda i: (i, 0)),
        out_shape=jax.ShapeDtypeStruct((n, f_out), jnp.float32),
    )(x, weight, bias.reshape(1, f_out))


def _tc_add(partials):
    _, n, f = partials.shape
    blk = 1000

    def add_kernel(p_ref, o_ref):
        o_ref[...] = p_ref[0] + p_ref[1]

    return pl.pallas_call(
        add_kernel,
        grid=(n // blk,),
        in_specs=[pl.BlockSpec((2, blk, f), lambda i: (0, i, 0))],
        out_specs=pl.BlockSpec((blk, f), lambda i: (i, 0)),
        out_shape=jax.ShapeDtypeStruct((n, f), jnp.float32),
    )(partials)


def _sc_aggregate(h, edges, n_nodes):
    e_pad = edges.shape[1]
    edges_per_tile = e_pad // (NC * NS)
    n_batches = edges_per_tile // B
    rows_per_sub = n_nodes // NS
    full = rows_per_sub // B
    rem = rows_per_sub - full * B
    mesh = plsc.VectorSubcoreMesh(core_axis_name="c", subcore_axis_name="s")
    cp = pltpu.CompilerParams()
    if "needs_layout_passes" in pltpu.CompilerParams.__dataclass_fields__:
        cp = dataclasses.replace(cp, needs_layout_passes=False)

    @functools.partial(
        pl.kernel,
        out_type=jax.ShapeDtypeStruct((NC, NS, rows_per_sub, F), jnp.float32),
        mesh=mesh,
        compiler_params=cp,
        scratch_types=[
            pltpu.VMEM((3, B), jnp.int32),
            pltpu.VMEM((3, B), jnp.int32),
            pltpu.VMEM((B, F), jnp.float32),
            pltpu.VMEM((B, F), jnp.float32),
            pltpu.VMEM_SHARED((n_nodes, F), jnp.float32),
            pltpu.SemaphoreType.DMA,
            pltpu.SemaphoreType.DMA,
            pltpu.SemaphoreType.DMA,
            pltpu.SemaphoreType.DMA,
        ],
    )
    def sc_kernel(h_hbm, e_hbm, out_hbm, eb0, eb1, gb0, gb1, acc,
                  gs0, gs1, ss0, ss1):
        cid = lax.axis_index("c")
        sid = lax.axis_index("s")
        wid = sid * NC + cid
        base = wid * edges_per_tile
        rbase = sid * rows_per_sub
        ebufs = (eb0, eb1)
        gbufs = (gb0, gb1)
        gsems = (gs0, gs1)
        ssems = (ss0, ss1)

        def fetch(b, p):
            pltpu.sync_copy(e_hbm.at[:, pl.ds(base + b * B, B)], ebufs[p])
            pltpu.async_copy(h_hbm.at[ebufs[p].at[1]], gbufs[p], gsems[p])

        fetch(0, 0)

        zeros16 = jnp.zeros((LANES,), jnp.float32)

        @pl.loop(0, B)
        def _(i):
            @pl.loop(0, F, step=LANES)
            def _(c):
                gb1[i, pl.ds(c, LANES)] = zeros16

        for k in range(full):
            pltpu.sync_copy(gb1, acc.at[pl.ds(rbase + k * B, B)])
        if rem:
            pltpu.sync_copy(gb1.at[pl.ds(0, rem)],
                            acc.at[pl.ds(rbase + full * B, rem)])
        plsc.subcore_barrier()

        def body(b, p):
            @pl.when(b >= 1)
            def _():
                pltpu.make_async_copy(gbufs[1 - p],
                                      acc.at[ebufs[1 - p].at[0]],
                                      ssems[1 - p]).wait()

            @pl.when(b + 1 < n_batches)
            def _():
                fetch(b + 1, 1 - p)

            pltpu.make_async_copy(h_hbm.at[ebufs[p].at[1]], gbufs[p],
                                  gsems[p]).wait()
            gbuf = gbufs[p]
            ebuf = ebufs[p]

            @pl.loop(0, B, step=LANES)
            def _(i0):
                v16 = plsc.bitcast(ebuf[2, pl.ds(i0, LANES)], jnp.float32)
                for r in range(LANES):
                    bc = jnp.full((LANES,), v16[r], jnp.float32)
                    for c in range(0, F, LANES):
                        gbuf[i0 + r, pl.ds(c, LANES)] = (
                            gbuf[i0 + r, pl.ds(c, LANES)] * bc)

            pltpu.async_copy(gbuf, acc.at[ebuf.at[0]], ssems[p], add=True)

        @pl.loop(0, n_batches, step=2)
        def _(j):
            body(j, 0)
            body(j + 1, 1)

        pltpu.make_async_copy(gb1, acc.at[eb1.at[0]], ss1).wait()
        plsc.subcore_barrier()
        pltpu.sync_copy(acc.at[pl.ds(rbase, rows_per_sub)],
                        out_hbm.at[cid, sid])

    return sc_kernel(h, edges).reshape(NC, n_nodes, F)


def kernel(x, adj_indices, adj_values, weight, bias):
    n_nodes = x.shape[0]
    row = adj_indices[0].astype(jnp.int32)
    col = adj_indices[1].astype(jnp.int32)
    val = adj_values.astype(jnp.float32)
    e = row.shape[0]
    tile_e = NC * NS * B * 2
    e_pad = ((e + tile_e - 1) // tile_e) * tile_e
    if e_pad != e:
        pad = e_pad - e
        row = jnp.concatenate([row, jnp.zeros((pad,), jnp.int32)])
        col = jnp.concatenate([col, jnp.zeros((pad,), jnp.int32)])
        val = jnp.concatenate([val, jnp.zeros((pad,), jnp.float32)])
    edges = jnp.stack(
        [row, col, lax.bitcast_convert_type(val, jnp.int32)])

    h = _tc_linear(x, weight, bias)
    partials = _sc_aggregate(h, edges, n_nodes)
    return _tc_add(partials)

# --- scband reference (transcript-rebuilt; emitter-appended) ---
"""Pipeline reference for scband-gcnlayer-8443905704049 (READ-ONLY COPY).

The authoritative reference and input builder live on the scoring server;
editing this copy changes nothing except your own understanding.
"""

import jax, jax.numpy as jnp
import numpy as np

N_NODES = 10000
N_EDGES = 320000
IN_FEATURES = 128
OUT_FEATURES = 128


def setup_inputs(seed: int = 0) -> dict:
    key = jax.random.key(seed)
    k_x, k_idx, k_val, k_w = jax.random.split(key, 4)
    x = jax.random.normal(k_x, (N_NODES, IN_FEATURES), dtype=jnp.float32)
    adj_indices = jax.random.randint(k_idx, (2, N_EDGES), 0, N_NODES, dtype=jnp.int64)
    adj_values = jax.random.uniform(k_val, (N_EDGES,), dtype=jnp.float32)
    # Xavier-uniform weight as in nn.init.xavier_uniform_
    limit = float(np.sqrt(6.0 / (IN_FEATURES + OUT_FEATURES)))
    weight = jax.random.uniform(k_w, (IN_FEATURES, OUT_FEATURES), dtype=jnp.float32, minval=-limit, maxval=limit)
    bias = jnp.zeros((OUT_FEATURES,), dtype=jnp.float32)
    return {"x": x, "adj_indices": adj_indices, "adj_values": adj_values, "weight": weight, "bias": bias}


def reference(x, adj_indices, adj_values, weight, bias):
    # x = x @ W + b
    h = x @ weight
    h = h + bias
    # torch.sparse.mm(adj, h): out[row] += adj_values * h[col]
    row = adj_indices[0]
    col = adj_indices[1]
    gathered = jnp.take(h, col, axis=0) * adj_values[:, None]
    out = jax.ops.segment_sum(gathered, row, num_segments=N_NODES)
    return out

if __name__ == "__main__":
    import jax
    _d = setup_inputs()
    print(jax.jit(kernel)(*tuple(_d.values())))

</pallas_src>

<mosaic_0001>
#map = affine_map<(d0, d1) -> (0, 0)>
#map1 = affine_map<(d0, d1) -> (0, 0, 0, 0)>
module attributes {stable_mosaic.version = 14 : i64} {
  func.func @sc_kernel(%arg0: i32, %arg1: i32, %arg2: memref<10000x128xf32, #tpu.memory_space<hbm>>, %arg3: memref<3x327680xi32, #tpu.memory_space<hbm>>, %arg4: memref<2x16x625x128xf32, #tpu.memory_space<hbm>>, %arg5: memref<3x128xi32, #tpu.memory_space<vmem>>, %arg6: memref<3x128xi32, #tpu.memory_space<vmem>>, %arg7: memref<128x128xf32, #tpu.memory_space<vmem>>, %arg8: memref<128x128xf32, #tpu.memory_space<vmem>>, %arg9: memref<10000x128xf32, #tpu.memory_space<vmem_shared>>, %arg10: memref<!tpu.dma_semaphore, #tpu.memory_space<semaphore_mem>>, %arg11: memref<!tpu.dma_semaphore, #tpu.memory_space<semaphore_mem>>, %arg12: memref<!tpu.dma_semaphore, #tpu.memory_space<semaphore_mem>>, %arg13: memref<!tpu.dma_semaphore, #tpu.memory_space<semaphore_mem>>) attributes {dimension_semantics = [#tpu.dimension_semantics<core_parallel>, #tpu.dimension_semantics<subcore_parallel>], iteration_bounds = array<i64: 2, 16>, scalar_prefetch = 0 : i64, scratch_operands = 9 : i64, tpu.core_type = #tpu.core_type<sc_vector_subcore>, window_params = [{transform_indices = #map}, {transform_indices = #map}, {transform_indices = #map1}]} {
    %mul3A = arith.constant 2 : i32
    %mul3A_0 = arith.muli %arg1, %mul3A : i32
    %add3A = arith.addi %mul3A_0, %arg0 : i32
    %mul3A_1 = arith.constant 10240 : i32
    %mul3A_2 = arith.muli %add3A, %mul3A_1 : i32
    %mul3A_3 = arith.constant 625 : i32
    %mul3A_4 = arith.muli %arg1, %mul3A_3 : i32
    %add3A_5 = arith.constant 0 : i32
    %add3A_6 = arith.addi %mul3A_2, %add3A_5 : i32
    "tpu.region"() ({
      %run_scoped3A = tpu.sem_alloc : memref<!tpu.dma_semaphore, #tpu.memory_space<semaphore_mem>>
      %dma_start3A_40 = arith.constant 0 : i32
      %dma_start3A_41 = tpu.memref_slice %arg3[%dma_start3A_40, %add3A_6] : memref<3x327680xi32, #tpu.memory_space<hbm>> -> memref<3x128xi32, #tpu.memory_space<hbm>>
      %dma_start3A_42 = arith.constant 0 : i32
      %dma_start3A_43 = tpu.memref_slice %arg3[%dma_start3A_42, %add3A_6] : memref<3x327680xi32, #tpu.memory_space<hbm>> -> memref<3x128xi32, #tpu.memory_space<hbm>>
      tpu.enqueue_dma source(%dma_start3A_43 : memref<3x128xi32, #tpu.memory_space<hbm>>) target(%arg5 : memref<3x128xi32, #tpu.memory_space<vmem>>) target_semaphore(%run_scoped3A : memref<!tpu.dma_semaphore, #tpu.memory_space<semaphore_mem>>)
      %dma_wait3A_44 = arith.constant 0 : i32
      %dma_wait3A_45 = tpu.memref_slice %arg3[%dma_wait3A_44, %add3A_6] : memref<3x327680xi32, #tpu.memory_space<hbm>> -> memref<3x128xi32, #tpu.memory_space<hbm>>
      %dma_wait3A_46 = arith.constant 0 : i32
      %dma_wait3A_47 = tpu.memref_slice %arg3[%dma_wait3A_46, %add3A_6] : memref<3x327680xi32, #tpu.memory_space<hbm>> -> memref<3x128xi32, #tpu.memory_space<hbm>>
      tpu.wait_dma2 semaphore(%run_scoped3A : memref<!tpu.dma_semaphore, #tpu.memory_space<semaphore_mem>>) src(%dma_wait3A_47 : memref<3x128xi32, #tpu.memory_space<hbm>>) dst(%arg5 : memref<3x128xi32, #tpu.memory_space<vmem>>)
      tpu.yield
    }) : () -> ()
    %dma_start3A = arith.constant 1 : i32
    %dma_start3A_7 = arith.constant 0 : i32
    %dma_start3A_8 = tpu.memref_slice %arg5[%dma_start3A, %dma_start3A_7] : memref<3x128xi32, #tpu.memory_space<vmem>> -> memref<1x128xi32, #tpu.memory_space<vmem>>
    %dma_start3A_9 = tpu.memref_squeeze %dma_start3A_8 : memref<1x128xi32, #tpu.memory_space<vmem>> -> memref<128xi32, #tpu.memory_space<vmem>>
    %dma_start3A_10 = arith.constant 0 : i32
    %dma_start3A_11 = arith.constant 0 : i32
    %dma_start3A_12 = tpu.memref_slice %arg2[%dma_start3A_10, %dma_start3A_11] : memref<10000x128xf32, #tpu.memory_space<hbm>> -> memref<10000x128xf32, #tpu.memory_space<hbm>>
    tpu.enqueue_indirect_dma source(%dma_start3A_12 : memref<10000x128xf32, #tpu.memory_space<hbm>>) target(%arg7 : memref<128x128xf32, #tpu.memory_space<vmem>>) offsets(%dma_start3A_9 : memref<128xi32, #tpu.memory_space<vmem>>) semaphore(%arg10 : memref<!tpu.dma_semaphore, #tpu.memory_space<semaphore_mem>>)
    %broadcast_in_dim3A = arith.constant 0.000000e+00 : f32
    %broadcast_in_dim3A_13 = vector.broadcast %broadcast_in_dim3A : f32 to vector<16xf32>
    %scan3A = arith.constant 0 : i32
    %scan3A_14 = arith.constant 128 : i32
    %scan3A_15 = arith.addi %scan3A, %scan3A_14 : i32
    %scan3A_16 = arith.constant 1 : i32
    scf.for %scan3A_40 = %scan3A to %scan3A_15 step %scan3A_16  : i32 {
      %mul3A_41 = arith.constant 1 : i32
      %mul3A_42 = arith.muli %scan3A_40, %mul3A_41 : i32
      %add3A_43 = arith.constant 0 : i32
      %add3A_44 = arith.addi %add3A_43, %mul3A_42 : i32
      %scan3A_45 = arith.constant 0 : i32
      %scan3A_46 = arith.constant 8 : i32
      %scan3A_47 = arith.addi %scan3A_45, %scan3A_46 : i32
      %scan3A_48 = arith.constant 1 : i32
      scf.for %scan3A_50 = %scan3A_45 to %scan3A_47 step %scan3A_48  : i32 {
        %mul3A_51 = arith.constant 16 : i32
        %mul3A_52 = arith.muli %scan3A_50, %mul3A_51 : i32
        %add3A_53 = arith.constant 0 : i32
        %add3A_54 = arith.addi %add3A_53, %mul3A_52 : i32
        %swap3A = arith.index_cast %add3A_44 : i32 to index
        %swap3A_55 = arith.index_cast %add3A_54 : i32 to index
        %swap3A_56 = tpu.vector_load %arg8[%swap3A, %swap3A_55] {strides = array<i32>} : memref<128x128xf32, #tpu.memory_space<vmem>>, vector<16xf32>,
        tpu.vector_store %arg8[%swap3A, %swap3A_55], %broadcast_in_dim3A_13 {strides = array<i32>} : memref<128x128xf32, #tpu.memory_space<vmem>>, vector<16xf32>,
      }
      %scan3A_49 = arith.constant 8 : i32
    }
    %scan3A_17 = arith.constant 128 : i32
    %add3A_18 = arith.constant 0 : i32
    %add3A_19 = arith.addi %mul3A_4, %add3A_18 : i32
    "tpu.region"() ({
      %run_scoped3A = tpu.sem_alloc : memref<!tpu.dma_semaphore, #tpu.memory_space<semaphore_mem>>
      %dma_start3A_40 = arith.constant 0 : i32
      %dma_start3A_41 = tpu.memref_slice %arg9[%add3A_19, %dma_start3A_40] : memref<10000x128xf32, #tpu.memory_space<vmem_shared>> -> memref<128x128xf32, #tpu.memory_space<vmem_shared>>
      %dma_start3A_42 = arith.constant 0 : i32
      %dma_start3A_43 = tpu.memref_slice %arg9[%add3A_19, %dma_start3A_42] : memref<10000x128xf32, #tpu.memory_space<vmem_shared>> -> memref<128x128xf32, #tpu.memory_space<vmem_shared>>
      tpu.enqueue_dma source(%arg8 : memref<128x128xf32, #tpu.memory_space<vmem>>) target(%dma_start3A_43 : memref<128x128xf32, #tpu.memory_space<vmem_shared>>) target_semaphore(%run_scoped3A : memref<!tpu.dma_semaphore, #tpu.memory_space<semaphore_mem>>)
      %dma_wait3A_44 = arith.constant 0 : i32
      %dma_wait3A_45 = tpu.memref_slice %arg9[%add3A_19, %dma_wait3A_44] : memref<10000x128xf32, #tpu.memory_space<vmem_shared>> -> memref<128x128xf32, #tpu.memory_space<vmem_shared>>
      %dma_wait3A_46 = arith.constant 0 : i32
      %dma_wait3A_47 = tpu.memref_slice %arg9[%add3A_19, %dma_wait3A_46] : memref<10000x128xf32, #tpu.memory_space<vmem_shared>> -> memref<128x128xf32, #tpu.memory_space<vmem_shared>>
      tpu.wait_dma2 semaphore(%run_scoped3A : memref<!tpu.dma_semaphore, #tpu.memory_space<semaphore_mem>>) src(%arg8 : memref<128x128xf32, #tpu.memory_space<vmem>>) dst(%dma_wait3A_47 : memref<128x128xf32, #tpu.memory_space<vmem_shared>>)
      tpu.yield
    }) : () -> ()
    %add3A_20 = arith.constant 128 : i32
    %add3A_21 = arith.addi %mul3A_4, %add3A_20 : i32
    "tpu.region"() ({
      %run_scoped3A = tpu.sem_alloc : memref<!tpu.dma_semaphore, #tpu.memory_space<semaphore_mem>>
      %dma_start3A_40 = arith.constant 0 : i32
      %dma_start3A_41 = tpu.memref_slice %arg9[%add3A_21, %dma_start3A_40] : memref<10000x128xf32, #tpu.memory_space<vmem_shared>> -> memref<128x128xf32, #tpu.memory_space<vmem_shared>>
      %dma_start3A_42 = arith.constant 0 : i32
      %dma_start3A_43 = tpu.memref_slice %arg9[%add3A_21, %dma_start3A_42] : memref<10000x128xf32, #tpu.memory_space<vmem_shared>> -> memref<128x128xf32, #tpu.memory_space<vmem_shared>>
      tpu.enqueue_dma source(%arg8 : memref<128x128xf32, #tpu.memory_space<vmem>>) target(%dma_start3A_43 : memref<128x128xf32, #tpu.memory_space<vmem_shared>>) target_semaphore(%run_scoped3A : memref<!tpu.dma_semaphore, #tpu.memory_space<semaphore_mem>>)
      %dma_wait3A_44 = arith.constant 0 : i32
      %dma_wait3A_45 = tpu.memref_slice %arg9[%add3A_21, %dma_wait3A_44] : memref<10000x128xf32, #tpu.memory_space<vmem_shared>> -> memref<128x128xf32, #tpu.memory_space<vmem_shared>>
      %dma_wait3A_46 = arith.constant 0 : i32
      %dma_wait3A_47 = tpu.memref_slice %arg9[%add3A_21, %dma_wait3A_46] : memref<10000x128xf32, #tpu.memory_space<vmem_shared>> -> memref<128x128xf32, #tpu.memory_space<vmem_shared>>
      tpu.wait_dma2 semaphore(%run_scoped3A : memref<!tpu.dma_semaphore, #tpu.memory_space<semaphore_mem>>) src(%arg8 : memref<128x128xf32, #tpu.memory_space<vmem>>) dst(%dma_wait3A_47 : memref<128x128xf32, #tpu.memory_space<vmem_shared>>)
      tpu.yield
    }) : () -> ()
    %add3A_22 = arith.constant 256 : i32
    %add3A_23 = arith.addi %mul3A_4, %add3A_22 : i32
    "tpu.region"() ({
      %run_scoped3A = tpu.sem_alloc : memref<!tpu.dma_semaphore, #tpu.memory_space<semaphore_mem>>
      %dma_start3A_40 = arith.constant 0 : i32
      %dma_start3A_41 = tpu.memref_slice %arg9[%add3A_23, %dma_start3A_40] : memref<10000x128xf32, #tpu.memory_space<vmem_shared>> -> memref<128x128xf32, #tpu.memory_space<vmem_shared>>
      %dma_start3A_42 = arith.constant 0 : i32
      %dma_start3A_43 = tpu.memref_slice %arg9[%add3A_23, %dma_start3A_42] : memref<10000x128xf32, #tpu.memory_space<vmem_shared>> -> memref<128x128xf32, #tpu.memory_space<vmem_shared>>
      tpu.enqueue_dma source(%arg8 : memref<128x128xf32, #tpu.memory_space<vmem>>) target(%dma_start3A_43 : memref<128x128xf32, #tpu.memory_space<vmem_shared>>) target_semaphore(%run_scoped3A : memref<!tpu.dma_semaphore, #tpu.memory_space<semaphore_mem>>)
      %dma_wait3A_44 = arith.constant 0 : i32
      %dma_wait3A_45 = tpu.memref_slice %arg9[%add3A_23, %dma_wait3A_44] : memref<10000x128xf32, #tpu.memory_space<vmem_shared>> -> memref<128x128xf32, #tpu.memory_space<vmem_shared>>
      %dma_wait3A_46 = arith.constant 0 : i32
      %dma_wait3A_47 = tpu.memref_slice %arg9[%add3A_23, %dma_wait3A_46] : memref<10000x128xf32, #tpu.memory_space<vmem_shared>> -> memref<128x128xf32, #tpu.memory_space<vmem_shared>>
      tpu.wait_dma2 semaphore(%run_scoped3A : memref<!tpu.dma_semaphore, #tpu.memory_space<semaphore_mem>>) src(%arg8 : memref<128x128xf32, #tpu.memory_space<vmem>>) dst(%dma_wait3A_47 : memref<128x128xf32, #tpu.memory_space<vmem_shared>>)
      tpu.yield
    }) : () -> ()
    %add3A_24 = arith.constant 384 : i32
    %add3A_25 = arith.addi %mul3A_4, %add3A_24 : i32
    "tpu.region"() ({
      %run_scoped3A = tpu.sem_alloc : memref<!tpu.dma_semaphore, #tpu.memory_space<semaphore_mem>>
      %dma_start3A_40 = arith.constant 0 : i32
      %dma_start3A_41 = tpu.memref_slice %arg9[%add3A_25, %dma_start3A_40] : memref<10000x128xf32, #tpu.memory_space<vmem_shared>> -> memref<128x128xf32, #tpu.memory_space<vmem_shared>>
      %dma_start3A_42 = arith.constant 0 : i32
      %dma_start3A_43 = tpu.memref_slice %arg9[%add3A_25, %dma_start3A_42] : memref<10000x128xf32, #tpu.memory_space<vmem_shared>> -> memref<128x128xf32, #tpu.memory_space<vmem_shared>>
      tpu.enqueue_dma source(%arg8 : memref<128x128xf32, #tpu.memory_space<vmem>>) target(%dma_start3A_43 : memref<128x128xf32, #tpu.memory_space<vmem_shared>>) target_semaphore(%run_scoped3A : memref<!tpu.dma_semaphore, #tpu.memory_space<semaphore_mem>>)
      %dma_wait3A_44 = arith.constant 0 : i32
      %dma_wait3A_45 = tpu.memref_slice %arg9[%add3A_25, %dma_wait3A_44] : memref<10000x128xf32, #tpu.memory_space<vmem_shared>> -> memref<128x128xf32, #tpu.memory_space<vmem_shared>>
      %dma_wait3A_46 = arith.constant 0 : i32
      %dma_wait3A_47 = tpu.memref_slice %arg9[%add3A_25, %dma_wait3A_46] : memref<10000x128xf32, #tpu.memory_space<vmem_shared>> -> memref<128x128xf32, #tpu.memory_space<vmem_shared>>
      tpu.wait_dma2 semaphore(%run_scoped3A : memref<!tpu.dma_semaphore, #tpu.memory_space<semaphore_mem>>) src(%arg8 : memref<128x128xf32, #tpu.memory_space<vmem>>) dst(%dma_wait3A_47 : memref<128x128xf32, #tpu.memory_space<vmem_shared>>)
      tpu.yield
    }) : () -> ()
    %add3A_26 = arith.constant 512 : i32
    %add3A_27 = arith.addi %mul3A_4, %add3A_26 : i32
    "tpu.region"() ({
      %run_scoped3A = tpu.sem_alloc : memref<!tpu.dma_semaphore, #tpu.memory_space<semaphore_mem>>
      %dma_start3A_40 = arith.constant 0 : i32
      %dma_start3A_41 = arith.constant 0 : i32
      %dma_start3A_42 = tpu.memref_slice %arg8[%dma_start3A_40, %dma_start3A_41] : memref<128x128xf32, #tpu.memory_space<vmem>> -> memref<113x128xf32, #tpu.memory_space<vmem>>
      %dma_start3A_43 = arith.constant 0 : i32
      %dma_start3A_44 = tpu.memref_slice %arg9[%add3A_27, %dma_start3A_43] : memref<10000x128xf32, #tpu.memory_space<vmem_shared>> -> memref<113x128xf32, #tpu.memory_space<vmem_shared>>
      %dma_start3A_45 = arith.constant 0 : i32
      %dma_start3A_46 = tpu.memref_slice %arg9[%add3A_27, %dma_start3A_45] : memref<10000x128xf32, #tpu.memory_space<vmem_shared>> -> memref<113x128xf32, #tpu.memory_space<vmem_shared>>
      %dma_start3A_47 = arith.constant 0 : i32
      %dma_start3A_48 = arith.constant 0 : i32
      %dma_start3A_49 = tpu.memref_slice %arg8[%dma_start3A_47, %dma_start3A_48] : memref<128x128xf32, #tpu.memory_space<vmem>> -> memref<113x128xf32, #tpu.memory_space<vmem>>
      tpu.enqueue_dma source(%dma_start3A_49 : memref<113x128xf32, #tpu.memory_space<vmem>>) target(%dma_start3A_46 : memref<113x128xf32, #tpu.memory_space<vmem_shared>>) target_semaphore(%run_scoped3A : memref<!tpu.dma_semaphore, #tpu.memory_space<semaphore_mem>>)
      %dma_wait3A_50 = arith.constant 0 : i32
      %dma_wait3A_51 = arith.constant 0 : i32
      %dma_wait3A_52 = tpu.memref_slice %arg8[%dma_wait3A_50, %dma_wait3A_51] : memref<128x128xf32, #tpu.memory_space<vmem>> -> memref<113x128xf32, #tpu.memory_space<vmem>>
      %dma_wait3A_53 = arith.constant 0 : i32
      %dma_wait3A_54 = tpu.memref_slice %arg9[%add3A_27, %dma_wait3A_53] : memref<10000x128xf32, #tpu.memory_space<vmem_shared>> -> memref<113x128xf32, #tpu.memory_space<vmem_shared>>
      %dma_wait3A_55 = arith.constant 0 : i32
      %dma_wait3A_56 = tpu.memref_slice %arg9[%add3A_27, %dma_wait3A_55] : memref<10000x128xf32, #tpu.memory_space<vmem_shared>> -> memref<113x128xf32, #tpu.memory_space<vmem_shared>>
      %dma_wait3A_57 = arith.constant 0 : i32
      %dma_wait3A_58 = arith.constant 0 : i32
      %dma_wait3A_59 = tpu.memref_slice %arg8[%dma_wait3A_57, %dma_wait3A_58] : memref<128x128xf32, #tpu.memory_space<vmem>> -> memref<113x128xf32, #tpu.memory_space<vmem>>
      tpu.wait_dma2 semaphore(%run_scoped3A : memref<!tpu.dma_semaphore, #tpu.memory_space<semaphore_mem>>) src(%dma_wait3A_59 : memref<113x128xf32, #tpu.memory_space<vmem>>) dst(%dma_wait3A_56 : memref<113x128xf32, #tpu.memory_space<vmem_shared>>)
      tpu.yield
    }) : () -> ()
    %barrier3A = arith.constant 0 : index
    tpu.barrier barrier_id(%barrier3A)
    %scan3A_28 = arith.constant 0 : i32
    %scan3A_29 = arith.constant 40 : i32
    %scan3A_30 = arith.addi %scan3A_28, %scan3A_29 : i32
    %scan3A_31 = arith.constant 1 : i32
    scf.for %scan3A_40 = %scan3A_28 to %scan3A_30 step %scan3A_31  : i32 {
      %mul3A_41 = arith.constant 2 : i32
      %mul3A_42 = arith.muli %scan3A_40, %mul3A_41 : i32
      %add3A_43 = arith.constant 0 : i32
      %add3A_44 = arith.addi %add3A_43, %mul3A_42 : i32
      %ge3A = arith.constant 1 : i32
      %ge3A_45 = arith.cmpi sge, %add3A_44, %ge3A : i32
      %convert_element_type3A = arith.extui %ge3A_45 : i1 to i32
      %cond3A = arith.constant 0 : i32
      %cond3A_46 = arith.cmpi ne, %convert_element_type3A, %cond3A : i32
      scf.if %cond3A_46 {
        %dma_wait3A_105 = arith.constant 0 : i32
        %dma_wait3A_106 = arith.constant 0 : i32
        %dma_wait3A_107 = tpu.memref_slice %arg6[%dma_wait3A_105, %dma_wait3A_106] : memref<3x128xi32, #tpu.memory_space<vmem>> -> memref<1x128xi32, #tpu.memory_space<vmem>>
        %dma_wait3A_108 = tpu.memref_squeeze %dma_wait3A_107 : memref<1x128xi32, #tpu.memory_space<vmem>> -> memref<128xi32, #tpu.memory_space<vmem>>
        %dma_wait3A_109 = arith.constant 0 : i32
        %dma_wait3A_110 = arith.constant 0 : i32
        %dma_wait3A_111 = tpu.memref_slice %arg9[%dma_wait3A_109, %dma_wait3A_110] : memref<10000x128xf32, #tpu.memory_space<vmem_shared>> -> memref<10000x128xf32, #tpu.memory_space<vmem_shared>>
        tpu.wait_indirect_dma semaphore(%arg13 : memref<!tpu.dma_semaphore, #tpu.memory_space<semaphore_mem>>) src(%arg8 : memref<128x128xf32, #tpu.memory_space<vmem>>) dst(%dma_wait3A_111 : memref<10000x128xf32, #tpu.memory_space<vmem_shared>>)
      } else {
      }
      %add3A_47 = arith.constant 1 : i32
      %add3A_48 = arith.addi %add3A_44, %add3A_47 : i32
      %lt3A = arith.constant 80 : i32
      %lt3A_49 = arith.cmpi slt, %add3A_48, %lt3A : i32
      %convert_element_type3A_50 = arith.extui %lt3A_49 : i1 to i32
      %cond3A_51 = arith.constant 0 : i32
      %cond3A_52 = arith.cmpi ne, %convert_element_type3A_50, %cond3A_51 : i32
      scf.if %cond3A_52 {
        %add3A_105 = arith.constant 1 : i32
        %add3A_106 = arith.addi %add3A_44, %add3A_105 : i32
        %mul3A_107 = arith.constant 128 : i32
        %mul3A_108 = arith.muli %add3A_106, %mul3A_107 : i32
        %add3A_109 = arith.addi %mul3A_2, %mul3A_108 : i32
        "tpu.region"() ({
          %run_scoped3A = tpu.sem_alloc : memref<!tpu.dma_semaphore, #tpu.memory_space<semaphore_mem>>
          %dma_start3A_117 = arith.constant 0 : i32
          %dma_start3A_118 = tpu.memref_slice %arg3[%dma_start3A_117, %add3A_109] : memref<3x327680xi32, #tpu.memory_space<hbm>> -> memref<3x128xi32, #tpu.memory_space<hbm>>
          %dma_start3A_119 = arith.constant 0 : i32
          %dma_start3A_120 = tpu.memref_slice %arg3[%dma_start3A_119, %add3A_109] : memref<3x327680xi32, #tpu.memory_space<hbm>> -> memref<3x128xi32, #tpu.memory_space<hbm>>
          tpu.enqueue_dma source(%dma_start3A_120 : memref<3x128xi32, #tpu.memory_space<hbm>>) target(%arg6 : memref<3x128xi32, #tpu.memory_space<vmem>>) target_semaphore(%run_scoped3A : memref<!tpu.dma_semaphore, #tpu.memory_space<semaphore_mem>>)
          %dma_wait3A_121 = arith.constant 0 : i32
          %dma_wait3A_122 = tpu.memref_slice %arg3[%dma_wait3A_121, %add3A_109] : memref<3x327680xi32, #tpu.memory_space<hbm>> -> memref<3x128xi32, #tpu.memory_space<hbm>>
          %dma_wait3A_123 = arith.constant 0 : i32
          %dma_wait3A_124 = tpu.memref_slice %arg3[%dma_wait3A_123, %add3A_109] : memref<3x327680xi32, #tpu.memory_space<hbm>> -> memref<3x128xi32, #tpu.memory_space<hbm>>
          tpu.wait_dma2 semaphore(%run_scoped3A : memref<!tpu.dma_semaphore, #tpu.memory_space<semaphore_mem>>) src(%dma_wait3A_124 : memref<3x128xi32, #tpu.memory_space<hbm>>) dst(%arg6 : memref<3x128xi32, #tpu.memory_space<vmem>>)
          tpu.yield
        }) : () -> ()
        %dma_start3A_110 = arith.constant 1 : i32
        %dma_start3A_111 = arith.constant 0 : i32
        %dma_start3A_112 = tpu.memref_slice %arg6[%dma_start3A_110, %dma_start3A_111] : memref<3x128xi32, #tpu.memory_space<vmem>> -> memref<1x128xi32, #tpu.memory_space<vmem>>
        %dma_start3A_113 = tpu.memref_squeeze %dma_start3A_112 : memref<1x128xi32, #tpu.memory_space<vmem>> -> memref<128xi32, #tpu.memory_space<vmem>>
        %dma_start3A_114 = arith.constant 0 : i32
        %dma_start3A_115 = arith.constant 0 : i32
        %dma_start3A_116 = tpu.memref_slice %arg2[%dma_start3A_114, %dma_start3A_115] : memref<10000x128xf32, #tpu.memory_space<hbm>> -> memref<10000x128xf32, #tpu.memory_space<hbm>>
        tpu.enqueue_indirect_dma source(%dma_start3A_116 : memref<10000x128xf32, #tpu.memory_space<hbm>>) target(%arg8 : memref<128x128xf32, #tpu.memory_space<vmem>>) offsets(%dma_start3A_113 : memref<128xi32, #tpu.memory_space<vmem>>) semaphore(%arg11 : memref<!tpu.dma_semaphore, #tpu.memory_space<semaphore_mem>>)
      } else {
      }
      %dma_wait3A_53 = arith.constant 1 : i32
      %dma_wait3A_54 = arith.constant 0 : i32
      %dma_wait3A_55 = tpu.memref_slice %arg5[%dma_wait3A_53, %dma_wait3A_54] : memref<3x128xi32, #tpu.memory_space<vmem>> -> memref<1x128xi32, #tpu.memory_space<vmem>>
      %dma_wait3A_56 = tpu.memref_squeeze %dma_wait3A_55 : memref<1x128xi32, #tpu.memory_space<vmem>> -> memref<128xi32, #tpu.memory_space<vmem>>
      %dma_wait3A_57 = arith.constant 0 : i32
      %dma_wait3A_58 = arith.constant 0 : i32
      %dma_wait3A_59 = tpu.memref_slice %arg2[%dma_wait3A_57, %dma_wait3A_58] : memref<10000x128xf32, #tpu.memory_space<hbm>> -> memref<10000x128xf32, #tpu.memory_space<hbm>>
      tpu.wait_indirect_dma semaphore(%arg10 : memref<!tpu.dma_semaphore, #tpu.memory_space<semaphore_mem>>) src(%dma_wait3A_59 : memref<10000x128xf32, #tpu.memory_space<hbm>>) dst(%arg7 : memref<128x128xf32, #tpu.memory_space<vmem>>)
      %scan3A_60 = arith.constant 0 : i32
      %scan3A_61 = arith.constant 8 : i32
      %scan3A_62 = arith.addi %scan3A_60, %scan3A_61 : i32
      %scan3A_63 = arith.constant 1 : i32
      scf.for %scan3A_105 = %scan3A_60 to %scan3A_62 step %scan3A_63  : i32 {
        %mul3A_106 = arith.constant 16 : i32
        %mul3A_107 = arith.muli %scan3A_105, %mul3A_106 : i32
        %add3A_108 = arith.constant 0 : i32
        %add3A_109 = arith.addi %add3A_108, %mul3A_107 : i32
        %get3A = arith.constant 2 : i32
        %get3A_110 = arith.index_cast %get3A : i32 to index
        %get3A_111 = arith.index_cast %add3A_109 : i32 to index
        %get3A_112 = tpu.vector_load %arg5[%get3A_110, %get3A_111] {strides = array<i32>} : memref<3x128xi32, #tpu.memory_space<vmem>>, vector<16xi32>,
        %bitcast3A = vector.bitcast %get3A_112 : vector<16xi32> to vector<16xf32>
        %slice3A = vector.extract_strided_slice %bitcast3A {offsets = [0], sizes = [1], strides = [1]} : vector<16xf32> to vector<1xf32>
        %squeeze3A = vector.extract %slice3A[0] : f32 from vector<1xf32>
        %broadcast_in_dim3A_113 = vector.broadcast %squeeze3A : f32 to vector<16xf32>
        %add3A_114 = arith.constant 0 : i32
        %add3A_115 = arith.addi %add3A_109, %add3A_114 : i32
        %get3A_116 = arith.index_cast %add3A_115 : i32 to index
        %get3A_117 = arith.constant 0 : index
        %get3A_118 = tpu.vector_load %arg7[%get3A_116, %get3A_117] {strides = array<i32>} : memref<128x128xf32, #tpu.memory_space<vmem>>, vector<16xf32>,
        %mul3A_119 = arith.mulf %get3A_118, %broadcast_in_dim3A_113 : vector<16xf32>
        %add3A_120 = arith.constant 0 : i32
        %add3A_121 = arith.addi %add3A_109, %add3A_120 : i32
        %swap3A = arith.index_cast %add3A_121 : i32 to index
        %swap3A_122 = arith.constant 0 : index
        %swap3A_123 = tpu.vector_load %arg7[%swap3A, %swap3A_122] {strides = array<i32>} : memref<128x128xf32, #tpu.memory_space<vmem>>, vector<16xf32>,
        tpu.vector_store %arg7[%swap3A, %swap3A_122], %mul3A_119 {strides = array<i32>} : memref<128x128xf32, #tpu.memory_space<vmem>>, vector<16xf32>,
        %add3A_124 = arith.constant 0 : i32
        %add3A_125 = arith.addi %add3A_109, %add3A_124 : i32
        %get3A_126 = arith.index_cast %add3A_125 : i32 to index
        %get3A_127 = arith.constant 16 : index
        %get3A_128 = tpu.vector_load %arg7[%get3A_126, %get3A_127] {strides = array<i32>} : memref<128x128xf32, #tpu.memory_space<vmem>>, vector<16xf32>,
        %mul3A_129 = arith.mulf %get3A_128, %broadcast_in_dim3A_113 : vector<16xf32>
        %add3A_130 = arith.constant 0 : i32
        %add3A_131 = arith.addi %add3A_109, %add3A_130 : i32
        %swap3A_132 = arith.index_cast %add3A_131 : i32 to index
        %swap3A_133 = arith.constant 16 : index
        %swap3A_134 = tpu.vector_load %arg7[%swap3A_132, %swap3A_133] {strides = array<i32>} : memref<128x128xf32, #tpu.memory_space<vmem>>, vector<16xf32>,
        tpu.vector_store %arg7[%swap3A_132, %swap3A_133], %mul3A_129 {strides = array<i32>} : memref<128x128xf32, #tpu.memory_space<vmem>>, vector<16xf32>,
        %add3A_135 = arith.constant 0 : i32
        %add3A_136 = arith.addi %add3A_109, %add3A_135 : i32
        %get3A_137 = arith.index_cast %add3A_136 : i32 to index
        %get3A_138 = arith.constant 32 : index
        %get3A_139 = tpu.vector_load %arg7[%get3A_137, %get3A_138] {strides = array<i32>} : memref<128x128xf32, #tpu.memory_space<vmem>>, vector<16xf32>,
        %mul3A_140 = arith.mulf %get3A_139, %broadcast_in_dim3A_113 : vector<16xf32>
        %add3A_141 = arith.constant 0 : i32
        %add3A_142 = arith.addi %add3A_109, %add3A_141 : i32
        %swap3A_143 = arith.index_cast %add3A_142 : i32 to index
        %swap3A_144 = arith.constant 32 : index
        %swap3A_145 = tpu.vector_load %arg7[%swap3A_143, %swap3A_144] {strides = array<i32>} : memref<128x128xf32, #tpu.memory_space<vmem>>, vector<16xf32>,
        tpu.vector_store %arg7[%swap3A_143, %swap3A_144], %mul3A_140 {strides = array<i32>} : memref<128x128xf32, #tpu.memory_space<vmem>>, vector<16xf32>,
        %add3A_146 = arith.constant 0 : i32
        %add3A_147 = arith.addi %add3A_109, %add3A_146 : i32
        %get3A_148 = arith.index_cast %add3A_147 : i32 to index
        %get3A_149 = arith.constant 48 : index
        %get3A_150 = tpu.vector_load %arg7[%get3A_148, %get3A_149] {strides = array<i32>} : memref<128x128xf32, #tpu.memory_space<vmem>>, vector<16xf32>,
        %mul3A_151 = arith.mulf %get3A_150, %broadcast_in_dim3A_113 : vector<16xf32>
        %add3A_152 = arith.constant 0 : i32
        %add3A_153 = arith.addi %add3A_109, %add3A_152 : i32
        %swap3A_154 = arith.index_cast %add3A_153 : i32 to index
        %swap3A_155 = arith.constant 48 : index
        %swap3A_156 = tpu.vector_load %arg7[%swap3A_154, %swap3A_155] {strides = array<i32>} : memref<128x128xf32, #tpu.memory_space<vmem>>, vector<16xf32>,
        tpu.vector_store %arg7[%swap3A_154, %swap3A_155], %mul3A_151 {strides = array<i32>} : memref<128x128xf32, #tpu.memory_space<vmem>>, vector<16xf32>,
        %add3A_157 = arith.constant 0 : i32
        %add3A_158 = arith.addi %add3A_109, %add3A_157 : i32
        %get3A_159 = arith.index_cast %add3A_158 : i32 to index
        %get3A_160 = arith.constant 64 : index
        %get3A_161 = tpu.vector_load %arg7[%get3A_159, %get3A_160] {strides = array<i32>} : memref<128x128xf32, #tpu.memory_space<vmem>>, vector<16xf32>,
        %mul3A_162 = arith.mulf %get3A_161, %broadcast_in_dim3A_113 : vector<16xf32>
        %add3A_163 = arith.constant 0 : i32
        %add3A_164 = arith.addi %add3A_109, %add3A_163 : i32
        %swap3A_165 = arith.index_cast %add3A_164 : i32 to index
        %swap3A_166 = arith.constant 64 : index
        %swap3A_167 = tpu.vector_load %arg7[%swap3A_165, %swap3A_166] {strides = array<i32>} : memref<128x128xf32, #tpu.memory_space<vmem>>, vector<16xf32>,
        tpu.vector_store %arg7[%swap3A_165, %swap3A_166], %mul3A_162 {strides = array<i32>} : memref<128x128xf32, #tpu.memory_space<vmem>>, vector<16xf32>,
        %add3A_168 = arith.constant 0 : i32
        %add3A_169 = arith.addi %add3A_109, %add3A_168 : i32
        %get3A_170 = arith.index_cast %add3A_169 : i32 to index
        %get3A_171 = arith.constant 80 : index
        %get3A_172 = tpu.vector_load %arg7[%get3A_170, %get3A_171] {strides = array<i32>} : memref<128x128xf32, #tpu.memory_space<vmem>>, vector<16xf32>,
        %mul3A_173 = arith.mulf %get3A_172, %broadcast_in_dim3A_113 : vector<16xf32>
        %add3A_174 = arith.constant 0 : i32
        %add3A_175 = arith.addi %add3A_109, %add3A_174 : i32
        %swap3A_176 = arith.index_cast %add3A_175 : i32 to index
        %swap3A_177 = arith.constant 80 : index
        %swap3A_178 = tpu.vector_load %arg7[%swap3A_176, %swap3A_177] {strides = array<i32>} : memref<128x128xf32, #tpu.memory_space<vmem>>, vector<16xf32>,
        tpu.vector_store %arg7[%swap3A_176, %swap3A_177], %mul3A_173 {strides = array<i32>} : memref<128x128xf32, #tpu.memory_space<vmem>>, vector<16xf32>,
        %add3A_179 = arith.constant 0 : i32
        %add3A_180 = arith.addi %add3A_109, %add3A_179 : i32
        %get3A_181 = arith.index_cast %add3A_180 : i32 to index
        %get3A_182 = arith.constant 96 : index
        %get3A_183 = tpu.vector_load %arg7[%get3A_181, %get3A_182] {strides = array<i32>} : memref<128x128xf32, #tpu.memory_space<vmem>>, vector<16xf32>,
        %mul3A_184 = arith.mulf %get3A_183, %broadcast_in_dim3A_113 : vector<16xf32>
        %add3A_185 = arith.constant 0 : i32
        %add3A_186 = arith.addi %add3A_109, %add3A_185 : i32
        %swap3A_187 = arith.index_cast %add3A_186 : i32 to index
        %swap3A_188 = arith.constant 96 : index
        %swap3A_189 = tpu.vector_load %arg7[%swap3A_187, %swap3A_188] {strides = array<i32>} : memref<128x128xf32, #tpu.memory_space<vmem>>, vector<16xf32>,
        tpu.vector_store %arg7[%swap3A_187, %swap3A_188], %mul3A_184 {strides = array<i32>} : memref<128x128xf32, #tpu.memory_space<vmem>>, vector<16xf32>,
        %add3A_190 = arith.constant 0 : i32
        %add3A_191 = arith.addi %add3A_109, %add3A_190 : i32
        %get3A_192 = arith.index_cast %add3A_191 : i32 to index
        %get3A_193 = arith.constant 112 : index
        %get3A_194 = tpu.vector_load %arg7[%get3A_192, %get3A_193] {strides = array<i32>} : memref<128x128xf32, #tpu.memory_space<vmem>>, vector<16xf32>,
        %mul3A_195 = arith.mulf %get3A_194, %broadcast_in_dim3A_113 : vector<16xf32>
        %add3A_196 = arith.constant 0 : i32
        %add3A_197 = arith.addi %add3A_109, %add3A_196 : i32
        %swap3A_198 = arith.index_cast %add3A_197 : i32 to index
        %swap3A_199 = arith.constant 112 : index
        %swap3A_200 = tpu.vector_load %arg7[%swap3A_198, %swap3A_199] {strides = array<i32>} : memref<128x128xf32, #tpu.memory_space<vmem>>, vector<16xf32>,
        tpu.vector_store %arg7[%swap3A_198, %swap3A_199], %mul3A_195 {strides = array<i32>} : memref<128x128xf32, #tpu.memory_space<vmem>>, vector<16xf32>,
        %slice3A_201 = vector.extract_strided_slice %bitcast3A {offsets = [1], sizes = [1], strides = [1]} : vector<16xf32> to vector<1xf32>
        %squeeze3A_202 = vector.extract %slice3A_201[0] : f32 from vector<1xf32>
        %broadcast_in_dim3A_203 = vector.broadcast %squeeze3A_202 : f32 to vector<16xf32>
        %add3A_204 = arith.constant 1 : i32
        %add3A_205 = arith.addi %add3A_109, %add3A_204 : i32
        %get3A_206 = arith.index_cast %add3A_205 : i32 to index
        %get3A_207 = arith.constant 0 : index
        %get3A_208 = tpu.vector_load %arg7[%get3A_206, %get3A_207] {strides = array<i32>} : memref<128x128xf32, #tpu.memory_space<vmem>>, vector<16xf32>,
        %mul3A_209 = arith.mulf %get3A_208, %broadcast_in_dim3A_203 : vector<16xf32>
        %add3A_210 = arith.constant 1 : i32
        %add3A_211 = arith.addi %add3A_109, %add3A_210 : i32
        %swap3A_212 = arith.index_cast %add3A_211 : i32 to index
        %swap3A_213 = arith.constant 0 : index
        %swap3A_214 = tpu.vector_load %arg7[%swap3A_212, %swap3A_213] {strides = array<i32>} : memref<128x128xf32, #tpu.memory_space<vmem>>, vector<16xf32>,
        tpu.vector_store %arg7[%swap3A_212, %swap3A_213], %mul3A_209 {strides = array<i32>} : memref<128x128xf32, #tpu.memory_space<vmem>>, vector<16xf32>,
        %add3A_215 = arith.constant 1 : i32
        %add3A_216 = arith.addi %add3A_109, %add3A_215 : i32
        %get3A_217 = arith.index_cast %add3A_216 : i32 to index
        %get3A_218 = arith.constant 16 : index
        %get3A_219 = tpu.vector_load %arg7[%get3A_217, %get3A_218] {strides = array<i32>} : memref<128x128xf32, #tpu.memory_space<vmem>>, vector<16xf32>,
        %mul3A_220 = arith.mulf %get3A_219, %broadcast_in_dim3A_203 : vector<16xf32>
        %add3A_221 = arith.constant 1 : i32
        %add3A_222 = arith.addi %add3A_109, %add3A_221 : i32
        %swap3A_223 = arith.index_cast %add3A_222 : i32 to index
        %swap3A_224 = arith.constant 16 : index
        %swap3A_225 = tpu.vector_load %arg7[%swap3A_223, %swap3A_224] {strides = array<i32>} : memref<128x128xf32, #tpu.memory_space<vmem>>, vector<16xf32>,
        tpu.vector_store %arg7[%swap3A_223, %swap3A_224], %mul3A_220 {strides = array<i32>} : memref<128x128xf32, #tpu.memory_space<vmem>>, vector<16xf32>,
        %add3A_226 = arith.constant 1 : i32
        %add3A_227 = arith.addi %add3A_109, %add3A_226 : i32
        %get3A_228 = arith.index_cast %add3A_227 : i32 to index
        %get3A_229 = arith.constant 32 : index
        %get3A_230 = tpu.vector_load %arg7[%get3A_228, %get3A_229] {strides = array<i32>} : memref<128x128xf32, #tpu.memory_space<vmem>>, vector<16xf32>,
        %mul3A_231 = arith.mulf %get3A_230, %broadcast_in_dim3A_203 : vector<16xf32>
        %add3A_232 = arith.constant 1 : i32
        %add3A_233 = arith.addi %add3A_109, %add3A_232 : i32
        %swap3A_234 = arith.index_cast %add3A_233 : i32 to index
        %swap3A_235 = arith.constant 32 : index
        %swap3A_236 = tpu.vector_load %arg7[%swap3A_234, %swap3A_235] {strides = array<i32>} : memref<128x128xf32, #tpu.memory_space<vmem>>, vector<16xf32>,
        tpu.vector_store %arg7[%swap3A_234, %swap3A_235], %mul3A_231 {strides = array<i32>} : memref<128x128xf32, #tpu.memory_space<vmem>>, vector<16xf32>,
        %add3A_237 = arith.constant 1 : i32
        %add3A_238 = arith.addi %add3A_109, %add3A_237 : i32
        %get3A_239 = arith.index_cast %add3A_238 : i32 to index
        %get3A_240 = arith.constant 48 : index
        %get3A_241 = tpu.vector_load %arg7[%get3A_239, %get3A_240] {strides = array<i32>} : memref<128x128xf32, #tpu.memory_space<vmem>>, vector<16xf32>,
        %mul3A_242 = arith.mulf %get3A_241, %broadcast_in_dim3A_203 : vector<16xf32>
        %add3A_243 = arith.constant 1 : i32
        %add3A_244 = arith.addi %add3A_109, %add3A_243 : i32
        %swap3A_245 = arith.index_cast %add3A_244 : i32 to index
        %swap3A_246 = arith.constant 48 : index
        %swap3A_247 = tpu.vector_load %arg7[%swap3A_245, %swap3A_246] {strides = array<i32>} : memref<128x128xf32, #tpu.memory_space<vmem>>, vector<16xf32>,
        tpu.vector_store %arg7[%swap3A_245, %swap3A_246], %mul3A_242 {strides = array<i32>} : memref<128x128xf32, #tpu.memory_space<vmem>>, vector<16xf32>,
        %add3A_248 = arith.constant 1 : i32
        %add3A_249 = arith.addi %add3A_109, %add3A_248 : i32
        %get3A_250 = arith.index_cast %add3A_249 : i32 to index
        %get3A_251 = arith.constant 64 : index
        %get3A_252 = tpu.vector_load %arg7[%get3A_250, %get3A_251] {strides = array<i32>} : memref<128x128xf32, #tpu.memory_space<vmem>>, vector<16xf32>,
        %mul3A_253 = arith.mulf %get3A_252, %broadcast_in_dim3A_203 : vector<16xf32>
        %add3A_254 = arith.constant 1 : i32
        %add3A_255 = arith.addi %add3A_109, %add3A_254 : i32
        %swap3A_256 = arith.index_cast %add3A_255 : i32 to index
        %swap3A_257 = arith.constant 64 : index
        %swap3A_258 = tpu.vector_load %arg7[%swap3A_256, %swap3A_257] {strides = array<i32>} : memref<128x128xf32, #tpu.memory_space<vmem>>, vector<16xf32>,
        tpu.vector_store %arg7[%swap3A_256, %swap3A_257], %mul3A_253 {strides = array<i32>} : memref<128x128xf32, #tpu.memory_space<vmem>>, vector<16xf32>,
        %add3A_259 = arith.constant 1 : i32
        %add3A_260 = arith.addi %add3A_109, %add3A_259 : i32
        %get3A_261 = arith.index_cast %add3A_260 : i32 to index
        %get3A_262 = arith.constant 80 : index
        %get3A_263 = tpu.vector_load %arg7[%get3A_261, %get3A_262] {strides = array<i32>} : memref<128x128xf32, #tpu.memory_space<vmem>>, vector<16xf32>,
        %mul3A_264 = arith.mulf %get3A_263, %broadcast_in_dim3A_203 : vector<16xf32>
        %add3A_265 = arith.constant 1 : i32
        %add3A_266 = arith.addi %add3A_109, %add3A_265 : i32
        %swap3A_267 = arith.index_cast %add3A_266 : i32 to index
        %swap3A_268 = arith.constant 80 : index
        %swap3A_269 = tpu.vector_load %arg7[%swap3A_267, %swap3A_268] {strides = array<i32>} : memref<128x128xf32, #tpu.memory_space<vmem>>, vector<16xf32>,
        tpu.vector_store %arg7[%swap3A_267, %swap3A_268], %mul3A_264 {strides = array<i32>} : memref<128x128xf32, #tpu.memory_space<vmem>>, vector<16xf32>,
        %add3A_270 = arith.constant 1 : i32
        %add3A_271 = arith.addi %add3A_109, %add3A_270 : i32
        %get3A_272 = arith.index_cast %add3A_271 : i32 to index
        %get3A_273 = arith.constant 96 : index
        %get3A_274 = tpu.vector_load %arg7[%get3A_272, %get3A_273] {strides = array<i32>} : memref<128x128xf32, #tpu.memory_space<vmem>>, vector<16xf32>,
        %mul3A_275 = arith.mulf %get3A_274, %broadcast_in_dim3A_203 : vector<16xf32>
        %add3A_276 = arith.constant 1 : i32
        %add3A_277 = arith.addi %add3A_109, %add3A_276 : i32
        %swap3A_278 = arith.index_cast %add3A_277 : i32 to index
        %swap3A_279 = arith.constant 96 : index
        %swap3A_280 = tpu.vector_load %arg7[%swap3A_278, %swap3A_279] {strides = array<i32>} : memref<128x128xf32, #tpu.memory_space<vmem>>, vector<16xf32>,
        tpu.vector_store %arg7[%swap3A_278, %swap3A_279], %mul3A_275 {strides = array<i32>} : memref<128x128xf32, #tpu.memory_space<vmem>>, vector<16xf32>,
        %add3A_281 = arith.constant 1 : i32
        %add3A_282 = arith.addi %add3A_109, %add3A_281 : i32
        %get3A_283 = arith.index_cast %add3A_282 : i32 to index
        %get3A_284 = arith.constant 112 : index
        %get3A_285 = tpu.vector_load %arg7[%get3A_283, %get3A_284] {strides = array<i32>} : memref<128x128xf32, #tpu.memory_space<vmem>>, vector<16xf32>,
        %mul3A_286 = arith.mulf %get3A_285, %broadcast_in_dim3A_203 : vector<16xf32>
        %add3A_287 = arith.constant 1 : i32
        %add3A_288 = arith.addi %add3A_109, %add3A_287 : i32
        %swap3A_289 = arith.index_cast %add3A_288 : i32 to index
        %swap3A_290 = arith.constant 112 : index
        %swap3A_291 = tpu.vector_load %arg7[%swap3A_289, %swap3A_290] {strides = array<i32>} : memref<128x128xf32, #tpu.memory_space<vmem>>, vector<16xf32>,
        tpu.vector_store %arg7[%swap3A_289, %swap3A_290], %mul3A_286 {strides = array<i32>} : memref<128x128xf32, #tpu.memory_space<vmem>>, vector<16xf32>,
        %slice3A_292 = vector.extract_strided_slice %bitcast3A {offsets = [2], sizes = [1], strides = [1]} : vector<16xf32> to vector<1xf32>
        %squeeze3A_293 = vector.extract %slice3A_292[0] : f32 from vector<1xf32>
        %broadcast_in_dim3A_294 = vector.broadcast %squeeze3A_293 : f32 to vector<16xf32>
        %add3A_295 = arith.constant 2 : i32
        %add3A_296 = arith.addi %add3A_109, %add3A_295 : i32
        %get3A_297 = arith.index_cast %add3A_296 : i32 to index
        %get3A_298 = arith.constant 0 : index
        %get3A_299 = tpu.vector_load %arg7[%get3A_297, %get3A_298] {strides = array<i32>} : memref<128x128xf32, #tpu.memory_space<vmem>>, vector<16xf32>,
        %mul3A_300 = arith.mulf %get3A_299, %broadcast_in_dim3A_294 : vector<16xf32>
        %add3A_301 = arith.constant 2 : i32
        %add3A_302 = arith.addi %add3A_109, %add3A_301 : i32
        %swap3A_303 = arith.index_cast %add3A_302 : i32 to index
        %swap3A_304 = arith.constant 0 : index
        %swap3A_305 = tpu.vector_load %arg7[%swap3A_303, %swap3A_304] {strides = array<i32>} : memref<128x128xf32, #tpu.memory_space<vmem>>, vector<16xf32>,
        tpu.vector_store %arg7[%swap3A_303, %swap3A_304], %mul3A_300 {strides = array<i32>} : memref<128x128xf32, #tpu.memory_space<vmem>>, vector<16xf32>,
        %add3A_306 = arith.constant 2 : i32
        %add3A_307 = arith.addi %add3A_109, %add3A_306 : i32
        %get3A_308 = arith.index_cast %add3A_307 : i32 to index
        %get3A_309 = arith.constant 16 : index
        %get3A_310 = tpu.vector_load %arg7[%get3A_308, %get3A_309] {strides = array<i32>} : memref<128x128xf32, #tpu.memory_space<vmem>>, vector<16xf32>,
        %mul3A_311 = arith.mulf %get3A_310, %broadcast_in_dim3A_294 : vector<16xf32>
        %add3A_312 = arith.constant 2 : i32
        %add3A_313 = arith.addi %add3A_109, %add3A_312 : i32
        %swap3A_314 = arith.index_cast %add3A_313 : i32 to index
        %swap3A_315 = arith.constant 16 : index
        %swap3A_316 = tpu.vector_load %arg7[%swap3A_314, %swap3A_315] {strides = array<i32>} : memref<128x128xf32, #tpu.memory_space<vmem>>, vector<16xf32>,
        tpu.vector_store %arg7[%swap3A_314, %swap3A_315], %mul3A_311 {strides = array<i32>} : memref<128x128xf32, #tpu.memory_space<vmem>>, vector<16xf32>,
        %add3A_317 = arith.constant 2 : i32
        %add3A_318 = arith.addi %add3A_109, %add3A_317 : i32
        %get3A_319 = arith.index_cast %add3A_318 : i32 to index
        %get3A_320 = arith.constant 32 : index
        %get3A_321 = tpu.vector_load %arg7[%get3A_319, %get3A_320] {strides = array<i32>} : memref<128x128xf32, #tpu.memory_space<vmem>>, vector<16xf32>,
        %mul3A_322 = arith.mulf %get3A_321, %broadcast_in_dim3A_294 : vector<16xf32>
        %add3A_323 = arith.constant 2 : i32
        %add3A_324 = arith.addi %add3A_109, %add3A_323 : i32
        %swap3A_325 = arith.index_cast %add3A_324 : i32 to index
        %swap3A_326 = arith.constant 32 : index
        %swap3A_327 = tpu.vector_load %arg7[%swap3A_325, %swap3A_326] {strides = array<i32>} : memref<128x128xf32, #tpu.memory_space<vmem>>, vector<16xf32>,
        tpu.vector_store %arg7[%swap3A_325, %swap3A_326], %mul3A_322 {strides = array<i32>} : memref<128x128xf32, #tpu.memory_space<vmem>>, vector<16xf32>,
        %add3A_328 = arith.constant 2 : i32
        %add3A_329 = arith.addi %add3A_109, %add3A_328 : i32
        %get3A_330 = arith.index_cast %add3A_329 : i32 to index
        %get3A_331 = arith.constant 48 : index
        %get3A_332 = tpu.vector_load %arg7[%get3A_330, %get3A_331] {strides = array<i32>} : memref<128x128xf32, #tpu.memory_space<vmem>>, vector<16xf32>,
        %mul3A_333 = arith.mulf %get3A_332, %broadcast_in_dim3A_294 : vector<16xf32>
        %add3A_334 = arith.constant 2 : i32
        %add3A_335 = arith.addi %add3A_109, %add3A_334 : i32
        %swap3A_336 = arith.index_cast %add3A_335 : i32 to index
        %swap3A_337 = arith.constant 48 : index
        %swap3A_338 = tpu.vector_load %arg7[%swap3A_336, %swap3A_337] {strides = array<i32>} : memref<128x128xf32, #tpu.memory_space<vmem>>, vector<16xf32>,
        tpu.vector_store %arg7[%swap3A_336, %swap3A_337], %mul3A_333 {strides = array<i32>} : memref<128x128xf32, #tpu.memory_space<vmem>>, vector<16xf32>,
        %add3A_339 = arith.constant 2 : i32
        %add3A_340 = arith.addi %add3A_109, %add3A_339 : i32
        %get3A_341 = arith.index_cast %add3A_340 : i32 to index
        %get3A_342 = arith.constant 64 : index
        %get3A_343 = tpu.vector_load %arg7[%get3A_341, %get3A_342] {strides = array<i32>} : memref<128x128xf32, #tpu.memory_space<vmem>>, vector<16xf32>,
        %mul3A_344 = arith.mulf %get3A_343, %broadcast_in_dim3A_294 : vector<16xf32>
        %add3A_345 = arith.constant 2 : i32
        %add3A_346 = arith.addi %add3A_109, %add3A_345 : i32
        %swap3A_347 = arith.index_cast %add3A_346 : i32 to index
        %swap3A_348 = arith.constant 64 : index
        %swap3A_349 = tpu.vector_load %arg7[%swap3A_347, %swap3A_348] {strides = array<i32>} : memref<128x128xf32, #tpu.memory_space<vmem>>, vector<16xf32>,
        tpu.vector_store %arg7[%swap3A_347, %swap3A_348], %mul3A_344 {strides = array<i32>} : memref<128x128xf32, #tpu.memory_space<vmem>>, vector<16xf32>,
        %add3A_350 = arith.constant 2 : i32
        %add3A_351 = arith.addi %add3A_109, %add3A_350 : i32
        %get3A_352 = arith.index_cast %add3A_351 : i32 to index
        %get3A_353 = arith.constant 80 : index
        %get3A_354 = tpu.vector_load %arg7[%get3A_352, %get3A_353] {strides = array<i32>} : memref<128x128xf32, #tpu.memory_space<vmem>>, vector<16xf32>,
        %mul3A_355 = arith.mulf %get3A_354, %broadcast_in_dim3A_294 : vector<16xf32>
        %add3A_356 = arith.constant 2 : i32
        %add3A_357 = arith.addi %add3A_109, %add3A_356 : i32
        %swap3A_358 = arith.index_cast %add3A_357 : i32 to index
        %swap3A_359 = arith.constant 80 : index
        %swap3A_360 = tpu.vector_load %arg7[%swap3A_358, %swap3A_359] {strides = array<i32>} : memref<128x128xf32, #tpu.memory_space<vmem>>, vector<16xf32>,
        tpu.vector_store %arg7[%swap3A_358, %swap3A_359], %mul3A_355 {strides = array<i32>} : memref<128x128xf32, #tpu.memory_space<vmem>>, vector<16xf32>,
        %add3A_361 = arith.constant 2 : i32
        %add3A_362 = arith.addi %add3A_109, %add3A_361 : i32
        %get3A_363 = arith.index_cast %add3A_362 : i32 to index
        %get3A_364 = arith.constant 96 : index
        %get3A_365 = tpu.vector_load %arg7[%get3A_363, %get3A_364] {strides = array<i32>} : memref<128x128xf32, #tpu.memory_space<vmem>>, vector<16xf32>,
        %mul3A_366 = arith.mulf %get3A_365, %broadcast_in_dim3A_294 : vector<16xf32>
        %add3A_367 = arith.constant 2 : i32
        %add3A_368 = arith.addi %add3A_109, %add3A_367 : i32
        %swap3A_369 = arith.index_cast %add3A_368 : i32 to index
        %swap3A_370 = arith.constant 96 : index
        %swap3A_371 = tpu.vector_load %arg7[%swap3A_369, %swap3A_370] {strides = array<i32>} : memref<128x128xf32, #tpu.memory_space<vmem>>, vector<16xf32>,
        tpu.vector_store %arg7[%swap3A_369, %swap3A_370], %mul3A_366 {strides = array<i32>} : memref<128x128xf32, #tpu.memory_space<vmem>>, vector<16xf32>,
        %add3A_372 = arith.constant 2 : i32
        %add3A_373 = arith.addi %add3A_109, %add3A_372 : i32
        %get3A_374 = arith.index_cast %add3A_373 : i32 to index
        %get3A_375 = arith.constant 112 : index
        %get3A_376 = tpu.vector_load %arg7[%get3A_374, %get3A_375] {strides = array<i32>} : memref<128x128xf32, #tpu.memory_space<vmem>>, vector<16xf32>,
        %mul3A_377 = arith.mulf %get3A_376, %broadcast_in_dim3A_294 : vector<16xf32>
        %add3A_378 = arith.constant 2 : i32
        %add3A_379 = arith.addi %add3A_109, %add3A_378 : i32
        %swap3A_380 = arith.index_cast %add3A_379 : i32 to index
        %swap3A_381 = arith.constant 112 : index
        %swap3A_382 = tpu.vector_load %arg7[%swap3A_380, %swap3A_381] {strides = array<i32>} : memref<128x128xf32, #tpu.memory_space<vmem>>, vector<16xf32>,
        tpu.vector_store %arg7[%swap3A_380, %swap3A_381], %mul3A_377 {strides = array<i32>} : memref<128x128xf32, #tpu.memory_space<vmem>>, vector<16xf32>,
        %slice3A_383 = vector.extract_strided_slice %bitcast3A {offsets = [3], sizes = [1], strides = [1]} : vector<16xf32> to vector<1xf32>
        %squeeze3A_384 = vector.extract %slice3A_383[0] : f32 from vector<1xf32>
        %broadcast_in_dim3A_385 = vector.broadcast %squeeze3A_384 : f32 to vector<16xf32>
        %add3A_386 = arith.constant 3 : i32
        %add3A_387 = arith.addi %add3A_109, %add3A_386 : i32
        %get3A_388 = arith.index_cast %add3A_387 : i32 to index
        %get3A_389 = arith.constant 0 : index
        %get3A_390 = tpu.vector_load %arg7[%get3A_388, %get3A_389] {strides = array<i32>} : memref<128x128xf32, #tpu.memory_space<vmem>>, vector<16xf32>,
        %mul3A_391 = arith.mulf %get3A_390, %broadcast_in_dim3A_385 : vector<16xf32>
        %add3A_392 = arith.constant 3 : i32
        %add3A_393 = arith.addi %add3A_109, %add3A_392 : i32
        %swap3A_394 = arith.index_cast %add3A_393 : i32 to index
        %swap3A_395 = arith.constant 0 : index
        %swap3A_396 = tpu.vector_load %arg7[%swap3A_394, %swap3A_395] {strides = array<i32>} : memref<128x128xf32, #tpu.memory_space<vmem>>, vector<16xf32>,
        tpu.vector_store %arg7[%swap3A_394, %swap3A_395], %mul3A_391 {strides = array<i32>} : memref<128x128xf32, #tpu.memory_space<vmem>>, vector<16xf32>,
        %add3A_397 = arith.constant 3 : i32
        %add3A_398 = arith.addi %add3A_109, %add3A_397 : i32
        %get3A_399 = arith.index_cast %add3A_398 : i32 to index
        %get3A_400 = arith.constant 16 : index
        %get3A_401 = tpu.vector_load %arg7[%get3A_399, %get3A_400] {strides = array<i32>} : memref<128x128xf32, #tpu.memory_space<vmem>>, vector<16xf32>,
        %mul3A_402 = arith.mulf %get3A_401, %broadcast_in_dim3A_385 : vector<16xf32>
        %add3A_403 = arith.constant 3 : i32
        %add3A_404 = arith.addi %add3A_109, %add3A_403 : i32
        %swap3A_405 = arith.index_cast %add3A_404 : i32 to index
        %swap3A_406 = arith.constant 16 : index
        %swap3A_407 = tpu.vector_load %arg7[%swap3A_405, %swap3A_406] {strides = array<i32>} : memref<128x128xf32, #tpu.memory_space<vmem>>, vector<16xf32>,
        tpu.vector_store %arg7[%swap3A_405, %swap3A_406], %mul3A_402 {strides = array<i32>} : memref<128x128xf32, #tpu.memory_space<vmem>>, vector<16xf32>,
        %add3A_408 = arith.constant 3 : i32
        %add3A_409 = arith.addi %add3A_109, %add3A_408 : i32
        %get3A_410 = arith.index_cast %add3A_409 : i32 to index
        %get3A_411 = arith.constant 32 : index
        %get3A_412 = tpu.vector_load %arg7[%get3A_410, %get3A_411] {strides = array<i32>} : memref<128x128xf32, #tpu.memory_space<vmem>>, vector<16xf32>,
        %mul3A_413 = arith.mulf %get3A_412, %broadcast_in_dim3A_385 : vector<16xf32>
        %add3A_414 = arith.constant 3 : i32
        %add3A_415 = arith.addi %add3A_109, %add3A_414 : i32
        %swap3A_416 = arith.index_cast %add3A_415 : i32 to index
        %swap3A_417 = arith.constant 32 : index
        %swap3A_418 = tpu.vector_load %arg7[%swap3A_416, %swap3A_417] {strides = array<i32>} : memref<128x128xf32, #tpu.memory_space<vmem>>, vector<16xf32>,
        tpu.vector_store %arg7[%swap3A_416, %swap3A_417], %mul3A_413 {strides = array<i32>} : memref<128x128xf32, #tpu.memory_space<vmem>>, vector<16xf32>,
        %add3A_419 = arith.constant 3 : i32
        %add3A_420 = arith.addi %add3A_109, %add3A_419 : i32
        %get3A_421 = arith.index_cast %add3A_420 : i32 to index
        %get3A_422 = arith.constant 48 : index
        %get3A_423 = tpu.vector_load %arg7[%get3A_421, %get3A_422] {strides = array<i32>} : memref<128x128xf32, #tpu.memory_space<vmem>>, vector<16xf32>,
        %mul3A_424 = arith.mulf %get3A_423, %broadcast_in_dim3A_385 : vector<16xf32>
        %add3A_425 = arith.constant 3 : i32
        %add3A_426 = arith.addi %add3A_109, %add3A_425 : i32
        %swap3A_427 = arith.index_cast %add3A_426 : i32 to index
        %swap3A_428 = arith.constant 48 : index
        %swap3A_429 = tpu.vector_load %arg7[%swap3A_427, %swap3A_428] {strides = array<i32>} : memref<128x128xf32, #tpu.memory_space<vmem>>, vector<16xf32>,
        tpu.vector_store %arg7[%swap3A_427, %swap3A_428], %mul3A_424 {strides = array<i32>} : memref<128x128xf32, #tpu.memory_space<vmem>>, vector<16xf32>,
        %add3A_430 = arith.constant 3 : i32
        %add3A_431 = arith.addi %add3A_109, %add3A_430 : i32
        %get3A_432 = arith.index_cast %add3A_431 : i32 to index
        %get3A_433 = arith.constant 64 : index
        %get3A_434 = tpu.vector_load %arg7[%get3A_432, %get3A_433] {strides = array<i32>} : memref<128x128xf32, #tpu.memory_space<vmem>>, vector<16xf32>,
        %mul3A_435 = arith.mulf %get3A_434, %broadcast_in_dim3A_385 : vector<16xf32>
        %add3A_436 = arith.constant 3 : i32
        %add3A_437 = arith.addi %add3A_109, %add3A_436 : i32
        %swap3A_438 = arith.index_cast %add3A_437 : i32 to index
        %swap3A_439 = arith.constant 64 : index
        %swap3A_440 = tpu.vector_load %arg7[%swap3A_438, %swap3A_439] {strides = array<i32>} : memref<128x128xf32, #tpu.memory_space<vmem>>, vector<16xf32>,
        tpu.vector_store %arg7[%swap3A_438, %swap3A_439], %mul3A_435 {strides = array<i32>} : memref<128x128xf32, #tpu.memory_space<vmem>>, vector<16xf32>,
        %add3A_441 = arith.constant 3 : i32
        %add3A_442 = arith.addi %add3A_109, %add3A_441 : i32
        %get3A_443 = arith.index_cast %add3A_442 : i32 to index
        %get3A_444 = arith.constant 80 : index
        %get3A_445 = tpu.vector_load %arg7[%get3A_443, %get3A_444] {strides = array<i32>} : memref<128x128xf32, #tpu.memory_space<vmem>>, vector<16xf32>,
        %mul3A_446 = arith.mulf %get3A_445, %broadcast_in_dim3A_385 : vector<16xf32>
        %add3A_447 = arith.constant 3 : i32
        %add3A_448 = arith.addi %add3A_109, %add3A_447 : i32
        %swap3A_449 = arith.index_cast %add3A_448 : i32 to index
        %swap3A_450 = arith.constant 80 : index
        %swap3A_451 = tpu.vector_load %arg7[%swap3A_449, %swap3A_450] {strides = array<i32>} : memref<128x128xf32, #tpu.memory_space<vmem>>, vector<16xf32>,
        tpu.vector_store %arg7[%swap3A_449, %swap3A_450], %mul3A_446 {strides = array<i32>} : memref<128x128xf32, #tpu.memory_space<vmem>>, vector<16xf32>,
        %add3A_452 = arith.constant 3 : i32
        %add3A_453 = arith.addi %add3A_109, %add3A_452 : i32
        %get3A_454 = arith.index_cast %add3A_453 : i32 to index
        %get3A_455 = arith.constant 96 : index
        %get3A_456 = tpu.vector_load %arg7[%get3A_454, %get3A_455] {strides = array<i32>} : memref<128x128xf32, #tpu.memory_space<vmem>>, vector<16xf32>,
        %mul3A_457 = arith.mulf %get3A_456, %broadcast_in_dim3A_385 : vector<16xf32>
        %add3A_458 = arith.constant 3 : i32
        %add3A_459 = arith.addi %add3A_109, %add3A_458 : i32
        %swap3A_460 = arith.index_cast %add3A_459 : i32 to index
        %swap3A_461 = arith.constant 96 : index
        %swap3A_462 = tpu.vector_load %arg7[%swap3A_460, %swap3A_461] {strides = array<i32>} : memref<128x128xf32, #tpu.memory_space<vmem>>, vector<16xf32>,
        tpu.vector_store %arg7[%swap3A_460, %swap3A_461], %mul3A_457 {strides = array<i32>} : memref<128x128xf32, #tpu.memory_space<vmem>>, vector<16xf32>,
        %add3A_463 = arith.constant 3 : i32
        %add3A_464 = arith.addi %add3A_109, %add3A_463 : i32
        %get3A_465 = arith.index_cast %add3A_464 : i32 to index
        %get3A_466 = arith.constant 112 : index
        %get3A_467 = tpu.vector_load %arg7[%get3A_465, %get3A_466] {strides = array<i32>} : memref<128x128xf32, #tpu.memory_space<vmem>>, vector<16xf32>,
        %mul3A_468 = arith.mulf %get3A_467, %broadcast_in_dim3A_385 : vector<16xf32>
        %add3A_469 = arith.constant 3 : i32
        %add3A_470 = arith.addi %add3A_109, %add3A_469 : i32
        %swap3A_471 = arith.index_cast %add3A_470 : i32 to index
        %swap3A_472 = arith.constant 112 : index
        %swap3A_473 = tpu.vector_load %arg7[%swap3A_471, %swap3A_472] {strides = array<i32>} : memref<128x128xf32, #tpu.memory_space<vmem>>, vector<16xf32>,
        tpu.vector_store %arg7[%swap3A_471, %swap3A_472], %mul3A_468 {strides = array<i32>} : memref<128x128xf32, #tpu.memory_space<vmem>>, vector<16xf32>,
        %slice3A_474 = vector.extract_strided_slice %bitcast3A {offsets = [4], sizes = [1], strides = [1]} : vector<16xf32> to vector<1xf32>
        %squeeze3A_475 = vector.extract %slice3A_474[0] : f32 from vector<1xf32>
        %broadcast_in_dim3A_476 = vector.broadcast %squeeze3A_475 : f32 to vector<16xf32>
        %add3A_477 = arith.constant 4 : i32
        %add3A_478 = arith.addi %add3A_109, %add3A_477 : i32
        %get3A_479 = arith.index_cast %add3A_478 : i32 to index
        %get3A_480 = arith.constant 0 : index
        %get3A_481 = tpu.vector_load %arg7[%get3A_479, %get3A_480] {strides = array<i32>} : memref<128x128xf32, #tpu.memory_space<vmem>>, vector<16xf32>,
        %mul3A_482 = arith.mulf %get3A_481, %broadcast_in_dim3A_476 : vector<16xf32>
        %add3A_483 = arith.constant 4 : i32
        %add3A_484 = arith.addi %add3A_109, %add3A_483 : i32
        %swap3A_485 = arith.index_cast %add3A_484 : i32 to index
        %swap3A_486 = arith.constant 0 : index
        %swap3A_487 = tpu.vector_load %arg7[%swap3A_485, %swap3A_486] {strides = array<i32>} : memref<128x128xf32, #tpu.memory_space<vmem>>, vector<16xf32>,
        tpu.vector_store %arg7[%swap3A_485, %swap3A_486], %mul3A_482 {strides = array<i32>} : memref<128x128xf32, #tpu.memory_space<vmem>>, vector<16xf32>,
        %add3A_488 = arith.constant 4 : i32
        %add3A_489 = arith.addi %add3A_109, %add3A_488 : i32
        %get3A_490 = arith.index_cast %add3A_489 : i32 to index
        %get3A_491 = arith.constant 16 : index
        %get3A_492 = tpu.vector_load %arg7[%get3A_490, %get3A_491] {strides = array<i32>} : memref<128x128xf32, #tpu.memory_space<vmem>>, vector<16xf32>,
        %mul3A_493 = arith.mulf %get3A_492, %broadcast_in_dim3A_476 : vector<16xf32>
        %add3A_494 = arith.constant 4 : i32
        %add3A_495 = arith.addi %add3A_109, %add3A_494 : i32
        %swap3A_496 = arith.index_cast %add3A_495 : i32 to index
        %swap3A_497 = arith.constant 16 : index
        %swap3A_498 = tpu.vector_load %arg7[%swap3A_496, %swap3A_497] {strides = array<i32>} : memref<128x128xf32, #tpu.memory_space<vmem>>, vector<16xf32>,
        tpu.vector_store %arg7[%swap3A_496, %swap3A_497], %mul3A_493 {strides = array<i32>} : memref<128x128xf32, #tpu.memory_space<vmem>>, vector<16xf32>,
        %add3A_499 = arith.constant 4 : i32
        %add3A_500 = arith.addi %add3A_109, %add3A_499 : i32
        %get3A_501 = arith.index_cast %add3A_500 : i32 to index
        %get3A_502 = arith.constant 32 : index
        %get3A_503 = tpu.vector_load %arg7[%get3A_501, %get3A_502] {strides = array<i32>} : memref<128x128xf32, #tpu.memory_space<vmem>>, vector<16xf32>,
        %mul3A_504 = arith.mulf %get3A_503, %broadcast_in_dim3A_476 : vector<16xf32>
        %add3A_505 = arith.constant 4 : i32
        %add3A_506 = arith.addi %add3A_109, %add3A_505 : i32
        %swap3A_507 = arith.index_cast %add3A_506 : i32 to index
        %swap3A_508 = arith.constant 32 : index
        %swap3A_509 = tpu.vector_load %arg7[%swap3A_507, %swap3A_508] {strides = array<i32>} : memref<128x128xf32, #tpu.memory_space<vmem>>, vector<16xf32>,
        tpu.vector_store %arg7[%swap3A_507, %swap3A_508], %mul3A_504 {strides = array<i32>} : memref<128x128xf32, #tpu.memory_space<vmem>>, vector<16xf32>,
        %add3A_510 = arith.constant 4 : i32
        %add3A_511 = arith.addi %add3A_109, %add3A_510 : i32
        %get3A_512 = arith.index_cast %add3A_511 : i32 to index
        %get3A_513 = arith.constant 48 : index
        %get3A_514 = tpu.vector_load %arg7[%get3A_512, %get3A_513] {strides = array<i32>} : memref<128x128xf32, #tpu.memory_space<vmem>>, vector<16xf32>,
        %mul3A_515 = arith.mulf %get3A_514, %broadcast_in_dim3A_476 : vector<16xf32>
        %add3A_516 = arith.constant 4 : i32
        %add3A_517 = arith.addi %add3A_109, %add3A_516 : i32
        %swap3A_518 = arith.index_cast %add3A_517 : i32 to index
        %swap3A_519 = arith.constant 48 : index
        %swap3A_520 = tpu.vector_load %arg7[%swap3A_518, %swap3A_519] {strides = array<i32>} : memref<128x128xf32, #tpu.memory_space<vmem>>, vector<16xf32>,
        tpu.vector_store %arg7[%swap3A_518, %swap3A_519], %mul3A_515 {strides = array<i32>} : memref<128x128xf32, #tpu.memory_space<vmem>>, vector<16xf32>,
        %add3A_521 = arith.constant 4 : i32
        %add3A_522 = arith.addi %add3A_109, %add3A_521 : i32
        %get3A_523 = arith.index_cast %add3A_522 : i32 to index
        %get3A_524 = arith.constant 64 : index
        %get3A_525 = tpu.vector_load %arg7[%get3A_523, %get3A_524] {strides = array<i32>} : memref<128x128xf32, #tpu.memory_space<vmem>>, vector<16xf32>,
        %mul3A_526 = arith.mulf %get3A_525, %broadcast_in_dim3A_476 : vector<16xf32>
        %add3A_527 = arith.constant 4 : i32
        %add3A_528 = arith.addi %add3A_109, %add3A_527 : i32
        %swap3A_529 = arith.index_cast %add3A_528 : i32 to index
        %swap3A_530 = arith.constant 64 : index
        %swap3A_531 = tpu.vector_load %arg7[%swap3A_529, %swap3A_530] {strides = array<i32>} : memref<128x128xf32, #tpu.memory_space<vmem>>, vector<16xf32>,
        tpu.vector_store %arg7[%swap3A_529, %swap3A_530], %mul3A_526 {strides = array<i32>} : memref<128x128xf32, #tpu.memory_space<vmem>>, vector<16xf32>,
        %add3A_532 = arith.constant 4 : i32
        %add3A_533 = arith.addi %add3A_109, %add3A_532 : i32
        %get3A_534 = arith.index_cast %add3A_533 : i32 to index
        %get3A_535 = arith.constant 80 : index
        %get3A_536 = tpu.vector_load %arg7[%get3A_534, %get3A_535] {strides = array<i32>} : memref<128x128xf32, #tpu.memory_space<vmem>>, vector<16xf32>,
        %mul3A_537 = arith.mulf %get3A_536, %broadcast_in_dim3A_476 : vector<16xf32>
        %add3A_538 = arith.constant 4 : i32
        %add3A_539 = arith.addi %add3A_109, %add3A_538 : i32
        %swap3A_540 = arith.index_cast %add3A_539 : i32 to index
        %swap3A_541 = arith.constant 80 : index
        %swap3A_542 = tpu.vector_load %arg7[%swap3A_540, %swap3A_541] {strides = array<i32>} : memref<128x128xf32, #tpu.memory_space<vmem>>, vector<16xf32>,
        tpu.vector_store %arg7[%swap3A_540, %swap3A_541], %mul3A_537 {strides = array<i32>} : memref<128x128xf32, #tpu.memory_space<vmem>>, vector<16xf32>,
        %add3A_543 = arith.constant 4 : i32
        %add3A_544 = arith.addi %add3A_109, %add3A_543 : i32
        %get3A_545 = arith.index_cast %add3A_544 : i32 to index
        %get3A_546 = arith.constant 96 : index
        %get3A_547 = tpu.vector_load %arg7[%get3A_545, %get3A_546] {strides = array<i32>} : memref<128x128xf32, #tpu.memory_space<vmem>>, vector<16xf32>,
        %mul3A_548 = arith.mulf %get3A_547, %broadcast_in_dim3A_476 : vector<16xf32>
        %add3A_549 = arith.constant 4 : i32
        %add3A_550 = arith.addi %add3A_109, %add3A_549 : i32
        %swap3A_551 = arith.index_cast %add3A_550 : i32 to index
        %swap3A_552 = arith.constant 96 : index
        %swap3A_553 = tpu.vector_load %arg7[%swap3A_551, %swap3A_552] {strides = array<i32>} : memref<128x128xf32, #tpu.memory_space<vmem>>, vector<16xf32>,
        tpu.vector_store %arg7[%swap3A_551, %swap3A_552], %mul3A_548 {strides = array<i32>} : memref<128x128xf32, #tpu.memory_space<vmem>>, vector<16xf32>,
        %add3A_554 = arith.constant 4 : i32
        %add3A_555 = arith.addi %add3A_109, %add3A_554 : i32
        %get3A_556 = arith.index_cast %add3A_555 : i32 to index
        %get3A_557 = arith.constant 112 : index
        %get3A_558 = tpu.vector_load %arg7[%get3A_556, %get3A_557] {strides = array<i32>} : memref<128x128xf32, #tpu.memory_space<vmem>>, vector<16xf32>,
        %mul3A_559 = arith.mulf %get3A_558, %broadcast_in_dim3A_476 : vector<16xf32>
        %add3A_560 = arith.constant 4 : i32
        %add3A_561 = arith.addi %add3A_109, %add3A_560 : i32
        %swap3A_562 = arith.index_cast %add3A_561 : i32 to index
        %swap3A_563 = arith.constant 112 : index
        %swap3A_564 = tpu.vector_load %arg7[%swap3A_562, %swap3A_563] {strides = array<i32>} : memref<128x128xf32, #tpu.memory_space<vmem>>, vector<16xf32>,
        tpu.vector_store %arg7[%swap3A_562, %swap3A_563], %mul3A_559 {strides = array<i32>} : memref<128x128xf32, #tpu.memory_space<vmem>>, vector<16xf32>,
        %slice3A_565 = vector.extract_strided_slice %bitcast3A {offsets = [5], sizes = [1], strides = [1]} : vector<16xf32> to vector<1xf32>
        %squeeze3A_566 = vector.extract %slice3A_565[0] : f32 from vector<1xf32>
        %broadcast_in_dim3A_567 = vector.broadcast %squeeze3A_566 : f32 to vector<16xf32>
        %add3A_568 = arith.constant 5 : i32
        %add3A_569 = arith.addi %add3A_109, %add3A_568 : i32
        %get3A_570 = arith.index_cast %add3A_569 : i32 to index
        %get3A_571 = arith.constant 0 : index
        %get3A_572 = tpu.vector_load %arg7[%get3A_570, %get3A_571] {strides = array<i32>} : memref<128x128xf32, #tpu.memory_space<vmem>>, vector<16xf32>,
        %mul3A_573 = arith.mulf %get3A_572, %broadcast_in_dim3A_567 : vector<16xf32>
        %add3A_574 = arith.constant 5 : i32
        %add3A_575 = arith.addi %add3A_109, %add3A_574 : i32
        %swap3A_576 = arith.index_cast %add3A_575 : i32 to index
        %swap3A_577 = arith.constant 0 : index
        %swap3A_578 = tpu.vector_load %arg7[%swap3A_576, %swap3A_577] {strides = array<i32>} : memref<128x128xf32, #tpu.memory_space<vmem>>, vector<16xf32>,
        tpu.vector_store %arg7[%swap3A_576, %swap3A_577], %mul3A_573 {strides = array<i32>} : memref<128x128xf32, #tpu.memory_space<vmem>>, vector<16xf32>,
        %add3A_579 = arith.constant 5 : i32
        %add3A_580 = arith.addi %add3A_109, %add3A_579 : i32
        %get3A_581 = arith.index_cast %add3A_580 : i32 to index
        %get3A_582 = arith.constant 16 : index
        %get3A_583 = tpu.vector_load %arg7[%get3A_581, %get3A_582] {strides = array<i32>} : memref<128x128xf32, #tpu.memory_space<vmem>>, vector<16xf32>,
        %mul3A_584 = arith.mulf %get3A_583, %broadcast_in_dim3A_567 : vector<16xf32>
        %add3A_585 = arith.constant 5 : i32
        %add3A_586 = arith.addi %add3A_109, %add3A_585 : i32
        %swap3A_587 = arith.index_cast %add3A_586 : i32 to index
        %swap3A_588 = arith.constant 16 : index
        %swap3A_589 = tpu.vector_load %arg7[%swap3A_587, %swap3A_588] {strides = array<i32>} : memref<128x128xf32, #tpu.memory_space<vmem>>, vector<16xf32>,
        tpu.vector_store %arg7[%swap3A_587, %swap3A_588], %mul3A_584 {strides = array<i32>} : memref<128x128xf32, #tpu.memory_space<vmem>>, vector<16xf32>,
        %add3A_590 = arith.constant 5 : i32
        %add3A_591 = arith.addi %add3A_109, %add3A_590 : i32
        %get3A_592 = arith.index_cast %add3A_591 : i32 to index
        %get3A_593 = arith.constant 32 : index
        %get3A_594 = tpu.vector_load %arg7[%get3A_592, %get3A_593] {strides = array<i32>} : memref<128x128xf32, #tpu.memory_space<vmem>>, vector<16xf32>,
        %mul3A_595 = arith.mulf %get3A_594, %broadcast_in_dim3A_567 : vector<16xf32>
        %add3A_596 = arith.constant 5 : i32
        %add3A_597 = arith.addi %add3A_109, %add3A_596 : i32
        %swap3A_598 = arith.index_cast %add3A_597 : i32 to index
        %swap3A_599 = arith.constant 32 : index
        %swap3A_600 = tpu.vector_load %arg7[%swap3A_598, %swap3A_599] {strides = array<i32>} : memref<128x128xf32, #tpu.memory_space<vmem>>, vector<16xf32>,
        tpu.vector_store %arg7[%swap3A_598, %swap3A_599], %mul3A_595 {strides = array<i32>} : memref<128x128xf32, #tpu.memory_space<vmem>>, vector<16xf32>,
        %add3A_601 = arith.constant 5 : i32
        %add3A_602 = arith.addi %add3A_109, %add3A_601 : i32
        %get3A_603 = arith.index_cast %add3A_602 : i32 to index
        %get3A_604 = arith.constant 48 : index
        %get3A_605 = tpu.vector_load %arg7[%get3A_603, %get3A_604] {strides = array<i32>} : memref<128x128xf32, #tpu.memory_space<vmem>>, vector<16xf32>,
        %mul3A_606 = arith.mulf %get3A_605, %broadcast_in_dim3A_567 : vector<16xf32>
        %add3A_607 = arith.constant 5 : i32
        %add3A_608 = arith.addi %add3A_109, %add3A_607 : i32
        %swap3A_609 = arith.index_cast %add3A_608 : i32 to index
        %swap3A_610 = arith.constant 48 : index
        %swap3A_611 = tpu.vector_load %arg7[%swap3A_609, %swap3A_610] {strides = array<i32>} : memref<128x128xf32, #tpu.memory_space<vmem>>, vector<16xf32>,
        tpu.vector_store %arg7[%swap3A_609, %swap3A_610], %mul3A_606 {strides = array<i32>} : memref<128x128xf32, #tpu.memory_space<vmem>>, vector<16xf32>,
        %add3A_612 = arith.constant 5 : i32
        %add3A_613 = arith.addi %add3A_109, %add3A_612 : i32
        %get3A_614 = arith.index_cast %add3A_613 : i32 to index
        %get3A_615 = arith.constant 64 : index
        %get3A_616 = tpu.vector_load %arg7[%get3A_614, %get3A_615] {strides = array<i32>} : memref<128x128xf32, #tpu.memory_space<vmem>>, vector<16xf32>,
        %mul3A_617 = arith.mulf %get3A_616, %broadcast_in_dim3A_567 : vector<16xf32>
        %add3A_618 = arith.constant 5 : i32
        %add3A_619 = arith.addi %add3A_109, %add3A_618 : i32
        %swap3A_620 = arith.index_cast %add3A_619 : i32 to index
        %swap3A_621 = arith.constant 64 : index
        %swap3A_622 = tpu.vector_load %arg7[%swap3A_620, %swap3A_621] {strides = array<i32>} : memref<128x128xf32, #tpu.memory_space<vmem>>, vector<16xf32>,
        tpu.vector_store %arg7[%swap3A_620, %swap3A_621], %mul3A_617 {strides = array<i32>} : memref<128x128xf32, #tpu.memory_space<vmem>>, vector<16xf32>,
        %add3A_623 = arith.constant 5 : i32
        %add3A_624 = arith.addi %add3A_109, %add3A_623 : i32
        %get3A_625 = arith.index_cast %add3A_624 : i32 to index
        %get3A_626 = arith.constant 80 : index
        %get3A_627 = tpu.vector_load %arg7[%get3A_625, %get3A_626] {strides = array<i32>} : memref<128x128xf32, #tpu.memory_space<vmem>>, vector<16xf32>,
        %mul3A_628 = arith.mulf %get3A_627, %broadcast_in_dim3A_567 : vector<16xf32>
        %add3A_629 = arith.constant 5 : i32
        %add3A_630 = arith.addi %add3A_109, %add3A_629 : i32
        %swap3A_631 = arith.index_cast %add3A_630 : i32 to index
        %swap3A_632 = arith.constant 80 : index
        %swap3A_633 = tpu.vector_load %arg7[%swap3A_631, %swap3A_632] {strides = array<i32>} : memref<128x128xf32, #tpu.memory_space<vmem>>, vector<16xf32>,
        tpu.vector_store %arg7[%swap3A_631, %swap3A_632], %mul3A_628 {strides = array<i32>} : memref<128x128xf32, #tpu.memory_space<vmem>>, vector<16xf32>,
        %add3A_634 = arith.constant 5 : i32
        %add3A_635 = arith.addi %add3A_109, %add3A_634 : i32
        %get3A_636 = arith.index_cast %add3A_635 : i32 to index
        %get3A_637 = arith.constant 96 : index
        %get3A_638 = tpu.vector_load %arg7[%get3A_636, %get3A_637] {strides = array<i32>} : memref<128x128xf32, #tpu.memory_space<vmem>>, vector<16xf32>,
        %mul3A_639 = arith.mulf %get3A_638, %broadcast_in_dim3A_567 : vector<16xf32>
        %add3A_640 = arith.constant 5 : i32
        %add3A_641 = arith.addi %add3A_109, %add3A_640 : i32
        %swap3A_642 = arith.index_cast %add3A_641 : i32 to index
        %swap3A_643 = arith.constant 96 : index
        %swap3A_644 = tpu.vector_load %arg7[%swap3A_642, %swap3A_643] {strides = array<i32>} : memref<128x128xf32, #tpu.memory_space<vmem>>, vector<16xf32>,
        tpu.vector_store %arg7[%swap3A_642, %swap3A_643], %mul3A_639 {strides = array<i32>} : memref<128x128xf32, #tpu.memory_space<vmem>>, vector<16xf32>,
        %add3A_645 = arith.constant 5 : i32
        %add3A_646 = arith.addi %add3A_109, %add3A_645 : i32
        %get3A_647 = arith.index_cast %add3A_646 : i32 to index
        %get3A_648 = arith.constant 112 : index
        %get3A_649 = tpu.vector_load %arg7[%get3A_647, %get3A_648] {strides = array<i32>} : memref<128x128xf32, #tpu.memory_space<vmem>>, vector<16xf32>,
        %mul3A_650 = arith.mulf %get3A_649, %broadcast_in_dim3A_567 : vector<16xf32>
        %add3A_651 = arith.constant 5 : i32
        %add3A_652 = arith.addi %add3A_109, %add3A_651 : i32
        %swap3A_653 = arith.index_cast %add3A_652 : i32 to index
        %swap3A_654 = arith.constant 112 : index
        %swap3A_655 = tpu.vector_load %arg7[%swap3A_653, %swap3A_654] {strides = array<i32>} : memref<128x128xf32, #tpu.memory_space<vmem>>, vector<16xf32>,
        tpu.vector_store %arg7[%swap3A_653, %swap3A_654], %mul3A_650 {strides = array<i32>} : memref<128x128xf32, #tpu.memory_space<vmem>>, vector<16xf32>,
        %slice3A_656 = vector.extract_strided_slice %bitcast3A {offsets = [6], sizes = [1], strides = [1]} : vector<16xf32> to vector<1xf32>
        %squeeze3A_657 = vector.extract %slice3A_656[0] : f32 from vector<1xf32>
        %broadcast_in_dim3A_658 = vector.broadcast %squeeze3A_657 : f32 to vector<16xf32>
        %add3A_659 = arith.constant 6 : i32
        %add3A_660 = arith.addi %add3A_109, %add3A_659 : i32
        %get3A_661 = arith.index_cast %add3A_660 : i32 to index
        %get3A_662 = arith.constant 0 : index
        %get3A_663 = tpu.vector_load %arg7[%get3A_661, %get3A_662] {strides = array<i32>} : memref<128x128xf32, #tpu.memory_space<vmem>>, vector<16xf32>,
        %mul3A_664 = arith.mulf %get3A_663, %broadcast_in_dim3A_658 : vector<16xf32>
        %add3A_665 = arith.constant 6 : i32
        %add3A_666 = arith.addi %add3A_109, %add3A_665 : i32
        %swap3A_667 = arith.index_cast %add3A_666 : i32 to index
        %swap3A_668 = arith.constant 0 : index
        %swap3A_669 = tpu.vector_load %arg7[%swap3A_667, %swap3A_668] {strides = array<i32>} : memref<128x128xf32, #tpu.memory_space<vmem>>, vector<16xf32>,
        tpu.vector_store %arg7[%swap3A_667, %swap3A_668], %mul3A_664 {strides = array<i32>} : memref<128x128xf32, #tpu.memory_space<vmem>>, vector<16xf32>,
        %add3A_670 = arith.constant 6 : i32
        %add3A_671 = arith.addi %add3A_109, %add3A_670 : i32
        %get3A_672 = arith.index_cast %add3A_671 : i32 to index
        %get3A_673 = arith.constant 16 : index
        %get3A_674 = tpu.vector_load %arg7[%get3A_672, %get3A_673] {strides = array<i32>} : memref<128x128xf32, #tpu.memory_space<vmem>>, vector<16xf32>,
        %mul3A_675 = arith.mulf %get3A_674, %broadcast_in_dim3A_658 : vector<16xf32>
        %add3A_676 = arith.constant 6 : i32
        %add3A_677 = arith.addi %add3A_109, %add3A_676 : i32
        %swap3A_678 = arith.index_cast %add3A_677 : i32 to index
        %swap3A_679 = arith.constant 16 : index
        %swap3A_680 = tpu.vector_load %arg7[%swap3A_678, %swap3A_679] {strides = array<i32>} : memref<128x128xf32, #tpu.memory_space<vmem>>, vector<16xf32>,
        tpu.vector_store %arg7[%swap3A_678, %swap3A_679], %mul3A_675 {strides = array<i32>} : memref<128x128xf32, #tpu.memory_space<vmem>>, vector<16xf32>,
        %add3A_681 = arith.constant 6 : i32
        %add3A_682 = arith.addi %add3A_109, %add3A_681 : i32
        %get3A_683 = arith.index_cast %add3A_682 : i32 to index
        %get3A_684 = arith.constant 32 : index
        %get3A_685 = tpu.vector_load %arg7[%get3A_683, %get3A_684] {strides = array<i32>} : memref<128x128xf32, #tpu.memory_space<vmem>>, vector<16xf32>,
        %mul3A_686 = arith.mulf %get3A_685, %broadcast_in_dim3A_658 : vector<16xf32>
        %add3A_687 = arith.constant 6 : i32
        %add3A_688 = arith.addi %add3A_109, %add3A_687 : i32
        %swap3A_689 = arith.index_cast %add3A_688 : i32 to index
        %swap3A_690 = arith.constant 32 : index
        %swap3A_691 = tpu.vector_load %arg7[%swap3A_689, %swap3A_690] {strides = array<i32>} : memref<128x128xf32, #tpu.memory_space<vmem>>, vector<16xf32>,
        tpu.vector_store %arg7[%swap3A_689, %swap3A_690], %mul3A_686 {strides = array<i32>} : memref<128x128xf32, #tpu.memory_space<vmem>>, vector<16xf32>,
        %add3A_692 = arith.constant 6 : i32
        %add3A_693 = arith.addi %add3A_109, %add3A_692 : i32
        %get3A_694 = arith.index_cast %add3A_693 : i32 to index
        %get3A_695 = arith.constant 48 : index
        %get3A_696 = tpu.vector_load %arg7[%get3A_694, %get3A_695] {strides = array<i32>} : memref<128x128xf32, #tpu.memory_space<vmem>>, vector<16xf32>,
        %mul3A_697 = arith.mulf %get3A_696, %broadcast_in_dim3A_658 : vector<16xf32>
        %add3A_698 = arith.constant 6 : i32
        %add3A_699 = arith.addi %add3A_109, %add3A_698 : i32
        %swap3A_700 = arith.index_cast %add3A_699 : i32 to index
        %swap3A_701 = arith.constant 48 : index
        %swap3A_702 = tpu.vector_load %arg7[%swap3A_700, %swap3A_701] {strides = array<i32>} : memref<128x128xf32, #tpu.memory_space<vmem>>, vector<16xf32>,
        tpu.vector_store %arg7[%swap3A_700, %swap3A_701], %mul3A_697 {strides = array<i32>} : memref<128x128xf32, #tpu.memory_space<vmem>>, vector<16xf32>,
        %add3A_703 = arith.constant 6 : i32
        %add3A_704 = arith.addi %add3A_109, %add3A_703 : i32
        %get3A_705 = arith.index_cast %add3A_704 : i32 to index
        %get3A_706 = arith.constant 64 : index
        %get3A_707 = tpu.vector_load %arg7[%get3A_705, %get3A_706] {strides = array<i32>} : memref<128x128xf32, #tpu.memory_space<vmem>>, vector<16xf32>,
        %mul3A_708 = arith.mulf %get3A_707, %broadcast_in_dim3A_658 : vector<16xf32>
        %add3A_709 = arith.constant 6 : i32
        %add3A_710 = arith.addi %add3A_109, %add3A_709 : i32
        %swap3A_711 = arith.index_cast %add3A_710 : i32 to index
        %swap3A_712 = arith.constant 64 : index
        %swap3A_713 = tpu.vector_load %arg7[%swap3A_711, %swap3A_712] {strides = array<i32>} : memref<128x128xf32, #tpu.memory_space<vmem>>, vector<16xf32>,
        tpu.vector_store %arg7[%swap3A_711, %swap3A_712], %mul3A_708 {strides = array<i32>} : memref<128x128xf32, #tpu.memory_space<vmem>>, vector<16xf32>,
        %add3A_714 = arith.constant 6 : i32
        %add3A_715 = arith.addi %add3A_109, %add3A_714 : i32
        %get3A_716 = arith.index_cast %add3A_715 : i32 to index
        %get3A_717 = arith.constant 80 : index
        %get3A_718 = tpu.vector_load %arg7[%get3A_716, %get3A_717] {strides = array<i32>} : memref<128x128xf32, #tpu.memory_space<vmem>>, vector<16xf32>,
        %mul3A_719 = arith.mulf %get3A_718, %broadcast_in_dim3A_658 : vector<16xf32>
        %add3A_720 = arith.constant 6 : i32
        %add3A_721 = arith.addi %add3A_109, %add3A_720 : i32
        %swap3A_722 = arith.index_cast %add3A_721 : i32 to index
        %swap3A_723 = arith.constant 80 : index
        %swap3A_724 = tpu.vector_load %arg7[%swap3A_722, %swap3A_723] {strides = array<i32>} : memref<128x128xf32, #tpu.memory_space<vmem>>, vector<16xf32>,
        tpu.vector_store %arg7[%swap3A_722, %swap3A_723], %mul3A_719 {strides = array<i32>} : memref<128x128xf32, #tpu.memory_space<vmem>>, vector<16xf32>,
        %add3A_725 = arith.constant 6 : i32
        %add3A_726 = arith.addi %add3A_109, %add3A_725 : i32
        %get3A_727 = arith.index_cast %add3A_726 : i32 to index
        %get3A_728 = arith.constant 96 : index
        %get3A_729 = tpu.vector_load %arg7[%get3A_727, %get3A_728] {strides = array<i32>} : memref<128x128xf32, #tpu.memory_space<vmem>>, vector<16xf32>,
        %mul3A_730 = arith.mulf %get3A_729, %broadcast_in_dim3A_658 : vector<16xf32>
        %add3A_731 = arith.constant 6 : i32
        %add3A_732 = arith.addi %add3A_109, %add3A_731 : i32
        %swap3A_733 = arith.index_cast %add3A_732 : i32 to index
        %swap3A_734 = arith.constant 96 : index
        %swap3A_735 = tpu.vector_load %arg7[%swap3A_733, %swap3A_734] {strides = array<i32>} : memref<128x128xf32, #tpu.memory_space<vmem>>, vector<16xf32>,
        tpu.vector_store %arg7[%swap3A_733, %swap3A_734], %mul3A_730 {strides = array<i32>} : memref<128x128xf32, #tpu.memory_space<vmem>>, vector<16xf32>,
        %add3A_736 = arith.constant 6 : i32
        %add3A_737 = arith.addi %add3A_109, %add3A_736 : i32
        %get3A_738 = arith.index_cast %add3A_737 : i32 to index
        %get3A_739 = arith.constant 112 : index
        %get3A_740 = tpu.vector_load %arg7[%get3A_738, %get3A_739] {strides = array<i32>} : memref<128x128xf32, #tpu.memory_space<vmem>>, vector<16xf32>,
        %mul3A_741 = arith.mulf %get3A_740, %broadcast_in_dim3A_658 : vector<16xf32>
        %add3A_742 = arith.constant 6 : i32
        %add3A_743 = arith.addi %add3A_109, %add3A_742 : i32
        %swap3A_744 = arith.index_cast %add3A_743 : i32 to index
        %swap3A_745 = arith.constant 112 : index
        %swap3A_746 = tpu.vector_load %arg7[%swap3A_744, %swap3A_745] {strides = array<i32>} : memref<128x128xf32, #tpu.memory_space<vmem>>, vector<16xf32>,
        tpu.vector_store %arg7[%swap3A_744, %swap3A_745], %mul3A_741 {strides = array<i32>} : memref<128x128xf32, #tpu.memory_space<vmem>>, vector<16xf32>,
        %slice3A_747 = vector.extract_strided_slice %bitcast3A {offsets = [7], sizes = [1], strides = [1]} : vector<16xf32> to vector<1xf32>
        %squeeze3A_748 = vector.extract %slice3A_747[0] : f32 from vector<1xf32>
        %broadcast_in_dim3A_749 = vector.broadcast %squeeze3A_748 : f32 to vector<16xf32>
        %add3A_750 = arith.constant 7 : i32
        %add3A_751 = arith.addi %add3A_109, %add3A_750 : i32
        %get3A_752 = arith.index_cast %add3A_751 : i32 to index
        %get3A_753 = arith.constant 0 : index
        %get3A_754 = tpu.vector_load %arg7[%get3A_752, %get3A_753] {strides = array<i32>} : memref<128x128xf32, #tpu.memory_space<vmem>>, vector<16xf32>,
        %mul3A_755 = arith.mulf %get3A_754, %broadcast_in_dim3A_749 : vector<16xf32>
        %add3A_756 = arith.constant 7 : i32
        %add3A_757 = arith.addi %add3A_109, %add3A_756 : i32
        %swap3A_758 = arith.index_cast %add3A_757 : i32 to index
        %swap3A_759 = arith.constant 0 : index
        %swap3A_760 = tpu.vector_load %arg7[%swap3A_758, %swap3A_759] {strides = array<i32>} : memref<128x128xf32, #tpu.memory_space<vmem>>, vector<16xf32>,
        tpu.vector_store %arg7[%swap3A_758, %swap3A_759], %mul3A_755 {strides = array<i32>} : memref<128x128xf32, #tpu.memory_space<vmem>>, vector<16xf32>,
        %add3A_761 = arith.constant 7 : i32
        %add3A_762 = arith.addi %add3A_109, %add3A_761 : i32
        %get3A_763 = arith.index_cast %add3A_762 : i32 to index
        %get3A_764 = arith.constant 16 : index
        %get3A_765 = tpu.vector_load %arg7[%get3A_763, %get3A_764] {strides = array<i32>} : memref<128x128xf32, #tpu.memory_space<vmem>>, vector<16xf32>,
        %mul3A_766 = arith.mulf %get3A_765, %broadcast_in_dim3A_749 : vector<16xf32>
        %add3A_767 = arith.constant 7 : i32
        %add3A_768 = arith.addi %add3A_109, %add3A_767 : i32
        %swap3A_769 = arith.index_cast %add3A_768 : i32 to index
        %swap3A_770 = arith.constant 16 : index
        %swap3A_771 = tpu.vector_load %arg7[%swap3A_769, %swap3A_770] {strides = array<i32>} : memref<128x128xf32, #tpu.memory_space<vmem>>, vector<16xf32>,
        tpu.vector_store %arg7[%swap3A_769, %swap3A_770], %mul3A_766 {strides = array<i32>} : memref<128x128xf32, #tpu.memory_space<vmem>>, vector<16xf32>,
        %add3A_772 = arith.constant 7 : i32
        %add3A_773 = arith.addi %add3A_109, %add3A_772 : i32
        %get3A_774 = arith.index_cast %add3A_773 : i32 to index
        %get3A_775 = arith.constant 32 : index
        %get3A_776 = tpu.vector_load %arg7[%get3A_774, %get3A_775] {strides = array<i32>} : memref<128x128xf32, #tpu.memory_space<vmem>>, vector<16xf32>,
        %mul3A_777 = arith.mulf %get3A_776, %broadcast_in_dim3A_749 : vector<16xf32>
        %add3A_778 = arith.constant 7 : i32
        %add3A_779 = arith.addi %add3A_109, %add3A_778 : i32
        %swap3A_780 = arith.index_cast %add3A_779 : i32 to index
        %swap3A_781 = arith.constant 32 : index
        %swap3A_782 = tpu.vector_load %arg7[%swap3A_780, %swap3A_781] {strides = array<i32>} : memref<128x128xf32, #tpu.memory_space<vmem>>, vector<16xf32>,
        tpu.vector_store %arg7[%swap3A_780, %swap3A_781], %mul3A_777 {strides = array<i32>} : memref<128x128xf32, #tpu.memory_space<vmem>>, vector<16xf32>,
        %add3A_783 = arith.constant 7 : i32
        %add3A_784 = arith.addi %add3A_109, %add3A_783 : i32
        %get3A_785 = arith.index_cast %add3A_784 : i32 to index
        %get3A_786 = arith.constant 48 : index
        %get3A_787 = tpu.vector_load %arg7[%get3A_785, %get3A_786] {strides = array<i32>} : memref<128x128xf32, #tpu.memory_space<vmem>>, vector<16xf32>,
        %mul3A_788 = arith.mulf %get3A_787, %broadcast_in_dim3A_749 : vector<16xf32>
        %add3A_789 = arith.constant 7 : i32
        %add3A_790 = arith.addi %add3A_109, %add3A_789 : i32
        %swap3A_791 = arith.index_cast %add3A_790 : i32 to index
        %swap3A_792 = arith.constant 48 : index
        %swap3A_793 = tpu.vector_load %arg7[%swap3A_791, %swap3A_792] {strides = array<i32>} : memref<128x128xf32, #tpu.memory_space<vmem>>, vector<16xf32>,
        tpu.vector_store %arg7[%swap3A_791, %swap3A_792], %mul3A_788 {strides = array<i32>} : memref<128x128xf32, #tpu.memory_space<vmem>>, vector<16xf32>,
        %add3A_794 = arith.constant 7 : i32
        %add3A_795 = arith.addi %add3A_109, %add3A_794 : i32
        %get3A_796 = arith.index_cast %add3A_795 : i32 to index
        %get3A_797 = arith.constant 64 : index
        %get3A_798 = tpu.vector_load %arg7[%get3A_796, %get3A_797] {strides = array<i32>} : memref<128x128xf32, #tpu.memory_space<vmem>>, vector<16xf32>,
        %mul3A_799 = arith.mulf %get3A_798, %broadcast_in_dim3A_749 : vector<16xf32>
        %add3A_800 = arith.constant 7 : i32
        %add3A_801 = arith.addi %add3A_109, %add3A_800 : i32
        %swap3A_802 = arith.index_cast %add3A_801 : i32 to index
        %swap3A_803 = arith.constant 64 : index
        %swap3A_804 = tpu.vector_load %arg7[%swap3A_802, %swap3A_803] {strides = array<i32>} : memref<128x128xf32, #tpu.memory_space<vmem>>, vector<16xf32>,
        tpu.vector_store %arg7[%swap3A_802, %swap3A_803], %mul3A_799 {strides = array<i32>} : memref<128x128xf32, #tpu.memory_space<vmem>>, vector<16xf32>,
        %add3A_805 = arith.constant 7 : i32
        %add3A_806 = arith.addi %add3A_109, %add3A_805 : i32
        %get3A_807 = arith.index_cast %add3A_806 : i32 to index
        %get3A_808 = arith.constant 80 : index
        %get3A_809 = tpu.vector_load %arg7[%get3A_807, %get3A_808] {strides = array<i32>} : memref<128x128xf32, #tpu.memory_space<vmem>>, vector<16xf32>,
        %mul3A_810 = arith.mulf %get3A_809, %broadcast_in_dim3A_749 : vector<16xf32>
        %add3A_811 = arith.constant 7 : i32
        %add3A_812 = arith.addi %add3A_109, %add3A_811 : i32
        %swap3A_813 = arith.index_cast %add3A_812 : i32 to index
        %swap3A_814 = arith.constant 80 : index
        %swap3A_815 = tpu.vector_load %arg7[%swap3A_813, %swap3A_814] {strides = array<i32>} : memref<128x128xf32, #tpu.memory_space<vmem>>, vector<16xf32>,
        tpu.vector_store %arg7[%swap3A_813, %swap3A_814], %mul3A_810 {strides = array<i32>} : memref<128x128xf32, #tpu.memory_space<vmem>>, vector<16xf32>,
        %add3A_816 = arith.constant 7 : i32
        %add3A_817 = arith.addi %add3A_109, %add3A_816 : i32
        %get3A_818 = arith.index_cast %add3A_817 : i32 to index
        %get3A_819 = arith.constant 96 : index
        %get3A_820 = tpu.vector_load %arg7[%get3A_818, %get3A_819] {strides = array<i32>} : memref<128x128xf32, #tpu.memory_space<vmem>>, vector<16xf32>,
        %mul3A_821 = arith.mulf %get3A_820, %broadcast_in_dim3A_749 : vector<16xf32>
        %add3A_822 = arith.constant 7 : i32
        %add3A_823 = arith.addi %add3A_109, %add3A_822 : i32
        %swap3A_824 = arith.index_cast %add3A_823 : i32 to index
        %swap3A_825 = arith.constant 96 : index
        %swap3A_826 = tpu.vector_load %arg7[%swap3A_824, %swap3A_825] {strides = array<i32>} : memref<128x128xf32, #tpu.memory_space<vmem>>, vector<16xf32>,
        tpu.vector_store %arg7[%swap3A_824, %swap3A_825], %mul3A_821 {strides = array<i32>} : memref<128x128xf32, #tpu.memory_space<vmem>>, vector<16xf32>,
        %add3A_827 = arith.constant 7 : i32
        %add3A_828 = arith.addi %add3A_109, %add3A_827 : i32
        %get3A_829 = arith.index_cast %add3A_828 : i32 to index
        %get3A_830 = arith.constant 112 : index
        %get3A_831 = tpu.vector_load %arg7[%get3A_829, %get3A_830] {strides = array<i32>} : memref<128x128xf32, #tpu.memory_space<vmem>>, vector<16xf32>,
        %mul3A_832 = arith.mulf %get3A_831, %broadcast_in_dim3A_749 : vector<16xf32>
        %add3A_833 = arith.constant 7 : i32
        %add3A_834 = arith.addi %add3A_109, %add3A_833 : i32
        %swap3A_835 = arith.index_cast %add3A_834 : i32 to index
        %swap3A_836 = arith.constant 112 : index
        %swap3A_837 = tpu.vector_load %arg7[%swap3A_835, %swap3A_836] {strides = array<i32>} : memref<128x128xf32, #tpu.memory_space<vmem>>, vector<16xf32>,
        tpu.vector_store %arg7[%swap3A_835, %swap3A_836], %mul3A_832 {strides = array<i32>} : memref<128x128xf32, #tpu.memory_space<vmem>>, vector<16xf32>,
        %slice3A_838 = vector.extract_strided_slice %bitcast3A {offsets = [8], sizes = [1], strides = [1]} : vector<16xf32> to vector<1xf32>
        %squeeze3A_839 = vector.extract %slice3A_838[0] : f32 from vector<1xf32>
        %broadcast_in_dim3A_840 = vector.broadcast %squeeze3A_839 : f32 to vector<16xf32>
        %add3A_841 = arith.constant 8 : i32
        %add3A_842 = arith.addi %add3A_109, %add3A_841 : i32
        %get3A_843 = arith.index_cast %add3A_842 : i32 to index
        %get3A_844 = arith.constant 0 : index
        %get3A_845 = tpu.vector_load %arg7[%get3A_843, %get3A_844] {strides = array<i32>} : memref<128x128xf32, #tpu.memory_space<vmem>>, vector<16xf32>,
        %mul3A_846 = arith.mulf %get3A_845, %broadcast_in_dim3A_840 : vector<16xf32>
        %add3A_847 = arith.constant 8 : i32
        %add3A_848 = arith.addi %add3A_109, %add3A_847 : i32
        %swap3A_849 = arith.index_cast %add3A_848 : i32 to index
        %swap3A_850 = arith.constant 0 : index
        %swap3A_851 = tpu.vector_load %arg7[%swap3A_849, %swap3A_850] {strides = array<i32>} : memref<128x128xf32, #tpu.memory_space<vmem>>, vector<16xf32>,
        tpu.vector_store %arg7[%swap3A_849, %swap3A_850], %mul3A_846 {strides = array<i32>} : memref<128x128xf32, #tpu.memory_space<vmem>>, vector<16xf32>,
        %add3A_852 = arith.constant 8 : i32
        %add3A_853 = arith.addi %add3A_109, %add3A_852 : i32
        %get3A_854 = arith.index_cast %add3A_853 : i32 to index
        %get3A_855 = arith.constant 16 : index
        %get3A_856 = tpu.vector_load %arg7[%get3A_854, %get3A_855] {strides = array<i32>} : memref<128x128xf32, #tpu.memory_space<vmem>>, vector<16xf32>,
        %mul3A_857 = arith.mulf %get3A_856, %broadcast_in_dim3A_840 : vector<16xf32>
        %add3A_858 = arith.constant 8 : i32
        %add3A_859 = arith.addi %add3A_109, %add3A_858 : i32
        %swap3A_860 = arith.index_cast %add3A_859 : i32 to index
        %swap3A_861 = arith.constant 16 : index
        %swap3A_862 = tpu.vector_load %arg7[%swap3A_860, %swap3A_861] {strides = array<i32>} : memref<128x128xf32, #tpu.memory_space<vmem>>, vector<16xf32>,
        tpu.vector_store %arg7[%swap3A_860, %swap3A_861], %mul3A_857 {strides = array<i32>} : memref<128x128xf32, #tpu.memory_space<vmem>>, vector<16xf32>,
        %add3A_863 = arith.constant 8 : i32
        %add3A_864 = arith.addi %add3A_109, %add3A_863 : i32
        %get3A_865 = arith.index_cast %add3A_864 : i32 to index
        %get3A_866 = arith.constant 32 : index
        %get3A_867 = tpu.vector_load %arg7[%get3A_865, %get3A_866] {strides = array<i32>} : memref<128x128xf32, #tpu.memory_space<vmem>>, vector<16xf32>,
        %mul3A_868 = arith.mulf %get3A_867, %broadcast_in_dim3A_840 : vector<16xf32>
        %add3A_869 = arith.constant 8 : i32
        %add3A_870 = arith.addi %add3A_109, %add3A_869 : i32
        %swap3A_871 = arith.index_cast %add3A_870 : i32 to index
        %swap3A_872 = arith.constant 32 : index
        %swap3A_873 = tpu.vector_load %arg7[%swap3A_871, %swap3A_872] {strides = array<i32>} : memref<128x128xf32, #tpu.memory_space<vmem>>, vector<16xf32>,
        tpu.vector_store %arg7[%swap3A_871, %swap3A_872], %mul3A_868 {strides = array<i32>} : memref<128x128xf32, #tpu.memory_space<vmem>>, vector<16xf32>,
        %add3A_874 = arith.constant 8 : i32
        %add3A_875 = arith.addi %add3A_109, %add3A_874 : i32
        %get3A_876 = arith.index_cast %add3A_875 : i32 to index
        %get3A_877 = arith.constant 48 : index
        %get3A_878 = tpu.vector_load %arg7[%get3A_876, %get3A_877] {strides = array<i32>} : memref<128x128xf32, #tpu.memory_space<vmem>>, vector<16xf32>,
        %mul3A_879 = arith.mulf %get3A_878, %broadcast_in_dim3A_840 : vector<16xf32>
        %add3A_880 = arith.constant 8 : i32
        %add3A_881 = arith.addi %add3A_109, %add3A_880 : i32
        %swap3A_882 = arith.index_cast %add3A_881 : i32 to index
        %swap3A_883 = arith.constant 48 : index
        %swap3A_884 = tpu.vector_load %arg7[%swap3A_882, %swap3A_883] {strides = array<i32>} : memref<128x128xf32, #tpu.memory_space<vmem>>, vector<16xf32>,
        tpu.vector_store %arg7[%swap3A_882, %swap3A_883], %mul3A_879 {strides = array<i32>} : memref<128x128xf32, #tpu.memory_space<vmem>>, vector<16xf32>,
        %add3A_885 = arith.constant 8 : i32
        %add3A_886 = arith.addi %add3A_109, %add3A_885 : i32
        %get3A_887 = arith.index_cast %add3A_886 : i32 to index
        %get3A_888 = arith.constant 64 : index
        %get3A_889 = tpu.vector_load %arg7[%get3A_887, %get3A_888] {strides = array<i32>} : memref<128x128xf32, #tpu.memory_space<vmem>>, vector<16xf32>,
        %mul3A_890 = arith.mulf %get3A_889, %broadcast_in_dim3A_840 : vector<16xf32>
        %add3A_891 = arith.constant 8 : i32
        %add3A_892 = arith.addi %add3A_109, %add3A_891 : i32
        %swap3A_893 = arith.index_cast %add3A_892 : i32 to index
        %swap3A_894 = arith.constant 64 : index
        %swap3A_895 = tpu.vector_load %arg7[%swap3A_893, %swap3A_894] {strides = array<i32>} : memref<128x128xf32, #tpu.memory_space<vmem>>, vector<16xf32>,
        tpu.vector_store %arg7[%swap3A_893, %swap3A_894], %mul3A_890 {strides = array<i32>} : memref<128x128xf32, #tpu.memory_space<vmem>>, vector<16xf32>,
        %add3A_896 = arith.constant 8 : i32
        %add3A_897 = arith.addi %add3A_109, %add3A_896 : i32
        %get3A_898 = arith.index_cast %add3A_897 : i32 to index
        %get3A_899 = arith.constant 80 : index
        %get3A_900 = tpu.vector_load %arg7[%get3A_898, %get3A_899] {strides = array<i32>} : memref<128x128xf32, #tpu.memory_space<vmem>>, vector<16xf32>,
        %mul3A_901 = arith.mulf %get3A_900, %broadcast_in_dim3A_840 : vector<16xf32>
        %add3A_902 = arith.constant 8 : i32
        %add3A_903 = arith.addi %add3A_109, %add3A_902 : i32
        %swap3A_904 = arith.index_cast %add3A_903 : i32 to index
        %swap3A_905 = arith.constant 80 : index
        %swap3A_906 = tpu.vector_load %arg7[%swap3A_904, %swap3A_905] {strides = array<i32>} : memref<128x128xf32, #tpu.memory_space<vmem>>, vector<16xf32>,
        tpu.vector_store %arg7[%swap3A_904, %swap3A_905], %mul3A_901 {strides = array<i32>} : memref<128x128xf32, #tpu.memory_space<vmem>>, vector<16xf32>,
        %add3A_907 = arith.constant 8 : i32
        %add3A_908 = arith.addi %add3A_109, %add3A_907 : i32
        %get3A_909 = arith.index_cast %add3A_908 : i32 to index
        %get3A_910 = arith.constant 96 : index
        %get3A_911 = tpu.vector_load %arg7[%get3A_909, %get3A_910] {strides = array<i32>} : memref<128x128xf32, #tpu.memory_space<vmem>>, vector<16xf32>,
        %mul3A_912 = arith.mulf %get3A_911, %broadcast_in_dim3A_840 : vector<16xf32>
        %add3A_913 = arith.constant 8 : i32
        %add3A_914 = arith.addi %add3A_109, %add3A_913 : i32
        %swap3A_915 = arith.index_cast %add3A_914 : i32 to index
        %swap3A_916 = arith.constant 96 : index
        %swap3A_917 = tpu.vector_load %arg7[%swap3A_915, %swap3A_916] {strides = array<i32>} : memref<128x128xf32, #tpu.memory_space<vmem>>, vector<16xf32>,
        tpu.vector_store %arg7[%swap3A_915, %swap3A_916], %mul3A_912 {strides = array<i32>} : memref<128x128xf32, #tpu.memory_space<vmem>>, vector<16xf32>,
        %add3A_918 = arith.constant 8 : i32
        %add3A_919 = arith.addi %add3A_109, %add3A_918 : i32
        %get3A_920 = arith.index_cast %add3A_919 : i32 to index
        %get3A_921 = arith.constant 112 : index
        %get3A_922 = tpu.vector_load %arg7[%get3A_920, %get3A_921] {strides = array<i32>} : memref<128x128xf32, #tpu.memory_space<vmem>>, vector<16xf32>,
        %mul3A_923 = arith.mulf %get3A_922, %broadcast_in_dim3A_840 : vector<16xf32>
        %add3A_924 = arith.constant 8 : i32
        %add3A_925 = arith.addi %add3A_109, %add3A_924 : i32
        %swap3A_926 = arith.index_cast %add3A_925 : i32 to index
        %swap3A_927 = arith.constant 112 : index
        %swap3A_928 = tpu.vector_load %arg7[%swap3A_926, %swap3A_927] {strides = array<i32>} : memref<128x128xf32, #tpu.memory_space<vmem>>, vector<16xf32>,
        tpu.vector_store %arg7[%swap3A_926, %swap3A_927], %mul3A_923 {strides = array<i32>} : memref<128x128xf32, #tpu.memory_space<vmem>>, vector<16xf32>,
        %slice3A_929 = vector.extract_strided_slice %bitcast3A {offsets = [9], sizes = [1], strides = [1]} : vector<16xf32> to vector<1xf32>
        %squeeze3A_930 = vector.extract %slice3A_929[0] : f32 from vector<1xf32>
        %broadcast_in_dim3A_931 = vector.broadcast %squeeze3A_930 : f32 to vector<16xf32>
        %add3A_932 = arith.constant 9 : i32
        %add3A_933 = arith.addi %add3A_109, %add3A_932 : i32
        %get3A_934 = arith.index_cast %add3A_933 : i32 to index
        %get3A_935 = arith.constant 0 : index
        %get3A_936 = tpu.vector_load %arg7[%get3A_934, %get3A_935] {strides = array<i32>} : memref<128x128xf32, #tpu.memory_space<vmem>>, vector<16xf32>,
        %mul3A_937 = arith.mulf %get3A_936, %broadcast_in_dim3A_931 : vector<16xf32>
        %add3A_938 = arith.constant 9 : i32
        %add3A_939 = arith.addi %add3A_109, %add3A_938 : i32
        %swap3A_940 = arith.index_cast %add3A_939 : i32 to index
        %swap3A_941 = arith.constant 0 : index
        %swap3A_942 = tpu.vector_load %arg7[%swap3A_940, %swap3A_941] {strides = array<i32>} : memref<128x128xf32, #tpu.memory_space<vmem>>, vector<16xf32>,
        tpu.vector_store %arg7[%swap3A_940, %swap3A_941], %mul3A_937 {strides = array<i32>} : memref<128x128xf32, #tpu.memory_space<vmem>>, vector<16xf32>,
        %add3A_943 = arith.constant 9 : i32
        %add3A_944 = arith.addi %add3A_109, %add3A_943 : i32
        %get3A_945 = arith.index_cast %add3A_944 : i32 to index
        %get3A_946 = arith.constant 16 : index
        %get3A_947 = tpu.vector_load %arg7[%get3A_945, %get3A_946] {strides = array<i32>} : memref<128x128xf32, #tpu.memory_space<vmem>>, vector<16xf32>,
        %mul3A_948 = arith.mulf %get3A_947, %broadcast_in_dim3A_931 : vector<16xf32>
        %add3A_949 = arith.constant 9 : i32
        %add3A_950 = arith.addi %add3A_109, %add3A_949 : i32
        %swap3A_951 = arith.index_cast %add3A_950 : i32 to index
        %swap3A_952 = arith.constant 16 : index
        %swap3A_953 = tpu.vector_load %arg7[%swap3A_951, %swap3A_952] {strides = array<i32>} : memref<128x128xf32, #tpu.memory_space<vmem>>, vector<16xf32>,
        tpu.vector_store %arg7[%swap3A_951, %swap3A_952], %mul3A_948 {strides = array<i32>} : memref<128x128xf32, #tpu.memory_space<vmem>>, vector<16xf32>,
        %add3A_954 = arith.constant 9 : i32
        %add3A_955 = arith.addi %add3A_109, %add3A_954 : i32
        %get3A_956 = arith.index_cast %add3A_955 : i32 to index
        %get3A_957 = arith.constant 32 : index
        %get3A_958 = tpu.vector_load %arg7[%get3A_956, %get3A_957] {strides = array<i32>} : memref<128x128xf32, #tpu.memory_space<vmem>>, vector<16xf32>,
        %mul3A_959 = arith.mulf %get3A_958, %broadcast_in_dim3A_931 : vector<16xf32>
        %add3A_960 = arith.constant 9 : i32
        %add3A_961 = arith.addi %add3A_109, %add3A_960 : i32
        %swap3A_962 = arith.index_cast %add3A_961 : i32 to index
        %swap3A_963 = arith.constant 32 : index
        %swap3A_964 = tpu.vector_load %arg7[%swap3A_962, %swap3A_963] {strides = array<i32>} : memref<128x128xf32, #tpu.memory_space<vmem>>, vector<16xf32>,
        tpu.vector_store %arg7[%swap3A_962, %swap3A_963], %mul3A_959 {strides = array<i32>} : memref<128x128xf32, #tpu.memory_space<vmem>>, vector<16xf32>,
        %add3A_965 = arith.constant 9 : i32
        %add3A_966 = arith.addi %add3A_109, %add3A_965 : i32
        %get3A_967 = arith.index_cast %add3A_966 : i32 to index
        %get3A_968 = arith.constant 48 : index
        %get3A_969 = tpu.vector_load %arg7[%get3A_967, %get3A_968] {strides = array<i32>} : memref<128x128xf32, #tpu.memory_space<vmem>>, vector<16xf32>,
        %mul3A_970 = arith.mulf %get3A_969, %broadcast_in_dim3A_931 : vector<16xf32>
        %add3A_971 = arith.constant 9 : i32
        %add3A_972 = arith.addi %add3A_109, %add3A_971 : i32
        %swap3A_973 = arith.index_cast %add3A_972 : i32 to index
        %swap3A_974 = arith.constant 48 : index
        %swap3A_975 = tpu.vector_load %arg7[%swap3A_973, %swap3A_974] {strides = array<i32>} : memref<128x128xf32, #tpu.memory_space<vmem>>, vector<16xf32>,
        tpu.vector_store %arg7[%swap3A_973, %swap3A_974], %mul3A_970 {strides = array<i32>} : memref<128x128xf32, #tpu.memory_space<vmem>>, vector<16xf32>,
        %add3A_976 = arith.constant 9 : i32
        %add3A_977 = arith.addi %add3A_109, %add3A_976 : i32
        %get3A_978 = arith.index_cast %add3A_977 : i32 to index
        %get3A_979 = arith.constant 64 : index
        %get3A_980 = tpu.vector_load %arg7[%get3A_978, %get3A_979] {strides = array<i32>} : memref<128x128xf32, #tpu.memory_space<vmem>>, vector<16xf32>,
        %mul3A_981 = arith.mulf %get3A_980, %broadcast_in_dim3A_931 : vector<16xf32>
        %add3A_982 = arith.constant 9 : i32
        %add3A_983 = arith.addi %add3A_109, %add3A_982 : i32
        %swap3A_984 = arith.index_cast %add3A_983 : i32 to index
        %swap3A_985 = arith.constant 64 : index
        %swap3A_986 = tpu.vector_load %arg7[%swap3A_984, %swap3A_985] {strides = array<i32>} : memref<128x128xf32, #tpu.memory_space<vmem>>, vector<16xf32>,
        tpu.vector_store %arg7[%swap3A_984, %swap3A_985], %mul3A_981 {strides = array<i32>} : memref<128x128xf32, #tpu.memory_space<vmem>>, vector<16xf32>,
        %add3A_987 = arith.constant 9 : i32
        %add3A_988 = arith.addi %add3A_109, %add3A_987 : i32
        %get3A_989 = arith.index_cast %add3A_988 : i32 to index
        %get3A_990 = arith.constant 80 : index
        %get3A_991 = tpu.vector_load %arg7[%get3A_989, %get3A_990] {strides = array<i32>} : memref<128x128xf32, #tpu.memory_space<vmem>>, vector<16xf32>,
        %mul3A_992 = arith.mulf %get3A_991, %broadcast_in_dim3A_931 : vector<16xf32>
        %add3A_993 = arith.constant 9 : i32
        %add3A_994 = arith.addi %add3A_109, %add3A_993 : i32
        %swap3A_995 = arith.index_cast %add3A_994 : i32 to index
        %swap3A_996 = arith.constant 80 : index
        %swap3A_997 = tpu.vector_load %arg7[%swap3A_995, %swap3A_996] {strides = array<i32>} : memref<128x128xf32, #tpu.memory_space<vmem>>, vector<16xf32>,
        tpu.vector_store %arg7[%swap3A_995, %swap3A_996], %mul3A_992 {strides = array<i32>} : memref<128x128xf32, #tpu.memory_space<vmem>>, vector<16xf32>,
        %add3A_998 = arith.constant 9 : i32
        %add3A_999 = arith.addi %add3A_109, %add3A_998 : i32
        %get3A_1000 = arith.index_cast %add3A_999 : i32 to index
        %get3A_1001 = arith.constant 96 : index
        %get3A_1002 = tpu.vector_load %arg7[%get3A_1000, %get3A_1001] {strides = array<i32>} : memref<128x128xf32, #tpu.memory_space<vmem>>, vector<16xf32>,
        %mul3A_1003 = arith.mulf %get3A_1002, %broadcast_in_dim3A_931 : vector<16xf32>
        %add3A_1004 = arith.constant 9 : i32
        %add3A_1005 = arith.addi %add3A_109, %add3A_1004 : i32
        %swap3A_1006 = arith.index_cast %add3A_1005 : i32 to index
        %swap3A_1007 = arith.constant 96 : index
        %swap3A_1008 = tpu.vector_load %arg7[%swap3A_1006, %swap3A_1007] {strides = array<i32>} : memref<128x128xf32, #tpu.memory_space<vmem>>, vector<16xf32>,
        tpu.vector_store %arg7[%swap3A_1006, %swap3A_1007], %mul3A_1003 {strides = array<i32>} : memref<128x128xf32, #tpu.memory_space<vmem>>, vector<16xf32>,
        %add3A_1009 = arith.constant 9 : i32
        %add3A_1010 = arith.addi %add3A_109, %add3A_1009 : i32
        %get3A_1011 = arith.index_cast %add3A_1010 : i32 to index
        %get3A_1012 = arith.constant 112 : index
        %get3A_1013 = tpu.vector_load %arg7[%get3A_1011, %get3A_1012] {strides = array<i32>} : memref<128x128xf32, #tpu.memory_space<vmem>>, vector<16xf32>,
        %mul3A_1014 = arith.mulf %get3A_1013, %broadcast_in_dim3A_931 : vector<16xf32>
        %add3A_1015 = arith.constant 9 : i32
        %add3A_1016 = arith.addi %add3A_109, %add3A_1015 : i32
        %swap3A_1017 = arith.index_cast %add3A_1016 : i32 to index
        %swap3A_1018 = arith.constant 112 : index
        %swap3A_1019 = tpu.vector_load %arg7[%swap3A_1017, %swap3A_1018] {strides = array<i32>} : memref<128x128xf32, #tpu.memory_space<vmem>>, vector<16xf32>,
        tpu.vector_store %arg7[%swap3A_1017, %swap3A_1018], %mul3A_1014 {strides = array<i32>} : memref<128x128xf32, #tpu.memory_space<vmem>>, vector<16xf32>,
        %slice3A_1020 = vector.extract_strided_slice %bitcast3A {offsets = [10], sizes = [1], strides = [1]} : vector<16xf32> to vector<1xf32>
        %squeeze3A_1021 = vector.extract %slice3A_1020[0] : f32 from vector<1xf32>
        %broadcast_in_dim3A_1022 = vector.broadcast %squeeze3A_1021 : f32 to vector<16xf32>
        %add3A_1023 = arith.constant 10 : i32
        %add3A_1024 = arith.addi %add3A_109, %add3A_1023 : i32
        %get3A_1025 = arith.index_cast %add3A_1024 : i32 to index
        %get3A_1026 = arith.constant 0 : index
        %get3A_1027 = tpu.vector_load %arg7[%get3A_1025, %get3A_1026] {strides = array<i32>} : memref<128x128xf32, #tpu.memory_space<vmem>>, vector<16xf32>,
        %mul3A_1028 = arith.mulf %get3A_1027, %broadcast_in_dim3A_1022 : vector<16xf32>
        %add3A_1029 = arith.constant 10 : i32
        %add3A_1030 = arith.addi %add3A_109, %add3A_1029 : i32
        %swap3A_1031 = arith.index_cast %add3A_1030 : i32 to index
        %swap3A_1032 = arith.constant 0 : index
        %swap3A_1033 = tpu.vector_load %arg7[%swap3A_1031, %swap3A_1032] {strides = array<i32>} : memref<128x128xf32, #tpu.memory_space<vmem>>, vector<16xf32>,
        tpu.vector_store %arg7[%swap3A_1031, %swap3A_1032], %mul3A_1028 {strides = array<i32>} : memref<128x128xf32, #tpu.memory_space<vmem>>, vector<16xf32>,
        %add3A_1034 = arith.constant 10 : i32
        %add3A_1035 = arith.addi %add3A_109, %add3A_1034 : i32
        %get3A_1036 = arith.index_cast %add3A_1035 : i32 to index
        %get3A_1037 = arith.constant 16 : index
        %get3A_1038 = tpu.vector_load %arg7[%get3A_1036, %get3A_1037] {strides = array<i32>} : memref<128x128xf32, #tpu.memory_space<vmem>>, vector<16xf32>,
        %mul3A_1039 = arith.mulf %get3A_1038, %broadcast_in_dim3A_1022 : vector<16xf32>
        %add3A_1040 = arith.constant 10 : i32
        %add3A_1041 = arith.addi %add3A_109, %add3A_1040 : i32
        %swap3A_1042 = arith.index_cast %add3A_1041 : i32 to index
        %swap3A_1043 = arith.constant 16 : index
        %swap3A_1044 = tpu.vector_load %arg7[%swap3A_1042, %swap3A_1043] {strides = array<i32>} : memref<128x128xf32, #tpu.memory_space<vmem>>, vector<16xf32>,
        tpu.vector_store %arg7[%swap3A_1042, %swap3A_1043], %mul3A_1039 {strides = array<i32>} : memref<128x128xf32, #tpu.memory_space<vmem>>, vector<16xf32>,
        %add3A_1045 = arith.constant 10 : i32
        %add3A_1046 = arith.addi %add3A_109, %add3A_1045 : i32
        %get3A_1047 = arith.index_cast %add3A_1046 : i32 to index
        %get3A_1048 = arith.constant 32 : index
        %get3A_1049 = tpu.vector_load %arg7[%get3A_1047, %get3A_1048] {strides = array<i32>} : memref<128x128xf32, #tpu.memory_space<vmem>>, vector<16xf32>,
        %mul3A_1050 = arith.mulf %get3A_1049, %broadcast_in_dim3A_1022 : vector<16xf32>
        %add3A_1051 = arith.constant 10 : i32
        %add3A_1052 = arith.addi %add3A_109, %add3A_1051 : i32
        %swap3A_1053 = arith.index_cast %add3A_1052 : i32 to index
        %swap3A_1054 = arith.constant 32 : index
        %swap3A_1055 = tpu.vector_load %arg7[%swap3A_1053, %swap3A_1054] {strides = array<i32>} : memref<128x128xf32, #tpu.memory_space<vmem>>, vector<16xf32>,
        tpu.vector_store %arg7[%swap3A_1053, %swap3A_1054], %mul3A_1050 {strides = array<i32>} : memref<128x128xf32, #tpu.memory_space<vmem>>, vector<16xf32>,
        %add3A_1056 = arith.constant 10 : i32
        %add3A_1057 = arith.addi %add3A_109, %add3A_1056 : i32
        %get3A_1058 = arith.index_cast %add3A_1057 : i32 to index
        %get3A_1059 = arith.constant 48 : index
        %get3A_1060 = tpu.vector_load %arg7[%get3A_1058, %get3A_1059] {strides = array<i32>} : memref<128x128xf32, #tpu.memory_space<vmem>>, vector<16xf32>,
        %mul3A_1061 = arith.mulf %get3A_1060, %broadcast_in_dim3A_1022 : vector<16xf32>
        %add3A_1062 = arith.constant 10 : i32
        %add3A_1063 = arith.addi %add3A_109, %add3A_1062 : i32
        %swap3A_1064 = arith.index_cast %add3A_1063 : i32 to index
        %swap3A_1065 = arith.constant 48 : index
        %swap3A_1066 = tpu.vector_load %arg7[%swap3A_1064, %swap3A_1065] {strides = array<i32>} : memref<128x128xf32, #tpu.memory_space<vmem>>, vector<16xf32>,
        tpu.vector_store %arg7[%swap3A_1064, %swap3A_1065], %mul3A_1061 {strides = array<i32>} : memref<128x128xf32, #tpu.memory_space<vmem>>, vector<16xf32>,
        %add3A_1067 = arith.constant 10 : i32
        %add3A_1068 = arith.addi %add3A_109, %add3A_1067 : i32
        %get3A_1069 = arith.index_cast %add3A_1068 : i32 to index
        %get3A_1070 = arith.constant 64 : index
        %get3A_1071 = tpu.vector_load %arg7[%get3A_1069, %get3A_1070] {strides = array<i32>} : memref<128x128xf32, #tpu.memory_space<vmem>>, vector<16xf32>,
        %mul3A_1072 = arith.mulf %get3A_1071, %broadcast_in_dim3A_1022 : vector<16xf32>
        %add3A_1073 = arith.constant 10 : i32
        %add3A_1074 = arith.addi %add3A_109, %add3A_1073 : i32
        %swap3A_1075 = arith.index_cast %add3A_1074 : i32 to index
        %swap3A_1076 = arith.constant 64 : index
        %swap3A_1077 = tpu.vector_load %arg7[%swap3A_1075, %swap3A_1076] {strides = array<i32>} : memref<128x128xf32, #tpu.memory_space<vmem>>, vector<16xf32>,
        tpu.vector_store %arg7[%swap3A_1075, %swap3A_1076], %mul3A_1072 {strides = array<i32>} : memref<128x128xf32, #tpu.memory_space<vmem>>, vector<16xf32>,
        %add3A_1078 = arith.constant 10 : i32
        %add3A_1079 = arith.addi %add3A_109, %add3A_1078 : i32
        %get3A_1080 = arith.index_cast %add3A_1079 : i32 to index
        %get3A_1081 = arith.constant 80 : index
        %get3A_1082 = tpu.vector_load %arg7[%get3A_1080, %get3A_1081] {strides = array<i32>} : memref<128x128xf32, #tpu.memory_space<vmem>>, vector<16xf32>,
        %mul3A_1083 = arith.mulf %get3A_1082, %broadcast_in_dim3A_1022 : vector<16xf32>
        %add3A_1084 = arith.constant 10 : i32
        %add3A_1085 = arith.addi %add3A_109, %add3A_1084 : i32
        %swap3A_1086 = arith.index_cast %add3A_1085 : i32 to index
        %swap3A_1087 = arith.constant 80 : index
        %swap3A_1088 = tpu.vector_load %arg7[%swap3A_1086, %swap3A_1087] {strides = array<i32>} : memref<128x128xf32, #tpu.memory_space<vmem>>, vector<16xf32>,
        tpu.vector_store %arg7[%swap3A_1086, %swap3A_1087], %mul3A_1083 {strides = array<i32>} : memref<128x128xf32, #tpu.memory_space<vmem>>, vector<16xf32>,
        %add3A_1089 = arith.constant 10 : i32
        %add3A_1090 = arith.addi %add3A_109, %add3A_1089 : i32
        %get3A_1091 = arith.index_cast %add3A_1090 : i32 to index
        %get3A_1092 = arith.constant 96 : index
        %get3A_1093 = tpu.vector_load %arg7[%get3A_1091, %get3A_1092] {strides = array<i32>} : memref<128x128xf32, #tpu.memory_space<vmem>>, vector<16xf32>,
        %mul3A_1094 = arith.mulf %get3A_1093, %broadcast_in_dim3A_1022 : vector<16xf32>
        %add3A_1095 = arith.constant 10 : i32
        %add3A_1096 = arith.addi %add3A_109, %add3A_1095 : i32
        %swap3A_1097 = arith.index_cast %add3A_1096 : i32 to index
        %swap3A_1098 = arith.constant 96 : index
        %swap3A_1099 = tpu.vector_load %arg7[%swap3A_1097, %swap3A_1098] {strides = array<i32>} : memref<128x128xf32, #tpu.memory_space<vmem>>, vector<16xf32>,
        tpu.vector_store %arg7[%swap3A_1097, %swap3A_1098], %mul3A_1094 {strides = array<i32>} : memref<128x128xf32, #tpu.memory_space<vmem>>, vector<16xf32>,
        %add3A_1100 = arith.constant 10 : i32
        %add3A_1101 = arith.addi %add3A_109, %add3A_1100 : i32
        %get3A_1102 = arith.index_cast %add3A_1101 : i32 to index
        %get3A_1103 = arith.constant 112 : index
        %get3A_1104 = tpu.vector_load %arg7[%get3A_1102, %get3A_1103] {strides = array<i32>} : memref<128x128xf32, #tpu.memory_space<vmem>>, vector<16xf32>,
        %mul3A_1105 = arith.mulf %get3A_1104, %broadcast_in_dim3A_1022 : vector<16xf32>
        %add3A_1106 = arith.constant 10 : i32
        %add3A_1107 = arith.addi %add3A_109, %add3A_1106 : i32
        %swap3A_1108 = arith.index_cast %add3A_1107 : i32 to index
        %swap3A_1109 = arith.constant 112 : index
        %swap3A_1110 = tpu.vector_load %arg7[%swap3A_1108, %swap3A_1109] {strides = array<i32>} : memref<128x128xf32, #tpu.memory_space<vmem>>, vector<16xf32>,
        tpu.vector_store %arg7[%swap3A_1108, %swap3A_1109], %mul3A_1105 {strides = array<i32>} : memref<128x128xf32, #tpu.memory_space<vmem>>, vector<16xf32>,
        %slice3A_1111 = vector.extract_strided_slice %bitcast3A {offsets = [11], sizes = [1], strides = [1]} : vector<16xf32> to vector<1xf32>
        %squeeze3A_1112 = vector.extract %slice3A_1111[0] : f32 from vector<1xf32>
        %broadcast_in_dim3A_1113 = vector.broadcast %squeeze3A_1112 : f32 to vector<16xf32>
        %add3A_1114 = arith.constant 11 : i32
        %add3A_1115 = arith.addi %add3A_109, %add3A_1114 : i32
        %get3A_1116 = arith.index_cast %add3A_1115 : i32 to index
        %get3A_1117 = arith.constant 0 : index
        %get3A_1118 = tpu.vector_load %arg7[%get3A_1116, %get3A_1117] {strides = array<i32>} : memref<128x128xf32, #tpu.memory_space<vmem>>, vector<16xf32>,
        %mul3A_1119 = arith.mulf %get3A_1118, %broadcast_in_dim3A_1113 : vector<16xf32>
        %add3A_1120 = arith.constant 11 : i32
        %add3A_1121 = arith.addi %add3A_109, %add3A_1120 : i32
        %swap3A_1122 = arith.index_cast %add3A_1121 : i32 to index
        %swap3A_1123 = arith.constant 0 : index
        %swap3A_1124 = tpu.vector_load %arg7[%swap3A_1122, %swap3A_1123] {strides = array<i32>} : memref<128x128xf32, #tpu.memory_space<vmem>>, vector<16xf32>,
        tpu.vector_store %arg7[%swap3A_1122, %swap3A_1123], %mul3A_1119 {strides = array<i32>} : memref<128x128xf32, #tpu.memory_space<vmem>>, vector<16xf32>,
        %add3A_1125 = arith.constant 11 : i32
        %add3A_1126 = arith.addi %add3A_109, %add3A_1125 : i32
        %get3A_1127 = arith.index_cast %add3A_1126 : i32 to index
        %get3A_1128 = arith.constant 16 : index
        %get3A_1129 = tpu.vector_load %arg7[%get3A_1127, %get3A_1128] {strides = array<i32>} : memref<128x128xf32, #tpu.memory_space<vmem>>, vector<16xf32>,
        %mul3A_1130 = arith.mulf %get3A_1129, %broadcast_in_dim3A_1113 : vector<16xf32>
        %add3A_1131 = arith.constant 11 : i32
        %add3A_1132 = arith.addi %add3A_109, %add3A_1131 : i32
        %swap3A_1133 = arith.index_cast %add3A_1132 : i32 to index
        %swap3A_1134 = arith.constant 16 : index
        %swap3A_1135 = tpu.vector_load %arg7[%swap3A_1133, %swap3A_1134] {strides = array<i32>} : memref<128x128xf32, #tpu.memory_space<vmem>>, vector<16xf32>,
        tpu.vector_store %arg7[%swap3A_1133, %swap3A_1134], %mul3A_1130 {strides = array<i32>} : memref<128x128xf32, #tpu.memory_space<vmem>>, vector<16xf32>,
        %add3A_1136 = arith.constant 11 : i32
        %add3A_1137 = arith.addi %add3A_109, %add3A_1136 : i32
        %get3A_1138 = arith.index_cast %add3A_1137 : i32 to index
        %get3A_1139 = arith.constant 32 : index
        %get3A_1140 = tpu.vector_load %arg7[%get3A_1138, %get3A_1139] {strides = array<i32>} : memref<128x128xf32, #tpu.memory_space<vmem>>, vector<16xf32>,
        %mul3A_1141 = arith.mulf %get3A_1140, %broadcast_in_dim3A_1113 : vector<16xf32>
        %add3A_1142 = arith.constant 11 : i32
        %add3A_1143 = arith.addi %add3A_109, %add3A_1142 : i32
        %swap3A_1144 = arith.index_cast %add3A_1143 : i32 to index
        %swap3A_1145 = arith.constant 32 : index
        %swap3A_1146 = tpu.vector_load %arg7[%swap3A_1144, %swap3A_1145] {strides = array<i32>} : memref<128x128xf32, #tpu.memory_space<vmem>>, vector<16xf32>,
        tpu.vector_store %arg7[%swap3A_1144, %swap3A_1145], %mul3A_1141 {strides = array<i32>} : memref<128x128xf32, #tpu.memory_space<vmem>>, vector<16xf32>,
        %add3A_1147 = arith.constant 11 : i32
        %add3A_1148 = arith.addi %add3A_109, %add3A_1147 : i32
        %get3A_1149 = arith.index_cast %add3A_1148 : i32 to index
        %get3A_1150 = arith.constant 48 : index
        %get3A_1151 = tpu.vector_load %arg7[%get3A_1149, %get3A_1150] {strides = array<i32>} : memref<128x128xf32, #tpu.memory_space<vmem>>, vector<16xf32>,
        %mul3A_1152 = arith.mulf %get3A_1151, %broadcast_in_dim3A_1113 : vector<16xf32>
        %add3A_1153 = arith.constant 11 : i32
        %add3A_1154 = arith.addi %add3A_109, %add3A_1153 : i32
        %swap3A_1155 = arith.index_cast %add3A_1154 : i32 to index
        %swap3A_1156 = arith.constant 48 : index
        %swap3A_1157 = tpu.vector_load %arg7[%swap3A_1155, %swap3A_1156] {strides = array<i32>} : memref<128x128xf32, #tpu.memory_space<vmem>>, vector<16xf32>,
        tpu.vector_store %arg7[%swap3A_1155, %swap3A_1156], %mul3A_1152 {strides = array<i32>} : memref<128x128xf32, #tpu.memory_space<vmem>>, vector<16xf32>,
        %add3A_1158 = arith.constant 11 : i32
        %add3A_1159 = arith.addi %add3A_109, %add3A_1158 : i32
        %get3A_1160 = arith.index_cast %add3A_1159 : i32 to index
        %get3A_1161 = arith.constant 64 : index
        %get3A_1162 = tpu.vector_load %arg7[%get3A_1160, %get3A_1161] {strides = array<i32>} : memref<128x128xf32, #tpu.memory_space<vmem>>, vector<16xf32>,
        %mul3A_1163 = arith.mulf %get3A_1162, %broadcast_in_dim3A_1113 : vector<16xf32>
        %add3A_1164 = arith.constant 11 : i32
        %add3A_1165 = arith.addi %add3A_109, %add3A_1164 : i32
        %swap3A_1166 = arith.index_cast %add3A_1165 : i32 to index
        %swap3A_1167 = arith.constant 64 : index
        %swap3A_1168 = tpu.vector_load %arg7[%swap3A_1166, %swap3A_1167] {strides = array<i32>} : memref<128x128xf32, #tpu.memory_space<vmem>>, vector<16xf32>,
        tpu.vector_store %arg7[%swap3A_1166, %swap3A_1167], %mul3A_1163 {strides = array<i32>} : memref<128x128xf32, #tpu.memory_space<vmem>>, vector<16xf32>,
        %add3A_1169 = arith.constant 11 : i32
        %add3A_1170 = arith.addi %add3A_109, %add3A_1169 : i32
        %get3A_1171 = arith.index_cast %add3A_1170 : i32 to index
        %get3A_1172 = arith.constant 80 : index
        %get3A_1173 = tpu.vector_load %arg7[%get3A_1171, %get3A_1172] {strides = array<i32>} : memref<128x128xf32, #tpu.memory_space<vmem>>, vector<16xf32>,
        %mul3A_1174 = arith.mulf %get3A_1173, %broadcast_in_dim3A_1113 : vector<16xf32>
        %add3A_1175 = arith.constant 11 : i32
        %add3A_1176 = arith.addi %add3A_109, %add3A_1175 : i32
        %swap3A_1177 = arith.index_cast %add3A_1176 : i32 to index
        %swap3A_1178 = arith.constant 80 : index
        %swap3A_1179 = tpu.vector_load %arg7[%swap3A_1177, %swap3A_1178] {strides = array<i32>} : memref<128x128xf32, #tpu.memory_space<vmem>>, vector<16xf32>,
        tpu.vector_store %arg7[%swap3A_1177, %swap3A_1178], %mul3A_1174 {strides = array<i32>} : memref<128x128xf32, #tpu.memory_space<vmem>>, vector<16xf32>,
        %add3A_1180 = arith.constant 11 : i32
        %add3A_1181 = arith.addi %add3A_109, %add3A_1180 : i32
        %get3A_1182 = arith.index_cast %add3A_1181 : i32 to index
        %get3A_1183 = arith.constant 96 : index
        %get3A_1184 = tpu.vector_load %arg7[%get3A_1182, %get3A_1183] {strides = array<i32>} : memref<128x128xf32, #tpu.memory_space<vmem>>, vector<16xf32>,
        %mul3A_1185 = arith.mulf %get3A_1184, %broadcast_in_dim3A_1113 : vector<16xf32>
        %add3A_1186 = arith.constant 11 : i32
        %add3A_1187 = arith.addi %add3A_109, %add3A_1186 : i32
        %swap3A_1188 = arith.index_cast %add3A_1187 : i32 to index
        %swap3A_1189 = arith.constant 96 : index
        %swap3A_1190 = tpu.vector_load %arg7[%swap3A_1188, %swap3A_1189] {strides = array<i32>} : memref<128x128xf32, #tpu.memory_space<vmem>>, vector<16xf32>,
        tpu.vector_store %arg7[%swap3A_1188, %swap3A_1189], %mul3A_1185 {strides = array<i32>} : memref<128x128xf32, #tpu.memory_space<vmem>>, vector<16xf32>,
        %add3A_1191 = arith.constant 11 : i32
        %add3A_1192 = arith.addi %add3A_109, %add3A_1191 : i32
        %get3A_1193 = arith.index_cast %add3A_1192 : i32 to index
        %get3A_1194 = arith.constant 112 : index
        %get3A_1195 = tpu.vector_load %arg7[%get3A_1193, %get3A_1194] {strides = array<i32>} : memref<128x128xf32, #tpu.memory_space<vmem>>, vector<16xf32>,
        %mul3A_1196 = arith.mulf %get3A_1195, %broadcast_in_dim3A_1113 : vector<16xf32>
        %add3A_1197 = arith.constant 11 : i32
        %add3A_1198 = arith.addi %add3A_109, %add3A_1197 : i32
        %swap3A_1199 = arith.index_cast %add3A_1198 : i32 to index
        %swap3A_1200 = arith.constant 112 : index
        %swap3A_1201 = tpu.vector_load %arg7[%swap3A_1199, %swap3A_1200] {strides = array<i32>} : memref<128x128xf32, #tpu.memory_space<vmem>>, vector<16xf32>,
        tpu.vector_store %arg7[%swap3A_1199, %swap3A_1200], %mul3A_1196 {strides = array<i32>} : memref<128x128xf32, #tpu.memory_space<vmem>>, vector<16xf32>,
        %slice3A_1202 = vector.extract_strided_slice %bitcast3A {offsets = [12], sizes = [1], strides = [1]} : vector<16xf32> to vector<1xf32>
        %squeeze3A_1203 = vector.extract %slice3A_1202[0] : f32 from vector<1xf32>
        %broadcast_in_dim3A_1204 = vector.broadcast %squeeze3A_1203 : f32 to vector<16xf32>
        %add3A_1205 = arith.constant 12 : i32
        %add3A_1206 = arith.addi %add3A_109, %add3A_1205 : i32
        %get3A_1207 = arith.index_cast %add3A_1206 : i32 to index
        %get3A_1208 = arith.constant 0 : index
        %get3A_1209 = tpu.vector_load %arg7[%get3A_1207, %get3A_1208] {strides = array<i32>} : memref<128x128xf32, #tpu.memory_space<vmem>>, vector<16xf32>,
        %mul3A_1210 = arith.mulf %get3A_1209, %broadcast_in_dim3A_1204 : vector<16xf32>
        %add3A_1211 = arith.constant 12 : i32
        %add3A_1212 = arith.addi %add3A_109, %add3A_1211 : i32
        %swap3A_1213 = arith.index_cast %add3A_1212 : i32 to index
        %swap3A_1214 = arith.constant 0 : index
        %swap3A_1215 = tpu.vector_load %arg7[%swap3A_1213, %swap3A_1214] {strides = array<i32>} : memref<128x128xf32, #tpu.memory_space<vmem>>, vector<16xf32>,
        tpu.vector_store %arg7[%swap3A_1213, %swap3A_1214], %mul3A_1210 {strides = array<i32>} : memref<128x128xf32, #tpu.memory_space<vmem>>, vector<16xf32>,
        %add3A_1216 = arith.constant 12 : i32
        %add3A_1217 = arith.addi %add3A_109, %add3A_1216 : i32
        %get3A_1218 = arith.index_cast %add3A_1217 : i32 to index
        %get3A_1219 = arith.constant 16 : index
        %get3A_1220 = tpu.vector_load %arg7[%get3A_1218, %get3A_1219] {strides = array<i32>} : memref<128x128xf32, #tpu.memory_space<vmem>>, vector<16xf32>,
        %mul3A_1221 = arith.mulf %get3A_1220, %broadcast_in_dim3A_1204 : vector<16xf32>
        %add3A_1222 = arith.constant 12 : i32
        %add3A_1223 = arith.addi %add3A_109, %add3A_1222 : i32
        %swap3A_1224 = arith.index_cast %add3A_1223 : i32 to index
        %swap3A_1225 = arith.constant 16 : index
        %swap3A_1226 = tpu.vector_load %arg7[%swap3A_1224, %swap3A_1225] {strides = array<i32>} : memref<128x128xf32, #tpu.memory_space<vmem>>, vector<16xf32>,
        tpu.vector_store %arg7[%swap3A_1224, %swap3A_1225], %mul3A_1221 {strides = array<i32>} : memref<128x128xf32, #tpu.memory_space<vmem>>, vector<16xf32>,
        %add3A_1227 = arith.constant 12 : i32
        %add3A_1228 = arith.addi %add3A_109, %add3A_1227 : i32
        %get3A_1229 = arith.index_cast %add3A_1228 : i32 to index
        %get3A_1230 = arith.constant 32 : index
        %get3A_1231 = tpu.vector_load %arg7[%get3A_1229, %get3A_1230] {strides = array<i32>} : memref<128x128xf32, #tpu.memory_space<vmem>>, vector<16xf32>,
        %mul3A_1232 = arith.mulf %get3A_1231, %broadcast_in_dim3A_1204 : vector<16xf32>
        %add3A_1233 = arith.constant 12 : i32
        %add3A_1234 = arith.addi %add3A_109, %add3A_1233 : i32
        %swap3A_1235 = arith.index_cast %add3A_1234 : i32 to index
        %swap3A_1236 = arith.constant 32 : index
        %swap3A_1237 = tpu.vector_load %arg7[%swap3A_1235, %swap3A_1236] {strides = array<i32>} : memref<128x128xf32, #tpu.memory_space<vmem>>, vector<16xf32>,
        tpu.vector_store %arg7[%swap3A_1235, %swap3A_1236], %mul3A_1232 {strides = array<i32>} : memref<128x128xf32, #tpu.memory_space<vmem>>, vector<16xf32>,
        %add3A_1238 = arith.constant 12 : i32
        %add3A_1239 = arith.addi %add3A_109, %add3A_1238 : i32
        %get3A_1240 = arith.index_cast %add3A_1239 : i32 to index
        %get3A_1241 = arith.constant 48 : index
        %get3A_1242 = tpu.vector_load %arg7[%get3A_1240, %get3A_1241] {strides = array<i32>} : memref<128x128xf32, #tpu.memory_space<vmem>>, vector<16xf32>,
        %mul3A_1243 = arith.mulf %get3A_1242, %broadcast_in_dim3A_1204 : vector<16xf32>
        %add3A_1244 = arith.constant 12 : i32
        %add3A_1245 = arith.addi %add3A_109, %add3A_1244 : i32
        %swap3A_1246 = arith.index_cast %add3A_1245 : i32 to index
        %swap3A_1247 = arith.constant 48 : index
        %swap3A_1248 = tpu.vector_load %arg7[%swap3A_1246, %swap3A_1247] {strides = array<i32>} : memref<128x128xf32, #tpu.memory_space<vmem>>, vector<16xf32>,
        tpu.vector_store %arg7[%swap3A_1246, %swap3A_1247], %mul3A_1243 {strides = array<i32>} : memref<128x128xf32, #tpu.memory_space<vmem>>, vector<16xf32>,
        %add3A_1249 = arith.constant 12 : i32
        %add3A_1250 = arith.addi %add3A_109, %add3A_1249 : i32
        %get3A_1251 = arith.index_cast %add3A_1250 : i32 to index
        %get3A_1252 = arith.constant 64 : index
        %get3A_1253 = tpu.vector_load %arg7[%get3A_1251, %get3A_1252] {strides = array<i32>} : memref<128x128xf32, #tpu.memory_space<vmem>>, vector<16xf32>,
        %mul3A_1254 = arith.mulf %get3A_1253, %broadcast_in_dim3A_1204 : vector<16xf32>
        %add3A_1255 = arith.constant 12 : i32
        %add3A_1256 = arith.addi %add3A_109, %add3A_1255 : i32
        %swap3A_1257 = arith.index_cast %add3A_1256 : i32 to index
        %swap3A_1258 = arith.constant 64 : index
        %swap3A_1259 = tpu.vector_load %arg7[%swap3A_1257, %swap3A_1258] {strides = array<i32>} : memref<128x128xf32, #tpu.memory_space<vmem>>, vector<16xf32>,
        tpu.vector_store %arg7[%swap3A_1257, %swap3A_1258], %mul3A_1254 {strides = array<i32>} : memref<128x128xf32, #tpu.memory_space<vmem>>, vector<16xf32>,
        %add3A_1260 = arith.constant 12 : i32
        %add3A_1261 = arith.addi %add3A_109, %add3A_1260 : i32
        %get3A_1262 = arith.index_cast %add3A_1261 : i32 to index
        %get3A_1263 = arith.constant 80 : index
        %get3A_1264 = tpu.vector_load %arg7[%get3A_1262, %get3A_1263] {strides = array<i32>} : memref<128x128xf32, #tpu.memory_space<vmem>>, vector<16xf32>,
        %mul3A_1265 = arith.mulf %get3A_1264, %broadcast_in_dim3A_1204 : vector<16xf32>
        %add3A_1266 = arith.constant 12 : i32
        %add3A_1267 = arith.addi %add3A_109, %add3A_1266 : i32
        %swap3A_1268 = arith.index_cast %add3A_1267 : i32 to index
        %swap3A_1269 = arith.constant 80 : index
        %swap3A_1270 = tpu.vector_load %arg7[%swap3A_1268, %swap3A_1269] {strides = array<i32>} : memref<128x128xf32, #tpu.memory_space<vmem>>, vector<16xf32>,
        tpu.vector_store %arg7[%swap3A_1268, %swap3A_1269], %mul3A_1265 {strides = array<i32>} : memref<128x128xf32, #tpu.memory_space<vmem>>, vector<16xf32>,
        %add3A_1271 = arith.constant 12 : i32
        %add3A_1272 = arith.addi %add3A_109, %add3A_1271 : i32
        %get3A_1273 = arith.index_cast %add3A_1272 : i32 to index
        %get3A_1274 = arith.constant 96 : index
        %get3A_1275 = tpu.vector_load %arg7[%get3A_1273, %get3A_1274] {strides = array<i32>} : memref<128x128xf32, #tpu.memory_space<vmem>>, vector<16xf32>,
        %mul3A_1276 = arith.mulf %get3A_1275, %broadcast_in_dim3A_1204 : vector<16xf32>
        %add3A_1277 = arith.constant 12 : i32
        %add3A_1278 = arith.addi %add3A_109, %add3A_1277 : i32
        %swap3A_1279 = arith.index_cast %add3A_1278 : i32 to index
        %swap3A_1280 = arith.constant 96 : index
        %swap3A_1281 = tpu.vector_load %arg7[%swap3A_1279, %swap3A_1280] {strides = array<i32>} : memref<128x128xf32, #tpu.memory_space<vmem>>, vector<16xf32>,
        tpu.vector_store %arg7[%swap3A_1279, %swap3A_1280], %mul3A_1276 {strides = array<i32>} : memref<128x128xf32, #tpu.memory_space<vmem>>, vector<16xf32>,
        %add3A_1282 = arith.constant 12 : i32
        %add3A_1283 = arith.addi %add3A_109, %add3A_1282 : i32
        %get3A_1284 = arith.index_cast %add3A_1283 : i32 to index
        %get3A_1285 = arith.constant 112 : index
        %get3A_1286 = tpu.vector_load %arg7[%get3A_1284, %get3A_1285] {strides = array<i32>} : memref<128x128xf32, #tpu.memory_space<vmem>>, vector<16xf32>,
        %mul3A_1287 = arith.mulf %get3A_1286, %broadcast_in_dim3A_1204 : vector<16xf32>
        %add3A_1288 = arith.constant 12 : i32
        %add3A_1289 = arith.addi %add3A_109, %add3A_1288 : i32
        %swap3A_1290 = arith.index_cast %add3A_1289 : i32 to index
        %swap3A_1291 = arith.constant 112 : index
        %swap3A_1292 = tpu.vector_load %arg7[%swap3A_1290, %swap3A_1291] {strides = array<i32>} : memref<128x128xf32, #tpu.memory_space<vmem>>, vector<16xf32>,
        tpu.vector_store %arg7[%swap3A_1290, %swap3A_1291], %mul3A_1287 {strides = array<i32>} : memref<128x128xf32, #tpu.memory_space<vmem>>, vector<16xf32>,
        %slice3A_1293 = vector.extract_strided_slice %bitcast3A {offsets = [13], sizes = [1], strides = [1]} : vector<16xf32> to vector<1xf32>
        %squeeze3A_1294 = vector.extract %slice3A_1293[0] : f32 from vector<1xf32>
        %broadcast_in_dim3A_1295 = vector.broadcast %squeeze3A_1294 : f32 to vector<16xf32>
        %add3A_1296 = arith.constant 13 : i32
        %add3A_1297 = arith.addi %add3A_109, %add3A_1296 : i32
        %get3A_1298 = arith.index_cast %add3A_1297 : i32 to index
        %get3A_1299 = arith.constant 0 : index
        %get3A_1300 = tpu.vector_load %arg7[%get3A_1298, %get3A_1299] {strides = array<i32>} : memref<128x128xf32, #tpu.memory_space<vmem>>, vector<16xf32>,
        %mul3A_1301 = arith.mulf %get3A_1300, %broadcast_in_dim3A_1295 : vector<16xf32>
        %add3A_1302 = arith.constant 13 : i32
        %add3A_1303 = arith.addi %add3A_109, %add3A_1302 : i32
        %swap3A_1304 = arith.index_cast %add3A_1303 : i32 to index
        %swap3A_1305 = arith.constant 0 : index
        %swap3A_1306 = tpu.vector_load %arg7[%swap3A_1304, %swap3A_1305] {strides = array<i32>} : memref<128x128xf32, #tpu.memory_space<vmem>>, vector<16xf32>,
        tpu.vector_store %arg7[%swap3A_1304, %swap3A_1305], %mul3A_1301 {strides = array<i32>} : memref<128x128xf32, #tpu.memory_space<vmem>>, vector<16xf32>,
        %add3A_1307 = arith.constant 13 : i32
        %add3A_1308 = arith.addi %add3A_109, %add3A_1307 : i32
        %get3A_1309 = arith.index_cast %add3A_1308 : i32 to index
        %get3A_1310 = arith.constant 16 : index
        %get3A_1311 = tpu.vector_load %arg7[%get3A_1309, %get3A_1310] {strides = array<i32>} : memref<128x128xf32, #tpu.memory_space<vmem>>, vector<16xf32>,
        %mul3A_1312 = arith.mulf %get3A_1311, %broadcast_in_dim3A_1295 : vector<16xf32>
        %add3A_1313 = arith.constant 13 : i32
        %add3A_1314 = arith.addi %add3A_109, %add3A_1313 : i32
        %swap3A_1315 = arith.index_cast %add3A_1314 : i32 to index
        %swap3A_1316 = arith.constant 16 : index
        %swap3A_1317 = tpu.vector_load %arg7[%swap3A_1315, %swap3A_1316] {strides = array<i32>} : memref<128x128xf32, #tpu.memory_space<vmem>>, vector<16xf32>,
        tpu.vector_store %arg7[%swap3A_1315, %swap3A_1316], %mul3A_1312 {strides = array<i32>} : memref<128x128xf32, #tpu.memory_space<vmem>>, vector<16xf32>,
        %add3A_1318 = arith.constant 13 : i32
        %add3A_1319 = arith.addi %add3A_109, %add3A_1318 : i32
        %get3A_1320 = arith.index_cast %add3A_1319 : i32 to index
        %get3A_1321 = arith.constant 32 : index
        %get3A_1322 = tpu.vector_load %arg7[%get3A_1320, %get3A_1321] {strides = array<i32>} : memref<128x128xf32, #tpu.memory_space<vmem>>, vector<16xf32>,
        %mul3A_1323 = arith.mulf %get3A_1322, %broadcast_in_dim3A_1295 : vector<16xf32>
        %add3A_1324 = arith.constant 13 : i32
        %add3A_1325 = arith.addi %add3A_109, %add3A_1324 : i32
        %swap3A_1326 = arith.index_cast %add3A_1325 : i32 to index
        %swap3A_1327 = arith.constant 32 : index
        %swap3A_1328 = tpu.vector_load %arg7[%swap3A_1326, %swap3A_1327] {strides = array<i32>} : memref<128x128xf32, #tpu.memory_space<vmem>>, vector<16xf32>,
        tpu.vector_store %arg7[%swap3A_1326, %swap3A_1327], %mul3A_1323 {strides = array<i32>} : memref<128x128xf32, #tpu.memory_space<vmem>>, vector<16xf32>,
        %add3A_1329 = arith.constant 13 : i32
        %add3A_1330 = arith.addi %add3A_109, %add3A_1329 : i32
        %get3A_1331 = arith.index_cast %add3A_1330 : i32 to index
        %get3A_1332 = arith.constant 48 : index
        %get3A_1333 = tpu.vector_load %arg7[%get3A_1331, %get3A_1332] {strides = array<i32>} : memref<128x128xf32, #tpu.memory_space<vmem>>, vector<16xf32>,
        %mul3A_1334 = arith.mulf %get3A_1333, %broadcast_in_dim3A_1295 : vector<16xf32>
        %add3A_1335 = arith.constant 13 : i32
        %add3A_1336 = arith.addi %add3A_109, %add3A_1335 : i32
        %swap3A_1337 = arith.index_cast %add3A_1336 : i32 to index
        %swap3A_1338 = arith.constant 48 : index
        %swap3A_1339 = tpu.vector_load %arg7[%swap3A_1337, %swap3A_1338] {strides = array<i32>} : memref<128x128xf32, #tpu.memory_space<vmem>>, vector<16xf32>,
        tpu.vector_store %arg7[%swap3A_1337, %swap3A_1338], %mul3A_1334 {strides = array<i32>} : memref<128x128xf32, #tpu.memory_space<vmem>>, vector<16xf32>,
        %add3A_1340 = arith.constant 13 : i32
        %add3A_1341 = arith.addi %add3A_109, %add3A_1340 : i32
        %get3A_1342 = arith.index_cast %add3A_1341 : i32 to index
        %get3A_1343 = arith.constant 64 : index
        %get3A_1344 = tpu.vector_load %arg7[%get3A_1342, %get3A_1343] {strides = array<i32>} : memref<128x128xf32, #tpu.memory_space<vmem>>, vector<16xf32>,
        %mul3A_1345 = arith.mulf %get3A_1344, %broadcast_in_dim3A_1295 : vector<16xf32>
        %add3A_1346 = arith.constant 13 : i32
        %add3A_1347 = arith.addi %add3A_109, %add3A_1346 : i32
        %swap3A_1348 = arith.index_cast %add3A_1347 : i32 to index
        %swap3A_1349 = arith.constant 64 : index
        %swap3A_1350 = tpu.vector_load %arg7[%swap3A_1348, %swap3A_1349] {strides = array<i32>} : memref<128x128xf32, #tpu.memory_space<vmem>>, vector<16xf32>,
        tpu.vector_store %arg7[%swap3A_1348, %swap3A_1349], %mul3A_1345 {strides = array<i32>} : memref<128x128xf32, #tpu.memory_space<vmem>>, vector<16xf32>,
        %add3A_1351 = arith.constant 13 : i32
        %add3A_1352 = arith.addi %add3A_109, %add3A_1351 : i32
        %get3A_1353 = arith.index_cast %add3A_1352 : i32 to index
        %get3A_1354 = arith.constant 80 : index
        %get3A_1355 = tpu.vector_load %arg7[%get3A_1353, %get3A_1354] {strides = array<i32>} : memref<128x128xf32, #tpu.memory_space<vmem>>, vector<16xf32>,
        %mul3A_1356 = arith.mulf %get3A_1355, %broadcast_in_dim3A_1295 : vector<16xf32>
        %add3A_1357 = arith.constant 13 : i32
        %add3A_1358 = arith.addi %add3A_109, %add3A_1357 : i32
        %swap3A_1359 = arith.index_cast %add3A_1358 : i32 to index
        %swap3A_1360 = arith.constant 80 : index
        %swap3A_1361 = tpu.vector_load %arg7[%swap3A_1359, %swap3A_1360] {strides = array<i32>} : memref<128x128xf32, #tpu.memory_space<vmem>>, vector<16xf32>,
        tpu.vector_store %arg7[%swap3A_1359, %swap3A_1360], %mul3A_1356 {strides = array<i32>} : memref<128x128xf32, #tpu.memory_space<vmem>>, vector<16xf32>,
        %add3A_1362 = arith.constant 13 : i32
        %add3A_1363 = arith.addi %add3A_109, %add3A_1362 : i32
        %get3A_1364 = arith.index_cast %add3A_1363 : i32 to index
        %get3A_1365 = arith.constant 96 : index
        %get3A_1366 = tpu.vector_load %arg7[%get3A_1364, %get3A_1365] {strides = array<i32>} : memref<128x128xf32, #tpu.memory_space<vmem>>, vector<16xf32>,
        %mul3A_1367 = arith.mulf %get3A_1366, %broadcast_in_dim3A_1295 : vector<16xf32>
        %add3A_1368 = arith.constant 13 : i32
        %add3A_1369 = arith.addi %add3A_109, %add3A_1368 : i32
        %swap3A_1370 = arith.index_cast %add3A_1369 : i32 to index
        %swap3A_1371 = arith.constant 96 : index
        %swap3A_1372 = tpu.vector_load %arg7[%swap3A_1370, %swap3A_1371] {strides = array<i32>} : memref<128x128xf32, #tpu.memory_space<vmem>>, vector<16xf32>,
        tpu.vector_store %arg7[%swap3A_1370, %swap3A_1371], %mul3A_1367 {strides = array<i32>} : memref<128x128xf32, #tpu.memory_space<vmem>>, vector<16xf32>,
        %add3A_1373 = arith.constant 13 : i32
        %add3A_1374 = arith.addi %add3A_109, %add3A_1373 : i32
        %get3A_1375 = arith.index_cast %add3A_1374 : i32 to index
        %get3A_1376 = arith.constant 112 : index
        %get3A_1377 = tpu.vector_load %arg7[%get3A_1375, %get3A_1376] {strides = array<i32>} : memref<128x128xf32, #tpu.memory_space<vmem>>, vector<16xf32>,
        %mul3A_1378 = arith.mulf %get3A_1377, %broadcast_in_dim3A_1295 : vector<16xf32>
        %add3A_1379 = arith.constant 13 : i32
        %add3A_1380 = arith.addi %add3A_109, %add3A_1379 : i32
        %swap3A_1381 = arith.index_cast %add3A_1380 : i32 to index
        %swap3A_1382 = arith.constant 112 : index
        %swap3A_1383 = tpu.vector_load %arg7[%swap3A_1381, %swap3A_1382] {strides = array<i32>} : memref<128x128xf32, #tpu.memory_space<vmem>>, vector<16xf32>,
        tpu.vector_store %arg7[%swap3A_1381, %swap3A_1382], %mul3A_1378 {strides = array<i32>} : memref<128x128xf32, #tpu.memory_space<vmem>>, vector<16xf32>,
        %slice3A_1384 = vector.extract_strided_slice %bitcast3A {offsets = [14], sizes = [1], strides = [1]} : vector<16xf32> to vector<1xf32>
        %squeeze3A_1385 = vector.extract %slice3A_1384[0] : f32 from vector<1xf32>
        %broadcast_in_dim3A_1386 = vector.broadcast %squeeze3A_1385 : f32 to vector<16xf32>
        %add3A_1387 = arith.constant 14 : i32
        %add3A_1388 = arith.addi %add3A_109, %add3A_1387 : i32
        %get3A_1389 = arith.index_cast %add3A_1388 : i32 to index
        %get3A_1390 = arith.constant 0 : index
        %get3A_1391 = tpu.vector_load %arg7[%get3A_1389, %get3A_1390] {strides = array<i32>} : memref<128x128xf32, #tpu.memory_space<vmem>>, vector<16xf32>,
        %mul3A_1392 = arith.mulf %get3A_1391, %broadcast_in_dim3A_1386 : vector<16xf32>
        %add3A_1393 = arith.constant 14 : i32
        %add3A_1394 = arith.addi %add3A_109, %add3A_1393 : i32
        %swap3A_1395 = arith.index_cast %add3A_1394 : i32 to index
        %swap3A_1396 = arith.constant 0 : index
        %swap3A_1397 = tpu.vector_load %arg7[%swap3A_1395, %swap3A_1396] {strides = array<i32>} : memref<128x128xf32, #tpu.memory_space<vmem>>, vector<16xf32>,
        tpu.vector_store %arg7[%swap3A_1395, %swap3A_1396], %mul3A_1392 {strides = array<i32>} : memref<128x128xf32, #tpu.memory_space<vmem>>, vector<16xf32>,
        %add3A_1398 = arith.constant 14 : i32
        %add3A_1399 = arith.addi %add3A_109, %add3A_1398 : i32
        %get3A_1400 = arith.index_cast %add3A_1399 : i32 to index
        %get3A_1401 = arith.constant 16 : index
        %get3A_1402 = tpu.vector_load %arg7[%get3A_1400, %get3A_1401] {strides = array<i32>} : memref<128x128xf32, #tpu.memory_space<vmem>>, vector<16xf32>,
        %mul3A_1403 = arith.mulf %get3A_1402, %broadcast_in_dim3A_1386 : vector<16xf32>
        %add3A_1404 = arith.constant 14 : i32
        %add3A_1405 = arith.addi %add3A_109, %add3A_1404 : i32
        %swap3A_1406 = arith.index_cast %add3A_1405 : i32 to index
        %swap3A_1407 = arith.constant 16 : index
        %swap3A_1408 = tpu.vector_load %arg7[%swap3A_1406, %swap3A_1407] {strides = array<i32>} : memref<128x128xf32, #tpu.memory_space<vmem>>, vector<16xf32>,
        tpu.vector_store %arg7[%swap3A_1406, %swap3A_1407], %mul3A_1403 {strides = array<i32>} : memref<128x128xf32, #tpu.memory_space<vmem>>, vector<16xf32>,
        %add3A_1409 = arith.constant 14 : i32
        %add3A_1410 = arith.addi %add3A_109, %add3A_1409 : i32
        %get3A_1411 = arith.index_cast %add3A_1410 : i32 to index
        %get3A_1412 = arith.constant 32 : index
        %get3A_1413 = tpu.vector_load %arg7[%get3A_1411, %get3A_1412] {strides = array<i32>} : memref<128x128xf32, #tpu.memory_space<vmem>>, vector<16xf32>,
        %mul3A_1414 = arith.mulf %get3A_1413, %broadcast_in_dim3A_1386 : vector<16xf32>
        %add3A_1415 = arith.constant 14 : i32
        %add3A_1416 = arith.addi %add3A_109, %add3A_1415 : i32
        %swap3A_1417 = arith.index_cast %add3A_1416 : i32 to index
        %swap3A_1418 = arith.constant 32 : index
        %swap3A_1419 = tpu.vector_load %arg7[%swap3A_1417, %swap3A_1418] {strides = array<i32>} : memref<128x128xf32, #tpu.memory_space<vmem>>, vector<16xf32>,
        tpu.vector_store %arg7[%swap3A_1417, %swap3A_1418], %mul3A_1414 {strides = array<i32>} : memref<128x128xf32, #tpu.memory_space<vmem>>, vector<16xf32>,
        %add3A_1420 = arith.constant 14 : i32
        %add3A_1421 = arith.addi %add3A_109, %add3A_1420 : i32
        %get3A_1422 = arith.index_cast %add3A_1421 : i32 to index
        %get3A_1423 = arith.constant 48 : index
        %get3A_1424 = tpu.vector_load %arg7[%get3A_1422, %get3A_1423] {strides = array<i32>} : memref<128x128xf32, #tpu.memory_space<vmem>>, vector<16xf32>,
        %mul3A_1425 = arith.mulf %get3A_1424, %broadcast_in_dim3A_1386 : vector<16xf32>
        %add3A_1426 = arith.constant 14 : i32
        %add3A_1427 = arith.addi %add3A_109, %add3A_1426 : i32
        %swap3A_1428 = arith.index_cast %add3A_1427 : i32 to index
        %swap3A_1429 = arith.constant 48 : index
        %swap3A_1430 = tpu.vector_load %arg7[%swap3A_1428, %swap3A_1429] {strides = array<i32>} : memref<128x128xf32, #tpu.memory_space<vmem>>, vector<16xf32>,
        tpu.vector_store %arg7[%swap3A_1428, %swap3A_1429], %mul3A_1425 {strides = array<i32>} : memref<128x128xf32, #tpu.memory_space<vmem>>, vector<16xf32>,
        %add3A_1431 = arith.constant 14 : i32
        %add3A_1432 = arith.addi %add3A_109, %add3A_1431 : i32
        %get3A_1433 = arith.index_cast %add3A_1432 : i32 to index
        %get3A_1434 = arith.constant 64 : index
        %get3A_1435 = tpu.vector_load %arg7[%get3A_1433, %get3A_1434] {strides = array<i32>} : memref<128x128xf32, #tpu.memory_space<vmem>>, vector<16xf32>,
        %mul3A_1436 = arith.mulf %get3A_1435, %broadcast_in_dim3A_1386 : vector<16xf32>
        %add3A_1437 = arith.constant 14 : i32
        %add3A_1438 = arith.addi %add3A_109, %add3A_1437 : i32
        %swap3A_1439 = arith.index_cast %add3A_1438 : i32 to index
        %swap3A_1440 = arith.constant 64 : index
        %swap3A_1441 = tpu.vector_load %arg7[%swap3A_1439, %swap3A_1440] {strides = array<i32>} : memref<128x128xf32, #tpu.memory_space<vmem>>, vector<16xf32>,
        tpu.vector_store %arg7[%swap3A_1439, %swap3A_1440], %mul3A_1436 {strides = array<i32>} : memref<128x128xf32, #tpu.memory_space<vmem>>, vector<16xf32>,
        %add3A_1442 = arith.constant 14 : i32
        %add3A_1443 = arith.addi %add3A_109, %add3A_1442 : i32
        %get3A_1444 = arith.index_cast %add3A_1443 : i32 to index
        %get3A_1445 = arith.constant 80 : index
        %get3A_1446 = tpu.vector_load %arg7[%get3A_1444, %get3A_1445] {strides = array<i32>} : memref<128x128xf32, #tpu.memory_space<vmem>>, vector<16xf32>,
        %mul3A_1447 = arith.mulf %get3A_1446, %broadcast_in_dim3A_1386 : vector<16xf32>
        %add3A_1448 = arith.constant 14 : i32
        %add3A_1449 = arith.addi %add3A_109, %add3A_1448 : i32
        %swap3A_1450 = arith.index_cast %add3A_1449 : i32 to index
        %swap3A_1451 = arith.constant 80 : index
        %swap3A_1452 = tpu.vector_load %arg7[%swap3A_1450, %swap3A_1451] {strides = array<i32>} : memref<128x128xf32, #tpu.memory_space<vmem>>, vector<16xf32>,
        tpu.vector_store %arg7[%swap3A_1450, %swap3A_1451], %mul3A_1447 {strides = array<i32>} : memref<128x128xf32, #tpu.memory_space<vmem>>, vector<16xf32>,
        %add3A_1453 = arith.constant 14 : i32
        %add3A_1454 = arith.addi %add3A_109, %add3A_1453 : i32
        %get3A_1455 = arith.index_cast %add3A_1454 : i32 to index
        %get3A_1456 = arith.constant 96 : index
        %get3A_1457 = tpu.vector_load %arg7[%get3A_1455, %get3A_1456] {strides = array<i32>} : memref<128x128xf32, #tpu.memory_space<vmem>>, vector<16xf32>,
        %mul3A_1458 = arith.mulf %get3A_1457, %broadcast_in_dim3A_1386 : vector<16xf32>
        %add3A_1459 = arith.constant 14 : i32
        %add3A_1460 = arith.addi %add3A_109, %add3A_1459 : i32
        %swap3A_1461 = arith.index_cast %add3A_1460 : i32 to index
        %swap3A_1462 = arith.constant 96 : index
        %swap3A_1463 = tpu.vector_load %arg7[%swap3A_1461, %swap3A_1462] {strides = array<i32>} : memref<128x128xf32, #tpu.memory_space<vmem>>, vector<16xf32>,
        tpu.vector_store %arg7[%swap3A_1461, %swap3A_1462], %mul3A_1458 {strides = array<i32>} : memref<128x128xf32, #tpu.memory_space<vmem>>, vector<16xf32>,
        %add3A_1464 = arith.constant 14 : i32
        %add3A_1465 = arith.addi %add3A_109, %add3A_1464 : i32
        %get3A_1466 = arith.index_cast %add3A_1465 : i32 to index
        %get3A_1467 = arith.constant 112 : index
        %get3A_1468 = tpu.vector_load %arg7[%get3A_1466, %get3A_1467] {strides = array<i32>} : memref<128x128xf32, #tpu.memory_space<vmem>>, vector<16xf32>,
        %mul3A_1469 = arith.mulf %get3A_1468, %broadcast_in_dim3A_1386 : vector<16xf32>
        %add3A_1470 = arith.constant 14 : i32
        %add3A_1471 = arith.addi %add3A_109, %add3A_1470 : i32
        %swap3A_1472 = arith.index_cast %add3A_1471 : i32 to index
        %swap3A_1473 = arith.constant 112 : index
        %swap3A_1474 = tpu.vector_load %arg7[%swap3A_1472, %swap3A_1473] {strides = array<i32>} : memref<128x128xf32, #tpu.memory_space<vmem>>, vector<16xf32>,
        tpu.vector_store %arg7[%swap3A_1472, %swap3A_1473], %mul3A_1469 {strides = array<i32>} : memref<128x128xf32, #tpu.memory_space<vmem>>, vector<16xf32>,
        %slice3A_1475 = vector.extract_strided_slice %bitcast3A {offsets = [15], sizes = [1], strides = [1]} : vector<16xf32> to vector<1xf32>
        %squeeze3A_1476 = vector.extract %slice3A_1475[0] : f32 from vector<1xf32>
        %broadcast_in_dim3A_1477 = vector.broadcast %squeeze3A_1476 : f32 to vector<16xf32>
        %add3A_1478 = arith.constant 15 : i32
        %add3A_1479 = arith.addi %add3A_109, %add3A_1478 : i32
        %get3A_1480 = arith.index_cast %add3A_1479 : i32 to index
        %get3A_1481 = arith.constant 0 : index
        %get3A_1482 = tpu.vector_load %arg7[%get3A_1480, %get3A_1481] {strides = array<i32>} : memref<128x128xf32, #tpu.memory_space<vmem>>, vector<16xf32>,
        %mul3A_1483 = arith.mulf %get3A_1482, %broadcast_in_dim3A_1477 : vector<16xf32>
        %add3A_1484 = arith.constant 15 : i32
        %add3A_1485 = arith.addi %add3A_109, %add3A_1484 : i32
        %swap3A_1486 = arith.index_cast %add3A_1485 : i32 to index
        %swap3A_1487 = arith.constant 0 : index
        %swap3A_1488 = tpu.vector_load %arg7[%swap3A_1486, %swap3A_1487] {strides = array<i32>} : memref<128x128xf32, #tpu.memory_space<vmem>>, vector<16xf32>,
        tpu.vector_store %arg7[%swap3A_1486, %swap3A_1487], %mul3A_1483 {strides = array<i32>} : memref<128x128xf32, #tpu.memory_space<vmem>>, vector<16xf32>,
        %add3A_1489 = arith.constant 15 : i32
        %add3A_1490 = arith.addi %add3A_109, %add3A_1489 : i32
        %get3A_1491 = arith.index_cast %add3A_1490 : i32 to index
        %get3A_1492 = arith.constant 16 : index
        %get3A_1493 = tpu.vector_load %arg7[%get3A_1491, %get3A_1492] {strides = array<i32>} : memref<128x128xf32, #tpu.memory_space<vmem>>, vector<16xf32>,
        %mul3A_1494 = arith.mulf %get3A_1493, %broadcast_in_dim3A_1477 : vector<16xf32>
        %add3A_1495 = arith.constant 15 : i32
        %add3A_1496 = arith.addi %add3A_109, %add3A_1495 : i32
        %swap3A_1497 = arith.index_cast %add3A_1496 : i32 to index
        %swap3A_1498 = arith.constant 16 : index
        %swap3A_1499 = tpu.vector_load %arg7[%swap3A_1497, %swap3A_1498] {strides = array<i32>} : memref<128x128xf32, #tpu.memory_space<vmem>>, vector<16xf32>,
        tpu.vector_store %arg7[%swap3A_1497, %swap3A_1498], %mul3A_1494 {strides = array<i32>} : memref<128x128xf32, #tpu.memory_space<vmem>>, vector<16xf32>,
        %add3A_1500 = arith.constant 15 : i32
        %add3A_1501 = arith.addi %add3A_109, %add3A_1500 : i32
        %get3A_1502 = arith.index_cast %add3A_1501 : i32 to index
        %get3A_1503 = arith.constant 32 : index
        %get3A_1504 = tpu.vector_load %arg7[%get3A_1502, %get3A_1503] {strides = array<i32>} : memref<128x128xf32, #tpu.memory_space<vmem>>, vector<16xf32>,
        %mul3A_1505 = arith.mulf %get3A_1504, %broadcast_in_dim3A_1477 : vector<16xf32>
        %add3A_1506 = arith.constant 15 : i32
        %add3A_1507 = arith.addi %add3A_109, %add3A_1506 : i32
        %swap3A_1508 = arith.index_cast %add3A_1507 : i32 to index
        %swap3A_1509 = arith.constant 32 : index
        %swap3A_1510 = tpu.vector_load %arg7[%swap3A_1508, %swap3A_1509] {strides = array<i32>} : memref<128x128xf32, #tpu.memory_space<vmem>>, vector<16xf32>,
        tpu.vector_store %arg7[%swap3A_1508, %swap3A_1509], %mul3A_1505 {strides = array<i32>} : memref<128x128xf32, #tpu.memory_space<vmem>>, vector<16xf32>,
        %add3A_1511 = arith.constant 15 : i32
        %add3A_1512 = arith.addi %add3A_109, %add3A_1511 : i32
        %get3A_1513 = arith.index_cast %add3A_1512 : i32 to index
        %get3A_1514 = arith.constant 48 : index
        %get3A_1515 = tpu.vector_load %arg7[%get3A_1513, %get3A_1514] {strides = array<i32>} : memref<128x128xf32, #tpu.memory_space<vmem>>, vector<16xf32>,
        %mul3A_1516 = arith.mulf %get3A_1515, %broadcast_in_dim3A_1477 : vector<16xf32>
        %add3A_1517 = arith.constant 15 : i32
        %add3A_1518 = arith.addi %add3A_109, %add3A_1517 : i32
        %swap3A_1519 = arith.index_cast %add3A_1518 : i32 to index
        %swap3A_1520 = arith.constant 48 : index
        %swap3A_1521 = tpu.vector_load %arg7[%swap3A_1519, %swap3A_1520] {strides = array<i32>} : memref<128x128xf32, #tpu.memory_space<vmem>>, vector<16xf32>,
        tpu.vector_store %arg7[%swap3A_1519, %swap3A_1520], %mul3A_1516 {strides = array<i32>} : memref<128x128xf32, #tpu.memory_space<vmem>>, vector<16xf32>,
        %add3A_1522 = arith.constant 15 : i32
        %add3A_1523 = arith.addi %add3A_109, %add3A_1522 : i32
        %get3A_1524 = arith.index_cast %add3A_1523 : i32 to index
        %get3A_1525 = arith.constant 64 : index
        %get3A_1526 = tpu.vector_load %arg7[%get3A_1524, %get3A_1525] {strides = array<i32>} : memref<128x128xf32, #tpu.memory_space<vmem>>, vector<16xf32>,
        %mul3A_1527 = arith.mulf %get3A_1526, %broadcast_in_dim3A_1477 : vector<16xf32>
        %add3A_1528 = arith.constant 15 : i32
        %add3A_1529 = arith.addi %add3A_109, %add3A_1528 : i32
        %swap3A_1530 = arith.index_cast %add3A_1529 : i32 to index
        %swap3A_1531 = arith.constant 64 : index
        %swap3A_1532 = tpu.vector_load %arg7[%swap3A_1530, %swap3A_1531] {strides = array<i32>} : memref<128x128xf32, #tpu.memory_space<vmem>>, vector<16xf32>,
        tpu.vector_store %arg7[%swap3A_1530, %swap3A_1531], %mul3A_1527 {strides = array<i32>} : memref<128x128xf32, #tpu.memory_space<vmem>>, vector<16xf32>,
        %add3A_1533 = arith.constant 15 : i32
        %add3A_1534 = arith.addi %add3A_109, %add3A_1533 : i32
        %get3A_1535 = arith.index_cast %add3A_1534 : i32 to index
        %get3A_1536 = arith.constant 80 : index
        %get3A_1537 = tpu.vector_load %arg7[%get3A_1535, %get3A_1536] {strides = array<i32>} : memref<128x128xf32, #tpu.memory_space<vmem>>, vector<16xf32>,
        %mul3A_1538 = arith.mulf %get3A_1537, %broadcast_in_dim3A_1477 : vector<16xf32>
        %add3A_1539 = arith.constant 15 : i32
        %add3A_1540 = arith.addi %add3A_109, %add3A_1539 : i32
        %swap3A_1541 = arith.index_cast %add3A_1540 : i32 to index
        %swap3A_1542 = arith.constant 80 : index
        %swap3A_1543 = tpu.vector_load %arg7[%swap3A_1541, %swap3A_1542] {strides = array<i32>} : memref<128x128xf32, #tpu.memory_space<vmem>>, vector<16xf32>,
        tpu.vector_store %arg7[%swap3A_1541, %swap3A_1542], %mul3A_1538 {strides = array<i32>} : memref<128x128xf32, #tpu.memory_space<vmem>>, vector<16xf32>,
        %add3A_1544 = arith.constant 15 : i32
        %add3A_1545 = arith.addi %add3A_109, %add3A_1544 : i32
        %get3A_1546 = arith.index_cast %add3A_1545 : i32 to index
        %get3A_1547 = arith.constant 96 : index
        %get3A_1548 = tpu.vector_load %arg7[%get3A_1546, %get3A_1547] {strides = array<i32>} : memref<128x128xf32, #tpu.memory_space<vmem>>, vector<16xf32>,
        %mul3A_1549 = arith.mulf %get3A_1548, %broadcast_in_dim3A_1477 : vector<16xf32>
        %add3A_1550 = arith.constant 15 : i32
        %add3A_1551 = arith.addi %add3A_109, %add3A_1550 : i32
        %swap3A_1552 = arith.index_cast %add3A_1551 : i32 to index
        %swap3A_1553 = arith.constant 96 : index
        %swap3A_1554 = tpu.vector_load %arg7[%swap3A_1552, %swap3A_1553] {strides = array<i32>} : memref<128x128xf32, #tpu.memory_space<vmem>>, vector<16xf32>,
        tpu.vector_store %arg7[%swap3A_1552, %swap3A_1553], %mul3A_1549 {strides = array<i32>} : memref<128x128xf32, #tpu.memory_space<vmem>>, vector<16xf32>,
        %add3A_1555 = arith.constant 15 : i32
        %add3A_1556 = arith.addi %add3A_109, %add3A_1555 : i32
        %get3A_1557 = arith.index_cast %add3A_1556 : i32 to index
        %get3A_1558 = arith.constant 112 : index
        %get3A_1559 = tpu.vector_load %arg7[%get3A_1557, %get3A_1558] {strides = array<i32>} : memref<128x128xf32, #tpu.memory_space<vmem>>, vector<16xf32>,
        %mul3A_1560 = arith.mulf %get3A_1559, %broadcast_in_dim3A_1477 : vector<16xf32>
        %add3A_1561 = arith.constant 15 : i32
        %add3A_1562 = arith.addi %add3A_109, %add3A_1561 : i32
        %swap3A_1563 = arith.index_cast %add3A_1562 : i32 to index
        %swap3A_1564 = arith.constant 112 : index
        %swap3A_1565 = tpu.vector_load %arg7[%swap3A_1563, %swap3A_1564] {strides = array<i32>} : memref<128x128xf32, #tpu.memory_space<vmem>>, vector<16xf32>,
        tpu.vector_store %arg7[%swap3A_1563, %swap3A_1564], %mul3A_1560 {strides = array<i32>} : memref<128x128xf32, #tpu.memory_space<vmem>>, vector<16xf32>,
      }
      %scan3A_64 = arith.constant 8 : i32
      %dma_start3A_65 = arith.constant 0 : i32
      %dma_start3A_66 = arith.constant 0 : i32
      %dma_start3A_67 = tpu.memref_slice %arg5[%dma_start3A_65, %dma_start3A_66] : memref<3x128xi32, #tpu.memory_space<vmem>> -> memref<1x128xi32, #tpu.memory_space<vmem>>
      %dma_start3A_68 = tpu.memref_squeeze %dma_start3A_67 : memref<1x128xi32, #tpu.memory_space<vmem>> -> memref<128xi32, #tpu.memory_space<vmem>>
      %dma_start3A_69 = arith.constant 0 : i32
      %dma_start3A_70 = arith.constant 0 : i32
      %dma_start3A_71 = tpu.memref_slice %arg9[%dma_start3A_69, %dma_start3A_70] : memref<10000x128xf32, #tpu.memory_space<vmem_shared>> -> memref<10000x128xf32, #tpu.memory_space<vmem_shared>>
      tpu.enqueue_indirect_dma source(%arg7 : memref<128x128xf32, #tpu.memory_space<vmem>>) target(%dma_start3A_71 : memref<10000x128xf32, #tpu.memory_space<vmem_shared>>) offsets(%dma_start3A_68 : memref<128xi32, #tpu.memory_space<vmem>>) semaphore(%arg12 : memref<!tpu.dma_semaphore, #tpu.memory_space<semaphore_mem>>) {add = true}
      %add3A_72 = arith.constant 1 : i32
      %add3A_73 = arith.addi %add3A_44, %add3A_72 : i32
      %ge3A_74 = arith.constant 1 : i32
      %ge3A_75 = arith.cmpi sge, %add3A_73, %ge3A_74 : i32
      %convert_element_type3A_76 = arith.extui %ge3A_75 : i1 to i32
      %cond3A_77 = arith.constant 0 : i32
      %cond3A_78 = arith.cmpi ne, %convert_element_type3A_76, %cond3A_77 : i32
      scf.if %cond3A_78 {
        %dma_wait3A_105 = arith.constant 0 : i32
        %dma_wait3A_106 = arith.constant 0 : i32
        %dma_wait3A_107 = tpu.memref_slice %arg5[%dma_wait3A_105, %dma_wait3A_106] : memref<3x128xi32, #tpu.memory_space<vmem>> -> memref<1x128xi32, #tpu.memory_space<vmem>>
        %dma_wait3A_108 = tpu.memref_squeeze %dma_wait3A_107 : memref<1x128xi32, #tpu.memory_space<vmem>> -> memref<128xi32, #tpu.memory_space<vmem>>
        %dma_wait3A_109 = arith.constant 0 : i32
        %dma_wait3A_110 = arith.constant 0 : i32
        %dma_wait3A_111 = tpu.memref_slice %arg9[%dma_wait3A_109, %dma_wait3A_110] : memref<10000x128xf32, #tpu.memory_space<vmem_shared>> -> memref<10000x128xf32, #tpu.memory_space<vmem_shared>>
        tpu.wait_indirect_dma semaphore(%arg12 : memref<!tpu.dma_semaphore, #tpu.memory_space<semaphore_mem>>) src(%arg7 : memref<128x128xf32, #tpu.memory_space<vmem>>) dst(%dma_wait3A_111 : memref<10000x128xf32, #tpu.memory_space<vmem_shared>>)
      } else {
      }
      %add3A_79 = arith.constant 1 : i32
      %add3A_80 = arith.addi %add3A_73, %add3A_79 : i32
      %lt3A_81 = arith.constant 80 : i32
      %lt3A_82 = arith.cmpi slt, %add3A_80, %lt3A_81 : i32
      %convert_element_type3A_83 = arith.extui %lt3A_82 : i1 to i32
      %cond3A_84 = arith.constant 0 : i32
      %cond3A_85 = arith.cmpi ne, %convert_element_type3A_83, %cond3A_84 : i32
      scf.if %cond3A_85 {
        %add3A_105 = arith.constant 1 : i32
        %add3A_106 = arith.addi %add3A_73, %add3A_105 : i32
        %mul3A_107 = arith.constant 128 : i32
        %mul3A_108 = arith.muli %add3A_106, %mul3A_107 : i32
        %add3A_109 = arith.addi %mul3A_2, %mul3A_108 : i32
        "tpu.region"() ({
          %run_scoped3A = tpu.sem_alloc : memref<!tpu.dma_semaphore, #tpu.memory_space<semaphore_mem>>
          %dma_start3A_117 = arith.constant 0 : i32
          %dma_start3A_118 = tpu.memref_slice %arg3[%dma_start3A_117, %add3A_109] : memref<3x327680xi32, #tpu.memory_space<hbm>> -> memref<3x128xi32, #tpu.memory_space<hbm>>
          %dma_start3A_119 = arith.constant 0 : i32
          %dma_start3A_120 = tpu.memref_slice %arg3[%dma_start3A_119, %add3A_109] : memref<3x327680xi32, #tpu.memory_space<hbm>> -> memref<3x128xi32, #tpu.memory_space<hbm>>
          tpu.enqueue_dma source(%dma_start3A_120 : memref<3x128xi32, #tpu.memory_space<hbm>>) target(%arg5 : memref<3x128xi32, #tpu.memory_space<vmem>>) target_semaphore(%run_scoped3A : memref<!tpu.dma_semaphore, #tpu.memory_space<semaphore_mem>>)
          %dma_wait3A_121 = arith.constant 0 : i32
          %dma_wait3A_122 = tpu.memref_slice %arg3[%dma_wait3A_121, %add3A_109] : memref<3x327680xi32, #tpu.memory_space<hbm>> -> memref<3x128xi32, #tpu.memory_space<hbm>>
          %dma_wait3A_123 = arith.constant 0 : i32
          %dma_wait3A_124 = tpu.memref_slice %arg3[%dma_wait3A_123, %add3A_109] : memref<3x327680xi32, #tpu.memory_space<hbm>> -> memref<3x128xi32, #tpu.memory_space<hbm>>
          tpu.wait_dma2 semaphore(%run_scoped3A : memref<!tpu.dma_semaphore, #tpu.memory_space<semaphore_mem>>) src(%dma_wait3A_124 : memref<3x128xi32, #tpu.memory_space<hbm>>) dst(%arg5 : memref<3x128xi32, #tpu.memory_space<vmem>>)
          tpu.yield
        }) : () -> ()
        %dma_start3A_110 = arith.constant 1 : i32
        %dma_start3A_111 = arith.constant 0 : i32
        %dma_start3A_112 = tpu.memref_slice %arg5[%dma_start3A_110, %dma_start3A_111] : memref<3x128xi32, #tpu.memory_space<vmem>> -> memref<1x128xi32, #tpu.memory_space<vmem>>
        %dma_start3A_113 = tpu.memref_squeeze %dma_start3A_112 : memref<1x128xi32, #tpu.memory_space<vmem>> -> memref<128xi32, #tpu.memory_space<vmem>>
        %dma_start3A_114 = arith.constant 0 : i32
        %dma_start3A_115 = arith.constant 0 : i32
        %dma_start3A_116 = tpu.memref_slice %arg2[%dma_start3A_114, %dma_start3A_115] : memref<10000x128xf32, #tpu.memory_space<hbm>> -> memref<10000x128xf32, #tpu.memory_space<hbm>>
        tpu.enqueue_indirect_dma source(%dma_start3A_116 : memref<10000x128xf32, #tpu.memory_space<hbm>>) target(%arg7 : memref<128x128xf32, #tpu.memory_space<vmem>>) offsets(%dma_start3A_113 : memref<128xi32, #tpu.memory_space<vmem>>) semaphore(%arg10 : memref<!tpu.dma_semaphore, #tpu.memory_space<semaphore_mem>>)
      } else {
      }
      %dma_wait3A_86 = arith.constant 1 : i32
      %dma_wait3A_87 = arith.constant 0 : i32
      %dma_wait3A_88 = tpu.memref_slice %arg6[%dma_wait3A_86, %dma_wait3A_87] : memref<3x128xi32, #tpu.memory_space<vmem>> -> memref<1x128xi32, #tpu.memory_space<vmem>>
      %dma_wait3A_89 = tpu.memref_squeeze %dma_wait3A_88 : memref<1x128xi32, #tpu.memory_space<vmem>> -> memref<128xi32, #tpu.memory_space<vmem>>
      %dma_wait3A_90 = arith.constant 0 : i32
      %dma_wait3A_91 = arith.constant 0 : i32
      %dma_wait3A_92 = tpu.memref_slice %arg2[%dma_wait3A_90, %dma_wait3A_91] : memref<10000x128xf32, #tpu.memory_space<hbm>> -> memref<10000x128xf32, #tpu.memory_space<hbm>>
      tpu.wait_indirect_dma semaphore(%arg11 : memref<!tpu.dma_semaphore, #tpu.memory_space<semaphore_mem>>) src(%dma_wait3A_92 : memref<10000x128xf32, #tpu.memory_space<hbm>>) dst(%arg8 : memref<128x128xf32, #tpu.memory_space<vmem>>)
      %scan3A_93 = arith.constant 0 : i32
      %scan3A_94 = arith.constant 8 : i32
      %scan3A_95 = arith.addi %scan3A_93, %scan3A_94 : i32
      %scan3A_96 = arith.constant 1 : i32
      scf.for %scan3A_105 = %scan3A_93 to %scan3A_95 step %scan3A_96  : i32 {
        %mul3A_106 = arith.constant 16 : i32
        %mul3A_107 = arith.muli %scan3A_105, %mul3A_106 : i32
        %add3A_108 = arith.constant 0 : i32
        %add3A_109 = arith.addi %add3A_108, %mul3A_107 : i32
        %get3A = arith.constant 2 : i32
        %get3A_110 = arith.index_cast %get3A : i32 to index
        %get3A_111 = arith.index_cast %add3A_109 : i32 to index
        %get3A_112 = tpu.vector_load %arg6[%get3A_110, %get3A_111] {strides = array<i32>} : memref<3x128xi32, #tpu.memory_space<vmem>>, vector<16xi32>,
        %bitcast3A = vector.bitcast %get3A_112 : vector<16xi32> to vector<16xf32>
        %slice3A = vector.extract_strided_slice %bitcast3A {offsets = [0], sizes = [1], strides = [1]} : vector<16xf32> to vector<1xf32>
        %squeeze3A = vector.extract %slice3A[0] : f32 from vector<1xf32>
        %broadcast_in_dim3A_113 = vector.broadcast %squeeze3A : f32 to vector<16xf32>
        %add3A_114 = arith.constant 0 : i32
        %add3A_115 = arith.addi %add3A_109, %add3A_114 : i32
        %get3A_116 = arith.index_cast %add3A_115 : i32 to index
        %get3A_117 = arith.constant 0 : index
        %get3A_118 = tpu.vector_load %arg8[%get3A_116, %get3A_117] {strides = array<i32>} : memref<128x128xf32, #tpu.memory_space<vmem>>, vector<16xf32>,
        %mul3A_119 = arith.mulf %get3A_118, %broadcast_in_dim3A_113 : vector<16xf32>
        %add3A_120 = arith.constant 0 : i32
        %add3A_121 = arith.addi %add3A_109, %add3A_120 : i32
        %swap3A = arith.index_cast %add3A_121 : i32 to index
        %swap3A_122 = arith.constant 0 : index
        %swap3A_123 = tpu.vector_load %arg8[%swap3A, %swap3A_122] {strides = array<i32>} : memref<128x128xf32, #tpu.memory_space<vmem>>, vector<16xf32>,
        tpu.vector_store %arg8[%swap3A, %swap3A_122], %mul3A_119 {strides = array<i32>} : memref<128x128xf32, #tpu.memory_space<vmem>>, vector<16xf32>,
        %add3A_124 = arith.constant 0 : i32
        %add3A_125 = arith.addi %add3A_109, %add3A_124 : i32
        %get3A_126 = arith.index_cast %add3A_125 : i32 to index
        %get3A_127 = arith.constant 16 : index
        %get3A_128 = tpu.vector_load %arg8[%get3A_126, %get3A_127] {strides = array<i32>} : memref<128x128xf32, #tpu.memory_space<vmem>>, vector<16xf32>,
        %mul3A_129 = arith.mulf %get3A_128, %broadcast_in_dim3A_113 : vector<16xf32>
        %add3A_130 = arith.constant 0 : i32
        %add3A_131 = arith.addi %add3A_109, %add3A_130 : i32
        %swap3A_132 = arith.index_cast %add3A_131 : i32 to index
        %swap3A_133 = arith.constant 16 : index
        %swap3A_134 = tpu.vector_load %arg8[%swap3A_132, %swap3A_133] {strides = array<i32>} : memref<128x128xf32, #tpu.memory_space<vmem>>, vector<16xf32>,
        tpu.vector_store %arg8[%swap3A_132, %swap3A_133], %mul3A_129 {strides = array<i32>} : memref<128x128xf32, #tpu.memory_space<vmem>>, vector<16xf32>,
        %add3A_135 = arith.constant 0 : i32
        %add3A_136 = arith.addi %add3A_109, %add3A_135 : i32
        %get3A_137 = arith.index_cast %add3A_136 : i32 to index
        %get3A_138 = arith.constant 32 : index
        %get3A_139 = tpu.vector_load %arg8[%get3A_137, %get3A_138] {strides = array<i32>} : memref<128x128xf32, #tpu.memory_space<vmem>>, vector<16xf32>,
        %mul3A_140 = arith.mulf %get3A_139, %broadcast_in_dim3A_113 : vector<16xf32>
        %add3A_141 = arith.constant 0 : i32
        %add3A_142 = arith.addi %add3A_109, %add3A_141 : i32
        %swap3A_143 = arith.index_cast %add3A_142 : i32 to index
        %swap3A_144 = arith.constant 32 : index
        %swap3A_145 = tpu.vector_load %arg8[%swap3A_143, %swap3A_144] {strides = array<i32>} : memref<128x128xf32, #tpu.memory_space<vmem>>, vector<16xf32>,
        tpu.vector_store %arg8[%swap3A_143, %swap3A_144], %mul3A_140 {strides = array<i32>} : memref<128x128xf32, #tpu.memory_space<vmem>>, vector<16xf32>,
        %add3A_146 = arith.constant 0 : i32
        %add3A_147 = arith.addi %add3A_109, %add3A_146 : i32
        %get3A_148 = arith.index_cast %add3A_147 : i32 to index
        %get3A_149 = arith.constant 48 : index
        %get3A_150 = tpu.vector_load %arg8[%get3A_148, %get3A_149] {strides = array<i32>} : memref<128x128xf32, #tpu.memory_space<vmem>>, vector<16xf32>,
        %mul3A_151 = arith.mulf %get3A_150, %broadcast_in_dim3A_113 : vector<16xf32>
        %add3A_152 = arith.constant 0 : i32
        %add3A_153 = arith.addi %add3A_109, %add3A_152 : i32
        %swap3A_154 = arith.index_cast %add3A_153 : i32 to index
        %swap3A_155 = arith.constant 48 : index
        %swap3A_156 = tpu.vector_load %arg8[%swap3A_154, %swap3A_155] {strides = array<i32>} : memref<128x128xf32, #tpu.memory_space<vmem>>, vector<16xf32>,
        tpu.vector_store %arg8[%swap3A_154, %swap3A_155], %mul3A_151 {strides = array<i32>} : memref<128x128xf32, #tpu.memory_space<vmem>>, vector<16xf32>,
        %add3A_157 = arith.constant 0 : i32
        %add3A_158 = arith.addi %add3A_109, %add3A_157 : i32
        %get3A_159 = arith.index_cast %add3A_158 : i32 to index
        %get3A_160 = arith.constant 64 : index
        %get3A_161 = tpu.vector_load %arg8[%get3A_159, %get3A_160] {strides = array<i32>} : memref<128x128xf32, #tpu.memory_space<vmem>>, vector<16xf32>,
        %mul3A_162 = arith.mulf %get3A_161, %broadcast_in_dim3A_113 : vector<16xf32>
        %add3A_163 = arith.constant 0 : i32
        %add3A_164 = arith.addi %add3A_109, %add3A_163 : i32
        %swap3A_165 = arith.index_cast %add3A_164 : i32 to index
        %swap3A_166 = arith.constant 64 : index
        %swap3A_167 = tpu.vector_load %arg8[%swap3A_165, %swap3A_166] {strides = array<i32>} : memref<128x128xf32, #tpu.memory_space<vmem>>, vector<16xf32>,
        tpu.vector_store %arg8[%swap3A_165, %swap3A_166], %mul3A_162 {strides = array<i32>} : memref<128x128xf32, #tpu.memory_space<vmem>>, vector<16xf32>,
        %add3A_168 = arith.constant 0 : i32
        %add3A_169 = arith.addi %add3A_109, %add3A_168 : i32
        %get3A_170 = arith.index_cast %add3A_169 : i32 to index
        %get3A_171 = arith.constant 80 : index
        %get3A_172 = tpu.vector_load %arg8[%get3A_170, %get3A_171] {strides = array<i32>} : memref<128x128xf32, #tpu.memory_space<vmem>>, vector<16xf32>,
        %mul3A_173 = arith.mulf %get3A_172, %broadcast_in_dim3A_113 : vector<16xf32>
        %add3A_174 = arith.constant 0 : i32
        %add3A_175 = arith.addi %add3A_109, %add3A_174 : i32
        %swap3A_176 = arith.index_cast %add3A_175 : i32 to index
        %swap3A_177 = arith.constant 80 : index
        %swap3A_178 = tpu.vector_load %arg8[%swap3A_176, %swap3A_177] {strides = array<i32>} : memref<128x128xf32, #tpu.memory_space<vmem>>, vector<16xf32>,
        tpu.vector_store %arg8[%swap3A_176, %swap3A_177], %mul3A_173 {strides = array<i32>} : memref<128x128xf32, #tpu.memory_space<vmem>>, vector<16xf32>,
        %add3A_179 = arith.constant 0 : i32
        %add3A_180 = arith.addi %add3A_109, %add3A_179 : i32
        %get3A_181 = arith.index_cast %add3A_180 : i32 to index
        %get3A_182 = arith.constant 96 : index
        %get3A_183 = tpu.vector_load %arg8[%get3A_181, %get3A_182] {strides = array<i32>} : memref<128x128xf32, #tpu.memory_space<vmem>>, vector<16xf32>,
        %mul3A_184 = arith.mulf %get3A_183, %broadcast_in_dim3A_113 : vector<16xf32>
        %add3A_185 = arith.constant 0 : i32
        %add3A_186 = arith.addi %add3A_109, %add3A_185 : i32
        %swap3A_187 = arith.index_cast %add3A_186 : i32 to index
        %swap3A_188 = arith.constant 96 : index
        %swap3A_189 = tpu.vector_load %arg8[%swap3A_187, %swap3A_188] {strides = array<i32>} : memref<128x128xf32, #tpu.memory_space<vmem>>, vector<16xf32>,
        tpu.vector_store %arg8[%swap3A_187, %swap3A_188], %mul3A_184 {strides = array<i32>} : memref<128x128xf32, #tpu.memory_space<vmem>>, vector<16xf32>,
        %add3A_190 = arith.constant 0 : i32
        %add3A_191 = arith.addi %add3A_109, %add3A_190 : i32
        %get3A_192 = arith.index_cast %add3A_191 : i32 to index
        %get3A_193 = arith.constant 112 : index
        %get3A_194 = tpu.vector_load %arg8[%get3A_192, %get3A_193] {strides = array<i32>} : memref<128x128xf32, #tpu.memory_space<vmem>>, vector<16xf32>,
        %mul3A_195 = arith.mulf %get3A_194, %broadcast_in_dim3A_113 : vector<16xf32>
        %add3A_196 = arith.constant 0 : i32
        %add3A_197 = arith.addi %add3A_109, %add3A_196 : i32
        %swap3A_198 = arith.index_cast %add3A_197 : i32 to index
        %swap3A_199 = arith.constant 112 : index
        %swap3A_200 = tpu.vector_load %arg8[%swap3A_198, %swap3A_199] {strides = array<i32>} : memref<128x128xf32, #tpu.memory_space<vmem>>, vector<16xf32>,
        tpu.vector_store %arg8[%swap3A_198, %swap3A_199], %mul3A_195 {strides = array<i32>} : memref<128x128xf32, #tpu.memory_space<vmem>>, vector<16xf32>,
        %slice3A_201 = vector.extract_strided_slice %bitcast3A {offsets = [1], sizes = [1], strides = [1]} : vector<16xf32> to vector<1xf32>
        %squeeze3A_202 = vector.extract %slice3A_201[0] : f32 from vector<1xf32>
        %broadcast_in_dim3A_203 = vector.broadcast %squeeze3A_202 : f32 to vector<16xf32>
        %add3A_204 = arith.constant 1 : i32
        %add3A_205 = arith.addi %add3A_109, %add3A_204 : i32
        %get3A_206 = arith.index_cast %add3A_205 : i32 to index
        %get3A_207 = arith.constant 0 : index
        %get3A_208 = tpu.vector_load %arg8[%get3A_206, %get3A_207] {strides = array<i32>} : memref<128x128xf32, #tpu.memory_space<vmem>>, vector<16xf32>,
        %mul3A_209 = arith.mulf %get3A_208, %broadcast_in_dim3A_203 : vector<16xf32>
        %add3A_210 = arith.constant 1 : i32
        %add3A_211 = arith.addi %add3A_109, %add3A_210 : i32
        %swap3A_212 = arith.index_cast %add3A_211 : i32 to index
        %swap3A_213 = arith.constant 0 : index
        %swap3A_214 = tpu.vector_load %arg8[%swap3A_212, %swap3A_213] {strides = array<i32>} : memref<128x128xf32, #tpu.memory_space<vmem>>, vector<16xf32>,
        tpu.vector_store %arg8[%swap3A_212, %swap3A_213], %mul3A_209 {strides = array<i32>} : memref<128x128xf32, #tpu.memory_space<vmem>>, vector<16xf32>,
        %add3A_215 = arith.constant 1 : i32
        %add3A_216 = arith.addi %add3A_109, %add3A_215 : i32
        %get3A_217 = arith.index_cast %add3A_216 : i32 to index
        %get3A_218 = arith.constant 16 : index
        %get3A_219 = tpu.vector_load %arg8[%get3A_217, %get3A_218] {strides = array<i32>} : memref<128x128xf32, #tpu.memory_space<vmem>>, vector<16xf32>,
        %mul3A_220 = arith.mulf %get3A_219, %broadcast_in_dim3A_203 : vector<16xf32>
        %add3A_221 = arith.constant 1 : i32
        %add3A_222 = arith.addi %add3A_109, %add3A_221 : i32
        %swap3A_223 = arith.index_cast %add3A_222 : i32 to index
        %swap3A_224 = arith.constant 16 : index
        %swap3A_225 = tpu.vector_load %arg8[%swap3A_223, %swap3A_224] {strides = array<i32>} : memref<128x128xf32, #tpu.memory_space<vmem>>, vector<16xf32>,
        tpu.vector_store %arg8[%swap3A_223, %swap3A_224], %mul3A_220 {strides = array<i32>} : memref<128x128xf32, #tpu.memory_space<vmem>>, vector<16xf32>,
        %add3A_226 = arith.constant 1 : i32
        %add3A_227 = arith.addi %add3A_109, %add3A_226 : i32
        %get3A_228 = arith.index_cast %add3A_227 : i32 to index
        %get3A_229 = arith.constant 32 : index
        %get3A_230 = tpu.vector_load %arg8[%get3A_228, %get3A_229] {strides = array<i32>} : memref<128x128xf32, #tpu.memory_space<vmem>>, vector<16xf32>,
        %mul3A_231 = arith.mulf %get3A_230, %broadcast_in_dim3A_203 : vector<16xf32>
        %add3A_232 = arith.constant 1 : i32
        %add3A_233 = arith.addi %add3A_109, %add3A_232 : i32
        %swap3A_234 = arith.index_cast %add3A_233 : i32 to index
        %swap3A_235 = arith.constant 32 : index
        %swap3A_236 = tpu.vector_load %arg8[%swap3A_234, %swap3A_235] {strides = array<i32>} : memref<128x128xf32, #tpu.memory_space<vmem>>, vector<16xf32>,
        tpu.vector_store %arg8[%swap3A_234, %swap3A_235], %mul3A_231 {strides = array<i32>} : memref<128x128xf32, #tpu.memory_space<vmem>>, vector<16xf32>,
        %add3A_237 = arith.constant 1 : i32
        %add3A_238 = arith.addi %add3A_109, %add3A_237 : i32
        %get3A_239 = arith.index_cast %add3A_238 : i32 to index
        %get3A_240 = arith.constant 48 : index
        %get3A_241 = tpu.vector_load %arg8[%get3A_239, %get3A_240] {strides = array<i32>} : memref<128x128xf32, #tpu.memory_space<vmem>>, vector<16xf32>,
        %mul3A_242 = arith.mulf %get3A_241, %broadcast_in_dim3A_203 : vector<16xf32>
        %add3A_243 = arith.constant 1 : i32
        %add3A_244 = arith.addi %add3A_109, %add3A_243 : i32
        %swap3A_245 = arith.index_cast %add3A_244 : i32 to index
        %swap3A_246 = arith.constant 48 : index
        %swap3A_247 = tpu.vector_load %arg8[%swap3A_245, %swap3A_246] {strides = array<i32>} : memref<128x128xf32, #tpu.memory_space<vmem>>, vector<16xf32>,
        tpu.vector_store %arg8[%swap3A_245, %swap3A_246], %mul3A_242 {strides = array<i32>} : memref<128x128xf32, #tpu.memory_space<vmem>>, vector<16xf32>,
        %add3A_248 = arith.constant 1 : i32
        %add3A_249 = arith.addi %add3A_109, %add3A_248 : i32
        %get3A_250 = arith.index_cast %add3A_249 : i32 to index
        %get3A_251 = arith.constant 64 : index
        %get3A_252 = tpu.vector_load %arg8[%get3A_250, %get3A_251] {strides = array<i32>} : memref<128x128xf32, #tpu.memory_space<vmem>>, vector<16xf32>,
        %mul3A_253 = arith.mulf %get3A_252, %broadcast_in_dim3A_203 : vector<16xf32>
        %add3A_254 = arith.constant 1 : i32
        %add3A_255 = arith.addi %add3A_109, %add3A_254 : i32
        %swap3A_256 = arith.index_cast %add3A_255 : i32 to index
        %swap3A_257 = arith.constant 64 : index
        %swap3A_258 = tpu.vector_load %arg8[%swap3A_256, %swap3A_257] {strides = array<i32>} : memref<128x128xf32, #tpu.memory_space<vmem>>, vector<16xf32>,
        tpu.vector_store %arg8[%swap3A_256, %swap3A_257], %mul3A_253 {strides = array<i32>} : memref<128x128xf32, #tpu.memory_space<vmem>>, vector<16xf32>,
        %add3A_259 = arith.constant 1 : i32
        %add3A_260 = arith.addi %add3A_109, %add3A_259 : i32
        %get3A_261 = arith.index_cast %add3A_260 : i32 to index
        %get3A_262 = arith.constant 80 : index
        %get3A_263 = tpu.vector_load %arg8[%get3A_261, %get3A_262] {strides = array<i32>} : memref<128x128xf32, #tpu.memory_space<vmem>>, vector<16xf32>,
        %mul3A_264 = arith.mulf %get3A_263, %broadcast_in_dim3A_203 : vector<16xf32>
        %add3A_265 = arith.constant 1 : i32
        %add3A_266 = arith.addi %add3A_109, %add3A_265 : i32
        %swap3A_267 = arith.index_cast %add3A_266 : i32 to index
        %swap3A_268 = arith.constant 80 : index
        %swap3A_269 = tpu.vector_load %arg8[%swap3A_267, %swap3A_268] {strides = array<i32>} : memref<128x128xf32, #tpu.memory_space<vmem>>, vector<16xf32>,
        tpu.vector_store %arg8[%swap3A_267, %swap3A_268], %mul3A_264 {strides = array<i32>} : memref<128x128xf32, #tpu.memory_space<vmem>>, vector<16xf32>,
        %add3A_270 = arith.constant 1 : i32
        %add3A_271 = arith.addi %add3A_109, %add3A_270 : i32
        %get3A_272 = arith.index_cast %add3A_271 : i32 to index
        %get3A_273 = arith.constant 96 : index
        %get3A_274 = tpu.vector_load %arg8[%get3A_272, %get3A_273] {strides = array<i32>} : memref<128x128xf32, #tpu.memory_space<vmem>>, vector<16xf32>,
        %mul3A_275 = arith.mulf %get3A_274, %broadcast_in_dim3A_203 : vector<16xf32>
        %add3A_276 = arith.constant 1 : i32
        %add3A_277 = arith.addi %add3A_109, %add3A_276 : i32
        %swap3A_278 = arith.index_cast %add3A_277 : i32 to index
        %swap3A_279 = arith.constant 96 : index
        %swap3A_280 = tpu.vector_load %arg8[%swap3A_278, %swap3A_279] {strides = array<i32>} : memref<128x128xf32, #tpu.memory_space<vmem>>, vector<16xf32>,
        tpu.vector_store %arg8[%swap3A_278, %swap3A_279], %mul3A_275 {strides = array<i32>} : memref<128x128xf32, #tpu.memory_space<vmem>>, vector<16xf32>,
        %add3A_281 = arith.constant 1 : i32
        %add3A_282 = arith.addi %add3A_109, %add3A_281 : i32
        %get3A_283 = arith.index_cast %add3A_282 : i32 to index
        %get3A_284 = arith.constant 112 : index
        %get3A_285 = tpu.vector_load %arg8[%get3A_283, %get3A_284] {strides = array<i32>} : memref<128x128xf32, #tpu.memory_space<vmem>>, vector<16xf32>,
        %mul3A_286 = arith.mulf %get3A_285, %broadcast_in_dim3A_203 : vector<16xf32>
        %add3A_287 = arith.constant 1 : i32
        %add3A_288 = arith.addi %add3A_109, %add3A_287 : i32
        %swap3A_289 = arith.index_cast %add3A_288 : i32 to index
        %swap3A_290 = arith.constant 112 : index
        %swap3A_291 = tpu.vector_load %arg8[%swap3A_289, %swap3A_290] {strides = array<i32>} : memref<128x128xf32, #tpu.memory_space<vmem>>, vector<16xf32>,
        tpu.vector_store %arg8[%swap3A_289, %swap3A_290], %mul3A_286 {strides = array<i32>} : memref<128x128xf32, #tpu.memory_space<vmem>>, vector<16xf32>,
        %slice3A_292 = vector.extract_strided_slice %bitcast3A {offsets = [2], sizes = [1], strides = [1]} : vector<16xf32> to vector<1xf32>
        %squeeze3A_293 = vector.extract %slice3A_292[0] : f32 from vector<1xf32>
        %broadcast_in_dim3A_294 = vector.broadcast %squeeze3A_293 : f32 to vector<16xf32>
        %add3A_295 = arith.constant 2 : i32
        %add3A_296 = arith.addi %add3A_109, %add3A_295 : i32
        %get3A_297 = arith.index_cast %add3A_296 : i32 to index
        %get3A_298 = arith.constant 0 : index
        %get3A_299 = tpu.vector_load %arg8[%get3A_297, %get3A_298] {strides = array<i32>} : memref<128x128xf32, #tpu.memory_space<vmem>>, vector<16xf32>,
        %mul3A_300 = arith.mulf %get3A_299, %broadcast_in_dim3A_294 : vector<16xf32>
        %add3A_301 = arith.constant 2 : i32
        %add3A_302 = arith.addi %add3A_109, %add3A_301 : i32
        %swap3A_303 = arith.index_cast %add3A_302 : i32 to index
        %swap3A_304 = arith.constant 0 : index
        %swap3A_305 = tpu.vector_load %arg8[%swap3A_303, %swap3A_304] {strides = array<i32>} : memref<128x128xf32, #tpu.memory_space<vmem>>, vector<16xf32>,
        tpu.vector_store %arg8[%swap3A_303, %swap3A_304], %mul3A_300 {strides = array<i32>} : memref<128x128xf32, #tpu.memory_space<vmem>>, vector<16xf32>,
        %add3A_306 = arith.constant 2 : i32
        %add3A_307 = arith.addi %add3A_109, %add3A_306 : i32
        %get3A_308 = arith.index_cast %add3A_307 : i32 to index
        %get3A_309 = arith.constant 16 : index
        %get3A_310 = tpu.vector_load %arg8[%get3A_308, %get3A_309] {strides = array<i32>} : memref<128x128xf32, #tpu.memory_space<vmem>>, vector<16xf32>,
        %mul3A_311 = arith.mulf %get3A_310, %broadcast_in_dim3A_294 : vector<16xf32>
        %add3A_312 = arith.constant 2 : i32
        %add3A_313 = arith.addi %add3A_109, %add3A_312 : i32
        %swap3A_314 = arith.index_cast %add3A_313 : i32 to index
        %swap3A_315 = arith.constant 16 : index
        %swap3A_316 = tpu.vector_load %arg8[%swap3A_314, %swap3A_315] {strides = array<i32>} : memref<128x128xf32, #tpu.memory_space<vmem>>, vector<16xf32>,
        tpu.vector_store %arg8[%swap3A_314, %swap3A_315], %mul3A_311 {strides = array<i32>} : memref<128x128xf32, #tpu.memory_space<vmem>>, vector<16xf32>,
        %add3A_317 = arith.constant 2 : i32
        %add3A_318 = arith.addi %add3A_109, %add3A_317 : i32
        %get3A_319 = arith.index_cast %add3A_318 : i32 to index
        %get3A_320 = arith.constant 32 : index
        %get3A_321 = tpu.vector_load %arg8[%get3A_319, %get3A_320] {strides = array<i32>} : memref<128x128xf32, #tpu.memory_space<vmem>>, vector<16xf32>,
        %mul3A_322 = arith.mulf %get3A_321, %broadcast_in_dim3A_294 : vector<16xf32>
        %add3A_323 = arith.constant 2 : i32
        %add3A_324 = arith.addi %add3A_109, %add3A_323 : i32
        %swap3A_325 = arith.index_cast %add3A_324 : i32 to index
        %swap3A_326 = arith.constant 32 : index
        %swap3A_327 = tpu.vector_load %arg8[%swap3A_325, %swap3A_326] {strides = array<i32>} : memref<128x128xf32, #tpu.memory_space<vmem>>, vector<16xf32>,
        tpu.vector_store %arg8[%swap3A_325, %swap3A_326], %mul3A_322 {strides = array<i32>} : memref<128x128xf32, #tpu.memory_space<vmem>>, vector<16xf32>,
        %add3A_328 = arith.constant 2 : i32
        %add3A_329 = arith.addi %add3A_109, %add3A_328 : i32
        %get3A_330 = arith.index_cast %add3A_329 : i32 to index
        %get3A_331 = arith.constant 48 : index
        %get3A_332 = tpu.vector_load %arg8[%get3A_330, %get3A_331] {strides = array<i32>} : memref<128x128xf32, #tpu.memory_space<vmem>>, vector<16xf32>,
        %mul3A_333 = arith.mulf %get3A_332, %broadcast_in_dim3A_294 : vector<16xf32>
        %add3A_334 = arith.constant 2 : i32
        %add3A_335 = arith.addi %add3A_109, %add3A_334 : i32
        %swap3A_336 = arith.index_cast %add3A_335 : i32 to index
        %swap3A_337 = arith.constant 48 : index
        %swap3A_338 = tpu.vector_load %arg8[%swap3A_336, %swap3A_337] {strides = array<i32>} : memref<128x128xf32, #tpu.memory_space<vmem>>, vector<16xf32>,
        tpu.vector_store %arg8[%swap3A_336, %swap3A_337], %mul3A_333 {strides = array<i32>} : memref<128x128xf32, #tpu.memory_space<vmem>>, vector<16xf32>,
        %add3A_339 = arith.constant 2 : i32
        %add3A_340 = arith.addi %add3A_109, %add3A_339 : i32
        %get3A_341 = arith.index_cast %add3A_340 : i32 to index
        %get3A_342 = arith.constant 64 : index
        %get3A_343 = tpu.vector_load %arg8[%get3A_341, %get3A_342] {strides = array<i32>} : memref<128x128xf32, #tpu.memory_space<vmem>>, vector<16xf32>,
        %mul3A_344 = arith.mulf %get3A_343, %broadcast_in_dim3A_294 : vector<16xf32>
        %add3A_345 = arith.constant 2 : i32
        %add3A_346 = arith.addi %add3A_109, %add3A_345 : i32
        %swap3A_347 = arith.index_cast %add3A_346 : i32 to index
        %swap3A_348 = arith.constant 64 : index
        %swap3A_349 = tpu.vector_load %arg8[%swap3A_347, %swap3A_348] {strides = array<i32>} : memref<128x128xf32, #tpu.memory_space<vmem>>, vector<16xf32>,
        tpu.vector_store %arg8[%swap3A_347, %swap3A_348], %mul3A_344 {strides = array<i32>} : memref<128x128xf32, #tpu.memory_space<vmem>>, vector<16xf32>,
        %add3A_350 = arith.constant 2 : i32
        %add3A_351 = arith.addi %add3A_109, %add3A_350 : i32
        %get3A_352 = arith.index_cast %add3A_351 : i32 to index
        %get3A_353 = arith.constant 80 : index
        %get3A_354 = tpu.vector_load %arg8[%get3A_352, %get3A_353] {strides = array<i32>} : memref<128x128xf32, #tpu.memory_space<vmem>>, vector<16xf32>,
        %mul3A_355 = arith.mulf %get3A_354, %broadcast_in_dim3A_294 : vector<16xf32>
        %add3A_356 = arith.constant 2 : i32
        %add3A_357 = arith.addi %add3A_109, %add3A_356 : i32
        %swap3A_358 = arith.index_cast %add3A_357 : i32 to index
        %swap3A_359 = arith.constant 80 : index
        %swap3A_360 = tpu.vector_load %arg8[%swap3A_358, %swap3A_359] {strides = array<i32>} : memref<128x128xf32, #tpu.memory_space<vmem>>, vector<16xf32>,
        tpu.vector_store %arg8[%swap3A_358, %swap3A_359], %mul3A_355 {strides = array<i32>} : memref<128x128xf32, #tpu.memory_space<vmem>>, vector<16xf32>,
        %add3A_361 = arith.constant 2 : i32
        %add3A_362 = arith.addi %add3A_109, %add3A_361 : i32
        %get3A_363 = arith.index_cast %add3A_362 : i32 to index
        %get3A_364 = arith.constant 96 : index
        %get3A_365 = tpu.vector_load %arg8[%get3A_363, %get3A_364] {strides = array<i32>} : memref<128x128xf32, #tpu.memory_space<vmem>>, vector<16xf32>,
        %mul3A_366 = arith.mulf %get3A_365, %broadcast_in_dim3A_294 : vector<16xf32>
        %add3A_367 = arith.constant 2 : i32
        %add3A_368 = arith.addi %add3A_109, %add3A_367 : i32
        %swap3A_369 = arith.index_cast %add3A_368 : i32 to index
        %swap3A_370 = arith.constant 96 : index
        %swap3A_371 = tpu.vector_load %arg8[%swap3A_369, %swap3A_370] {strides = array<i32>} : memref<128x128xf32, #tpu.memory_space<vmem>>, vector<16xf32>,
        tpu.vector_store %arg8[%swap3A_369, %swap3A_370], %mul3A_366 {strides = array<i32>} : memref<128x128xf32, #tpu.memory_space<vmem>>, vector<16xf32>,
        %add3A_372 = arith.constant 2 : i32
        %add3A_373 = arith.addi %add3A_109, %add3A_372 : i32
        %get3A_374 = arith.index_cast %add3A_373 : i32 to index
        %get3A_375 = arith.constant 112 : index
        %get3A_376 = tpu.vector_load %arg8[%get3A_374, %get3A_375] {strides = array<i32>} : memref<128x128xf32, #tpu.memory_space<vmem>>, vector<16xf32>,
        %mul3A_377 = arith.mulf %get3A_376, %broadcast_in_dim3A_294 : vector<16xf32>
        %add3A_378 = arith.constant 2 : i32
        %add3A_379 = arith.addi %add3A_109, %add3A_378 : i32
        %swap3A_380 = arith.index_cast %add3A_379 : i32 to index
        %swap3A_381 = arith.constant 112 : index
        %swap3A_382 = tpu.vector_load %arg8[%swap3A_380, %swap3A_381] {strides = array<i32>} : memref<128x128xf32, #tpu.memory_space<vmem>>, vector<16xf32>,
        tpu.vector_store %arg8[%swap3A_380, %swap3A_381], %mul3A_377 {strides = array<i32>} : memref<128x128xf32, #tpu.memory_space<vmem>>, vector<16xf32>,
        %slice3A_383 = vector.extract_strided_slice %bitcast3A {offsets = [3], sizes = [1], strides = [1]} : vector<16xf32> to vector<1xf32>
        %squeeze3A_384 = vector.extract %slice3A_383[0] : f32 from vector<1xf32>
        %broadcast_in_dim3A_385 = vector.broadcast %squeeze3A_384 : f32 to vector<16xf32>
        %add3A_386 = arith.constant 3 : i32
        %add3A_387 = arith.addi %add3A_109, %add3A_386 : i32
        %get3A_388 = arith.index_cast %add3A_387 : i32 to index
        %get3A_389 = arith.constant 0 : index
        %get3A_390 = tpu.vector_load %arg8[%get3A_388, %get3A_389] {strides = array<i32>} : memref<128x128xf32, #tpu.memory_space<vmem>>, vector<16xf32>,
        %mul3A_391 = arith.mulf %get3A_390, %broadcast_in_dim3A_385 : vector<16xf32>
        %add3A_392 = arith.constant 3 : i32
        %add3A_393 = arith.addi %add3A_109, %add3A_392 : i32
        %swap3A_394 = arith.index_cast %add3A_393 : i32 to index
        %swap3A_395 = arith.constant 0 : index
        %swap3A_396 = tpu.vector_load %arg8[%swap3A_394, %swap3A_395] {strides = array<i32>} : memref<128x128xf32, #tpu.memory_space<vmem>>, vector<16xf32>,
        tpu.vector_store %arg8[%swap3A_394, %swap3A_395], %mul3A_391 {strides = array<i32>} : memref<128x128xf32, #tpu.memory_space<vmem>>, vector<16xf32>,
        %add3A_397 = arith.constant 3 : i32
        %add3A_398 = arith.addi %add3A_109, %add3A_397 : i32
        %get3A_399 = arith.index_cast %add3A_398 : i32 to index
        %get3A_400 = arith.constant 16 : index
        %get3A_401 = tpu.vector_load %arg8[%get3A_399, %get3A_400] {strides = array<i32>} : memref<128x128xf32, #tpu.memory_space<vmem>>, vector<16xf32>,
        %mul3A_402 = arith.mulf %get3A_401, %broadcast_in_dim3A_385 : vector<16xf32>
        %add3A_403 = arith.constant 3 : i32
        %add3A_404 = arith.addi %add3A_109, %add3A_403 : i32
        %swap3A_405 = arith.index_cast %add3A_404 : i32 to index
        %swap3A_406 = arith.constant 16 : index
        %swap3A_407 = tpu.vector_load %arg8[%swap3A_405, %swap3A_406] {strides = array<i32>} : memref<128x128xf32, #tpu.memory_space<vmem>>, vector<16xf32>,
        tpu.vector_store %arg8[%swap3A_405, %swap3A_406], %mul3A_402 {strides = array<i32>} : memref<128x128xf32, #tpu.memory_space<vmem>>, vector<16xf32>,
        %add3A_408 = arith.constant 3 : i32
        %add3A_409 = arith.addi %add3A_109, %add3A_408 : i32
        %get3A_410 = arith.index_cast %add3A_409 : i32 to index
        %get3A_411 = arith.constant 32 : index
        %get3A_412 = tpu.vector_load %arg8[%get3A_410, %get3A_411] {strides = array<i32>} : memref<128x128xf32, #tpu.memory_space<vmem>>, vector<16xf32>,
        %mul3A_413 = arith.mulf %get3A_412, %broadcast_in_dim3A_385 : vector<16xf32>
        %add3A_414 = arith.constant 3 : i32
        %add3A_415 = arith.addi %add3A_109, %add3A_414 : i32
        %swap3A_416 = arith.index_cast %add3A_415 : i32 to index
        %swap3A_417 = arith.constant 32 : index
        %swap3A_418 = tpu.vector_load %arg8[%swap3A_416, %swap3A_417] {strides = array<i32>} : memref<128x128xf32, #tpu.memory_space<vmem>>, vector<16xf32>,
        tpu.vector_store %arg8[%swap3A_416, %swap3A_417], %mul3A_413 {strides = array<i32>} : memref<128x128xf32, #tpu.memory_space<vmem>>, vector<16xf32>,
        %add3A_419 = arith.constant 3 : i32
        %add3A_420 = arith.addi %add3A_109, %add3A_419 : i32
        %get3A_421 = arith.index_cast %add3A_420 : i32 to index
        %get3A_422 = arith.constant 48 : index
        %get3A_423 = tpu.vector_load %arg8[%get3A_421, %get3A_422] {strides = array<i32>} : memref<128x128xf32, #tpu.memory_space<vmem>>, vector<16xf32>,
        %mul3A_424 = arith.mulf %get3A_423, %broadcast_in_dim3A_385 : vector<16xf32>
        %add3A_425 = arith.constant 3 : i32
        %add3A_426 = arith.addi %add3A_109, %add3A_425 : i32
        %swap3A_427 = arith.index_cast %add3A_426 : i32 to index
        %swap3A_428 = arith.constant 48 : index
        %swap3A_429 = tpu.vector_load %arg8[%swap3A_427, %swap3A_428] {strides = array<i32>} : memref<128x128xf32, #tpu.memory_space<vmem>>, vector<16xf32>,
        tpu.vector_store %arg8[%swap3A_427, %swap3A_428], %mul3A_424 {strides = array<i32>} : memref<128x128xf32, #tpu.memory_space<vmem>>, vector<16xf32>,
        %add3A_430 = arith.constant 3 : i32
        %add3A_431 = arith.addi %add3A_109, %add3A_430 : i32
        %get3A_432 = arith.index_cast %add3A_431 : i32 to index
        %get3A_433 = arith.constant 64 : index
        %get3A_434 = tpu.vector_load %arg8[%get3A_432, %get3A_433] {strides = array<i32>} : memref<128x128xf32, #tpu.memory_space<vmem>>, vector<16xf32>,
        %mul3A_435 = arith.mulf %get3A_434, %broadcast_in_dim3A_385 : vector<16xf32>
        %add3A_436 = arith.constant 3 : i32
        %add3A_437 = arith.addi %add3A_109, %add3A_436 : i32
        %swap3A_438 = arith.index_cast %add3A_437 : i32 to index
        %swap3A_439 = arith.constant 64 : index
        %swap3A_440 = tpu.vector_load %arg8[%swap3A_438, %swap3A_439] {strides = array<i32>} : memref<128x128xf32, #tpu.memory_space<vmem>>, vector<16xf32>,
        tpu.vector_store %arg8[%swap3A_438, %swap3A_439], %mul3A_435 {strides = array<i32>} : memref<128x128xf32, #tpu.memory_space<vmem>>, vector<16xf32>,
        %add3A_441 = arith.constant 3 : i32
        %add3A_442 = arith.addi %add3A_109, %add3A_441 : i32
        %get3A_443 = arith.index_cast %add3A_442 : i32 to index
        %get3A_444 = arith.constant 80 : index
        %get3A_445 = tpu.vector_load %arg8[%get3A_443, %get3A_444] {strides = array<i32>} : memref<128x128xf32, #tpu.memory_space<vmem>>, vector<16xf32>,
        %mul3A_446 = arith.mulf %get3A_445, %broadcast_in_dim3A_385 : vector<16xf32>
        %add3A_447 = arith.constant 3 : i32
        %add3A_448 = arith.addi %add3A_109, %add3A_447 : i32
        %swap3A_449 = arith.index_cast %add3A_448 : i32 to index
        %swap3A_450 = arith.constant 80 : index
        %swap3A_451 = tpu.vector_load %arg8[%swap3A_449, %swap3A_450] {strides = array<i32>} : memref<128x128xf32, #tpu.memory_space<vmem>>, vector<16xf32>,
        tpu.vector_store %arg8[%swap3A_449, %swap3A_450], %mul3A_446 {strides = array<i32>} : memref<128x128xf32, #tpu.memory_space<vmem>>, vector<16xf32>,
        %add3A_452 = arith.constant 3 : i32
        %add3A_453 = arith.addi %add3A_109, %add3A_452 : i32
        %get3A_454 = arith.index_cast %add3A_453 : i32 to index
        %get3A_455 = arith.constant 96 : index
        %get3A_456 = tpu.vector_load %arg8[%get3A_454, %get3A_455] {strides = array<i32>} : memref<128x128xf32, #tpu.memory_space<vmem>>, vector<16xf32>,
        %mul3A_457 = arith.mulf %get3A_456, %broadcast_in_dim3A_385 : vector<16xf32>
        %add3A_458 = arith.constant 3 : i32
        %add3A_459 = arith.addi %add3A_109, %add3A_458 : i32
        %swap3A_460 = arith.index_cast %add3A_459 : i32 to index
        %swap3A_461 = arith.constant 96 : index
        %swap3A_462 = tpu.vector_load %arg8[%swap3A_460, %swap3A_461] {strides = array<i32>} : memref<128x128xf32, #tpu.memory_space<vmem>>, vector<16xf32>,
        tpu.vector_store %arg8[%swap3A_460, %swap3A_461], %mul3A_457 {strides = array<i32>} : memref<128x128xf32, #tpu.memory_space<vmem>>, vector<16xf32>,
        %add3A_463 = arith.constant 3 : i32
        %add3A_464 = arith.addi %add3A_109, %add3A_463 : i32
        %get3A_465 = arith.index_cast %add3A_464 : i32 to index
        %get3A_466 = arith.constant 112 : index
        %get3A_467 = tpu.vector_load %arg8[%get3A_465, %get3A_466] {strides = array<i32>} : memref<128x128xf32, #tpu.memory_space<vmem>>, vector<16xf32>,
        %mul3A_468 = arith.mulf %get3A_467, %broadcast_in_dim3A_385 : vector<16xf32>
        %add3A_469 = arith.constant 3 : i32
        %add3A_470 = arith.addi %add3A_109, %add3A_469 : i32
        %swap3A_471 = arith.index_cast %add3A_470 : i32 to index
        %swap3A_472 = arith.constant 112 : index
        %swap3A_473 = tpu.vector_load %arg8[%swap3A_471, %swap3A_472] {strides = array<i32>} : memref<128x128xf32, #tpu.memory_space<vmem>>, vector<16xf32>,
        tpu.vector_store %arg8[%swap3A_471, %swap3A_472], %mul3A_468 {strides = array<i32>} : memref<128x128xf32, #tpu.memory_space<vmem>>, vector<16xf32>,
        %slice3A_474 = vector.extract_strided_slice %bitcast3A {offsets = [4], sizes = [1], strides = [1]} : vector<16xf32> to vector<1xf32>
        %squeeze3A_475 = vector.extract %slice3A_474[0] : f32 from vector<1xf32>
        %broadcast_in_dim3A_476 = vector.broadcast %squeeze3A_475 : f32 to vector<16xf32>
        %add3A_477 = arith.constant 4 : i32
        %add3A_478 = arith.addi %add3A_109, %add3A_477 : i32
        %get3A_479 = arith.index_cast %add3A_478 : i32 to index
        %get3A_480 = arith.constant 0 : index
        %get3A_481 = tpu.vector_load %arg8[%get3A_479, %get3A_480] {strides = array<i32>} : memref<128x128xf32, #tpu.memory_space<vmem>>, vector<16xf32>,
        %mul3A_482 = arith.mulf %get3A_481, %broadcast_in_dim3A_476 : vector<16xf32>
        %add3A_483 = arith.constant 4 : i32
        %add3A_484 = arith.addi %add3A_109, %add3A_483 : i32
        %swap3A_485 = arith.index_cast %add3A_484 : i32 to index
        %swap3A_486 = arith.constant 0 : index
        %swap3A_487 = tpu.vector_load %arg8[%swap3A_485, %swap3A_486] {strides = array<i32>} : memref<128x128xf32, #tpu.memory_space<vmem>>, vector<16xf32>,
        tpu.vector_store %arg8[%swap3A_485, %swap3A_486], %mul3A_482 {strides = array<i32>} : memref<128x128xf32, #tpu.memory_space<vmem>>, vector<16xf32>,
        %add3A_488 = arith.constant 4 : i32
        %add3A_489 = arith.addi %add3A_109, %add3A_488 : i32
        %get3A_490 = arith.index_cast %add3A_489 : i32 to index
        %get3A_491 = arith.constant 16 : index
        %get3A_492 = tpu.vector_load %arg8[%get3A_490, %get3A_491] {strides = array<i32>} : memref<128x128xf32, #tpu.memory_space<vmem>>, vector<16xf32>,
        %mul3A_493 = arith.mulf %get3A_492, %broadcast_in_dim3A_476 : vector<16xf32>
        %add3A_494 = arith.constant 4 : i32
        %add3A_495 = arith.addi %add3A_109, %add3A_494 : i32
        %swap3A_496 = arith.index_cast %add3A_495 : i32 to index
        %swap3A_497 = arith.constant 16 : index
        %swap3A_498 = tpu.vector_load %arg8[%swap3A_496, %swap3A_497] {strides = array<i32>} : memref<128x128xf32, #tpu.memory_space<vmem>>, vector<16xf32>,
        tpu.vector_store %arg8[%swap3A_496, %swap3A_497], %mul3A_493 {strides = array<i32>} : memref<128x128xf32, #tpu.memory_space<vmem>>, vector<16xf32>,
        %add3A_499 = arith.constant 4 : i32
        %add3A_500 = arith.addi %add3A_109, %add3A_499 : i32
        %get3A_501 = arith.index_cast %add3A_500 : i32 to index
        %get3A_502 = arith.constant 32 : index
        %get3A_503 = tpu.vector_load %arg8[%get3A_501, %get3A_502] {strides = array<i32>} : memref<128x128xf32, #tpu.memory_space<vmem>>, vector<16xf32>,
        %mul3A_504 = arith.mulf %get3A_503, %broadcast_in_dim3A_476 : vector<16xf32>
        %add3A_505 = arith.constant 4 : i32
        %add3A_506 = arith.addi %add3A_109, %add3A_505 : i32
        %swap3A_507 = arith.index_cast %add3A_506 : i32 to index
        %swap3A_508 = arith.constant 32 : index
        %swap3A_509 = tpu.vector_load %arg8[%swap3A_507, %swap3A_508] {strides = array<i32>} : memref<128x128xf32, #tpu.memory_space<vmem>>, vector<16xf32>,
        tpu.vector_store %arg8[%swap3A_507, %swap3A_508], %mul3A_504 {strides = array<i32>} : memref<128x128xf32, #tpu.memory_space<vmem>>, vector<16xf32>,
        %add3A_510 = arith.constant 4 : i32
        %add3A_511 = arith.addi %add3A_109, %add3A_510 : i32
        %get3A_512 = arith.index_cast %add3A_511 : i32 to index
        %get3A_513 = arith.constant 48 : index
        %get3A_514 = tpu.vector_load %arg8[%get3A_512, %get3A_513] {strides = array<i32>} : memref<128x128xf32, #tpu.memory_space<vmem>>, vector<16xf32>,
        %mul3A_515 = arith.mulf %get3A_514, %broadcast_in_dim3A_476 : vector<16xf32>
        %add3A_516 = arith.constant 4 : i32
        %add3A_517 = arith.addi %add3A_109, %add3A_516 : i32
        %swap3A_518 = arith.index_cast %add3A_517 : i32 to index
        %swap3A_519 = arith.constant 48 : index
        %swap3A_520 = tpu.vector_load %arg8[%swap3A_518, %swap3A_519] {strides = array<i32>} : memref<128x128xf32, #tpu.memory_space<vmem>>, vector<16xf32>,
        tpu.vector_store %arg8[%swap3A_518, %swap3A_519], %mul3A_515 {strides = array<i32>} : memref<128x128xf32, #tpu.memory_space<vmem>>, vector<16xf32>,
        %add3A_521 = arith.constant 4 : i32
        %add3A_522 = arith.addi %add3A_109, %add3A_521 : i32
        %get3A_523 = arith.index_cast %add3A_522 : i32 to index
        %get3A_524 = arith.constant 64 : index
        %get3A_525 = tpu.vector_load %arg8[%get3A_523, %get3A_524] {strides = array<i32>} : memref<128x128xf32, #tpu.memory_space<vmem>>, vector<16xf32>,
        %mul3A_526 = arith.mulf %get3A_525, %broadcast_in_dim3A_476 : vector<16xf32>
        %add3A_527 = arith.constant 4 : i32
        %add3A_528 = arith.addi %add3A_109, %add3A_527 : i32
        %swap3A_529 = arith.index_cast %add3A_528 : i32 to index
        %swap3A_530 = arith.constant 64 : index
        %swap3A_531 = tpu.vector_load %arg8[%swap3A_529, %swap3A_530] {strides = array<i32>} : memref<128x128xf32, #tpu.memory_space<vmem>>, vector<16xf32>,
        tpu.vector_store %arg8[%swap3A_529, %swap3A_530], %mul3A_526 {strides = array<i32>} : memref<128x128xf32, #tpu.memory_space<vmem>>, vector<16xf32>,
        %add3A_532 = arith.constant 4 : i32
        %add3A_533 = arith.addi %add3A_109, %add3A_532 : i32
        %get3A_534 = arith.index_cast %add3A_533 : i32 to index
        %get3A_535 = arith.constant 80 : index
        %get3A_536 = tpu.vector_load %arg8[%get3A_534, %get3A_535] {strides = array<i32>} : memref<128x128xf32, #tpu.memory_space<vmem>>, vector<16xf32>,
        %mul3A_537 = arith.mulf %get3A_536, %broadcast_in_dim3A_476 : vector<16xf32>
        %add3A_538 = arith.constant 4 : i32
        %add3A_539 = arith.addi %add3A_109, %add3A_538 : i32
        %swap3A_540 = arith.index_cast %add3A_539 : i32 to index
        %swap3A_541 = arith.constant 80 : index
        %swap3A_542 = tpu.vector_load %arg8[%swap3A_540, %swap3A_541] {strides = array<i32>} : memref<128x128xf32, #tpu.memory_space<vmem>>, vector<16xf32>,
        tpu.vector_store %arg8[%swap3A_540, %swap3A_541], %mul3A_537 {strides = array<i32>} : memref<128x128xf32, #tpu.memory_space<vmem>>, vector<16xf32>,
        %add3A_543 = arith.constant 4 : i32
        %add3A_544 = arith.addi %add3A_109, %add3A_543 : i32
        %get3A_545 = arith.index_cast %add3A_544 : i32 to index
        %get3A_546 = arith.constant 96 : index
        %get3A_547 = tpu.vector_load %arg8[%get3A_545, %get3A_546] {strides = array<i32>} : memref<128x128xf32, #tpu.memory_space<vmem>>, vector<16xf32>,
        %mul3A_548 = arith.mulf %get3A_547, %broadcast_in_dim3A_476 : vector<16xf32>
        %add3A_549 = arith.constant 4 : i32
        %add3A_550 = arith.addi %add3A_109, %add3A_549 : i32
        %swap3A_551 = arith.index_cast %add3A_550 : i32 to index
        %swap3A_552 = arith.constant 96 : index
        %swap3A_553 = tpu.vector_load %arg8[%swap3A_551, %swap3A_552] {strides = array<i32>} : memref<128x128xf32, #tpu.memory_space<vmem>>, vector<16xf32>,
        tpu.vector_store %arg8[%swap3A_551, %swap3A_552], %mul3A_548 {strides = array<i32>} : memref<128x128xf32, #tpu.memory_space<vmem>>, vector<16xf32>,
        %add3A_554 = arith.constant 4 : i32
        %add3A_555 = arith.addi %add3A_109, %add3A_554 : i32
        %get3A_556 = arith.index_cast %add3A_555 : i32 to index
        %get3A_557 = arith.constant 112 : index
        %get3A_558 = tpu.vector_load %arg8[%get3A_556, %get3A_557] {strides = array<i32>} : memref<128x128xf32, #tpu.memory_space<vmem>>, vector<16xf32>,
        %mul3A_559 = arith.mulf %get3A_558, %broadcast_in_dim3A_476 : vector<16xf32>
        %add3A_560 = arith.constant 4 : i32
        %add3A_561 = arith.addi %add3A_109, %add3A_560 : i32
        %swap3A_562 = arith.index_cast %add3A_561 : i32 to index
        %swap3A_563 = arith.constant 112 : index
        %swap3A_564 = tpu.vector_load %arg8[%swap3A_562, %swap3A_563] {strides = array<i32>} : memref<128x128xf32, #tpu.memory_space<vmem>>, vector<16xf32>,
        tpu.vector_store %arg8[%swap3A_562, %swap3A_563], %mul3A_559 {strides = array<i32>} : memref<128x128xf32, #tpu.memory_space<vmem>>, vector<16xf32>,
        %slice3A_565 = vector.extract_strided_slice %bitcast3A {offsets = [5], sizes = [1], strides = [1]} : vector<16xf32> to vector<1xf32>
        %squeeze3A_566 = vector.extract %slice3A_565[0] : f32 from vector<1xf32>
        %broadcast_in_dim3A_567 = vector.broadcast %squeeze3A_566 : f32 to vector<16xf32>
        %add3A_568 = arith.constant 5 : i32
        %add3A_569 = arith.addi %add3A_109, %add3A_568 : i32
        %get3A_570 = arith.index_cast %add3A_569 : i32 to index
        %get3A_571 = arith.constant 0 : index
        %get3A_572 = tpu.vector_load %arg8[%get3A_570, %get3A_571] {strides = array<i32>} : memref<128x128xf32, #tpu.memory_space<vmem>>, vector<16xf32>,
        %mul3A_573 = arith.mulf %get3A_572, %broadcast_in_dim3A_567 : vector<16xf32>
        %add3A_574 = arith.constant 5 : i32
        %add3A_575 = arith.addi %add3A_109, %add3A_574 : i32
        %swap3A_576 = arith.index_cast %add3A_575 : i32 to index
        %swap3A_577 = arith.constant 0 : index
        %swap3A_578 = tpu.vector_load %arg8[%swap3A_576, %swap3A_577] {strides = array<i32>} : memref<128x128xf32, #tpu.memory_space<vmem>>, vector<16xf32>,
        tpu.vector_store %arg8[%swap3A_576, %swap3A_577], %mul3A_573 {strides = array<i32>} : memref<128x128xf32, #tpu.memory_space<vmem>>, vector<16xf32>,
        %add3A_579 = arith.constant 5 : i32
        %add3A_580 = arith.addi %add3A_109, %add3A_579 : i32
        %get3A_581 = arith.index_cast %add3A_580 : i32 to index
        %get3A_582 = arith.constant 16 : index
        %get3A_583 = tpu.vector_load %arg8[%get3A_581, %get3A_582] {strides = array<i32>} : memref<128x128xf32, #tpu.memory_space<vmem>>, vector<16xf32>,
        %mul3A_584 = arith.mulf %get3A_583, %broadcast_in_dim3A_567 : vector<16xf32>
        %add3A_585 = arith.constant 5 : i32
        %add3A_586 = arith.addi %add3A_109, %add3A_585 : i32
        %swap3A_587 = arith.index_cast %add3A_586 : i32 to index
        %swap3A_588 = arith.constant 16 : index
        %swap3A_589 = tpu.vector_load %arg8[%swap3A_587, %swap3A_588] {strides = array<i32>} : memref<128x128xf32, #tpu.memory_space<vmem>>, vector<16xf32>,
        tpu.vector_store %arg8[%swap3A_587, %swap3A_588], %mul3A_584 {strides = array<i32>} : memref<128x128xf32, #tpu.memory_space<vmem>>, vector<16xf32>,
        %add3A_590 = arith.constant 5 : i32
        %add3A_591 = arith.addi %add3A_109, %add3A_590 : i32
        %get3A_592 = arith.index_cast %add3A_591 : i32 to index
        %get3A_593 = arith.constant 32 : index
        %get3A_594 = tpu.vector_load %arg8[%get3A_592, %get3A_593] {strides = array<i32>} : memref<128x128xf32, #tpu.memory_space<vmem>>, vector<16xf32>,
        %mul3A_595 = arith.mulf %get3A_594, %broadcast_in_dim3A_567 : vector<16xf32>
        %add3A_596 = arith.constant 5 : i32
        %add3A_597 = arith.addi %add3A_109, %add3A_596 : i32
        %swap3A_598 = arith.index_cast %add3A_597 : i32 to index
        %swap3A_599 = arith.constant 32 : index
        %swap3A_600 = tpu.vector_load %arg8[%swap3A_598, %swap3A_599] {strides = array<i32>} : memref<128x128xf32, #tpu.memory_space<vmem>>, vector<16xf32>,
        tpu.vector_store %arg8[%swap3A_598, %swap3A_599], %mul3A_595 {strides = array<i32>} : memref<128x128xf32, #tpu.memory_space<vmem>>, vector<16xf32>,
        %add3A_601 = arith.constant 5 : i32
        %add3A_602 = arith.addi %add3A_109, %add3A_601 : i32
        %get3A_603 = arith.index_cast %add3A_602 : i32 to index
        %get3A_604 = arith.constant 48 : index
        %get3A_605 = tpu.vector_load %arg8[%get3A_603, %get3A_604] {strides = array<i32>} : memref<128x128xf32, #tpu.memory_space<vmem>>, vector<16xf32>,
        %mul3A_606 = arith.mulf %get3A_605, %broadcast_in_dim3A_567 : vector<16xf32>
        %add3A_607 = arith.constant 5 : i32
        %add3A_608 = arith.addi %add3A_109, %add3A_607 : i32
        %swap3A_609 = arith.index_cast %add3A_608 : i32 to index
        %swap3A_610 = arith.constant 48 : index
        %swap3A_611 = tpu.vector_load %arg8[%swap3A_609, %swap3A_610] {strides = array<i32>} : memref<128x128xf32, #tpu.memory_space<vmem>>, vector<16xf32>,
        tpu.vector_store %arg8[%swap3A_609, %swap3A_610], %mul3A_606 {strides = array<i32>} : memref<128x128xf32, #tpu.memory_space<vmem>>, vector<16xf32>,
        %add3A_612 = arith.constant 5 : i32
        %add3A_613 = arith.addi %add3A_109, %add3A_612 : i32
        %get3A_614 = arith.index_cast %add3A_613 : i32 to index
        %get3A_615 = arith.constant 64 : index
        %get3A_616 = tpu.vector_load %arg8[%get3A_614, %get3A_615] {strides = array<i32>} : memref<128x128xf32, #tpu.memory_space<vmem>>, vector<16xf32>,
        %mul3A_617 = arith.mulf %get3A_616, %broadcast_in_dim3A_567 : vector<16xf32>
        %add3A_618 = arith.constant 5 : i32
        %add3A_619 = arith.addi %add3A_109, %add3A_618 : i32
        %swap3A_620 = arith.index_cast %add3A_619 : i32 to index
        %swap3A_621 = arith.constant 64 : index
        %swap3A_622 = tpu.vector_load %arg8[%swap3A_620, %swap3A_621] {strides = array<i32>} : memref<128x128xf32, #tpu.memory_space<vmem>>, vector<16xf32>,
        tpu.vector_store %arg8[%swap3A_620, %swap3A_621], %mul3A_617 {strides = array<i32>} : memref<128x128xf32, #tpu.memory_space<vmem>>, vector<16xf32>,
        %add3A_623 = arith.constant 5 : i32
        %add3A_624 = arith.addi %add3A_109, %add3A_623 : i32
        %get3A_625 = arith.index_cast %add3A_624 : i32 to index
        %get3A_626 = arith.constant 80 : index
        %get3A_627 = tpu.vector_load %arg8[%get3A_625, %get3A_626] {strides = array<i32>} : memref<128x128xf32, #tpu.memory_space<vmem>>, vector<16xf32>,
        %mul3A_628 = arith.mulf %get3A_627, %broadcast_in_dim3A_567 : vector<16xf32>
        %add3A_629 = arith.constant 5 : i32
        %add3A_630 = arith.addi %add3A_109, %add3A_629 : i32
        %swap3A_631 = arith.index_cast %add3A_630 : i32 to index
        %swap3A_632 = arith.constant 80 : index
        %swap3A_633 = tpu.vector_load %arg8[%swap3A_631, %swap3A_632] {strides = array<i32>} : memref<128x128xf32, #tpu.memory_space<vmem>>, vector<16xf32>,
        tpu.vector_store %arg8[%swap3A_631, %swap3A_632], %mul3A_628 {strides = array<i32>} : memref<128x128xf32, #tpu.memory_space<vmem>>, vector<16xf32>,
        %add3A_634 = arith.constant 5 : i32
        %add3A_635 = arith.addi %add3A_109, %add3A_634 : i32
        %get3A_636 = arith.index_cast %add3A_635 : i32 to index
        %get3A_637 = arith.constant 96 : index
        %get3A_638 = tpu.vector_load %arg8[%get3A_636, %get3A_637] {strides = array<i32>} : memref<128x128xf32, #tpu.memory_space<vmem>>, vector<16xf32>,
        %mul3A_639 = arith.mulf %get3A_638, %broadcast_in_dim3A_567 : vector<16xf32>
        %add3A_640 = arith.constant 5 : i32
        %add3A_641 = arith.addi %add3A_109, %add3A_640 : i32
        %swap3A_642 = arith.index_cast %add3A_641 : i32 to index
        %swap3A_643 = arith.constant 96 : index
        %swap3A_644 = tpu.vector_load %arg8[%swap3A_642, %swap3A_643] {strides = array<i32>} : memref<128x128xf32, #tpu.memory_space<vmem>>, vector<16xf32>,
        tpu.vector_store %arg8[%swap3A_642, %swap3A_643], %mul3A_639 {strides = array<i32>} : memref<128x128xf32, #tpu.memory_space<vmem>>, vector<16xf32>,
        %add3A_645 = arith.constant 5 : i32
        %add3A_646 = arith.addi %add3A_109, %add3A_645 : i32
        %get3A_647 = arith.index_cast %add3A_646 : i32 to index
        %get3A_648 = arith.constant 112 : index
        %get3A_649 = tpu.vector_load %arg8[%get3A_647, %get3A_648] {strides = array<i32>} : memref<128x128xf32, #tpu.memory_space<vmem>>, vector<16xf32>,
        %mul3A_650 = arith.mulf %get3A_649, %broadcast_in_dim3A_567 : vector<16xf32>
        %add3A_651 = arith.constant 5 : i32
        %add3A_652 = arith.addi %add3A_109, %add3A_651 : i32
        %swap3A_653 = arith.index_cast %add3A_652 : i32 to index
        %swap3A_654 = arith.constant 112 : index
        %swap3A_655 = tpu.vector_load %arg8[%swap3A_653, %swap3A_654] {strides = array<i32>} : memref<128x128xf32, #tpu.memory_space<vmem>>, vector<16xf32>,
        tpu.vector_store %arg8[%swap3A_653, %swap3A_654], %mul3A_650 {strides = array<i32>} : memref<128x128xf32, #tpu.memory_space<vmem>>, vector<16xf32>,
        %slice3A_656 = vector.extract_strided_slice %bitcast3A {offsets = [6], sizes = [1], strides = [1]} : vector<16xf32> to vector<1xf32>
        %squeeze3A_657 = vector.extract %slice3A_656[0] : f32 from vector<1xf32>
        %broadcast_in_dim3A_658 = vector.broadcast %squeeze3A_657 : f32 to vector<16xf32>
        %add3A_659 = arith.constant 6 : i32
        %add3A_660 = arith.addi %add3A_109, %add3A_659 : i32
        %get3A_661 = arith.index_cast %add3A_660 : i32 to index
        %get3A_662 = arith.constant 0 : index
        %get3A_663 = tpu.vector_load %arg8[%get3A_661, %get3A_662] {strides = array<i32>} : memref<128x128xf32, #tpu.memory_space<vmem>>, vector<16xf32>,
        %mul3A_664 = arith.mulf %get3A_663, %broadcast_in_dim3A_658 : vector<16xf32>
        %add3A_665 = arith.constant 6 : i32
        %add3A_666 = arith.addi %add3A_109, %add3A_665 : i32
        %swap3A_667 = arith.index_cast %add3A_666 : i32 to index
        %swap3A_668 = arith.constant 0 : index
        %swap3A_669 = tpu.vector_load %arg8[%swap3A_667, %swap3A_668] {strides = array<i32>} : memref<128x128xf32, #tpu.memory_space<vmem>>, vector<16xf32>,
        tpu.vector_store %arg8[%swap3A_667, %swap3A_668], %mul3A_664 {strides = array<i32>} : memref<128x128xf32, #tpu.memory_space<vmem>>, vector<16xf32>,
        %add3A_670 = arith.constant 6 : i32
        %add3A_671 = arith.addi %add3A_109, %add3A_670 : i32
        %get3A_672 = arith.index_cast %add3A_671 : i32 to index
        %get3A_673 = arith.constant 16 : index
        %get3A_674 = tpu.vector_load %arg8[%get3A_672, %get3A_673] {strides = array<i32>} : memref<128x128xf32, #tpu.memory_space<vmem>>, vector<16xf32>,
        %mul3A_675 = arith.mulf %get3A_674, %broadcast_in_dim3A_658 : vector<16xf32>
        %add3A_676 = arith.constant 6 : i32
        %add3A_677 = arith.addi %add3A_109, %add3A_676 : i32
        %swap3A_678 = arith.index_cast %add3A_677 : i32 to index
        %swap3A_679 = arith.constant 16 : index
        %swap3A_680 = tpu.vector_load %arg8[%swap3A_678, %swap3A_679] {strides = array<i32>} : memref<128x128xf32, #tpu.memory_space<vmem>>, vector<16xf32>,
        tpu.vector_store %arg8[%swap3A_678, %swap3A_679], %mul3A_675 {strides = array<i32>} : memref<128x128xf32, #tpu.memory_space<vmem>>, vector<16xf32>,
        %add3A_681 = arith.constant 6 : i32
        %add3A_682 = arith.addi %add3A_109, %add3A_681 : i32
        %get3A_683 = arith.index_cast %add3A_682 : i32 to index
        %get3A_684 = arith.constant 32 : index
        %get3A_685 = tpu.vector_load %arg8[%get3A_683, %get3A_684] {strides = array<i32>} : memref<128x128xf32, #tpu.memory_space<vmem>>, vector<16xf32>,
        %mul3A_686 = arith.mulf %get3A_685, %broadcast_in_dim3A_658 : vector<16xf32>
        %add3A_687 = arith.constant 6 : i32
        %add3A_688 = arith.addi %add3A_109, %add3A_687 : i32
        %swap3A_689 = arith.index_cast %add3A_688 : i32 to index
        %swap3A_690 = arith.constant 32 : index
        %swap3A_691 = tpu.vector_load %arg8[%swap3A_689, %swap3A_690] {strides = array<i32>} : memref<128x128xf32, #tpu.memory_space<vmem>>, vector<16xf32>,
        tpu.vector_store %arg8[%swap3A_689, %swap3A_690], %mul3A_686 {strides = array<i32>} : memref<128x128xf32, #tpu.memory_space<vmem>>, vector<16xf32>,
        %add3A_692 = arith.constant 6 : i32
        %add3A_693 = arith.addi %add3A_109, %add3A_692 : i32
        %get3A_694 = arith.index_cast %add3A_693 : i32 to index
        %get3A_695 = arith.constant 48 : index
        %get3A_696 = tpu.vector_load %arg8[%get3A_694, %get3A_695] {strides = array<i32>} : memref<128x128xf32, #tpu.memory_space<vmem>>, vector<16xf32>,
        %mul3A_697 = arith.mulf %get3A_696, %broadcast_in_dim3A_658 : vector<16xf32>
        %add3A_698 = arith.constant 6 : i32
        %add3A_699 = arith.addi %add3A_109, %add3A_698 : i32
        %swap3A_700 = arith.index_cast %add3A_699 : i32 to index
        %swap3A_701 = arith.constant 48 : index
        %swap3A_702 = tpu.vector_load %arg8[%swap3A_700, %swap3A_701] {strides = array<i32>} : memref<128x128xf32, #tpu.memory_space<vmem>>, vector<16xf32>,
        tpu.vector_store %arg8[%swap3A_700, %swap3A_701], %mul3A_697 {strides = array<i32>} : memref<128x128xf32, #tpu.memory_space<vmem>>, vector<16xf32>,
        %add3A_703 = arith.constant 6 : i32
        %add3A_704 = arith.addi %add3A_109, %add3A_703 : i32
        %get3A_705 = arith.index_cast %add3A_704 : i32 to index
        %get3A_706 = arith.constant 64 : index
        %get3A_707 = tpu.vector_load %arg8[%get3A_705, %get3A_706] {strides = array<i32>} : memref<128x128xf32, #tpu.memory_space<vmem>>, vector<16xf32>,
        %mul3A_708 = arith.mulf %get3A_707, %broadcast_in_dim3A_658 : vector<16xf32>
        %add3A_709 = arith.constant 6 : i32
        %add3A_710 = arith.addi %add3A_109, %add3A_709 : i32
        %swap3A_711 = arith.index_cast %add3A_710 : i32 to index
        %swap3A_712 = arith.constant 64 : index
        %swap3A_713 = tpu.vector_load %arg8[%swap3A_711, %swap3A_712] {strides = array<i32>} : memref<128x128xf32, #tpu.memory_space<vmem>>, vector<16xf32>,
        tpu.vector_store %arg8[%swap3A_711, %swap3A_712], %mul3A_708 {strides = array<i32>} : memref<128x128xf32, #tpu.memory_space<vmem>>, vector<16xf32>,
        %add3A_714 = arith.constant 6 : i32
        %add3A_715 = arith.addi %add3A_109, %add3A_714 : i32
        %get3A_716 = arith.index_cast %add3A_715 : i32 to index
        %get3A_717 = arith.constant 80 : index
        %get3A_718 = tpu.vector_load %arg8[%get3A_716, %get3A_717] {strides = array<i32>} : memref<128x128xf32, #tpu.memory_space<vmem>>, vector<16xf32>,
        %mul3A_719 = arith.mulf %get3A_718, %broadcast_in_dim3A_658 : vector<16xf32>
        %add3A_720 = arith.constant 6 : i32
        %add3A_721 = arith.addi %add3A_109, %add3A_720 : i32
        %swap3A_722 = arith.index_cast %add3A_721 : i32 to index
        %swap3A_723 = arith.constant 80 : index
        %swap3A_724 = tpu.vector_load %arg8[%swap3A_722, %swap3A_723] {strides = array<i32>} : memref<128x128xf32, #tpu.memory_space<vmem>>, vector<16xf32>,
        tpu.vector_store %arg8[%swap3A_722, %swap3A_723], %mul3A_719 {strides = array<i32>} : memref<128x128xf32, #tpu.memory_space<vmem>>, vector<16xf32>,
        %add3A_725 = arith.constant 6 : i32
        %add3A_726 = arith.addi %add3A_109, %add3A_725 : i32
        %get3A_727 = arith.index_cast %add3A_726 : i32 to index
        %get3A_728 = arith.constant 96 : index
        %get3A_729 = tpu.vector_load %arg8[%get3A_727, %get3A_728] {strides = array<i32>} : memref<128x128xf32, #tpu.memory_space<vmem>>, vector<16xf32>,
        %mul3A_730 = arith.mulf %get3A_729, %broadcast_in_dim3A_658 : vector<16xf32>
        %add3A_731 = arith.constant 6 : i32
        %add3A_732 = arith.addi %add3A_109, %add3A_731 : i32
        %swap3A_733 = arith.index_cast %add3A_732 : i32 to index
        %swap3A_734 = arith.constant 96 : index
        %swap3A_735 = tpu.vector_load %arg8[%swap3A_733, %swap3A_734] {strides = array<i32>} : memref<128x128xf32, #tpu.memory_space<vmem>>, vector<16xf32>,
        tpu.vector_store %arg8[%swap3A_733, %swap3A_734], %mul3A_730 {strides = array<i32>} : memref<128x128xf32, #tpu.memory_space<vmem>>, vector<16xf32>,
        %add3A_736 = arith.constant 6 : i32
        %add3A_737 = arith.addi %add3A_109, %add3A_736 : i32
        %get3A_738 = arith.index_cast %add3A_737 : i32 to index
        %get3A_739 = arith.constant 112 : index
        %get3A_740 = tpu.vector_load %arg8[%get3A_738, %get3A_739] {strides = array<i32>} : memref<128x128xf32, #tpu.memory_space<vmem>>, vector<16xf32>,
        %mul3A_741 = arith.mulf %get3A_740, %broadcast_in_dim3A_658 : vector<16xf32>
        %add3A_742 = arith.constant 6 : i32
        %add3A_743 = arith.addi %add3A_109, %add3A_742 : i32
        %swap3A_744 = arith.index_cast %add3A_743 : i32 to index
        %swap3A_745 = arith.constant 112 : index
        %swap3A_746 = tpu.vector_load %arg8[%swap3A_744, %swap3A_745] {strides = array<i32>} : memref<128x128xf32, #tpu.memory_space<vmem>>, vector<16xf32>,
        tpu.vector_store %arg8[%swap3A_744, %swap3A_745], %mul3A_741 {strides = array<i32>} : memref<128x128xf32, #tpu.memory_space<vmem>>, vector<16xf32>,
        %slice3A_747 = vector.extract_strided_slice %bitcast3A {offsets = [7], sizes = [1], strides = [1]} : vector<16xf32> to vector<1xf32>
        %squeeze3A_748 = vector.extract %slice3A_747[0] : f32 from vector<1xf32>
        %broadcast_in_dim3A_749 = vector.broadcast %squeeze3A_748 : f32 to vector<16xf32>
        %add3A_750 = arith.constant 7 : i32
        %add3A_751 = arith.addi %add3A_109, %add3A_750 : i32
        %get3A_752 = arith.index_cast %add3A_751 : i32 to index
        %get3A_753 = arith.constant 0 : index
        %get3A_754 = tpu.vector_load %arg8[%get3A_752, %get3A_753] {strides = array<i32>} : memref<128x128xf32, #tpu.memory_space<vmem>>, vector<16xf32>,
        %mul3A_755 = arith.mulf %get3A_754, %broadcast_in_dim3A_749 : vector<16xf32>
        %add3A_756 = arith.constant 7 : i32
        %add3A_757 = arith.addi %add3A_109, %add3A_756 : i32
        %swap3A_758 = arith.index_cast %add3A_757 : i32 to index
        %swap3A_759 = arith.constant 0 : index
        %swap3A_760 = tpu.vector_load %arg8[%swap3A_758, %swap3A_759] {strides = array<i32>} : memref<128x128xf32, #tpu.memory_space<vmem>>, vector<16xf32>,
        tpu.vector_store %arg8[%swap3A_758, %swap3A_759], %mul3A_755 {strides = array<i32>} : memref<128x128xf32, #tpu.memory_space<vmem>>, vector<16xf32>,
        %add3A_761 = arith.constant 7 : i32
        %add3A_762 = arith.addi %add3A_109, %add3A_761 : i32
        %get3A_763 = arith.index_cast %add3A_762 : i32 to index
        %get3A_764 = arith.constant 16 : index
        %get3A_765 = tpu.vector_load %arg8[%get3A_763, %get3A_764] {strides = array<i32>} : memref<128x128xf32, #tpu.memory_space<vmem>>, vector<16xf32>,
        %mul3A_766 = arith.mulf %get3A_765, %broadcast_in_dim3A_749 : vector<16xf32>
        %add3A_767 = arith.constant 7 : i32
        %add3A_768 = arith.addi %add3A_109, %add3A_767 : i32
        %swap3A_769 = arith.index_cast %add3A_768 : i32 to index
        %swap3A_770 = arith.constant 16 : index
        %swap3A_771 = tpu.vector_load %arg8[%swap3A_769, %swap3A_770] {strides = array<i32>} : memref<128x128xf32, #tpu.memory_space<vmem>>, vector<16xf32>,
        tpu.vector_store %arg8[%swap3A_769, %swap3A_770], %mul3A_766 {strides = array<i32>} : memref<128x128xf32, #tpu.memory_space<vmem>>, vector<16xf32>,
        %add3A_772 = arith.constant 7 : i32
        %add3A_773 = arith.addi %add3A_109, %add3A_772 : i32
        %get3A_774 = arith.index_cast %add3A_773 : i32 to index
        %get3A_775 = arith.constant 32 : index
        %get3A_776 = tpu.vector_load %arg8[%get3A_774, %get3A_775] {strides = array<i32>} : memref<128x128xf32, #tpu.memory_space<vmem>>, vector<16xf32>,
        %mul3A_777 = arith.mulf %get3A_776, %broadcast_in_dim3A_749 : vector<16xf32>
        %add3A_778 = arith.constant 7 : i32
        %add3A_779 = arith.addi %add3A_109, %add3A_778 : i32
        %swap3A_780 = arith.index_cast %add3A_779 : i32 to index
        %swap3A_781 = arith.constant 32 : index
        %swap3A_782 = tpu.vector_load %arg8[%swap3A_780, %swap3A_781] {strides = array<i32>} : memref<128x128xf32, #tpu.memory_space<vmem>>, vector<16xf32>,
        tpu.vector_store %arg8[%swap3A_780, %swap3A_781], %mul3A_777 {strides = array<i32>} : memref<128x128xf32, #tpu.memory_space<vmem>>, vector<16xf32>,
        %add3A_783 = arith.constant 7 : i32
        %add3A_784 = arith.addi %add3A_109, %add3A_783 : i32
        %get3A_785 = arith.index_cast %add3A_784 : i32 to index
        %get3A_786 = arith.constant 48 : index
        %get3A_787 = tpu.vector_load %arg8[%get3A_785, %get3A_786] {strides = array<i32>} : memref<128x128xf32, #tpu.memory_space<vmem>>, vector<16xf32>,
        %mul3A_788 = arith.mulf %get3A_787, %broadcast_in_dim3A_749 : vector<16xf32>
        %add3A_789 = arith.constant 7 : i32
        %add3A_790 = arith.addi %add3A_109, %add3A_789 : i32
        %swap3A_791 = arith.index_cast %add3A_790 : i32 to index
        %swap3A_792 = arith.constant 48 : index
        %swap3A_793 = tpu.vector_load %arg8[%swap3A_791, %swap3A_792] {strides = array<i32>} : memref<128x128xf32, #tpu.memory_space<vmem>>, vector<16xf32>,
        tpu.vector_store %arg8[%swap3A_791, %swap3A_792], %mul3A_788 {strides = array<i32>} : memref<128x128xf32, #tpu.memory_space<vmem>>, vector<16xf32>,
        %add3A_794 = arith.constant 7 : i32
        %add3A_795 = arith.addi %add3A_109, %add3A_794 : i32
        %get3A_796 = arith.index_cast %add3A_795 : i32 to index
        %get3A_797 = arith.constant 64 : index
        %get3A_798 = tpu.vector_load %arg8[%get3A_796, %get3A_797] {strides = array<i32>} : memref<128x128xf32, #tpu.memory_space<vmem>>, vector<16xf32>,
        %mul3A_799 = arith.mulf %get3A_798, %broadcast_in_dim3A_749 : vector<16xf32>
        %add3A_800 = arith.constant 7 : i32
        %add3A_801 = arith.addi %add3A_109, %add3A_800 : i32
        %swap3A_802 = arith.index_cast %add3A_801 : i32 to index
        %swap3A_803 = arith.constant 64 : index
        %swap3A_804 = tpu.vector_load %arg8[%swap3A_802, %swap3A_803] {strides = array<i32>} : memref<128x128xf32, #tpu.memory_space<vmem>>, vector<16xf32>,
        tpu.vector_store %arg8[%swap3A_802, %swap3A_803], %mul3A_799 {strides = array<i32>} : memref<128x128xf32, #tpu.memory_space<vmem>>, vector<16xf32>,
        %add3A_805 = arith.constant 7 : i32
        %add3A_806 = arith.addi %add3A_109, %add3A_805 : i32
        %get3A_807 = arith.index_cast %add3A_806 : i32 to index
        %get3A_808 = arith.constant 80 : index
        %get3A_809 = tpu.vector_load %arg8[%get3A_807, %get3A_808] {strides = array<i32>} : memref<128x128xf32, #tpu.memory_space<vmem>>, vector<16xf32>,
        %mul3A_810 = arith.mulf %get3A_809, %broadcast_in_dim3A_749 : vector<16xf32>
        %add3A_811 = arith.constant 7 : i32
        %add3A_812 = arith.addi %add3A_109, %add3A_811 : i32
        %swap3A_813 = arith.index_cast %add3A_812 : i32 to index
        %swap3A_814 = arith.constant 80 : index
        %swap3A_815 = tpu.vector_load %arg8[%swap3A_813, %swap3A_814] {strides = array<i32>} : memref<128x128xf32, #tpu.memory_space<vmem>>, vector<16xf32>,
        tpu.vector_store %arg8[%swap3A_813, %swap3A_814], %mul3A_810 {strides = array<i32>} : memref<128x128xf32, #tpu.memory_space<vmem>>, vector<16xf32>,
        %add3A_816 = arith.constant 7 : i32
        %add3A_817 = arith.addi %add3A_109, %add3A_816 : i32
        %get3A_818 = arith.index_cast %add3A_817 : i32 to index
        %get3A_819 = arith.constant 96 : index
        %get3A_820 = tpu.vector_load %arg8[%get3A_818, %get3A_819] {strides = array<i32>} : memref<128x128xf32, #tpu.memory_space<vmem>>, vector<16xf32>,
        %mul3A_821 = arith.mulf %get3A_820, %broadcast_in_dim3A_749 : vector<16xf32>
        %add3A_822 = arith.constant 7 : i32
        %add3A_823 = arith.addi %add3A_109, %add3A_822 : i32
        %swap3A_824 = arith.index_cast %add3A_823 : i32 to index
        %swap3A_825 = arith.constant 96 : index
        %swap3A_826 = tpu.vector_load %arg8[%swap3A_824, %swap3A_825] {strides = array<i32>} : memref<128x128xf32, #tpu.memory_space<vmem>>, vector<16xf32>,
        tpu.vector_store %arg8[%swap3A_824, %swap3A_825], %mul3A_821 {strides = array<i32>} : memref<128x128xf32, #tpu.memory_space<vmem>>, vector<16xf32>,
        %add3A_827 = arith.constant 7 : i32
        %add3A_828 = arith.addi %add3A_109, %add3A_827 : i32
        %get3A_829 = arith.index_cast %add3A_828 : i32 to index
        %get3A_830 = arith.constant 112 : index
        %get3A_831 = tpu.vector_load %arg8[%get3A_829, %get3A_830] {strides = array<i32>} : memref<128x128xf32, #tpu.memory_space<vmem>>, vector<16xf32>,
        %mul3A_832 = arith.mulf %get3A_831, %broadcast_in_dim3A_749 : vector<16xf32>
        %add3A_833 = arith.constant 7 : i32
        %add3A_834 = arith.addi %add3A_109, %add3A_833 : i32
        %swap3A_835 = arith.index_cast %add3A_834 : i32 to index
        %swap3A_836 = arith.constant 112 : index
        %swap3A_837 = tpu.vector_load %arg8[%swap3A_835, %swap3A_836] {strides = array<i32>} : memref<128x128xf32, #tpu.memory_space<vmem>>, vector<16xf32>,
        tpu.vector_store %arg8[%swap3A_835, %swap3A_836], %mul3A_832 {strides = array<i32>} : memref<128x128xf32, #tpu.memory_space<vmem>>, vector<16xf32>,
        %slice3A_838 = vector.extract_strided_slice %bitcast3A {offsets = [8], sizes = [1], strides = [1]} : vector<16xf32> to vector<1xf32>
        %squeeze3A_839 = vector.extract %slice3A_838[0] : f32 from vector<1xf32>
        %broadcast_in_dim3A_840 = vector.broadcast %squeeze3A_839 : f32 to vector<16xf32>
        %add3A_841 = arith.constant 8 : i32
        %add3A_842 = arith.addi %add3A_109, %add3A_841 : i32
        %get3A_843 = arith.index_cast %add3A_842 : i32 to index
        %get3A_844 = arith.constant 0 : index
        %get3A_845 = tpu.vector_load %arg8[%get3A_843, %get3A_844] {strides = array<i32>} : memref<128x128xf32, #tpu.memory_space<vmem>>, vector<16xf32>,
        %mul3A_846 = arith.mulf %get3A_845, %broadcast_in_dim3A_840 : vector<16xf32>
        %add3A_847 = arith.constant 8 : i32
        %add3A_848 = arith.addi %add3A_109, %add3A_847 : i32
        %swap3A_849 = arith.index_cast %add3A_848 : i32 to index
        %swap3A_850 = arith.constant 0 : index
        %swap3A_851 = tpu.vector_load %arg8[%swap3A_849, %swap3A_850] {strides = array<i32>} : memref<128x128xf32, #tpu.memory_space<vmem>>, vector<16xf32>,
        tpu.vector_store %arg8[%swap3A_849, %swap3A_850], %mul3A_846 {strides = array<i32>} : memref<128x128xf32, #tpu.memory_space<vmem>>, vector<16xf32>,
        %add3A_852 = arith.constant 8 : i32
        %add3A_853 = arith.addi %add3A_109, %add3A_852 : i32
        %get3A_854 = arith.index_cast %add3A_853 : i32 to index
        %get3A_855 = arith.constant 16 : index
        %get3A_856 = tpu.vector_load %arg8[%get3A_854, %get3A_855] {strides = array<i32>} : memref<128x128xf32, #tpu.memory_space<vmem>>, vector<16xf32>,
        %mul3A_857 = arith.mulf %get3A_856, %broadcast_in_dim3A_840 : vector<16xf32>
        %add3A_858 = arith.constant 8 : i32
        %add3A_859 = arith.addi %add3A_109, %add3A_858 : i32
        %swap3A_860 = arith.index_cast %add3A_859 : i32 to index
        %swap3A_861 = arith.constant 16 : index
        %swap3A_862 = tpu.vector_load %arg8[%swap3A_860, %swap3A_861] {strides = array<i32>} : memref<128x128xf32, #tpu.memory_space<vmem>>, vector<16xf32>,
        tpu.vector_store %arg8[%swap3A_860, %swap3A_861], %mul3A_857 {strides = array<i32>} : memref<128x128xf32, #tpu.memory_space<vmem>>, vector<16xf32>,
        %add3A_863 = arith.constant 8 : i32
        %add3A_864 = arith.addi %add3A_109, %add3A_863 : i32
        %get3A_865 = arith.index_cast %add3A_864 : i32 to index
        %get3A_866 = arith.constant 32 : index
        %get3A_867 = tpu.vector_load %arg8[%get3A_865, %get3A_866] {strides = array<i32>} : memref<128x128xf32, #tpu.memory_space<vmem>>, vector<16xf32>,
        %mul3A_868 = arith.mulf %get3A_867, %broadcast_in_dim3A_840 : vector<16xf32>
        %add3A_869 = arith.constant 8 : i32
        %add3A_870 = arith.addi %add3A_109, %add3A_869 : i32
        %swap3A_871 = arith.index_cast %add3A_870 : i32 to index
        %swap3A_872 = arith.constant 32 : index
        %swap3A_873 = tpu.vector_load %arg8[%swap3A_871, %swap3A_872] {strides = array<i32>} : memref<128x128xf32, #tpu.memory_space<vmem>>, vector<16xf32>,
        tpu.vector_store %arg8[%swap3A_871, %swap3A_872], %mul3A_868 {strides = array<i32>} : memref<128x128xf32, #tpu.memory_space<vmem>>, vector<16xf32>,
        %add3A_874 = arith.constant 8 : i32
        %add3A_875 = arith.addi %add3A_109, %add3A_874 : i32
        %get3A_876 = arith.index_cast %add3A_875 : i32 to index
        %get3A_877 = arith.constant 48 : index
        %get3A_878 = tpu.vector_load %arg8[%get3A_876, %get3A_877] {strides = array<i32>} : memref<128x128xf32, #tpu.memory_space<vmem>>, vector<16xf32>,
        %mul3A_879 = arith.mulf %get3A_878, %broadcast_in_dim3A_840 : vector<16xf32>
        %add3A_880 = arith.constant 8 : i32
        %add3A_881 = arith.addi %add3A_109, %add3A_880 : i32
        %swap3A_882 = arith.index_cast %add3A_881 : i32 to index
        %swap3A_883 = arith.constant 48 : index
        %swap3A_884 = tpu.vector_load %arg8[%swap3A_882, %swap3A_883] {strides = array<i32>} : memref<128x128xf32, #tpu.memory_space<vmem>>, vector<16xf32>,
        tpu.vector_store %arg8[%swap3A_882, %swap3A_883], %mul3A_879 {strides = array<i32>} : memref<128x128xf32, #tpu.memory_space<vmem>>, vector<16xf32>,
        %add3A_885 = arith.constant 8 : i32
        %add3A_886 = arith.addi %add3A_109, %add3A_885 : i32
        %get3A_887 = arith.index_cast %add3A_886 : i32 to index
        %get3A_888 = arith.constant 64 : index
        %get3A_889 = tpu.vector_load %arg8[%get3A_887, %get3A_888] {strides = array<i32>} : memref<128x128xf32, #tpu.memory_space<vmem>>, vector<16xf32>,
        %mul3A_890 = arith.mulf %get3A_889, %broadcast_in_dim3A_840 : vector<16xf32>
        %add3A_891 = arith.constant 8 : i32
        %add3A_892 = arith.addi %add3A_109, %add3A_891 : i32
        %swap3A_893 = arith.index_cast %add3A_892 : i32 to index
        %swap3A_894 = arith.constant 64 : index
        %swap3A_895 = tpu.vector_load %arg8[%swap3A_893, %swap3A_894] {strides = array<i32>} : memref<128x128xf32, #tpu.memory_space<vmem>>, vector<16xf32>,
        tpu.vector_store %arg8[%swap3A_893, %swap3A_894], %mul3A_890 {strides = array<i32>} : memref<128x128xf32, #tpu.memory_space<vmem>>, vector<16xf32>,
        %add3A_896 = arith.constant 8 : i32
        %add3A_897 = arith.addi %add3A_109, %add3A_896 : i32
        %get3A_898 = arith.index_cast %add3A_897 : i32 to index
        %get3A_899 = arith.constant 80 : index
        %get3A_900 = tpu.vector_load %arg8[%get3A_898, %get3A_899] {strides = array<i32>} : memref<128x128xf32, #tpu.memory_space<vmem>>, vector<16xf32>,
        %mul3A_901 = arith.mulf %get3A_900, %broadcast_in_dim3A_840 : vector<16xf32>
        %add3A_902 = arith.constant 8 : i32
        %add3A_903 = arith.addi %add3A_109, %add3A_902 : i32
        %swap3A_904 = arith.index_cast %add3A_903 : i32 to index
        %swap3A_905 = arith.constant 80 : index
        %swap3A_906 = tpu.vector_load %arg8[%swap3A_904, %swap3A_905] {strides = array<i32>} : memref<128x128xf32, #tpu.memory_space<vmem>>, vector<16xf32>,
        tpu.vector_store %arg8[%swap3A_904, %swap3A_905], %mul3A_901 {strides = array<i32>} : memref<128x128xf32, #tpu.memory_space<vmem>>, vector<16xf32>,
        %add3A_907 = arith.constant 8 : i32
        %add3A_908 = arith.addi %add3A_109, %add3A_907 : i32
        %get3A_909 = arith.index_cast %add3A_908 : i32 to index
        %get3A_910 = arith.constant 96 : index
        %get3A_911 = tpu.vector_load %arg8[%get3A_909, %get3A_910] {strides = array<i32>} : memref<128x128xf32, #tpu.memory_space<vmem>>, vector<16xf32>,
        %mul3A_912 = arith.mulf %get3A_911, %broadcast_in_dim3A_840 : vector<16xf32>
        %add3A_913 = arith.constant 8 : i32
        %add3A_914 = arith.addi %add3A_109, %add3A_913 : i32
        %swap3A_915 = arith.index_cast %add3A_914 : i32 to index
        %swap3A_916 = arith.constant 96 : index
        %swap3A_917 = tpu.vector_load %arg8[%swap3A_915, %swap3A_916] {strides = array<i32>} : memref<128x128xf32, #tpu.memory_space<vmem>>, vector<16xf32>,
        tpu.vector_store %arg8[%swap3A_915, %swap3A_916], %mul3A_912 {strides = array<i32>} : memref<128x128xf32, #tpu.memory_space<vmem>>, vector<16xf32>,
        %add3A_918 = arith.constant 8 : i32
        %add3A_919 = arith.addi %add3A_109, %add3A_918 : i32
        %get3A_920 = arith.index_cast %add3A_919 : i32 to index
        %get3A_921 = arith.constant 112 : index
        %get3A_922 = tpu.vector_load %arg8[%get3A_920, %get3A_921] {strides = array<i32>} : memref<128x128xf32, #tpu.memory_space<vmem>>, vector<16xf32>,
        %mul3A_923 = arith.mulf %get3A_922, %broadcast_in_dim3A_840 : vector<16xf32>
        %add3A_924 = arith.constant 8 : i32
        %add3A_925 = arith.addi %add3A_109, %add3A_924 : i32
        %swap3A_926 = arith.index_cast %add3A_925 : i32 to index
        %swap3A_927 = arith.constant 112 : index
        %swap3A_928 = tpu.vector_load %arg8[%swap3A_926, %swap3A_927] {strides = array<i32>} : memref<128x128xf32, #tpu.memory_space<vmem>>, vector<16xf32>,
        tpu.vector_store %arg8[%swap3A_926, %swap3A_927], %mul3A_923 {strides = array<i32>} : memref<128x128xf32, #tpu.memory_space<vmem>>, vector<16xf32>,
        %slice3A_929 = vector.extract_strided_slice %bitcast3A {offsets = [9], sizes = [1], strides = [1]} : vector<16xf32> to vector<1xf32>
        %squeeze3A_930 = vector.extract %slice3A_929[0] : f32 from vector<1xf32>
        %broadcast_in_dim3A_931 = vector.broadcast %squeeze3A_930 : f32 to vector<16xf32>
        %add3A_932 = arith.constant 9 : i32
        %add3A_933 = arith.addi %add3A_109, %add3A_932 : i32
        %get3A_934 = arith.index_cast %add3A_933 : i32 to index
        %get3A_935 = arith.constant 0 : index
        %get3A_936 = tpu.vector_load %arg8[%get3A_934, %get3A_935] {strides = array<i32>} : memref<128x128xf32, #tpu.memory_space<vmem>>, vector<16xf32>,
        %mul3A_937 = arith.mulf %get3A_936, %broadcast_in_dim3A_931 : vector<16xf32>
        %add3A_938 = arith.constant 9 : i32
        %add3A_939 = arith.addi %add3A_109, %add3A_938 : i32
        %swap3A_940 = arith.index_cast %add3A_939 : i32 to index
        %swap3A_941 = arith.constant 0 : index
        %swap3A_942 = tpu.vector_load %arg8[%swap3A_940, %swap3A_941] {strides = array<i32>} : memref<128x128xf32, #tpu.memory_space<vmem>>, vector<16xf32>,
        tpu.vector_store %arg8[%swap3A_940, %swap3A_941], %mul3A_937 {strides = array<i32>} : memref<128x128xf32, #tpu.memory_space<vmem>>, vector<16xf32>,
        %add3A_943 = arith.constant 9 : i32
        %add3A_944 = arith.addi %add3A_109, %add3A_943 : i32
        %get3A_945 = arith.index_cast %add3A_944 : i32 to index
        %get3A_946 = arith.constant 16 : index
        %get3A_947 = tpu.vector_load %arg8[%get3A_945, %get3A_946] {strides = array<i32>} : memref<128x128xf32, #tpu.memory_space<vmem>>, vector<16xf32>,
        %mul3A_948 = arith.mulf %get3A_947, %broadcast_in_dim3A_931 : vector<16xf32>
        %add3A_949 = arith.constant 9 : i32
        %add3A_950 = arith.addi %add3A_109, %add3A_949 : i32
        %swap3A_951 = arith.index_cast %add3A_950 : i32 to index
        %swap3A_952 = arith.constant 16 : index
        %swap3A_953 = tpu.vector_load %arg8[%swap3A_951, %swap3A_952] {strides = array<i32>} : memref<128x128xf32, #tpu.memory_space<vmem>>, vector<16xf32>,
        tpu.vector_store %arg8[%swap3A_951, %swap3A_952], %mul3A_948 {strides = array<i32>} : memref<128x128xf32, #tpu.memory_space<vmem>>, vector<16xf32>,
        %add3A_954 = arith.constant 9 : i32
        %add3A_955 = arith.addi %add3A_109, %add3A_954 : i32
        %get3A_956 = arith.index_cast %add3A_955 : i32 to index
        %get3A_957 = arith.constant 32 : index
        %get3A_958 = tpu.vector_load %arg8[%get3A_956, %get3A_957] {strides = array<i32>} : memref<128x128xf32, #tpu.memory_space<vmem>>, vector<16xf32>,
        %mul3A_959 = arith.mulf %get3A_958, %broadcast_in_dim3A_931 : vector<16xf32>
        %add3A_960 = arith.constant 9 : i32
        %add3A_961 = arith.addi %add3A_109, %add3A_960 : i32
        %swap3A_962 = arith.index_cast %add3A_961 : i32 to index
        %swap3A_963 = arith.constant 32 : index
        %swap3A_964 = tpu.vector_load %arg8[%swap3A_962, %swap3A_963] {strides = array<i32>} : memref<128x128xf32, #tpu.memory_space<vmem>>, vector<16xf32>,
        tpu.vector_store %arg8[%swap3A_962, %swap3A_963], %mul3A_959 {strides = array<i32>} : memref<128x128xf32, #tpu.memory_space<vmem>>, vector<16xf32>,
        %add3A_965 = arith.constant 9 : i32
        %add3A_966 = arith.addi %add3A_109, %add3A_965 : i32
        %get3A_967 = arith.index_cast %add3A_966 : i32 to index
        %get3A_968 = arith.constant 48 : index
        %get3A_969 = tpu.vector_load %arg8[%get3A_967, %get3A_968] {strides = array<i32>} : memref<128x128xf32, #tpu.memory_space<vmem>>, vector<16xf32>,
        %mul3A_970 = arith.mulf %get3A_969, %broadcast_in_dim3A_931 : vector<16xf32>
        %add3A_971 = arith.constant 9 : i32
        %add3A_972 = arith.addi %add3A_109, %add3A_971 : i32
        %swap3A_973 = arith.index_cast %add3A_972 : i32 to index
        %swap3A_974 = arith.constant 48 : index
        %swap3A_975 = tpu.vector_load %arg8[%swap3A_973, %swap3A_974] {strides = array<i32>} : memref<128x128xf32, #tpu.memory_space<vmem>>, vector<16xf32>,
        tpu.vector_store %arg8[%swap3A_973, %swap3A_974], %mul3A_970 {strides = array<i32>} : memref<128x128xf32, #tpu.memory_space<vmem>>, vector<16xf32>,
        %add3A_976 = arith.constant 9 : i32
        %add3A_977 = arith.addi %add3A_109, %add3A_976 : i32
        %get3A_978 = arith.index_cast %add3A_977 : i32 to index
        %get3A_979 = arith.constant 64 : index
        %get3A_980 = tpu.vector_load %arg8[%get3A_978, %get3A_979] {strides = array<i32>} : memref<128x128xf32, #tpu.memory_space<vmem>>, vector<16xf32>,
        %mul3A_981 = arith.mulf %get3A_980, %broadcast_in_dim3A_931 : vector<16xf32>
        %add3A_982 = arith.constant 9 : i32
        %add3A_983 = arith.addi %add3A_109, %add3A_982 : i32
        %swap3A_984 = arith.index_cast %add3A_983 : i32 to index
        %swap3A_985 = arith.constant 64 : index
        %swap3A_986 = tpu.vector_load %arg8[%swap3A_984, %swap3A_985] {strides = array<i32>} : memref<128x128xf32, #tpu.memory_space<vmem>>, vector<16xf32>,
        tpu.vector_store %arg8[%swap3A_984, %swap3A_985], %mul3A_981 {strides = array<i32>} : memref<128x128xf32, #tpu.memory_space<vmem>>, vector<16xf32>,
        %add3A_987 = arith.constant 9 : i32
        %add3A_988 = arith.addi %add3A_109, %add3A_987 : i32
        %get3A_989 = arith.index_cast %add3A_988 : i32 to index
        %get3A_990 = arith.constant 80 : index
        %get3A_991 = tpu.vector_load %arg8[%get3A_989, %get3A_990] {strides = array<i32>} : memref<128x128xf32, #tpu.memory_space<vmem>>, vector<16xf32>,
        %mul3A_992 = arith.mulf %get3A_991, %broadcast_in_dim3A_931 : vector<16xf32>
        %add3A_993 = arith.constant 9 : i32
        %add3A_994 = arith.addi %add3A_109, %add3A_993 : i32
        %swap3A_995 = arith.index_cast %add3A_994 : i32 to index
        %swap3A_996 = arith.constant 80 : index
        %swap3A_997 = tpu.vector_load %arg8[%swap3A_995, %swap3A_996] {strides = array<i32>} : memref<128x128xf32, #tpu.memory_space<vmem>>, vector<16xf32>,
        tpu.vector_store %arg8[%swap3A_995, %swap3A_996], %mul3A_992 {strides = array<i32>} : memref<128x128xf32, #tpu.memory_space<vmem>>, vector<16xf32>,
        %add3A_998 = arith.constant 9 : i32
        %add3A_999 = arith.addi %add3A_109, %add3A_998 : i32
        %get3A_1000 = arith.index_cast %add3A_999 : i32 to index
        %get3A_1001 = arith.constant 96 : index
        %get3A_1002 = tpu.vector_load %arg8[%get3A_1000, %get3A_1001] {strides = array<i32>} : memref<128x128xf32, #tpu.memory_space<vmem>>, vector<16xf32>,
        %mul3A_1003 = arith.mulf %get3A_1002, %broadcast_in_dim3A_931 : vector<16xf32>
        %add3A_1004 = arith.constant 9 : i32
        %add3A_1005 = arith.addi %add3A_109, %add3A_1004 : i32
        %swap3A_1006 = arith.index_cast %add3A_1005 : i32 to index
        %swap3A_1007 = arith.constant 96 : index
        %swap3A_1008 = tpu.vector_load %arg8[%swap3A_1006, %swap3A_1007] {strides = array<i32>} : memref<128x128xf32, #tpu.memory_space<vmem>>, vector<16xf32>,
        tpu.vector_store %arg8[%swap3A_1006, %swap3A_1007], %mul3A_1003 {strides = array<i32>} : memref<128x128xf32, #tpu.memory_space<vmem>>, vector<16xf32>,
        %add3A_1009 = arith.constant 9 : i32
        %add3A_1010 = arith.addi %add3A_109, %add3A_1009 : i32
        %get3A_1011 = arith.index_cast %add3A_1010 : i32 to index
        %get3A_1012 = arith.constant 112 : index
        %get3A_1013 = tpu.vector_load %arg8[%get3A_1011, %get3A_1012] {strides = array<i32>} : memref<128x128xf32, #tpu.memory_space<vmem>>, vector<16xf32>,
        %mul3A_1014 = arith.mulf %get3A_1013, %broadcast_in_dim3A_931 : vector<16xf32>
        %add3A_1015 = arith.constant 9 : i32
        %add3A_1016 = arith.addi %add3A_109, %add3A_1015 : i32
        %swap3A_1017 = arith.index_cast %add3A_1016 : i32 to index
        %swap3A_1018 = arith.constant 112 : index
        %swap3A_1019 = tpu.vector_load %arg8[%swap3A_1017, %swap3A_1018] {strides = array<i32>} : memref<128x128xf32, #tpu.memory_space<vmem>>, vector<16xf32>,
        tpu.vector_store %arg8[%swap3A_1017, %swap3A_1018], %mul3A_1014 {strides = array<i32>} : memref<128x128xf32, #tpu.memory_space<vmem>>, vector<16xf32>,
        %slice3A_1020 = vector.extract_strided_slice %bitcast3A {offsets = [10], sizes = [1], strides = [1]} : vector<16xf32> to vector<1xf32>
        %squeeze3A_1021 = vector.extract %slice3A_1020[0] : f32 from vector<1xf32>
        %broadcast_in_dim3A_1022 = vector.broadcast %squeeze3A_1021 : f32 to vector<16xf32>
        %add3A_1023 = arith.constant 10 : i32
        %add3A_1024 = arith.addi %add3A_109, %add3A_1023 : i32
        %get3A_1025 = arith.index_cast %add3A_1024 : i32 to index
        %get3A_1026 = arith.constant 0 : index
        %get3A_1027 = tpu.vector_load %arg8[%get3A_1025, %get3A_1026] {strides = array<i32>} : memref<128x128xf32, #tpu.memory_space<vmem>>, vector<16xf32>,
        %mul3A_1028 = arith.mulf %get3A_1027, %broadcast_in_dim3A_1022 : vector<16xf32>
        %add3A_1029 = arith.constant 10 : i32
        %add3A_1030 = arith.addi %add3A_109, %add3A_1029 : i32
        %swap3A_1031 = arith.index_cast %add3A_1030 : i32 to index
        %swap3A_1032 = arith.constant 0 : index
        %swap3A_1033 = tpu.vector_load %arg8[%swap3A_1031, %swap3A_1032] {strides = array<i32>} : memref<128x128xf32, #tpu.memory_space<vmem>>, vector<16xf32>,
        tpu.vector_store %arg8[%swap3A_1031, %swap3A_1032], %mul3A_1028 {strides = array<i32>} : memref<128x128xf32, #tpu.memory_space<vmem>>, vector<16xf32>,
        %add3A_1034 = arith.constant 10 : i32
        %add3A_1035 = arith.addi %add3A_109, %add3A_1034 : i32
        %get3A_1036 = arith.index_cast %add3A_1035 : i32 to index
        %get3A_1037 = arith.constant 16 : index
        %get3A_1038 = tpu.vector_load %arg8[%get3A_1036, %get3A_1037] {strides = array<i32>} : memref<128x128xf32, #tpu.memory_space<vmem>>, vector<16xf32>,
        %mul3A_1039 = arith.mulf %get3A_1038, %broadcast_in_dim3A_1022 : vector<16xf32>
        %add3A_1040 = arith.constant 10 : i32
        %add3A_1041 = arith.addi %add3A_109, %add3A_1040 : i32
        %swap3A_1042 = arith.index_cast %add3A_1041 : i32 to index
        %swap3A_1043 = arith.constant 16 : index
        %swap3A_1044 = tpu.vector_load %arg8[%swap3A_1042, %swap3A_1043] {strides = array<i32>} : memref<128x128xf32, #tpu.memory_space<vmem>>, vector<16xf32>,
        tpu.vector_store %arg8[%swap3A_1042, %swap3A_1043], %mul3A_1039 {strides = array<i32>} : memref<128x128xf32, #tpu.memory_space<vmem>>, vector<16xf32>,
        %add3A_1045 = arith.constant 10 : i32
        %add3A_1046 = arith.addi %add3A_109, %add3A_1045 : i32
        %get3A_1047 = arith.index_cast %add3A_1046 : i32 to index
        %get3A_1048 = arith.constant 32 : index
        %get3A_1049 = tpu.vector_load %arg8[%get3A_1047, %get3A_1048] {strides = array<i32>} : memref<128x128xf32, #tpu.memory_space<vmem>>, vector<16xf32>,
        %mul3A_1050 = arith.mulf %get3A_1049, %broadcast_in_dim3A_1022 : vector<16xf32>
        %add3A_1051 = arith.constant 10 : i32
        %add3A_1052 = arith.addi %add3A_109, %add3A_1051 : i32
        %swap3A_1053 = arith.index_cast %add3A_1052 : i32 to index
        %swap3A_1054 = arith.constant 32 : index
        %swap3A_1055 = tpu.vector_load %arg8[%swap3A_1053, %swap3A_1054] {strides = array<i32>} : memref<128x128xf32, #tpu.memory_space<vmem>>, vector<16xf32>,
        tpu.vector_store %arg8[%swap3A_1053, %swap3A_1054], %mul3A_1050 {strides = array<i32>} : memref<128x128xf32, #tpu.memory_space<vmem>>, vector<16xf32>,
        %add3A_1056 = arith.constant 10 : i32
        %add3A_1057 = arith.addi %add3A_109, %add3A_1056 : i32
        %get3A_1058 = arith.index_cast %add3A_1057 : i32 to index
        %get3A_1059 = arith.constant 48 : index
        %get3A_1060 = tpu.vector_load %arg8[%get3A_1058, %get3A_1059] {strides = array<i32>} : memref<128x128xf32, #tpu.memory_space<vmem>>, vector<16xf32>,
        %mul3A_1061 = arith.mulf %get3A_1060, %broadcast_in_dim3A_1022 : vector<16xf32>
        %add3A_1062 = arith.constant 10 : i32
        %add3A_1063 = arith.addi %add3A_109, %add3A_1062 : i32
        %swap3A_1064 = arith.index_cast %add3A_1063 : i32 to index
        %swap3A_1065 = arith.constant 48 : index
        %swap3A_1066 = tpu.vector_load %arg8[%swap3A_1064, %swap3A_1065] {strides = array<i32>} : memref<128x128xf32, #tpu.memory_space<vmem>>, vector<16xf32>,
        tpu.vector_store %arg8[%swap3A_1064, %swap3A_1065], %mul3A_1061 {strides = array<i32>} : memref<128x128xf32, #tpu.memory_space<vmem>>, vector<16xf32>,
        %add3A_1067 = arith.constant 10 : i32
        %add3A_1068 = arith.addi %add3A_109, %add3A_1067 : i32
        %get3A_1069 = arith.index_cast %add3A_1068 : i32 to index
        %get3A_1070 = arith.constant 64 : index
        %get3A_1071 = tpu.vector_load %arg8[%get3A_1069, %get3A_1070] {strides = array<i32>} : memref<128x128xf32, #tpu.memory_space<vmem>>, vector<16xf32>,
        %mul3A_1072 = arith.mulf %get3A_1071, %broadcast_in_dim3A_1022 : vector<16xf32>
        %add3A_1073 = arith.constant 10 : i32
        %add3A_1074 = arith.addi %add3A_109, %add3A_1073 : i32
        %swap3A_1075 = arith.index_cast %add3A_1074 : i32 to index
        %swap3A_1076 = arith.constant 64 : index
        %swap3A_1077 = tpu.vector_load %arg8[%swap3A_1075, %swap3A_1076] {strides = array<i32>} : memref<128x128xf32, #tpu.memory_space<vmem>>, vector<16xf32>,
        tpu.vector_store %arg8[%swap3A_1075, %swap3A_1076], %mul3A_1072 {strides = array<i32>} : memref<128x128xf32, #tpu.memory_space<vmem>>, vector<16xf32>,
        %add3A_1078 = arith.constant 10 : i32
        %add3A_1079 = arith.addi %add3A_109, %add3A_1078 : i32
        %get3A_1080 = arith.index_cast %add3A_1079 : i32 to index
        %get3A_1081 = arith.constant 80 : index
        %get3A_1082 = tpu.vector_load %arg8[%get3A_1080, %get3A_1081] {strides = array<i32>} : memref<128x128xf32, #tpu.memory_space<vmem>>, vector<16xf32>,
        %mul3A_1083 = arith.mulf %get3A_1082, %broadcast_in_dim3A_1022 : vector<16xf32>
        %add3A_1084 = arith.constant 10 : i32
        %add3A_1085 = arith.addi %add3A_109, %add3A_1084 : i32
        %swap3A_1086 = arith.index_cast %add3A_1085 : i32 to index
        %swap3A_1087 = arith.constant 80 : index
        %swap3A_1088 = tpu.vector_load %arg8[%swap3A_1086, %swap3A_1087] {strides = array<i32>} : memref<128x128xf32, #tpu.memory_space<vmem>>, vector<16xf32>,
        tpu.vector_store %arg8[%swap3A_1086, %swap3A_1087], %mul3A_1083 {strides = array<i32>} : memref<128x128xf32, #tpu.memory_space<vmem>>, vector<16xf32>,
        %add3A_1089 = arith.constant 10 : i32
        %add3A_1090 = arith.addi %add3A_109, %add3A_1089 : i32
        %get3A_1091 = arith.index_cast %add3A_1090 : i32 to index
        %get3A_1092 = arith.constant 96 : index
        %get3A_1093 = tpu.vector_load %arg8[%get3A_1091, %get3A_1092] {strides = array<i32>} : memref<128x128xf32, #tpu.memory_space<vmem>>, vector<16xf32>,
        %mul3A_1094 = arith.mulf %get3A_1093, %broadcast_in_dim3A_1022 : vector<16xf32>
        %add3A_1095 = arith.constant 10 : i32
        %add3A_1096 = arith.addi %add3A_109, %add3A_1095 : i32
        %swap3A_1097 = arith.index_cast %add3A_1096 : i32 to index
        %swap3A_1098 = arith.constant 96 : index
        %swap3A_1099 = tpu.vector_load %arg8[%swap3A_1097, %swap3A_1098] {strides = array<i32>} : memref<128x128xf32, #tpu.memory_space<vmem>>, vector<16xf32>,
        tpu.vector_store %arg8[%swap3A_1097, %swap3A_1098], %mul3A_1094 {strides = array<i32>} : memref<128x128xf32, #tpu.memory_space<vmem>>, vector<16xf32>,
        %add3A_1100 = arith.constant 10 : i32
        %add3A_1101 = arith.addi %add3A_109, %add3A_1100 : i32
        %get3A_1102 = arith.index_cast %add3A_1101 : i32 to index
        %get3A_1103 = arith.constant 112 : index
        %get3A_1104 = tpu.vector_load %arg8[%get3A_1102, %get3A_1103] {strides = array<i32>} : memref<128x128xf32, #tpu.memory_space<vmem>>, vector<16xf32>,
        %mul3A_1105 = arith.mulf %get3A_1104, %broadcast_in_dim3A_1022 : vector<16xf32>
        %add3A_1106 = arith.constant 10 : i32
        %add3A_1107 = arith.addi %add3A_109, %add3A_1106 : i32
        %swap3A_1108 = arith.index_cast %add3A_1107 : i32 to index
        %swap3A_1109 = arith.constant 112 : index
        %swap3A_1110 = tpu.vector_load %arg8[%swap3A_1108, %swap3A_1109] {strides = array<i32>} : memref<128x128xf32, #tpu.memory_space<vmem>>, vector<16xf32>,
        tpu.vector_store %arg8[%swap3A_1108, %swap3A_1109], %mul3A_1105 {strides = array<i32>} : memref<128x128xf32, #tpu.memory_space<vmem>>, vector<16xf32>,
        %slice3A_1111 = vector.extract_strided_slice %bitcast3A {offsets = [11], sizes = [1], strides = [1]} : vector<16xf32> to vector<1xf32>
        %squeeze3A_1112 = vector.extract %slice3A_1111[0] : f32 from vector<1xf32>
        %broadcast_in_dim3A_1113 = vector.broadcast %squeeze3A_1112 : f32 to vector<16xf32>
        %add3A_1114 = arith.constant 11 : i32
        %add3A_1115 = arith.addi %add3A_109, %add3A_1114 : i32
        %get3A_1116 = arith.index_cast %add3A_1115 : i32 to index
        %get3A_1117 = arith.constant 0 : index
        %get3A_1118 = tpu.vector_load %arg8[%get3A_1116, %get3A_1117] {strides = array<i32>} : memref<128x128xf32, #tpu.memory_space<vmem>>, vector<16xf32>,
        %mul3A_1119 = arith.mulf %get3A_1118, %broadcast_in_dim3A_1113 : vector<16xf32>
        %add3A_1120 = arith.constant 11 : i32
        %add3A_1121 = arith.addi %add3A_109, %add3A_1120 : i32
        %swap3A_1122 = arith.index_cast %add3A_1121 : i32 to index
        %swap3A_1123 = arith.constant 0 : index
        %swap3A_1124 = tpu.vector_load %arg8[%swap3A_1122, %swap3A_1123] {strides = array<i32>} : memref<128x128xf32, #tpu.memory_space<vmem>>, vector<16xf32>,
        tpu.vector_store %arg8[%swap3A_1122, %swap3A_1123], %mul3A_1119 {strides = array<i32>} : memref<128x128xf32, #tpu.memory_space<vmem>>, vector<16xf32>,
        %add3A_1125 = arith.constant 11 : i32
        %add3A_1126 = arith.addi %add3A_109, %add3A_1125 : i32
        %get3A_1127 = arith.index_cast %add3A_1126 : i32 to index
        %get3A_1128 = arith.constant 16 : index
        %get3A_1129 = tpu.vector_load %arg8[%get3A_1127, %get3A_1128] {strides = array<i32>} : memref<128x128xf32, #tpu.memory_space<vmem>>, vector<16xf32>,
        %mul3A_1130 = arith.mulf %get3A_1129, %broadcast_in_dim3A_1113 : vector<16xf32>
        %add3A_1131 = arith.constant 11 : i32
        %add3A_1132 = arith.addi %add3A_109, %add3A_1131 : i32
        %swap3A_1133 = arith.index_cast %add3A_1132 : i32 to index
        %swap3A_1134 = arith.constant 16 : index
        %swap3A_1135 = tpu.vector_load %arg8[%swap3A_1133, %swap3A_1134] {strides = array<i32>} : memref<128x128xf32, #tpu.memory_space<vmem>>, vector<16xf32>,
        tpu.vector_store %arg8[%swap3A_1133, %swap3A_1134], %mul3A_1130 {strides = array<i32>} : memref<128x128xf32, #tpu.memory_space<vmem>>, vector<16xf32>,
        %add3A_1136 = arith.constant 11 : i32
        %add3A_1137 = arith.addi %add3A_109, %add3A_1136 : i32
        %get3A_1138 = arith.index_cast %add3A_1137 : i32 to index
        %get3A_1139 = arith.constant 32 : index
        %get3A_1140 = tpu.vector_load %arg8[%get3A_1138, %get3A_1139] {strides = array<i32>} : memref<128x128xf32, #tpu.memory_space<vmem>>, vector<16xf32>,
        %mul3A_1141 = arith.mulf %get3A_1140, %broadcast_in_dim3A_1113 : vector<16xf32>
        %add3A_1142 = arith.constant 11 : i32
        %add3A_1143 = arith.addi %add3A_109, %add3A_1142 : i32
        %swap3A_1144 = arith.index_cast %add3A_1143 : i32 to index
        %swap3A_1145 = arith.constant 32 : index
        %swap3A_1146 = tpu.vector_load %arg8[%swap3A_1144, %swap3A_1145] {strides = array<i32>} : memref<128x128xf32, #tpu.memory_space<vmem>>, vector<16xf32>,
        tpu.vector_store %arg8[%swap3A_1144, %swap3A_1145], %mul3A_1141 {strides = array<i32>} : memref<128x128xf32, #tpu.memory_space<vmem>>, vector<16xf32>,
        %add3A_1147 = arith.constant 11 : i32
        %add3A_1148 = arith.addi %add3A_109, %add3A_1147 : i32
        %get3A_1149 = arith.index_cast %add3A_1148 : i32 to index
        %get3A_1150 = arith.constant 48 : index
        %get3A_1151 = tpu.vector_load %arg8[%get3A_1149, %get3A_1150] {strides = array<i32>} : memref<128x128xf32, #tpu.memory_space<vmem>>, vector<16xf32>,
        %mul3A_1152 = arith.mulf %get3A_1151, %broadcast_in_dim3A_1113 : vector<16xf32>
        %add3A_1153 = arith.constant 11 : i32
        %add3A_1154 = arith.addi %add3A_109, %add3A_1153 : i32
        %swap3A_1155 = arith.index_cast %add3A_1154 : i32 to index
        %swap3A_1156 = arith.constant 48 : index
        %swap3A_1157 = tpu.vector_load %arg8[%swap3A_1155, %swap3A_1156] {strides = array<i32>} : memref<128x128xf32, #tpu.memory_space<vmem>>, vector<16xf32>,
        tpu.vector_store %arg8[%swap3A_1155, %swap3A_1156], %mul3A_1152 {strides = array<i32>} : memref<128x128xf32, #tpu.memory_space<vmem>>, vector<16xf32>,
        %add3A_1158 = arith.constant 11 : i32
        %add3A_1159 = arith.addi %add3A_109, %add3A_1158 : i32
        %get3A_1160 = arith.index_cast %add3A_1159 : i32 to index
        %get3A_1161 = arith.constant 64 : index
        %get3A_1162 = tpu.vector_load %arg8[%get3A_1160, %get3A_1161] {strides = array<i32>} : memref<128x128xf32, #tpu.memory_space<vmem>>, vector<16xf32>,
        %mul3A_1163 = arith.mulf %get3A_1162, %broadcast_in_dim3A_1113 : vector<16xf32>
        %add3A_1164 = arith.constant 11 : i32
        %add3A_1165 = arith.addi %add3A_109, %add3A_1164 : i32
        %swap3A_1166 = arith.index_cast %add3A_1165 : i32 to index
        %swap3A_1167 = arith.constant 64 : index
        %swap3A_1168 = tpu.vector_load %arg8[%swap3A_1166, %swap3A_1167] {strides = array<i32>} : memref<128x128xf32, #tpu.memory_space<vmem>>, vector<16xf32>,
        tpu.vector_store %arg8[%swap3A_1166, %swap3A_1167], %mul3A_1163 {strides = array<i32>} : memref<128x128xf32, #tpu.memory_space<vmem>>, vector<16xf32>,
        %add3A_1169 = arith.constant 11 : i32
        %add3A_1170 = arith.addi %add3A_109, %add3A_1169 : i32
        %get3A_1171 = arith.index_cast %add3A_1170 : i32 to index
        %get3A_1172 = arith.constant 80 : index
        %get3A_1173 = tpu.vector_load %arg8[%get3A_1171, %get3A_1172] {strides = array<i32>} : memref<128x128xf32, #tpu.memory_space<vmem>>, vector<16xf32>,
        %mul3A_1174 = arith.mulf %get3A_1173, %broadcast_in_dim3A_1113 : vector<16xf32>
        %add3A_1175 = arith.constant 11 : i32
        %add3A_1176 = arith.addi %add3A_109, %add3A_1175 : i32
        %swap3A_1177 = arith.index_cast %add3A_1176 : i32 to index
        %swap3A_1178 = arith.constant 80 : index
        %swap3A_1179 = tpu.vector_load %arg8[%swap3A_1177, %swap3A_1178] {strides = array<i32>} : memref<128x128xf32, #tpu.memory_space<vmem>>, vector<16xf32>,
        tpu.vector_store %arg8[%swap3A_1177, %swap3A_1178], %mul3A_1174 {strides = array<i32>} : memref<128x128xf32, #tpu.memory_space<vmem>>, vector<16xf32>,
        %add3A_1180 = arith.constant 11 : i32
        %add3A_1181 = arith.addi %add3A_109, %add3A_1180 : i32
        %get3A_1182 = arith.index_cast %add3A_1181 : i32 to index
        %get3A_1183 = arith.constant 96 : index
        %get3A_1184 = tpu.vector_load %arg8[%get3A_1182, %get3A_1183] {strides = array<i32>} : memref<128x128xf32, #tpu.memory_space<vmem>>, vector<16xf32>,
        %mul3A_1185 = arith.mulf %get3A_1184, %broadcast_in_dim3A_1113 : vector<16xf32>
        %add3A_1186 = arith.constant 11 : i32
        %add3A_1187 = arith.addi %add3A_109, %add3A_1186 : i32
        %swap3A_1188 = arith.index_cast %add3A_1187 : i32 to index
        %swap3A_1189 = arith.constant 96 : index
        %swap3A_1190 = tpu.vector_load %arg8[%swap3A_1188, %swap3A_1189] {strides = array<i32>} : memref<128x128xf32, #tpu.memory_space<vmem>>, vector<16xf32>,
        tpu.vector_store %arg8[%swap3A_1188, %swap3A_1189], %mul3A_1185 {strides = array<i32>} : memref<128x128xf32, #tpu.memory_space<vmem>>, vector<16xf32>,
        %add3A_1191 = arith.constant 11 : i32
        %add3A_1192 = arith.addi %add3A_109, %add3A_1191 : i32
        %get3A_1193 = arith.index_cast %add3A_1192 : i32 to index
        %get3A_1194 = arith.constant 112 : index
        %get3A_1195 = tpu.vector_load %arg8[%get3A_1193, %get3A_1194] {strides = array<i32>} : memref<128x128xf32, #tpu.memory_space<vmem>>, vector<16xf32>,
        %mul3A_1196 = arith.mulf %get3A_1195, %broadcast_in_dim3A_1113 : vector<16xf32>
        %add3A_1197 = arith.constant 11 : i32
        %add3A_1198 = arith.addi %add3A_109, %add3A_1197 : i32
        %swap3A_1199 = arith.index_cast %add3A_1198 : i32 to index
        %swap3A_1200 = arith.constant 112 : index
        %swap3A_1201 = tpu.vector_load %arg8[%swap3A_1199, %swap3A_1200] {strides = array<i32>} : memref<128x128xf32, #tpu.memory_space<vmem>>, vector<16xf32>,
        tpu.vector_store %arg8[%swap3A_1199, %swap3A_1200], %mul3A_1196 {strides = array<i32>} : memref<128x128xf32, #tpu.memory_space<vmem>>, vector<16xf32>,
        %slice3A_1202 = vector.extract_strided_slice %bitcast3A {offsets = [12], sizes = [1], strides = [1]} : vector<16xf32> to vector<1xf32>
        %squeeze3A_1203 = vector.extract %slice3A_1202[0] : f32 from vector<1xf32>
        %broadcast_in_dim3A_1204 = vector.broadcast %squeeze3A_1203 : f32 to vector<16xf32>
        %add3A_1205 = arith.constant 12 : i32
        %add3A_1206 = arith.addi %add3A_109, %add3A_1205 : i32
        %get3A_1207 = arith.index_cast %add3A_1206 : i32 to index
        %get3A_1208 = arith.constant 0 : index
        %get3A_1209 = tpu.vector_load %arg8[%get3A_1207, %get3A_1208] {strides = array<i32>} : memref<128x128xf32, #tpu.memory_space<vmem>>, vector<16xf32>,
        %mul3A_1210 = arith.mulf %get3A_1209, %broadcast_in_dim3A_1204 : vector<16xf32>
        %add3A_1211 = arith.constant 12 : i32
        %add3A_1212 = arith.addi %add3A_109, %add3A_1211 : i32
        %swap3A_1213 = arith.index_cast %add3A_1212 : i32 to index
        %swap3A_1214 = arith.constant 0 : index
        %swap3A_1215 = tpu.vector_load %arg8[%swap3A_1213, %swap3A_1214] {strides = array<i32>} : memref<128x128xf32, #tpu.memory_space<vmem>>, vector<16xf32>,
        tpu.vector_store %arg8[%swap3A_1213, %swap3A_1214], %mul3A_1210 {strides = array<i32>} : memref<128x128xf32, #tpu.memory_space<vmem>>, vector<16xf32>,
        %add3A_1216 = arith.constant 12 : i32
        %add3A_1217 = arith.addi %add3A_109, %add3A_1216 : i32
        %get3A_1218 = arith.index_cast %add3A_1217 : i32 to index
        %get3A_1219 = arith.constant 16 : index
        %get3A_1220 = tpu.vector_load %arg8[%get3A_1218, %get3A_1219] {strides = array<i32>} : memref<128x128xf32, #tpu.memory_space<vmem>>, vector<16xf32>,
        %mul3A_1221 = arith.mulf %get3A_1220, %broadcast_in_dim3A_1204 : vector<16xf32>
        %add3A_1222 = arith.constant 12 : i32
        %add3A_1223 = arith.addi %add3A_109, %add3A_1222 : i32
        %swap3A_1224 = arith.index_cast %add3A_1223 : i32 to index
        %swap3A_1225 = arith.constant 16 : index
        %swap3A_1226 = tpu.vector_load %arg8[%swap3A_1224, %swap3A_1225] {strides = array<i32>} : memref<128x128xf32, #tpu.memory_space<vmem>>, vector<16xf32>,
        tpu.vector_store %arg8[%swap3A_1224, %swap3A_1225], %mul3A_1221 {strides = array<i32>} : memref<128x128xf32, #tpu.memory_space<vmem>>, vector<16xf32>,
        %add3A_1227 = arith.constant 12 : i32
        %add3A_1228 = arith.addi %add3A_109, %add3A_1227 : i32
        %get3A_1229 = arith.index_cast %add3A_1228 : i32 to index
        %get3A_1230 = arith.constant 32 : index
        %get3A_1231 = tpu.vector_load %arg8[%get3A_1229, %get3A_1230] {strides = array<i32>} : memref<128x128xf32, #tpu.memory_space<vmem>>, vector<16xf32>,
        %mul3A_1232 = arith.mulf %get3A_1231, %broadcast_in_dim3A_1204 : vector<16xf32>
        %add3A_1233 = arith.constant 12 : i32
        %add3A_1234 = arith.addi %add3A_109, %add3A_1233 : i32
        %swap3A_1235 = arith.index_cast %add3A_1234 : i32 to index
        %swap3A_1236 = arith.constant 32 : index
        %swap3A_1237 = tpu.vector_load %arg8[%swap3A_1235, %swap3A_1236] {strides = array<i32>} : memref<128x128xf32, #tpu.memory_space<vmem>>, vector<16xf32>,
        tpu.vector_store %arg8[%swap3A_1235, %swap3A_1236], %mul3A_1232 {strides = array<i32>} : memref<128x128xf32, #tpu.memory_space<vmem>>, vector<16xf32>,
        %add3A_1238 = arith.constant 12 : i32
        %add3A_1239 = arith.addi %add3A_109, %add3A_1238 : i32
        %get3A_1240 = arith.index_cast %add3A_1239 : i32 to index
        %get3A_1241 = arith.constant 48 : index
        %get3A_1242 = tpu.vector_load %arg8[%get3A_1240, %get3A_1241] {strides = array<i32>} : memref<128x128xf32, #tpu.memory_space<vmem>>, vector<16xf32>,
        %mul3A_1243 = arith.mulf %get3A_1242, %broadcast_in_dim3A_1204 : vector<16xf32>
        %add3A_1244 = arith.constant 12 : i32
        %add3A_1245 = arith.addi %add3A_109, %add3A_1244 : i32
        %swap3A_1246 = arith.index_cast %add3A_1245 : i32 to index
        %swap3A_1247 = arith.constant 48 : index
        %swap3A_1248 = tpu.vector_load %arg8[%swap3A_1246, %swap3A_1247] {strides = array<i32>} : memref<128x128xf32, #tpu.memory_space<vmem>>, vector<16xf32>,
        tpu.vector_store %arg8[%swap3A_1246, %swap3A_1247], %mul3A_1243 {strides = array<i32>} : memref<128x128xf32, #tpu.memory_space<vmem>>, vector<16xf32>,
        %add3A_1249 = arith.constant 12 : i32
        %add3A_1250 = arith.addi %add3A_109, %add3A_1249 : i32
        %get3A_1251 = arith.index_cast %add3A_1250 : i32 to index
        %get3A_1252 = arith.constant 64 : index
        %get3A_1253 = tpu.vector_load %arg8[%get3A_1251, %get3A_1252] {strides = array<i32>} : memref<128x128xf32, #tpu.memory_space<vmem>>, vector<16xf32>,
        %mul3A_1254 = arith.mulf %get3A_1253, %broadcast_in_dim3A_1204 : vector<16xf32>
        %add3A_1255 = arith.constant 12 : i32
        %add3A_1256 = arith.addi %add3A_109, %add3A_1255 : i32
        %swap3A_1257 = arith.index_cast %add3A_1256 : i32 to index
        %swap3A_1258 = arith.constant 64 : index
        %swap3A_1259 = tpu.vector_load %arg8[%swap3A_1257, %swap3A_1258] {strides = array<i32>} : memref<128x128xf32, #tpu.memory_space<vmem>>, vector<16xf32>,
        tpu.vector_store %arg8[%swap3A_1257, %swap3A_1258], %mul3A_1254 {strides = array<i32>} : memref<128x128xf32, #tpu.memory_space<vmem>>, vector<16xf32>,
        %add3A_1260 = arith.constant 12 : i32
        %add3A_1261 = arith.addi %add3A_109, %add3A_1260 : i32
        %get3A_1262 = arith.index_cast %add3A_1261 : i32 to index
        %get3A_1263 = arith.constant 80 : index
        %get3A_1264 = tpu.vector_load %arg8[%get3A_1262, %get3A_1263] {strides = array<i32>} : memref<128x128xf32, #tpu.memory_space<vmem>>, vector<16xf32>,
        %mul3A_1265 = arith.mulf %get3A_1264, %broadcast_in_dim3A_1204 : vector<16xf32>
        %add3A_1266 = arith.constant 12 : i32
        %add3A_1267 = arith.addi %add3A_109, %add3A_1266 : i32
        %swap3A_1268 = arith.index_cast %add3A_1267 : i32 to index
        %swap3A_1269 = arith.constant 80 : index
        %swap3A_1270 = tpu.vector_load %arg8[%swap3A_1268, %swap3A_1269] {strides = array<i32>} : memref<128x128xf32, #tpu.memory_space<vmem>>, vector<16xf32>,
        tpu.vector_store %arg8[%swap3A_1268, %swap3A_1269], %mul3A_1265 {strides = array<i32>} : memref<128x128xf32, #tpu.memory_space<vmem>>, vector<16xf32>,
        %add3A_1271 = arith.constant 12 : i32
        %add3A_1272 = arith.addi %add3A_109, %add3A_1271 : i32
        %get3A_1273 = arith.index_cast %add3A_1272 : i32 to index
        %get3A_1274 = arith.constant 96 : index
        %get3A_1275 = tpu.vector_load %arg8[%get3A_1273, %get3A_1274] {strides = array<i32>} : memref<128x128xf32, #tpu.memory_space<vmem>>, vector<16xf32>,
        %mul3A_1276 = arith.mulf %get3A_1275, %broadcast_in_dim3A_1204 : vector<16xf32>
        %add3A_1277 = arith.constant 12 : i32
        %add3A_1278 = arith.addi %add3A_109, %add3A_1277 : i32
        %swap3A_1279 = arith.index_cast %add3A_1278 : i32 to index
        %swap3A_1280 = arith.constant 96 : index
        %swap3A_1281 = tpu.vector_load %arg8[%swap3A_1279, %swap3A_1280] {strides = array<i32>} : memref<128x128xf32, #tpu.memory_space<vmem>>, vector<16xf32>,
        tpu.vector_store %arg8[%swap3A_1279, %swap3A_1280], %mul3A_1276 {strides = array<i32>} : memref<128x128xf32, #tpu.memory_space<vmem>>, vector<16xf32>,
        %add3A_1282 = arith.constant 12 : i32
        %add3A_1283 = arith.addi %add3A_109, %add3A_1282 : i32
        %get3A_1284 = arith.index_cast %add3A_1283 : i32 to index
        %get3A_1285 = arith.constant 112 : index
        %get3A_1286 = tpu.vector_load %arg8[%get3A_1284, %get3A_1285] {strides = array<i32>} : memref<128x128xf32, #tpu.memory_space<vmem>>, vector<16xf32>,
        %mul3A_1287 = arith.mulf %get3A_1286, %broadcast_in_dim3A_1204 : vector<16xf32>
        %add3A_1288 = arith.constant 12 : i32
        %add3A_1289 = arith.addi %add3A_109, %add3A_1288 : i32
        %swap3A_1290 = arith.index_cast %add3A_1289 : i32 to index
        %swap3A_1291 = arith.constant 112 : index
        %swap3A_1292 = tpu.vector_load %arg8[%swap3A_1290, %swap3A_1291] {strides = array<i32>} : memref<128x128xf32, #tpu.memory_space<vmem>>, vector<16xf32>,
        tpu.vector_store %arg8[%swap3A_1290, %swap3A_1291], %mul3A_1287 {strides = array<i32>} : memref<128x128xf32, #tpu.memory_space<vmem>>, vector<16xf32>,
        %slice3A_1293 = vector.extract_strided_slice %bitcast3A {offsets = [13], sizes = [1], strides = [1]} : vector<16xf32> to vector<1xf32>
        %squeeze3A_1294 = vector.extract %slice3A_1293[0] : f32 from vector<1xf32>
        %broadcast_in_dim3A_1295 = vector.broadcast %squeeze3A_1294 : f32 to vector<16xf32>
        %add3A_1296 = arith.constant 13 : i32
        %add3A_1297 = arith.addi %add3A_109, %add3A_1296 : i32
        %get3A_1298 = arith.index_cast %add3A_1297 : i32 to index
        %get3A_1299 = arith.constant 0 : index
        %get3A_1300 = tpu.vector_load %arg8[%get3A_1298, %get3A_1299] {strides = array<i32>} : memref<128x128xf32, #tpu.memory_space<vmem>>, vector<16xf32>,
        %mul3A_1301 = arith.mulf %get3A_1300, %broadcast_in_dim3A_1295 : vector<16xf32>
        %add3A_1302 = arith.constant 13 : i32
        %add3A_1303 = arith.addi %add3A_109, %add3A_1302 : i32
        %swap3A_1304 = arith.index_cast %add3A_1303 : i32 to index
        %swap3A_1305 = arith.constant 0 : index
        %swap3A_1306 = tpu.vector_load %arg8[%swap3A_1304, %swap3A_1305] {strides = array<i32>} : memref<128x128xf32, #tpu.memory_space<vmem>>, vector<16xf32>,
        tpu.vector_store %arg8[%swap3A_1304, %swap3A_1305], %mul3A_1301 {strides = array<i32>} : memref<128x128xf32, #tpu.memory_space<vmem>>, vector<16xf32>,
        %add3A_1307 = arith.constant 13 : i32
        %add3A_1308 = arith.addi %add3A_109, %add3A_1307 : i32
        %get3A_1309 = arith.index_cast %add3A_1308 : i32 to index
        %get3A_1310 = arith.constant 16 : index
        %get3A_1311 = tpu.vector_load %arg8[%get3A_1309, %get3A_1310] {strides = array<i32>} : memref<128x128xf32, #tpu.memory_space<vmem>>, vector<16xf32>,
        %mul3A_1312 = arith.mulf %get3A_1311, %broadcast_in_dim3A_1295 : vector<16xf32>
        %add3A_1313 = arith.constant 13 : i32
        %add3A_1314 = arith.addi %add3A_109, %add3A_1313 : i32
        %swap3A_1315 = arith.index_cast %add3A_1314 : i32 to index
        %swap3A_1316 = arith.constant 16 : index
        %swap3A_1317 = tpu.vector_load %arg8[%swap3A_1315, %swap3A_1316] {strides = array<i32>} : memref<128x128xf32, #tpu.memory_space<vmem>>, vector<16xf32>,
        tpu.vector_store %arg8[%swap3A_1315, %swap3A_1316], %mul3A_1312 {strides = array<i32>} : memref<128x128xf32, #tpu.memory_space<vmem>>, vector<16xf32>,
        %add3A_1318 = arith.constant 13 : i32
        %add3A_1319 = arith.addi %add3A_109, %add3A_1318 : i32
        %get3A_1320 = arith.index_cast %add3A_1319 : i32 to index
        %get3A_1321 = arith.constant 32 : index
        %get3A_1322 = tpu.vector_load %arg8[%get3A_1320, %get3A_1321] {strides = array<i32>} : memref<128x128xf32, #tpu.memory_space<vmem>>, vector<16xf32>,
        %mul3A_1323 = arith.mulf %get3A_1322, %broadcast_in_dim3A_1295 : vector<16xf32>
        %add3A_1324 = arith.constant 13 : i32
        %add3A_1325 = arith.addi %add3A_109, %add3A_1324 : i32
        %swap3A_1326 = arith.index_cast %add3A_1325 : i32 to index
        %swap3A_1327 = arith.constant 32 : index
        %swap3A_1328 = tpu.vector_load %arg8[%swap3A_1326, %swap3A_1327] {strides = array<i32>} : memref<128x128xf32, #tpu.memory_space<vmem>>, vector<16xf32>,
        tpu.vector_store %arg8[%swap3A_1326, %swap3A_1327], %mul3A_1323 {strides = array<i32>} : memref<128x128xf32, #tpu.memory_space<vmem>>, vector<16xf32>,
        %add3A_1329 = arith.constant 13 : i32
        %add3A_1330 = arith.addi %add3A_109, %add3A_1329 : i32
        %get3A_1331 = arith.index_cast %add3A_1330 : i32 to index
        %get3A_1332 = arith.constant 48 : index
        %get3A_1333 = tpu.vector_load %arg8[%get3A_1331, %get3A_1332] {strides = array<i32>} : memref<128x128xf32, #tpu.memory_space<vmem>>, vector<16xf32>,
        %mul3A_1334 = arith.mulf %get3A_1333, %broadcast_in_dim3A_1295 : vector<16xf32>
        %add3A_1335 = arith.constant 13 : i32
        %add3A_1336 = arith.addi %add3A_109, %add3A_1335 : i32
        %swap3A_1337 = arith.index_cast %add3A_1336 : i32 to index
        %swap3A_1338 = arith.constant 48 : index
        %swap3A_1339 = tpu.vector_load %arg8[%swap3A_1337, %swap3A_1338] {strides = array<i32>} : memref<128x128xf32, #tpu.memory_space<vmem>>, vector<16xf32>,
        tpu.vector_store %arg8[%swap3A_1337, %swap3A_1338], %mul3A_1334 {strides = array<i32>} : memref<128x128xf32, #tpu.memory_space<vmem>>, vector<16xf32>,
        %add3A_1340 = arith.constant 13 : i32
        %add3A_1341 = arith.addi %add3A_109, %add3A_1340 : i32
        %get3A_1342 = arith.index_cast %add3A_1341 : i32 to index
        %get3A_1343 = arith.constant 64 : index
        %get3A_1344 = tpu.vector_load %arg8[%get3A_1342, %get3A_1343] {strides = array<i32>} : memref<128x128xf32, #tpu.memory_space<vmem>>, vector<16xf32>,
        %mul3A_1345 = arith.mulf %get3A_1344, %broadcast_in_dim3A_1295 : vector<16xf32>
        %add3A_1346 = arith.constant 13 : i32
        %add3A_1347 = arith.addi %add3A_109, %add3A_1346 : i32
        %swap3A_1348 = arith.index_cast %add3A_1347 : i32 to index
        %swap3A_1349 = arith.constant 64 : index
        %swap3A_1350 = tpu.vector_load %arg8[%swap3A_1348, %swap3A_1349] {strides = array<i32>} : memref<128x128xf32, #tpu.memory_space<vmem>>, vector<16xf32>,
        tpu.vector_store %arg8[%swap3A_1348, %swap3A_1349], %mul3A_1345 {strides = array<i32>} : memref<128x128xf32, #tpu.memory_space<vmem>>, vector<16xf32>,
        %add3A_1351 = arith.constant 13 : i32
        %add3A_1352 = arith.addi %add3A_109, %add3A_1351 : i32
        %get3A_1353 = arith.index_cast %add3A_1352 : i32 to index
        %get3A_1354 = arith.constant 80 : index
        %get3A_1355 = tpu.vector_load %arg8[%get3A_1353, %get3A_1354] {strides = array<i32>} : memref<128x128xf32, #tpu.memory_space<vmem>>, vector<16xf32>,
        %mul3A_1356 = arith.mulf %get3A_1355, %broadcast_in_dim3A_1295 : vector<16xf32>
        %add3A_1357 = arith.constant 13 : i32
        %add3A_1358 = arith.addi %add3A_109, %add3A_1357 : i32
        %swap3A_1359 = arith.index_cast %add3A_1358 : i32 to index
        %swap3A_1360 = arith.constant 80 : index
        %swap3A_1361 = tpu.vector_load %arg8[%swap3A_1359, %swap3A_1360] {strides = array<i32>} : memref<128x128xf32, #tpu.memory_space<vmem>>, vector<16xf32>,
        tpu.vector_store %arg8[%swap3A_1359, %swap3A_1360], %mul3A_1356 {strides = array<i32>} : memref<128x128xf32, #tpu.memory_space<vmem>>, vector<16xf32>,
        %add3A_1362 = arith.constant 13 : i32
        %add3A_1363 = arith.addi %add3A_109, %add3A_1362 : i32
        %get3A_1364 = arith.index_cast %add3A_1363 : i32 to index
        %get3A_1365 = arith.constant 96 : index
        %get3A_1366 = tpu.vector_load %arg8[%get3A_1364, %get3A_1365] {strides = array<i32>} : memref<128x128xf32, #tpu.memory_space<vmem>>, vector<16xf32>,
        %mul3A_1367 = arith.mulf %get3A_1366, %broadcast_in_dim3A_1295 : vector<16xf32>
        %add3A_1368 = arith.constant 13 : i32
        %add3A_1369 = arith.addi %add3A_109, %add3A_1368 : i32
        %swap3A_1370 = arith.index_cast %add3A_1369 : i32 to index
        %swap3A_1371 = arith.constant 96 : index
        %swap3A_1372 = tpu.vector_load %arg8[%swap3A_1370, %swap3A_1371] {strides = array<i32>} : memref<128x128xf32, #tpu.memory_space<vmem>>, vector<16xf32>,
        tpu.vector_store %arg8[%swap3A_1370, %swap3A_1371], %mul3A_1367 {strides = array<i32>} : memref<128x128xf32, #tpu.memory_space<vmem>>, vector<16xf32>,
        %add3A_1373 = arith.constant 13 : i32
        %add3A_1374 = arith.addi %add3A_109, %add3A_1373 : i32
        %get3A_1375 = arith.index_cast %add3A_1374 : i32 to index
        %get3A_1376 = arith.constant 112 : index
        %get3A_1377 = tpu.vector_load %arg8[%get3A_1375, %get3A_1376] {strides = array<i32>} : memref<128x128xf32, #tpu.memory_space<vmem>>, vector<16xf32>,
        %mul3A_1378 = arith.mulf %get3A_1377, %broadcast_in_dim3A_1295 : vector<16xf32>
        %add3A_1379 = arith.constant 13 : i32
        %add3A_1380 = arith.addi %add3A_109, %add3A_1379 : i32
        %swap3A_1381 = arith.index_cast %add3A_1380 : i32 to index
        %swap3A_1382 = arith.constant 112 : index
        %swap3A_1383 = tpu.vector_load %arg8[%swap3A_1381, %swap3A_1382] {strides = array<i32>} : memref<128x128xf32, #tpu.memory_space<vmem>>, vector<16xf32>,
        tpu.vector_store %arg8[%swap3A_1381, %swap3A_1382], %mul3A_1378 {strides = array<i32>} : memref<128x128xf32, #tpu.memory_space<vmem>>, vector<16xf32>,
        %slice3A_1384 = vector.extract_strided_slice %bitcast3A {offsets = [14], sizes = [1], strides = [1]} : vector<16xf32> to vector<1xf32>
        %squeeze3A_1385 = vector.extract %slice3A_1384[0] : f32 from vector<1xf32>
        %broadcast_in_dim3A_1386 = vector.broadcast %squeeze3A_1385 : f32 to vector<16xf32>
        %add3A_1387 = arith.constant 14 : i32
        %add3A_1388 = arith.addi %add3A_109, %add3A_1387 : i32
        %get3A_1389 = arith.index_cast %add3A_1388 : i32 to index
        %get3A_1390 = arith.constant 0 : index
        %get3A_1391 = tpu.vector_load %arg8[%get3A_1389, %get3A_1390] {strides = array<i32>} : memref<128x128xf32, #tpu.memory_space<vmem>>, vector<16xf32>,
        %mul3A_1392 = arith.mulf %get3A_1391, %broadcast_in_dim3A_1386 : vector<16xf32>
        %add3A_1393 = arith.constant 14 : i32
        %add3A_1394 = arith.addi %add3A_109, %add3A_1393 : i32
        %swap3A_1395 = arith.index_cast %add3A_1394 : i32 to index
        %swap3A_1396 = arith.constant 0 : index
        %swap3A_1397 = tpu.vector_load %arg8[%swap3A_1395, %swap3A_1396] {strides = array<i32>} : memref<128x128xf32, #tpu.memory_space<vmem>>, vector<16xf32>,
        tpu.vector_store %arg8[%swap3A_1395, %swap3A_1396], %mul3A_1392 {strides = array<i32>} : memref<128x128xf32, #tpu.memory_space<vmem>>, vector<16xf32>,
        %add3A_1398 = arith.constant 14 : i32
        %add3A_1399 = arith.addi %add3A_109, %add3A_1398 : i32
        %get3A_1400 = arith.index_cast %add3A_1399 : i32 to index
        %get3A_1401 = arith.constant 16 : index
        %get3A_1402 = tpu.vector_load %arg8[%get3A_1400, %get3A_1401] {strides = array<i32>} : memref<128x128xf32, #tpu.memory_space<vmem>>, vector<16xf32>,
        %mul3A_1403 = arith.mulf %get3A_1402, %broadcast_in_dim3A_1386 : vector<16xf32>
        %add3A_1404 = arith.constant 14 : i32
        %add3A_1405 = arith.addi %add3A_109, %add3A_1404 : i32
        %swap3A_1406 = arith.index_cast %add3A_1405 : i32 to index
        %swap3A_1407 = arith.constant 16 : index
        %swap3A_1408 = tpu.vector_load %arg8[%swap3A_1406, %swap3A_1407] {strides = array<i32>} : memref<128x128xf32, #tpu.memory_space<vmem>>, vector<16xf32>,
        tpu.vector_store %arg8[%swap3A_1406, %swap3A_1407], %mul3A_1403 {strides = array<i32>} : memref<128x128xf32, #tpu.memory_space<vmem>>, vector<16xf32>,
        %add3A_1409 = arith.constant 14 : i32
        %add3A_1410 = arith.addi %add3A_109, %add3A_1409 : i32
        %get3A_1411 = arith.index_cast %add3A_1410 : i32 to index
        %get3A_1412 = arith.constant 32 : index
        %get3A_1413 = tpu.vector_load %arg8[%get3A_1411, %get3A_1412] {strides = array<i32>} : memref<128x128xf32, #tpu.memory_space<vmem>>, vector<16xf32>,
        %mul3A_1414 = arith.mulf %get3A_1413, %broadcast_in_dim3A_1386 : vector<16xf32>
        %add3A_1415 = arith.constant 14 : i32
        %add3A_1416 = arith.addi %add3A_109, %add3A_1415 : i32
        %swap3A_1417 = arith.index_cast %add3A_1416 : i32 to index
        %swap3A_1418 = arith.constant 32 : index
        %swap3A_1419 = tpu.vector_load %arg8[%swap3A_1417, %swap3A_1418] {strides = array<i32>} : memref<128x128xf32, #tpu.memory_space<vmem>>, vector<16xf32>,
        tpu.vector_store %arg8[%swap3A_1417, %swap3A_1418], %mul3A_1414 {strides = array<i32>} : memref<128x128xf32, #tpu.memory_space<vmem>>, vector<16xf32>,
        %add3A_1420 = arith.constant 14 : i32
        %add3A_1421 = arith.addi %add3A_109, %add3A_1420 : i32
        %get3A_1422 = arith.index_cast %add3A_1421 : i32 to index
        %get3A_1423 = arith.constant 48 : index
        %get3A_1424 = tpu.vector_load %arg8[%get3A_1422, %get3A_1423] {strides = array<i32>} : memref<128x128xf32, #tpu.memory_space<vmem>>, vector<16xf32>,
        %mul3A_1425 = arith.mulf %get3A_1424, %broadcast_in_dim3A_1386 : vector<16xf32>
        %add3A_1426 = arith.constant 14 : i32
        %add3A_1427 = arith.addi %add3A_109, %add3A_1426 : i32
        %swap3A_1428 = arith.index_cast %add3A_1427 : i32 to index
        %swap3A_1429 = arith.constant 48 : index
        %swap3A_1430 = tpu.vector_load %arg8[%swap3A_1428, %swap3A_1429] {strides = array<i32>} : memref<128x128xf32, #tpu.memory_space<vmem>>, vector<16xf32>,
        tpu.vector_store %arg8[%swap3A_1428, %swap3A_1429], %mul3A_1425 {strides = array<i32>} : memref<128x128xf32, #tpu.memory_space<vmem>>, vector<16xf32>,
        %add3A_1431 = arith.constant 14 : i32
        %add3A_1432 = arith.addi %add3A_109, %add3A_1431 : i32
        %get3A_1433 = arith.index_cast %add3A_1432 : i32 to index
        %get3A_1434 = arith.constant 64 : index
        %get3A_1435 = tpu.vector_load %arg8[%get3A_1433, %get3A_1434] {strides = array<i32>} : memref<128x128xf32, #tpu.memory_space<vmem>>, vector<16xf32>,
        %mul3A_1436 = arith.mulf %get3A_1435, %broadcast_in_dim3A_1386 : vector<16xf32>
        %add3A_1437 = arith.constant 14 : i32
        %add3A_1438 = arith.addi %add3A_109, %add3A_1437 : i32
        %swap3A_1439 = arith.index_cast %add3A_1438 : i32 to index
        %swap3A_1440 = arith.constant 64 : index
        %swap3A_1441 = tpu.vector_load %arg8[%swap3A_1439, %swap3A_1440] {strides = array<i32>} : memref<128x128xf32, #tpu.memory_space<vmem>>, vector<16xf32>,
        tpu.vector_store %arg8[%swap3A_1439, %swap3A_1440], %mul3A_1436 {strides = array<i32>} : memref<128x128xf32, #tpu.memory_space<vmem>>, vector<16xf32>,
        %add3A_1442 = arith.constant 14 : i32
        %add3A_1443 = arith.addi %add3A_109, %add3A_1442 : i32
        %get3A_1444 = arith.index_cast %add3A_1443 : i32 to index
        %get3A_1445 = arith.constant 80 : index
        %get3A_1446 = tpu.vector_load %arg8[%get3A_1444, %get3A_1445] {strides = array<i32>} : memref<128x128xf32, #tpu.memory_space<vmem>>, vector<16xf32>,
        %mul3A_1447 = arith.mulf %get3A_1446, %broadcast_in_dim3A_1386 : vector<16xf32>
        %add3A_1448 = arith.constant 14 : i32
        %add3A_1449 = arith.addi %add3A_109, %add3A_1448 : i32
        %swap3A_1450 = arith.index_cast %add3A_1449 : i32 to index
        %swap3A_1451 = arith.constant 80 : index
        %swap3A_1452 = tpu.vector_load %arg8[%swap3A_1450, %swap3A_1451] {strides = array<i32>} : memref<128x128xf32, #tpu.memory_space<vmem>>, vector<16xf32>,
        tpu.vector_store %arg8[%swap3A_1450, %swap3A_1451], %mul3A_1447 {strides = array<i32>} : memref<128x128xf32, #tpu.memory_space<vmem>>, vector<16xf32>,
        %add3A_1453 = arith.constant 14 : i32
        %add3A_1454 = arith.addi %add3A_109, %add3A_1453 : i32
        %get3A_1455 = arith.index_cast %add3A_1454 : i32 to index
        %get3A_1456 = arith.constant 96 : index
        %get3A_1457 = tpu.vector_load %arg8[%get3A_1455, %get3A_1456] {strides = array<i32>} : memref<128x128xf32, #tpu.memory_space<vmem>>, vector<16xf32>,
        %mul3A_1458 = arith.mulf %get3A_1457, %broadcast_in_dim3A_1386 : vector<16xf32>
        %add3A_1459 = arith.constant 14 : i32
        %add3A_1460 = arith.addi %add3A_109, %add3A_1459 : i32
        %swap3A_1461 = arith.index_cast %add3A_1460 : i32 to index
        %swap3A_1462 = arith.constant 96 : index
        %swap3A_1463 = tpu.vector_load %arg8[%swap3A_1461, %swap3A_1462] {strides = array<i32>} : memref<128x128xf32, #tpu.memory_space<vmem>>, vector<16xf32>,
        tpu.vector_store %arg8[%swap3A_1461, %swap3A_1462], %mul3A_1458 {strides = array<i32>} : memref<128x128xf32, #tpu.memory_space<vmem>>, vector<16xf32>,
        %add3A_1464 = arith.constant 14 : i32
        %add3A_1465 = arith.addi %add3A_109, %add3A_1464 : i32
        %get3A_1466 = arith.index_cast %add3A_1465 : i32 to index
        %get3A_1467 = arith.constant 112 : index
        %get3A_1468 = tpu.vector_load %arg8[%get3A_1466, %get3A_1467] {strides = array<i32>} : memref<128x128xf32, #tpu.memory_space<vmem>>, vector<16xf32>,
        %mul3A_1469 = arith.mulf %get3A_1468, %broadcast_in_dim3A_1386 : vector<16xf32>
        %add3A_1470 = arith.constant 14 : i32
        %add3A_1471 = arith.addi %add3A_109, %add3A_1470 : i32
        %swap3A_1472 = arith.index_cast %add3A_1471 : i32 to index
        %swap3A_1473 = arith.constant 112 : index
        %swap3A_1474 = tpu.vector_load %arg8[%swap3A_1472, %swap3A_1473] {strides = array<i32>} : memref<128x128xf32, #tpu.memory_space<vmem>>, vector<16xf32>,
        tpu.vector_store %arg8[%swap3A_1472, %swap3A_1473], %mul3A_1469 {strides = array<i32>} : memref<128x128xf32, #tpu.memory_space<vmem>>, vector<16xf32>,
        %slice3A_1475 = vector.extract_strided_slice %bitcast3A {offsets = [15], sizes = [1], strides = [1]} : vector<16xf32> to vector<1xf32>
        %squeeze3A_1476 = vector.extract %slice3A_1475[0] : f32 from vector<1xf32>
        %broadcast_in_dim3A_1477 = vector.broadcast %squeeze3A_1476 : f32 to vector<16xf32>
        %add3A_1478 = arith.constant 15 : i32
        %add3A_1479 = arith.addi %add3A_109, %add3A_1478 : i32
        %get3A_1480 = arith.index_cast %add3A_1479 : i32 to index
        %get3A_1481 = arith.constant 0 : index
        %get3A_1482 = tpu.vector_load %arg8[%get3A_1480, %get3A_1481] {strides = array<i32>} : memref<128x128xf32, #tpu.memory_space<vmem>>, vector<16xf32>,
        %mul3A_1483 = arith.mulf %get3A_1482, %broadcast_in_dim3A_1477 : vector<16xf32>
        %add3A_1484 = arith.constant 15 : i32
        %add3A_1485 = arith.addi %add3A_109, %add3A_1484 : i32
        %swap3A_1486 = arith.index_cast %add3A_1485 : i32 to index
        %swap3A_1487 = arith.constant 0 : index
        %swap3A_1488 = tpu.vector_load %arg8[%swap3A_1486, %swap3A_1487] {strides = array<i32>} : memref<128x128xf32, #tpu.memory_space<vmem>>, vector<16xf32>,
        tpu.vector_store %arg8[%swap3A_1486, %swap3A_1487], %mul3A_1483 {strides = array<i32>} : memref<128x128xf32, #tpu.memory_space<vmem>>, vector<16xf32>,
        %add3A_1489 = arith.constant 15 : i32
        %add3A_1490 = arith.addi %add3A_109, %add3A_1489 : i32
        %get3A_1491 = arith.index_cast %add3A_1490 : i32 to index
        %get3A_1492 = arith.constant 16 : index
        %get3A_1493 = tpu.vector_load %arg8[%get3A_1491, %get3A_1492] {strides = array<i32>} : memref<128x128xf32, #tpu.memory_space<vmem>>, vector<16xf32>,
        %mul3A_1494 = arith.mulf %get3A_1493, %broadcast_in_dim3A_1477 : vector<16xf32>
        %add3A_1495 = arith.constant 15 : i32
        %add3A_1496 = arith.addi %add3A_109, %add3A_1495 : i32
        %swap3A_1497 = arith.index_cast %add3A_1496 : i32 to index
        %swap3A_1498 = arith.constant 16 : index
        %swap3A_1499 = tpu.vector_load %arg8[%swap3A_1497, %swap3A_1498] {strides = array<i32>} : memref<128x128xf32, #tpu.memory_space<vmem>>, vector<16xf32>,
        tpu.vector_store %arg8[%swap3A_1497, %swap3A_1498], %mul3A_1494 {strides = array<i32>} : memref<128x128xf32, #tpu.memory_space<vmem>>, vector<16xf32>,
        %add3A_1500 = arith.constant 15 : i32
        %add3A_1501 = arith.addi %add3A_109, %add3A_1500 : i32
        %get3A_1502 = arith.index_cast %add3A_1501 : i32 to index
        %get3A_1503 = arith.constant 32 : index
        %get3A_1504 = tpu.vector_load %arg8[%get3A_1502, %get3A_1503] {strides = array<i32>} : memref<128x128xf32, #tpu.memory_space<vmem>>, vector<16xf32>,
        %mul3A_1505 = arith.mulf %get3A_1504, %broadcast_in_dim3A_1477 : vector<16xf32>
        %add3A_1506 = arith.constant 15 : i32
        %add3A_1507 = arith.addi %add3A_109, %add3A_1506 : i32
        %swap3A_1508 = arith.index_cast %add3A_1507 : i32 to index
        %swap3A_1509 = arith.constant 32 : index
        %swap3A_1510 = tpu.vector_load %arg8[%swap3A_1508, %swap3A_1509] {strides = array<i32>} : memref<128x128xf32, #tpu.memory_space<vmem>>, vector<16xf32>,
        tpu.vector_store %arg8[%swap3A_1508, %swap3A_1509], %mul3A_1505 {strides = array<i32>} : memref<128x128xf32, #tpu.memory_space<vmem>>, vector<16xf32>,
        %add3A_1511 = arith.constant 15 : i32
        %add3A_1512 = arith.addi %add3A_109, %add3A_1511 : i32
        %get3A_1513 = arith.index_cast %add3A_1512 : i32 to index
        %get3A_1514 = arith.constant 48 : index
        %get3A_1515 = tpu.vector_load %arg8[%get3A_1513, %get3A_1514] {strides = array<i32>} : memref<128x128xf32, #tpu.memory_space<vmem>>, vector<16xf32>,
        %mul3A_1516 = arith.mulf %get3A_1515, %broadcast_in_dim3A_1477 : vector<16xf32>
        %add3A_1517 = arith.constant 15 : i32
        %add3A_1518 = arith.addi %add3A_109, %add3A_1517 : i32
        %swap3A_1519 = arith.index_cast %add3A_1518 : i32 to index
        %swap3A_1520 = arith.constant 48 : index
        %swap3A_1521 = tpu.vector_load %arg8[%swap3A_1519, %swap3A_1520] {strides = array<i32>} : memref<128x128xf32, #tpu.memory_space<vmem>>, vector<16xf32>,
        tpu.vector_store %arg8[%swap3A_1519, %swap3A_1520], %mul3A_1516 {strides = array<i32>} : memref<128x128xf32, #tpu.memory_space<vmem>>, vector<16xf32>,
        %add3A_1522 = arith.constant 15 : i32
        %add3A_1523 = arith.addi %add3A_109, %add3A_1522 : i32
        %get3A_1524 = arith.index_cast %add3A_1523 : i32 to index
        %get3A_1525 = arith.constant 64 : index
        %get3A_1526 = tpu.vector_load %arg8[%get3A_1524, %get3A_1525] {strides = array<i32>} : memref<128x128xf32, #tpu.memory_space<vmem>>, vector<16xf32>,
        %mul3A_1527 = arith.mulf %get3A_1526, %broadcast_in_dim3A_1477 : vector<16xf32>
        %add3A_1528 = arith.constant 15 : i32
        %add3A_1529 = arith.addi %add3A_109, %add3A_1528 : i32
        %swap3A_1530 = arith.index_cast %add3A_1529 : i32 to index
        %swap3A_1531 = arith.constant 64 : index
        %swap3A_1532 = tpu.vector_load %arg8[%swap3A_1530, %swap3A_1531] {strides = array<i32>} : memref<128x128xf32, #tpu.memory_space<vmem>>, vector<16xf32>,
        tpu.vector_store %arg8[%swap3A_1530, %swap3A_1531], %mul3A_1527 {strides = array<i32>} : memref<128x128xf32, #tpu.memory_space<vmem>>, vector<16xf32>,
        %add3A_1533 = arith.constant 15 : i32
        %add3A_1534 = arith.addi %add3A_109, %add3A_1533 : i32
        %get3A_1535 = arith.index_cast %add3A_1534 : i32 to index
        %get3A_1536 = arith.constant 80 : index
        %get3A_1537 = tpu.vector_load %arg8[%get3A_1535, %get3A_1536] {strides = array<i32>} : memref<128x128xf32, #tpu.memory_space<vmem>>, vector<16xf32>,
        %mul3A_1538 = arith.mulf %get3A_1537, %broadcast_in_dim3A_1477 : vector<16xf32>
        %add3A_1539 = arith.constant 15 : i32
        %add3A_1540 = arith.addi %add3A_109, %add3A_1539 : i32
        %swap3A_1541 = arith.index_cast %add3A_1540 : i32 to index
        %swap3A_1542 = arith.constant 80 : index
        %swap3A_1543 = tpu.vector_load %arg8[%swap3A_1541, %swap3A_1542] {strides = array<i32>} : memref<128x128xf32, #tpu.memory_space<vmem>>, vector<16xf32>,
        tpu.vector_store %arg8[%swap3A_1541, %swap3A_1542], %mul3A_1538 {strides = array<i32>} : memref<128x128xf32, #tpu.memory_space<vmem>>, vector<16xf32>,
        %add3A_1544 = arith.constant 15 : i32
        %add3A_1545 = arith.addi %add3A_109, %add3A_1544 : i32
        %get3A_1546 = arith.index_cast %add3A_1545 : i32 to index
        %get3A_1547 = arith.constant 96 : index
        %get3A_1548 = tpu.vector_load %arg8[%get3A_1546, %get3A_1547] {strides = array<i32>} : memref<128x128xf32, #tpu.memory_space<vmem>>, vector<16xf32>,
        %mul3A_1549 = arith.mulf %get3A_1548, %broadcast_in_dim3A_1477 : vector<16xf32>
        %add3A_1550 = arith.constant 15 : i32
        %add3A_1551 = arith.addi %add3A_109, %add3A_1550 : i32
        %swap3A_1552 = arith.index_cast %add3A_1551 : i32 to index
        %swap3A_1553 = arith.constant 96 : index
        %swap3A_1554 = tpu.vector_load %arg8[%swap3A_1552, %swap3A_1553] {strides = array<i32>} : memref<128x128xf32, #tpu.memory_space<vmem>>, vector<16xf32>,
        tpu.vector_store %arg8[%swap3A_1552, %swap3A_1553], %mul3A_1549 {strides = array<i32>} : memref<128x128xf32, #tpu.memory_space<vmem>>, vector<16xf32>,
        %add3A_1555 = arith.constant 15 : i32
        %add3A_1556 = arith.addi %add3A_109, %add3A_1555 : i32
        %get3A_1557 = arith.index_cast %add3A_1556 : i32 to index
        %get3A_1558 = arith.constant 112 : index
        %get3A_1559 = tpu.vector_load %arg8[%get3A_1557, %get3A_1558] {strides = array<i32>} : memref<128x128xf32, #tpu.memory_space<vmem>>, vector<16xf32>,
        %mul3A_1560 = arith.mulf %get3A_1559, %broadcast_in_dim3A_1477 : vector<16xf32>
        %add3A_1561 = arith.constant 15 : i32
        %add3A_1562 = arith.addi %add3A_109, %add3A_1561 : i32
        %swap3A_1563 = arith.index_cast %add3A_1562 : i32 to index
        %swap3A_1564 = arith.constant 112 : index
        %swap3A_1565 = tpu.vector_load %arg8[%swap3A_1563, %swap3A_1564] {strides = array<i32>} : memref<128x128xf32, #tpu.memory_space<vmem>>, vector<16xf32>,
        tpu.vector_store %arg8[%swap3A_1563, %swap3A_1564], %mul3A_1560 {strides = array<i32>} : memref<128x128xf32, #tpu.memory_space<vmem>>, vector<16xf32>,
      }
      %scan3A_97 = arith.constant 8 : i32
      %dma_start3A_98 = arith.constant 0 : i32
      %dma_start3A_99 = arith.constant 0 : i32
      %dma_start3A_100 = tpu.memref_slice %arg6[%dma_start3A_98, %dma_start3A_99] : memref<3x128xi32, #tpu.memory_space<vmem>> -> memref<1x128xi32, #tpu.memory_space<vmem>>
      %dma_start3A_101 = tpu.memref_squeeze %dma_start3A_100 : memref<1x128xi32, #tpu.memory_space<vmem>> -> memref<128xi32, #tpu.memory_space<vmem>>
      %dma_start3A_102 = arith.constant 0 : i32
      %dma_start3A_103 = arith.constant 0 : i32
      %dma_start3A_104 = tpu.memref_slice %arg9[%dma_start3A_102, %dma_start3A_103] : memref<10000x128xf32, #tpu.memory_space<vmem_shared>> -> memref<10000x128xf32, #tpu.memory_space<vmem_shared>>
      tpu.enqueue_indirect_dma source(%arg8 : memref<128x128xf32, #tpu.memory_space<vmem>>) target(%dma_start3A_104 : memref<10000x128xf32, #tpu.memory_space<vmem_shared>>) offsets(%dma_start3A_101 : memref<128xi32, #tpu.memory_space<vmem>>) semaphore(%arg13 : memref<!tpu.dma_semaphore, #tpu.memory_space<semaphore_mem>>) {add = true}
    }
    %scan3A_32 = arith.constant 40 : i32
    %dma_wait3A = arith.constant 0 : i32
    %dma_wait3A_33 = arith.constant 0 : i32
    %dma_wait3A_34 = tpu.memref_slice %arg6[%dma_wait3A, %dma_wait3A_33] : memref<3x128xi32, #tpu.memory_space<vmem>> -> memref<1x128xi32, #tpu.memory_space<vmem>>
    %dma_wait3A_35 = tpu.memref_squeeze %dma_wait3A_34 : memref<1x128xi32, #tpu.memory_space<vmem>> -> memref<128xi32, #tpu.memory_space<vmem>>
    %dma_wait3A_36 = arith.constant 0 : i32
    %dma_wait3A_37 = arith.constant 0 : i32
    %dma_wait3A_38 = tpu.memref_slice %arg9[%dma_wait3A_36, %dma_wait3A_37] : memref<10000x128xf32, #tpu.memory_space<vmem_shared>> -> memref<10000x128xf32, #tpu.memory_space<vmem_shared>>
    tpu.wait_indirect_dma semaphore(%arg13 : memref<!tpu.dma_semaphore, #tpu.memory_space<semaphore_mem>>) src(%arg8 : memref<128x128xf32, #tpu.memory_space<vmem>>) dst(%dma_wait3A_38 : memref<10000x128xf32, #tpu.memory_space<vmem_shared>>)
    %barrier3A_39 = arith.constant 0 : index
    tpu.barrier barrier_id(%barrier3A_39)
    "tpu.region"() ({
      %run_scoped3A = tpu.sem_alloc : memref<!tpu.dma_semaphore, #tpu.memory_space<semaphore_mem>>
      %dma_start3A_40 = arith.constant 0 : i32
      %dma_start3A_41 = arith.constant 0 : i32
      %dma_start3A_42 = tpu.memref_slice %arg4[%arg0, %arg1, %dma_start3A_40, %dma_start3A_41] : memref<2x16x625x128xf32, #tpu.memory_space<hbm>> -> memref<1x1x625x128xf32, #tpu.memory_space<hbm>>
      %dma_start3A_43 = tpu.memref_squeeze %dma_start3A_42 : memref<1x1x625x128xf32, #tpu.memory_space<hbm>> -> memref<625x128xf32, #tpu.memory_space<hbm>>
      %dma_start3A_44 = arith.constant 0 : i32
      %dma_start3A_45 = tpu.memref_slice %arg9[%mul3A_4, %dma_start3A_44] : memref<10000x128xf32, #tpu.memory_space<vmem_shared>> -> memref<625x128xf32, #tpu.memory_space<vmem_shared>>
      tpu.enqueue_dma source(%dma_start3A_45 : memref<625x128xf32, #tpu.memory_space<vmem_shared>>) target(%dma_start3A_43 : memref<625x128xf32, #tpu.memory_space<hbm>>) target_semaphore(%run_scoped3A : memref<!tpu.dma_semaphore, #tpu.memory_space<semaphore_mem>>)
      %dma_wait3A_46 = arith.constant 0 : i32
      %dma_wait3A_47 = arith.constant 0 : i32
      %dma_wait3A_48 = tpu.memref_slice %arg4[%arg0, %arg1, %dma_wait3A_46, %dma_wait3A_47] : memref<2x16x625x128xf32, #tpu.memory_space<hbm>> -> memref<1x1x625x128xf32, #tpu.memory_space<hbm>>
      %dma_wait3A_49 = tpu.memref_squeeze %dma_wait3A_48 : memref<1x1x625x128xf32, #tpu.memory_space<hbm>> -> memref<625x128xf32, #tpu.memory_space<hbm>>
      %dma_wait3A_50 = arith.constant 0 : i32
      %dma_wait3A_51 = tpu.memref_slice %arg9[%mul3A_4, %dma_wait3A_50] : memref<10000x128xf32, #tpu.memory_space<vmem_shared>> -> memref<625x128xf32, #tpu.memory_space<vmem_shared>>
      tpu.wait_dma2 semaphore(%run_scoped3A : memref<!tpu.dma_semaphore, #tpu.memory_space<semaphore_mem>>) src(%dma_wait3A_51 : memref<625x128xf32, #tpu.memory_space<vmem_shared>>) dst(%dma_wait3A_49 : memref<625x128xf32, #tpu.memory_space<hbm>>)
      tpu.yield
    }) : () -> ()
    return
  }
}

module attributes {stable_mosaic.version = 14 : i64} {
  func.func @mm_kernel(%arg0: i32, %arg1: memref<1000x128xf32, #tpu.memory_space<vmem>>, %arg2: memref<128x128xf32, #tpu.memory_space<vmem>>, %arg3: memref<1x128xf32, #tpu.memory_space<vmem>>, %arg4: memref<1000x128xf32, #tpu.memory_space<vmem>>) attributes {dimension_semantics = [#tpu.dimension_semantics<arbitrary>], iteration_bounds = array<i64: 10>, scalar_prefetch = 0 : i64, scratch_operands = 0 : i64, tpu.core_type = #tpu.core_type<tc>, window_params = [{transform_indices = @transform_0, window_bounds = array<i64: 1000, 128>}, {pipeline_mode = #tpu.pipeline_mode<synchronous>, transform_indices = @transform_1, window_bounds = array<i64: 128, 128>}, {pipeline_mode = #tpu.pipeline_mode<synchronous>, transform_indices = @transform_2, window_bounds = array<i64: 1, 128>}, {transform_indices = @transform_3, window_bounds = array<i64: 1000, 128>}]} {
    %get3A = arith.constant 0 : index
    %get3A_0 = arith.constant 0 : index
    %get3A_1 = vector.load %arg1[%get3A, %get3A_0] : memref<1000x128xf32, #tpu.memory_space<vmem>>, vector<1000x128xf32>
    %get3A_2 = arith.constant 0 : index
    %get3A_3 = arith.constant 0 : index
    %get3A_4 = vector.load %arg2[%get3A_2, %get3A_3] : memref<128x128xf32, #tpu.memory_space<vmem>>, vector<128x128xf32>
    %dot_general3A = arith.constant dense<0.000000e+00> : vector<1000x128xf32>
    %dot_general3A_5 = tpu.matmul %get3A_1, %get3A_4, %dot_general3A {dimension_numbers = #tpu.dot_dimension_numbers<[1], [0], [0], [1], [0, 0, 1, 1], [], []>, precision = #tpu.contract_precision<fp32>, transpose_lhs_hint = false} : vector<1000x128xf32>, vector<128x128xf32>, vector<1000x128xf32> -> vector<1000x128xf32>
    %get3A_6 = arith.constant 0 : index
    %get3A_7 = arith.constant 0 : index
    %get3A_8 = vector.load %arg3[%get3A_6, %get3A_7] : memref<1x128xf32, #tpu.memory_space<vmem>>, vector<1x128xf32>
    %add3A = vector.broadcast %get3A_8 : vector<1x128xf32> to vector<1000x128xf32>
    %add3A_9 = arith.addf %dot_general3A_5, %add3A : vector<1000x128xf32>
    %swap3A = arith.constant 0 : index
    %swap3A_10 = arith.constant 0 : index
    %swap3A_11 = vector.load %arg4[%swap3A, %swap3A_10] : memref<1000x128xf32, #tpu.memory_space<vmem>>, vector<1000x128xf32>
    tpu.vector_store %arg4[%swap3A, %swap3A_10], %add3A_9 {strides = array<i32>} : memref<1000x128xf32, #tpu.memory_space<vmem>>, vector<1000x128xf32>,
    return
  }
  func.func @transform_0(%arg0: i32) -> (i32, i32) {
    %c0_i32 = arith.constant 0 : i32
    %c0_i32_0 = arith.constant 0 : i32
    return %arg0, %c0_i32 : i32, i32
  }
  func.func @transform_1(%arg0: i32) -> (i32, i32) {
    %c0_i32 = arith.constant 0 : i32
    %c0_i32_0 = arith.constant 0 : i32
    %c0_i32_1 = arith.constant 0 : i32
    return %c0_i32, %c0_i32_0 : i32, i32
  }
  func.func @transform_2(%arg0: i32) -> (i32, i32) {
    %c0_i32 = arith.constant 0 : i32
    %c0_i32_0 = arith.constant 0 : i32
    %c0_i32_1 = arith.constant 0 : i32
    return %c0_i32, %c0_i32_0 : i32, i32
  }
  func.func @transform_3(%arg0: i32) -> (i32, i32) {
    %c0_i32 = arith.constant 0 : i32
    %c0_i32_0 = arith.constant 0 : i32
    return %arg0, %c0_i32 : i32, i32
  }
}

module attributes {stable_mosaic.version = 14 : i64} {
  func.func @add_kernel(%arg0: i32, %arg1: memref<2x1000x128xf32, #tpu.memory_space<vmem>>, %arg2: memref<1000x128xf32, #tpu.memory_space<vmem>>) attributes {dimension_semantics = [#tpu.dimension_semantics<arbitrary>], iteration_bounds = array<i64: 10>, scalar_prefetch = 0 : i64, scratch_operands = 0 : i64, tpu.core_type = #tpu.core_type<tc>, window_params = [{transform_indices = @transform_0, window_bounds = array<i64: 2, 1000, 128>}, {transform_indices = @transform_1, window_bounds = array<i64: 1000, 128>}]} {
    %get3A = arith.constant 0 : index
    %get3A_0 = arith.constant 0 : index
    %get3A_1 = arith.constant 0 : index
    %get3A_2 = vector.load %arg1[%get3A, %get3A_0, %get3A_1] : memref<2x1000x128xf32, #tpu.memory_space<vmem>>, vector<1x1000x128xf32>
    %get3A_3 = vector.shape_cast %get3A_2 : vector<1x1000x128xf32> to vector<1000x128xf32>
    %get3A_4 = arith.constant 1 : index
    %get3A_5 = arith.constant 0 : index
    %get3A_6 = arith.constant 0 : index
    %get3A_7 = vector.load %arg1[%get3A_4, %get3A_5, %get3A_6] : memref<2x1000x128xf32, #tpu.memory_space<vmem>>, vector<1x1000x128xf32>
    %get3A_8 = vector.shape_cast %get3A_7 : vector<1x1000x128xf32> to vector<1000x128xf32>
    %add3A = arith.addf %get3A_3, %get3A_8 : vector<1000x128xf32>
    %swap3A = arith.constant 0 : index
    %swap3A_9 = arith.constant 0 : index
    %swap3A_10 = vector.load %arg2[%swap3A, %swap3A_9] : memref<1000x128xf32, #tpu.memory_space<vmem>>, vector<1000x128xf32>
    tpu.vector_store %arg2[%swap3A, %swap3A_9], %add3A {strides = array<i32>} : memref<1000x128xf32, #tpu.memory_space<vmem>>, vector<1000x128xf32>,
    return
  }
  func.func @transform_0(%arg0: i32) -> (i32, i32, i32) {
    %c0_i32 = arith.constant 0 : i32
    %c0_i32_0 = arith.constant 0 : i32
    %c0_i32_1 = arith.constant 0 : i32
    return %c0_i32, %arg0, %c0_i32_0 : i32, i32, i32
  }
  func.func @transform_1(%arg0: i32) -> (i32, i32) {
    %c0_i32 = arith.constant 0 : i32
    %c0_i32_0 = arith.constant 0 : i32
    return %arg0, %c0_i32 : i32, i32
  }
}

</mosaic_0001>

<sc_bundles>
// kernel: kernel.5.cloned.1.call-start
scs
__scs_entry_jumppad:
0x0: {  	(pc) =	sbr.rel $0x88, $3  }
0x1: {  	(tag) =	ssettag $0x0;
	lr =	simm.s32 $0x1  }
0x2: {  	[smem:$0x3F9C] =	sst lr;
	_ =	strace $0xD0000000  }
0x3: {  	_ = 	snop  }
0x4: {  	_ = 	snop  }
0x5: {  	_ = 	snop  }
0x6: {  	_ = 	snop  }
0x7: {  	_ = 	snop  }
__scs_overlays_trampoline_lowered:
0x8: {  	[smem:$0x3FAB] =	sst s0  }
0x9: {  	[smem:$0x3FAC] =	sst s1  }
0xa: {  	[smem:$0x3FAD] =	sst s2  }
0xb: {  	[smem:$0x3FAE] =	sst s3  }
0xc: {  	[smem:$0x3FAF] =	sst s4  }
0xd: {  	[smem:$0x3FB0] =	sst s5  }
0xe: {  	[smem:$0x3FB1] =	sst s6  }
0xf: {  	[smem:$0x3FB2] =	sst s7  }
0x10: {  	[smem:$0x3FB3] =	sst s8  }
0x11: {  	[smem:$0x3FB4] =	sst s9;
	s0 =	simm.s32 @!p0 $0x0  }
0x12: {  	s1 =	sld [smem:$0x3F9A];
	s0 =	simm.s32 @p0 $0x1  }
0x13: {  	[smem:$0x3FB5] =	sst s0;
	s0 =	simm.s32 @!p1 $0x0  }
0x14: {  	s2 =	sld [smem:$0x3F99];
	s0 =	simm.s32 @p1 $0x1  }
0x15: {  	[smem:$0x3FB6] =	sst s0;
	s0 =	simm.s32 @!p2 $0x0  }
0x16: {  	s3 =	sld [smem:$0x3FDB];
	s0 =	simm.s32 @p2 $0x1  }
0x17: {  	s4 =	simm.s32 $0x1BF5;
	[smem:$0x3FB8] =	sst s0  }
0x18: {  	s0 =	sld [smem:$0x3F9B];
	_ =	swait.ge [sflag:s4], $0x0  }
0x19: {  	s7 =	sld [smem:$0x3F9C]  }
0x1a: {  	s8 =	sadd.s32 $0xFFFFE003, lr  }
0x1b: {  	s9 =	sadd.s32 $0xFFFFFEF7, lr;
	s5 =	simm.s32 $0xFFFFFFFF;
	p2 =	slt.u32 s8, $0xFFFFF086  }
0x1c: {  	p1 =	slt.u32 s9, $0xF7A;
	s5 =	simm.s32 @!p2 $0x0  }
0x1d: {  	s5 =	simm.s32 @p1 $0x1;
	p0 =	seq.s32 s7, s2  }
0x1e: {  	s7 =	smul.u32 @!p0 $0xF7A, s2;
	p2 =	seq.s32 @!p0 s5, $0x0  }
0x1f: {  	s9 =	smul.u32 $0xF7A, s1;
	s8 =	simm.s32 @!p0 $0x1BF5;
	p2 =	por !p2, p0  }
0x20: {  	[sflag:s8] =	ssyncset.s32 @!p0 $0xFFFFF086;
	s6 =	sadd.s32 @!p0 s3, s7;
	s7 =	simm.s32 @!p0 $0x108  }
0x21: {  	s3 =	sadd.s32 s3, s9;
	s6 =	sadd.s32 @!p0 $0x88, s6;
	s7 =	simm.s32 @p2 $0x1082  }
0x22: {  	[simem:s7], [sflag:s8] =	dma.local @!p0 [hbm:s6], $0xF7A  }
0x23: {  	s9 =	sor.u32 $0xD0000000, s2;
	s6 =	simm.s32 $0x108;
	_ =	swait.ge @!p0 [sflag:s8], $0x0  }
0x24: {  	s3 =	sadd.s32 $0x88, s3;
	s6 =	simm.s32 @!p1 $0x1082;
	[sflag:s4] =	ssyncset.s32 $0xFFFFF086  }
0x25: {  	[simem:s6], [sflag:s4] =	dma.local [hbm:s3], $0xF7A  }
0x26: {  	[smem:$0x3F9C] =	sst s1;
	(tag) =	ssettag s2;
	_ =	strace s9  }
0x27: {  	s1 =	sld [smem:$0x3FAC]  }
0x28: {  	s2 =	sld [smem:$0x3FAD]  }
0x29: {  	s4 =	sld [smem:$0x3FAF]  }
0x2a: {  	p0 =	seq.s32 s5, $0x0;
	s5 =	sld [smem:$0x3FB0]  }
0x2b: {  	s6 =	sld [smem:$0x3FB1]  }
0x2c: {  	s7 =	sld [smem:$0x3FB2]  }
0x2d: {  	s3 =	simm.s32 $0x108;
	s8 =	sld [smem:$0x3FB3]  }
0x2e: {  	s3 =	simm.s32 @!p0 $0x1082;
	s9 =	sld [smem:$0x3FB4]  }
0x2f: {  	lr =	sadd.s32 s0, s3;
	s0 =	sld [smem:$0x3FAB]  }
0x30: {  	s3 =	sld [smem:$0x3FAE]  }
0x31: {  	[smem:$0x3FB7] =	sst s10  }
0x32: {  	s10 =	sld [smem:$0x3FB5];
	_ =	sdelay $0x3  }
0x33: {  	p0 =	seq.s32 s10, $0x1;
	s10 =	sld [smem:$0x3FB7];
	_ =	sdelay $0x3  }
0x34: {  	[smem:$0x3FB7] =	sst s10  }
0x35: {  	s10 =	sld [smem:$0x3FB6];
	_ =	sdelay $0x3  }
0x36: {  	p1 =	seq.s32 s10, $0x1;
	s10 =	sld [smem:$0x3FB7];
	_ =	sdelay $0x3  }
0x37: {  	[smem:$0x3FB7] =	sst s10  }
0x38: {  	s10 =	sld [smem:$0x3FB8]  }
0x39: {  	_ = 	snop;
	(pc) =	sbr.ind lr, $3  }
0x3a: {  	_ = 	snop  }
0x3b: {  	_ = 	snop  }
0x3c: {  	p2 =	seq.s32 s10, $0x1;
	s10 =	sld [smem:$0x3FB7]  }
0x3d: {  	_ =	shalt  }
0x3e: {  	_ =	shalt  }
0x3f: {  	_ =	shalt  }
0x40: {  	_ =	shalt  }
0x41: {  	_ =	shalt  }
0x42: {  	_ =	shalt  }
0x43: {  	_ =	shalt  }
0x44: {  	_ =	shalt  }
0x45: {  	_ =	shalt  }
0x46: {  	_ =	shalt  }
0x47: {  	_ =	shalt  }
0x48: {  	_ =	shalt  }
0x49: {  	_ =	shalt  }
0x4a: {  	_ =	shalt  }
0x4b: {  	_ =	shalt  }
0x4c: {  	_ =	shalt  }
0x4d: {  	_ =	shalt  }
0x4e: {  	_ =	shalt  }
0x4f: {  	_ =	shalt  }
0x50: {  	_ =	shalt  }
0x51: {  	_ =	shalt  }
0x52: {  	_ =	shalt  }
0x53: {  	_ =	shalt  }
0x54: {  	_ =	shalt  }
0x55: {  	_ =	shalt  }
0x56: {  	_ =	shalt  }
0x57: {  	_ =	shalt  }
0x58: {  	_ =	shalt  }
0x59: {  	_ =	shalt  }
0x5a: {  	_ =	shalt  }
0x5b: {  	_ =	shalt  }
0x5c: {  	_ =	shalt  }
0x5d: {  	_ =	shalt  }
0x5e: {  	_ =	shalt  }
0x5f: {  	_ =	shalt  }
0x60: {  	_ =	shalt  }
0x61: {  	_ =	shalt  }
0x62: {  	_ =	shalt  }
0x63: {  	_ =	shalt  }
0x64: {  	_ =	shalt  }
0x65: {  	_ =	shalt  }
0x66: {  	_ =	shalt  }
0x67: {  	_ =	shalt  }
0x68: {  	_ =	shalt  }
0x69: {  	_ =	shalt  }
0x6a: {  	_ =	shalt  }
0x6b: {  	_ =	shalt  }
0x6c: {  	_ =	shalt  }
0x6d: {  	_ =	shalt  }
0x6e: {  	_ =	shalt  }
0x6f: {  	_ =	shalt  }
0x70: {  	_ =	shalt  }
0x71: {  	_ =	shalt  }
0x72: {  	_ =	shalt  }
0x73: {  	_ =	shalt  }
0x74: {  	_ =	shalt  }
0x75: {  	_ =	shalt  }
0x76: {  	_ =	shalt  }
0x77: {  	_ =	shalt  }
0x78: {  	_ =	shalt  }
0x79: {  	_ =	shalt  }
0x7a: {  	_ =	shalt  }
0x7b: {  	_ =	shalt  }
0x7c: {  	_ =	shalt  }
0x7d: {  	_ =	shalt  }
0x7e: {  	_ =	shalt  }
0x7f: {  	_ =	shalt  }
0x80: {  	_ =	shalt  }
0x81: {  	_ =	shalt  }
0x82: {  	_ =	shalt  }
0x83: {  	_ =	shalt  }
0x84: {  	_ =	shalt  }
0x85: {  	_ =	shalt  }
0x86: {  	_ =	shalt  }
0x87: {  	_ =	shalt  }
.Lfunc_end0:
.L_simem_size_0:
called_computation_lowered:
.L_overlay_start_0:
0x88: {  	s2 =	sld [smem:$0x3FD9]  }
0x89: {  	s3 =	sld [smem:$0x3FFE];
	_ =	sdelay $0x1  }
0x8a: {  	s1 =	srdreg.scid  }
0x8b: {  	s0 =	sand.u32 $0x1, s1  }
0x8c: {  	s17 =	sshll.u32 s0, $0xA;
	s2 =	sadd.s32 s3, s2  }
0x8d: {  	s2 =	sadd.s32 s2, s17  }
0x8e: {  	[smem:$0x3FC3] =	sst s2  }
0x8f: {  	_ = 	snop  }
0x90: {  	s2 =	sld [smem:$0x3FD0];
	(tm) =	ssettm $0x1  }
0x91: {  	s18 =	sld [smem:$0x3FFB];
	_ =	sdelay $0x3  }
0x92: {  	_ =	strace s18  }
0x93: {  	s3 =	sld [smem:$0x3FFC];
	_ =	sdelay $0x3  }
0x94: {  	_ =	strace s3  }
0x95: {  	s3 =	sld [smem:$0x3FFD];
	_ =	sdelay $0x3  }
0x96: {  	_ =	strace s3  }
0x97: {  	_ =	strace $0x8FFFFFFF  }
0x98: {  	s19 =	sld [smem:$0x3FDB];
	_ =	sdelay $0x1  }
0x99: {  	s4 =	simm.s32 $_scs_section_size  }
0x9a: {  	s5 =	simm.s32 $_size__tile_overlayer_lowered;
	s6 =	simm.s32 $_tile_overlayer_lowered  }
0x9b: {  	s22 =	simm.s32 $0x1BFF;
	s21 =	sshll.u32 s6, $0x1;
	s3 =	sadd.s32 s4, s19  }
0x9c: {  	s7 =	simm.s32 $0x0;
	s20 =	sshll.u32 s5, $0x1;
	s5 =	sadd.s32 s21, s3  }
0x9d: {  	[timem:s7], [sflag:s22] =	dma.local [hbm:s5], s20  }
0x9e: {  	_ =	swait.ge [sflag:s22], s20  }
0x9f: {  	s4 =	ssub.s32 $0x0, s20;
	[sflag:s22] =	ssyncset.done $0x0  }
0xa0: {  	[sflag:s22] =	ssyncadd.s32 s4;
	_ =	sdelay $0x1  }
0xa1: {  	s23 =	simm.s32 $0x1B8B  }
0xa2: {  	_ =	swait.ge [sflag:s23], $0x1  }
0xa3: {  	[sflag:s23] =	ssyncset.done $0x0  }
0xa4: {  	s25 =	simm.s32 $0x1B8E;
	s24 =	sld [smem:$0x3FFE];
	[sflag:s23] =	ssyncadd.s32 $0xFFFFFFFF  }
0xa5: {  	s26 =	simm.s32 $execute0_lowered;
	[smem:$0x3FD2] =	sst s25  }
0xa6: {  	s5 =	sshll.u32 s26, $0x1;
	_ =	strace $0x80000046;
	[dreg:$0x1] =	wrdreg $0xFFFFFFFF  }
0xa7: {  	s28 =	simm.s32 $_size_execute0_lowered;
	s3 =	sadd.s32 s3, s5;
	[dreg:$0x0] =	wrdreg $0x0  }
0xa8: {  	s5 =	sshll.u32 s28, $0x1;
	[dreg:$0x2] =	wrdreg s3  }
0xa9: {  	[dreg:$0x3] =	wrdreg s5  }
0xaa: {  	[dreg:$0x4] =	wrdreg $0xC0  }
0xab: {  	_ =	task [dreg:s7], $0x5FFFF  }
0xac: {  	[dreg:$0x1] =	wrdreg $0xFFFFFFFF  }
0xad: {  	[dreg:$0x0] =	wrdreg $0x60  }
0xae: {  	[dreg:$0x2] =	wrdreg s2  }
0xaf: {  	[dreg:$0x3] =	wrdreg s24  }
0xb0: {  	[dreg:$0x4] =	wrdreg $0x84000  }
0xb1: {  	[dreg:$0x5] =	wrdreg $0x9  }
0xb2: {  	_ =	task.clear_ibuf [dreg:s7], $0x6FFFF;
	_ =	strace $0x90000046  }
0xb3: {  	s29 =	simm.s32 $0x9;
	_ =	strace $0x80000048  }
0xb4: {  	_ =	swait.ge [sflag:s29], $0x1  }
0xb5: {  	[sflag:s29] =	ssyncadd.s32 $0xFFFFFFFF  }
0xb6: {  	_ =	strace $0x90000048  }
0xb7: {  	_ =	sfence  }
0xb8: {  	s30 =	sld [smem:$0x0];
	_ =	sdelay $0x2  }
0xb9: {  	s31 =	sshll.u32 s1, $0xD;
	s1 =	sshrl.u32 s1, $0x2  }
0xba: {  	s3 =	sand.u32 $0x4000, s31;
	s1 =	sadd.s32 s1, s30  }
0xbb: {  	s0 =	sor.u32 s3, s0;
	s1 =	sshll.u32 s1, $0x11  }
0xbc: {  	s0 =	sor.u32 s1, s0  }
0xbd: {  	s0 =	sadd.s32 $0x8F2B, s0  }
0xbe: {  	[sflag:s0] =	ssyncadd.remote.s32 $0x1  }
0xbf: {  	_ =	sfence.sel $0xFFFF  }
0xc0: {  	[dreg:$0x0] =	wrdreg $0xFFFFFFFF;
	(pc) =	sbr.abs _section_cstart, $3  }
0xc1: {  	[dreg:$0x1] =	wrdreg $0xFFFFFFFF  }
0xc2: {  	_ =	task.clear_ibuf [dreg:s7], $0x2FFFF;
	_ =	strace $0x9FFFFFFF  }
0xc3: {  	(tm) =	ssettm $0x7FFFFFFF  }
tec
execute0_lowered:
.L_overlay_start_1:
0x0: {  	(tag) =	ssettag $0x1  }
0x1: {  	s0 =	rddreg [dreg:$0x0]  }
0x2: {  	s1 =	rddreg [dreg:$0x1];
	s2 =	srdreg.scid  }
0x3: {  	s3 =	rddreg [dreg:$0x2];
	s8 =	stileid.u32;
	s4 =	simm.s32 $0x0  }
0x4: {  	s16 =	simm.s32 $0x200;
	s17 =	simm.s32 $0x140000;
	s18 =	simm.s32 $0x5  }
0x5: {  	s19 =	simm.s32 $0x80;
	s20 =	simm.s32 $0x400;
	s21 =	simm.s32 $0x4400  }
0x6: {  	s22 =	simm.s32 $0x280;
	s23 =	simm.s32 $0x1;
	s24 =	simm.s32 $0x3  }
0x7: {  	s25 =	simm.s32 $0x2;
	s28 =	simm.s32 $0x0;
	s29 =	simm.s32 $0x0  }
0x8: {  	s2 =	sand.u32 $0x1, s2;
	s7 =	smul.u32 $0x13C00, s8;
	[smem:$0x7FF] =	sst s4  }
0x9: {  	s5 =	sadd.s32 $0xC00, s1;
	s26 =	sshll.u32 s8, $0x1;
	s8 =	smul.u32 $0x4E200, s8  }
0xa: {  	s6 =	smul.u32 $0x13C000, s2;
	s30 =	ssub.s32 $0x2, s2;
	s2 =	sor.u32 s2, s26  }
0xb: {  	_ =	strace $0x80000047;
	s26 =	simm.s32 $0x4;
	s9 =	smul.u32 $0x1400, s2  }
0xc: {  	s31 =	sshrl.u32 s30, $0x1;
	s2 =	smul.u32 $0x50, s2;
	s6 =	sadd.s32 s7, s6  }
0xd: {  	s8 =	sshrl.u32 s8, $0x2;
	s15 =	ssub.s32 s30, s31;
	s6 =	sshrl.u32 s6, $0x3  }
0xe: {  	s7 =	sadd.s32 s5, s9;
	s12 =	sor.u32 $0x1, s2;
	s13 =	sor.u32 $0x2, s2  }
0xf: {  	s15 =	smax.u32 s15, $0x1;
	s1 =	sadd.s32 s6, s1;
	s6 =	sadd.s32 s8, s3  }
0x10: {  	s8 =	sadd.s32 $0x4000, s6;
	s9 =	sadd.s32 $0x8000, s6;
	s10 =	sadd.s32 $0xC000, s6  }
0x11: {  	v0 =	vimm.f32 $0.0e+00;
	s11 =	sadd.s32 $0x10000, s6;
	s14 =	sadd.s32 $0x28C00, s1;
	[dreg:$0x4] =	wrdreg s8  }
.LBB2_1:
0x12: {  	[tilespmem:s4], [sflag:$0x5] =	stream.strided.gather [hbm4b:s7+s16], $0x0, s17, s16, $0x38;
	[tilespmem:$0x1BC80] =	vst v63  }
0x13: {  	_ = 	snop  }
0x14: {  	[tilespmem:s4], [sflag:$0x5] =	stream.linear.gather [hbm4b:s7+s4], $0x180, $0x38;
	[tilespmem:$0x1BC80] =	vst v63  }
0x15: {  	_ =	swait.ge [sflag:s18], $0x180  }
0x16: {  	[sflag:s18] =	ssyncset.done $0x0  }
0x17: {  	s1 =	simm.s32 $0x0;
	s2 =	simm.s32 $0x200;
	[sflag:s18] =	ssyncadd.s32 $0xFFFFFE80  }
0x18: {  	[tilespmem:s20], [sflag:$0x1] =	stream.indirect.gather [hbm4b:s0+s19], $0x80, s19, s19, $0xb8;
	[tilespmem:$0x1BC80] =	vst v63  }
.LBB2_2:
0x19: {  	p0 =	sne.s32 s2, $0xFE00;
	[tilespmem:s1+$0x4470] =	vst v0  }
0x1a: {  	[tilespmem:s1+$0x4400] =	vst v0  }
0x1b: {  	[tilespmem:s1+$0x4410] =	vst v0  }
.Ltmp0:
0x1c: {  	[tilespmem:s1+$0x4420] =	vst v0;
	(pc) =	sbr.rel @p0 .LBB2_2-.Ltmp0, $4  }
0x1d: {  	[tilespmem:s1+$0x4430] =	vst v0  }
0x1e: {  	[tilespmem:s1+$0x4440] =	vst v0  }
0x1f: {  	[tilespmem:s1+$0x4450] =	vst v0  }
0x20: {  	[tilespmem:s1+$0x4460] =	vst v0;
	s1 =	sshra.s32 s2, $0x2;
	s2 =	sadd.s32 $0x200, s2  }
0x21: {  	[tilespmem:s1+$0x4470] =	vst v0  }
0x22: {  	[tilespmem:s1+$0x4400] =	vst v0  }
0x23: {  	[tilespmem:s1+$0x4410] =	vst v0  }
0x24: {  	[tilespmem:s1+$0x4420] =	vst v0  }
0x25: {  	[tilespmem:s1+$0x4430] =	vst v0  }
0x26: {  	[tilespmem:s1+$0x4440] =	vst v0  }
0x27: {  	[tilespmem:s1+$0x4450] =	vst v0  }
0x28: {  	[tilespmem:s1+$0x4460] =	vst v0  }
0x29: {  	[spmem:s6] =	stream.linear.scatter [tilespmem:s21], [sflag:$0x5], $0x4000, $0x38;
	[tilespmem:$0x1BC80] =	vst v63  }
0x2a: {  	_ =	swait.ge [sflag:s18], $0x4000  }
0x2b: {  	[sflag:s18] =	ssyncset.done $0x0  }
0x2c: {  	s31 =	rddreg [dreg:$0x4];
	[sflag:s18] =	ssyncadd.s32 $0xFFFFC000  }
0x2d: {  	[spmem:s31] =	stream.linear.scatter [tilespmem:s21], [sflag:$0x5], $0x4000, $0x38;
	[tilespmem:$0x1BC80] =	vst v63  }
0x2e: {  	_ =	swait.ge [sflag:s18], $0x4000  }
0x2f: {  	[sflag:s18] =	ssyncset.done $0x0  }
0x30: {  	[sflag:s18] =	ssyncadd.s32 $0xFFFFC000  }
0x31: {  	[spmem:s9] =	stream.linear.scatter [tilespmem:s21], [sflag:$0x5], $0x4000, $0x38;
	[tilespmem:$0x1BC80] =	vst v63  }
0x32: {  	_ =	swait.ge [sflag:s18], $0x4000  }
0x33: {  	[sflag:s18] =	ssyncset.done $0x0  }
0x34: {  	[sflag:s18] =	ssyncadd.s32 $0xFFFFC000  }
0x35: {  	[spmem:s10] =	stream.linear.scatter [tilespmem:s21], [sflag:$0x5], $0x4000, $0x38;
	[tilespmem:$0x1BC80] =	vst v63  }
0x36: {  	_ =	swait.ge [sflag:s18], $0x4000  }
0x37: {  	[sflag:s18] =	ssyncset.done $0x0  }
0x38: {  	[sflag:s18] =	ssyncadd.s32 $0xFFFFC000  }
0x39: {  	[spmem:s11] =	stream.linear.scatter [tilespmem:s21], [sflag:$0x5], $0x3880, $0x38;
	[tilespmem:$0x1BC80] =	vst v63  }
0x3a: {  	_ =	swait.ge [sflag:s18], $0x3880  }
0x3b: {  	[sflag:s18] =	ssyncset.done $0x0  }
0x3c: {  	[sflag:s18] =	ssyncadd.s32 $0xFFFFC780  }
0x3d: {  	s30 =	simm.s32 $0x0;
	[bflag:$0x0] =	sbarrier.arrive $0xFFFF  }
.LBB2_4:
0x3e: {  	s31 =	sshll.u32 s30, $0x1;
	p0 =	seq.s32 s30, $0x0  }
0x3f: {  	s1 =	simm.s32 @!p0 $0x4;
	s2 =	sadd.s32 s31, s12  }
0x40: {  	_ =	swait.ge @!p0 [sflag:s1], $0x4000;
	s2 =	sshll.u32 s2, $0x6  }
0x41: {  	[sflag:s1] =	ssyncset.done @!p0 $0x0;
	s2 =	sand.u32 $0x1FFFFFC0, s2  }
0x42: {  	[sflag:s1] =	ssyncadd.s32 @!p0 $0xFFFFC000;
	s8 =	sadd.s32 s5, s2  }
0x43: {  	[tilespmem:s16], [sflag:$0x5] =	stream.strided.gather [hbm4b:s8+s16], $0x0, s17, s16, $0x38;
	[tilespmem:$0x1BC80] =	vst v63  }
0x44: {  	_ = 	snop  }
0x45: {  	[tilespmem:s16], [sflag:$0x5] =	stream.linear.gather [hbm4b:s8+s29], $0x180, $0x38;
	[tilespmem:$0x1BC80] =	vst v63  }
0x46: {  	_ =	swait.ge [sflag:s18], $0x180  }
0x47: {  	[sflag:s18] =	ssyncset.done $0x0  }
0x48: {  	[sflag:s18] =	ssyncadd.s32 $0xFFFFFE80  }
0x49: {  	[tilespmem:s21], [sflag:$0x2] =	stream.indirect.gather [hbm4b:s0+s19], $0x80, s22, s19, $0xb8;
	[tilespmem:$0x1BC80] =	vst v63  }
0x4a: {  	_ =	swait.ge [sflag:s23], $0x4000  }
0x4b: {  	[sflag:s23] =	ssyncset.done $0x0  }
0x4c: {  	s1 =	simm.s32 $0x0;
	[sflag:s23] =	ssyncadd.s32 $0xFFFFC000  }
.LBB2_5:
0x4d: {  	s2 =	sshll.u32 s1, $0x4  }
0x4e: {  	s2 =	sand.u32 $0x3FFFFFF0, s2  }
0x4f: {  	s8 =	sshll.u32 s1, $0xB;
	v1 =	vld [tilespmem:s2+$0x100]  }
0x50: {  	s2 =	sand.u32 $0x3FFFF800, s8  }
0x51: {  	v2 =	vld [tilespmem:s2+$0x400]  }
0x52: {  	v3 =	vld [tilespmem:s2+$0x410]  }
0x53: {  	v4 =	vld [tilespmem:s2+$0x420]  }
0x54: {  	v6 =	vld [tilespmem:s2+$0x430];
	v5 =	vbroadcast v1, $0x0  }
0x55: {  	v7 =	vld [tilespmem:s2+$0x440]  }
0x56: {  	v8 =	vld [tilespmem:s2+$0x450];
	v2 =	vmul.f32 v5, v2  }
0x57: {  	v9 =	vld [tilespmem:s2+$0x460];
	v3 =	vmul.f32 v3, v5  }
0x58: {  	v34 =	vld [tilespmem:s2+$0x470];
	[tilespmem:s2+$0x400] =	vst v2;
	v2 =	vmul.f32 v4, v5  }
0x59: {  	v35 =	vld [tilespmem:s2+$0x480];
	[tilespmem:s2+$0x410] =	vst v3;
	v3 =	vmul.f32 v6, v5  }
0x5a: {  	v36 =	vld [tilespmem:s2+$0x490];
	[tilespmem:s2+$0x420] =	vst v2;
	v2 =	vmul.f32 v7, v5  }
0x5b: {  	v37 =	vld [tilespmem:s2+$0x4A0];
	[tilespmem:s2+$0x430] =	vst v3;
	v3 =	vmul.f32 v8, v5  }
0x5c: {  	v10 =	vld [tilespmem:s2+$0x4B0];
	v38 =	vbroadcast v1, $0x1;
	[tilespmem:s2+$0x440] =	vst v2;
	v2 =	vmul.f32 v9, v5  }
0x5d: {  	v39 =	vld [tilespmem:s2+$0x4C0];
	[tilespmem:s2+$0x450] =	vst v3;
	v3 =	vmul.f32 v34, v5  }
0x5e: {  	v40 =	vld [tilespmem:s2+$0x4D0];
	[tilespmem:s2+$0x460] =	vst v2;
	v2 =	vmul.f32 v35, v38  }
0x5f: {  	v41 =	vld [tilespmem:s2+$0x4E0];
	[tilespmem:s2+$0x470] =	vst v3;
	v3 =	vmul.f32 v36, v38  }
0x60: {  	v42 =	vld [tilespmem:s2+$0x4F0];
	[tilespmem:s2+$0x480] =	vst v2;
	v2 =	vmul.f32 v37, v38  }
0x61: {  	v43 =	vld [tilespmem:s2+$0x500];
	[tilespmem:s2+$0x490] =	vst v3;
	v3 =	vmul.f32 v10, v38  }
0x62: {  	v44 =	vld [tilespmem:s2+$0x510];
	[tilespmem:s2+$0x4A0] =	vst v2;
	v2 =	vmul.f32 v39, v38  }
0x63: {  	v45 =	vld [tilespmem:s2+$0x520];
	[tilespmem:s2+$0x4B0] =	vst v3;
	v3 =	vmul.f32 v40, v38  }
0x64: {  	v47 =	vld [tilespmem:s2+$0x530];
	v46 =	vbroadcast v1, $0x2;
	[tilespmem:s2+$0x4C0] =	vst v2;
	v2 =	vmul.f32 v41, v38  }
0x65: {  	v48 =	vld [tilespmem:s2+$0x540];
	[tilespmem:s2+$0x4D0] =	vst v3;
	v3 =	vmul.f32 v42, v38  }
0x66: {  	v49 =	vld [tilespmem:s2+$0x550];
	[tilespmem:s2+$0x4E0] =	vst v2;
	v2 =	vmul.f32 v43, v46  }
0x67: {  	v50 =	vld [tilespmem:s2+$0x560];
	[tilespmem:s2+$0x4F0] =	vst v3;
	v3 =	vmul.f32 v44, v46  }
0x68: {  	v51 =	vld [tilespmem:s2+$0x570];
	[tilespmem:s2+$0x500] =	vst v2;
	v2 =	vmul.f32 v45, v46  }
0x69: {  	v52 =	vld [tilespmem:s2+$0x580];
	[tilespmem:s2+$0x510] =	vst v3;
	v3 =	vmul.f32 v47, v46  }
0x6a: {  	v53 =	vld [tilespmem:s2+$0x590];
	[tilespmem:s2+$0x520] =	vst v2;
	v2 =	vmul.f32 v48, v46  }
0x6b: {  	v54 =	vld [tilespmem:s2+$0x5A0];
	[tilespmem:s2+$0x530] =	vst v3;
	v3 =	vmul.f32 v49, v46  }
0x6c: {  	v56 =	vld [tilespmem:s2+$0x5B0];
	v55 =	vbroadcast v1, $0x3;
	[tilespmem:s2+$0x540] =	vst v2;
	v2 =	vmul.f32 v50, v46  }
0x6d: {  	v57 =	vld [tilespmem:s2+$0x5C0];
	[tilespmem:s2+$0x550] =	vst v3;
	v3 =	vmul.f32 v51, v46  }
0x6e: {  	v58 =	vld [tilespmem:s2+$0x5D0];
	[tilespmem:s2+$0x560] =	vst v2;
	v2 =	vmul.f32 v52, v55  }
0x6f: {  	v59 =	vld [tilespmem:s2+$0x5E0];
	[tilespmem:s2+$0x570] =	vst v3;
	v3 =	vmul.f32 v53, v55  }
0x70: {  	v60 =	vld [tilespmem:s2+$0x5F0];
	[tilespmem:s2+$0x580] =	vst v2;
	v2 =	vmul.f32 v54, v55  }
0x71: {  	v61 =	vld [tilespmem:s2+$0x600];
	[tilespmem:s2+$0x590] =	vst v3;
	v3 =	vmul.f32 v56, v55  }
0x72: {  	v62 =	vld [tilespmem:s2+$0x610];
	[tilespmem:s2+$0x5A0] =	vst v2;
	v2 =	vmul.f32 v57, v55  }
0x73: {  	v63 =	vld [tilespmem:s2+$0x620];
	[tilespmem:s2+$0x5B0] =	vst v3;
	v3 =	vmul.f32 v58, v55  }
0x74: {  	v13 =	vld [tilespmem:s2+$0x630];
	v12 =	vbroadcast v1, $0x4;
	[tilespmem:s2+$0x5C0] =	vst v2;
	v2 =	vmul.f32 v59, v55  }
0x75: {  	v14 =	vld [tilespmem:s2+$0x640];
	[tilespmem:s2+$0x5D0] =	vst v3;
	v3 =	vmul.f32 v60, v55  }
0x76: {  	v15 =	vld [tilespmem:s2+$0x650];
	[tilespmem:s2+$0x5E0] =	vst v2;
	v2 =	vmul.f32 v61, v12  }
0x77: {  	v16 =	vld [tilespmem:s2+$0x660];
	[tilespmem:s2+$0x5F0] =	vst v3;
	v3 =	vmul.f32 v62, v12  }
0x78: {  	v17 =	vld [tilespmem:s2+$0x670];
	[tilespmem:s2+$0x600] =	vst v2;
	v2 =	vmul.f32 v63, v12  }
0x79: {  	v18 =	vld [tilespmem:s2+$0x680];
	[tilespmem:s2+$0x610] =	vst v3;
	v3 =	vmul.f32 v13, v12  }
0x7a: {  	v19 =	vld [tilespmem:s2+$0x690];
	[tilespmem:s2+$0x620] =	vst v2;
	v2 =	vmul.f32 v14, v12  }
0x7b: {  	v20 =	vld [tilespmem:s2+$0x6A0];
	[tilespmem:s2+$0x630] =	vst v3;
	v3 =	vmul.f32 v15, v12  }
0x7c: {  	v22 =	vld [tilespmem:s2+$0x6B0];
	v21 =	vbroadcast v1, $0x5;
	[tilespmem:s2+$0x640] =	vst v2;
	v2 =	vmul.f32 v16, v12  }
0x7d: {  	v23 =	vld [tilespmem:s2+$0x6C0];
	[tilespmem:s2+$0x650] =	vst v3;
	v3 =	vmul.f32 v17, v12  }
0x7e: {  	v24 =	vld [tilespmem:s2+$0x6D0];
	[tilespmem:s2+$0x660] =	vst v2;
	v2 =	vmul.f32 v18, v21  }
0x7f: {  	v25 =	vld [tilespmem:s2+$0x6E0];
	[tilespmem:s2+$0x670] =	vst v3;
	v3 =	vmul.f32 v19, v21  }
0x80: {  	v26 =	vld [tilespmem:s2+$0x6F0];
	[tilespmem:s2+$0x680] =	vst v2;
	v2 =	vmul.f32 v20, v21  }
0x81: {  	v27 =	vld [tilespmem:s2+$0x700];
	[tilespmem:s2+$0x690] =	vst v3;
	v3 =	vmul.f32 v22, v21  }
0x82: {  	v28 =	vld [tilespmem:s2+$0x710];
	[tilespmem:s2+$0x6A0] =	vst v2;
	v2 =	vmul.f32 v23, v21  }
0x83: {  	v29 =	vld [tilespmem:s2+$0x720];
	[tilespmem:s2+$0x6B0] =	vst v3;
	v3 =	vmul.f32 v24, v21  }
0x84: {  	v31 =	vld [tilespmem:s2+$0x730];
	v30 =	vbroadcast v1, $0x6;
	[tilespmem:s2+$0x6C0] =	vst v2;
	v2 =	vmul.f32 v25, v21  }
0x85: {  	v32 =	vld [tilespmem:s2+$0x740];
	[tilespmem:s2+$0x6D0] =	vst v3;
	v3 =	vmul.f32 v26, v21  }
0x86: {  	v33 =	vld [tilespmem:s2+$0x750];
	[tilespmem:s2+$0x6E0] =	vst v2;
	v2 =	vmul.f32 v27, v30  }
0x87: {  	v34 =	vld [tilespmem:s2+$0x760];
	[tilespmem:s2+$0x6F0] =	vst v3;
	v3 =	vmul.f32 v28, v30  }
0x88: {  	v35 =	vld [tilespmem:s2+$0x770];
	[tilespmem:s2+$0x700] =	vst v2;
	v2 =	vmul.f32 v29, v30  }
0x89: {  	v36 =	vld [tilespmem:s2+$0x780];
	[tilespmem:s2+$0x710] =	vst v3;
	v3 =	vmul.f32 v31, v30  }
0x8a: {  	v37 =	vld [tilespmem:s2+$0x790];
	[tilespmem:s2+$0x720] =	vst v2;
	v2 =	vmul.f32 v32, v30  }
0x8b: {  	v38 =	vld [tilespmem:s2+$0x7A0];
	[tilespmem:s2+$0x730] =	vst v3;
	v3 =	vmul.f32 v33, v30  }
0x8c: {  	v39 =	vbroadcast v1, $0x7;
	v40 =	vld [tilespmem:s2+$0x7B0];
	[tilespmem:s2+$0x740] =	vst v2;
	v2 =	vmul.f32 v34, v30  }
0x8d: {  	v41 =	vld [tilespmem:s2+$0x7C0];
	[tilespmem:s2+$0x750] =	vst v3;
	v3 =	vmul.f32 v35, v30  }
0x8e: {  	v42 =	vld [tilespmem:s2+$0x7D0];
	[tilespmem:s2+$0x760] =	vst v2;
	v2 =	vmul.f32 v36, v39  }
0x8f: {  	v43 =	vld [tilespmem:s2+$0x7E0];
	[tilespmem:s2+$0x770] =	vst v3;
	v3 =	vmul.f32 v37, v39  }
0x90: {  	v44 =	vld [tilespmem:s2+$0x7F0];
	[tilespmem:s2+$0x780] =	vst v2;
	v2 =	vmul.f32 v38, v39  }
0x91: {  	v45 =	vld [tilespmem:s2+$0x800];
	[tilespmem:s2+$0x790] =	vst v3;
	v3 =	vmul.f32 v40, v39  }
0x92: {  	v46 =	vld [tilespmem:s2+$0x810];
	[tilespmem:s2+$0x7A0] =	vst v2;
	v2 =	vmul.f32 v41, v39  }
0x93: {  	v47 =	vld [tilespmem:s2+$0x820];
	[tilespmem:s2+$0x7B0] =	vst v3;
	v3 =	vmul.f32 v42, v39  }
0x94: {  	v48 =	vbroadcast v1, $0x8;
	v49 =	vld [tilespmem:s2+$0x830];
	[tilespmem:s2+$0x7C0] =	vst v2;
	v2 =	vmul.f32 v43, v39  }
0x95: {  	v50 =	vld [tilespmem:s2+$0x840];
	[tilespmem:s2+$0x7D0] =	vst v3;
	v3 =	vmul.f32 v44, v39  }
0x96: {  	v51 =	vld [tilespmem:s2+$0x850];
	[tilespmem:s2+$0x7E0] =	vst v2;
	v2 =	vmul.f32 v45, v48  }
0x97: {  	v52 =	vld [tilespmem:s2+$0x860];
	[tilespmem:s2+$0x7F0] =	vst v3;
	v3 =	vmul.f32 v46, v48  }
0x98: {  	v53 =	vld [tilespmem:s2+$0x870];
	[tilespmem:s2+$0x800] =	vst v2;
	v2 =	vmul.f32 v47, v48  }
0x99: {  	v54 =	vld [tilespmem:s2+$0x880];
	[tilespmem:s2+$0x810] =	vst v3;
	v3 =	vmul.f32 v49, v48  }
0x9a: {  	v55 =	vld [tilespmem:s2+$0x890];
	[tilespmem:s2+$0x820] =	vst v2;
	v2 =	vmul.f32 v50, v48  }
0x9b: {  	v56 =	vld [tilespmem:s2+$0x8A0];
	[tilespmem:s2+$0x830] =	vst v3;
	v3 =	vmul.f32 v51, v48  }
0x9c: {  	v57 =	vbroadcast v1, $0x9;
	v58 =	vld [tilespmem:s2+$0x8B0];
	[tilespmem:s2+$0x840] =	vst v2;
	v2 =	vmul.f32 v52, v48  }
0x9d: {  	v59 =	vld [tilespmem:s2+$0x8C0];
	[tilespmem:s2+$0x850] =	vst v3;
	v3 =	vmul.f32 v53, v48  }
0x9e: {  	v60 =	vld [tilespmem:s2+$0x8D0];
	[tilespmem:s2+$0x860] =	vst v2;
	v2 =	vmul.f32 v54, v57  }
0x9f: {  	v61 =	vld [tilespmem:s2+$0x8E0];
	[tilespmem:s2+$0x870] =	vst v3;
	v3 =	vmul.f32 v55, v57  }
0xa0: {  	v62 =	vld [tilespmem:s2+$0x8F0];
	[tilespmem:s2+$0x880] =	vst v2;
	v2 =	vmul.f32 v56, v57  }
0xa1: {  	v63 =	vld [tilespmem:s2+$0x900];
	[tilespmem:s2+$0x890] =	vst v3;
	v3 =	vmul.f32 v58, v57  }
0xa2: {  	v12 =	vld [tilespmem:s2+$0x910];
	[tilespmem:s2+$0x8A0] =	vst v2;
	v2 =	vmul.f32 v59, v57  }
0xa3: {  	v13 =	vld [tilespmem:s2+$0x920];
	[tilespmem:s2+$0x8B0] =	vst v3;
	v3 =	vmul.f32 v60, v57  }
0xa4: {  	v14 =	vbroadcast v1, $0xA;
	v15 =	vld [tilespmem:s2+$0x930];
	[tilespmem:s2+$0x8C0] =	vst v2;
	v2 =	vmul.f32 v61, v57  }
0xa5: {  	v16 =	vld [tilespmem:s2+$0x940];
	[tilespmem:s2+$0x8D0] =	vst v3;
	v3 =	vmul.f32 v62, v57  }
0xa6: {  	v17 =	vld [tilespmem:s2+$0x950];
	[tilespmem:s2+$0x8E0] =	vst v2;
	v2 =	vmul.f32 v63, v14  }
0xa7: {  	v18 =	vld [tilespmem:s2+$0x960];
	[tilespmem:s2+$0x8F0] =	vst v3;
	v3 =	vmul.f32 v12, v14  }
0xa8: {  	v19 =	vld [tilespmem:s2+$0x970];
	[tilespmem:s2+$0x900] =	vst v2;
	v2 =	vmul.f32 v13, v14  }
0xa9: {  	v20 =	vld [tilespmem:s2+$0x980];
	[tilespmem:s2+$0x910] =	vst v3;
	v3 =	vmul.f32 v15, v14  }
0xaa: {  	v21 =	vld [tilespmem:s2+$0x990];
	[tilespmem:s2+$0x920] =	vst v2;
	v2 =	vmul.f32 v16, v14  }
0xab: {  	v22 =	vld [tilespmem:s2+$0x9A0];
	[tilespmem:s2+$0x930] =	vst v3;
	v3 =	vmul.f32 v17, v14  }
0xac: {  	v23 =	vbroadcast v1, $0xB;
	v24 =	vld [tilespmem:s2+$0x9B0];
	[tilespmem:s2+$0x940] =	vst v2;
	v2 =	vmul.f32 v18, v14  }
0xad: {  	v25 =	vld [tilespmem:s2+$0x9C0];
	[tilespmem:s2+$0x950] =	vst v3;
	v3 =	vmul.f32 v19, v14  }
0xae: {  	v26 =	vld [tilespmem:s2+$0x9D0];
	[tilespmem:s2+$0x960] =	vst v2;
	v2 =	vmul.f32 v20, v23  }
0xaf: {  	v27 =	vld [tilespmem:s2+$0x9E0];
	[tilespmem:s2+$0x970] =	vst v3;
	v3 =	vmul.f32 v21, v23  }
0xb0: {  	v28 =	vld [tilespmem:s2+$0x9F0];
	[tilespmem:s2+$0x980] =	vst v2;
	v2 =	vmul.f32 v22, v23  }
0xb1: {  	v29 =	vld [tilespmem:s2+$0xA00];
	[tilespmem:s2+$0x990] =	vst v3;
	v3 =	vmul.f32 v24, v23  }
0xb2: {  	v30 =	vld [tilespmem:s2+$0xA10];
	[tilespmem:s2+$0x9A0] =	vst v2;
	v2 =	vmul.f32 v25, v23  }
0xb3: {  	v31 =	vld [tilespmem:s2+$0xA20];
	[tilespmem:s2+$0x9B0] =	vst v3;
	v3 =	vmul.f32 v26, v23  }
0xb4: {  	v32 =	vbroadcast v1, $0xC;
	v33 =	vld [tilespmem:s2+$0xA30];
	[tilespmem:s2+$0x9C0] =	vst v2;
	v2 =	vmul.f32 v27, v23  }
0xb5: {  	v34 =	vld [tilespmem:s2+$0xA40];
	[tilespmem:s2+$0x9D0] =	vst v3;
	v3 =	vmul.f32 v28, v23  }
0xb6: {  	v35 =	vld [tilespmem:s2+$0xA50];
	[tilespmem:s2+$0x9E0] =	vst v2;
	v2 =	vmul.f32 v29, v32  }
0xb7: {  	v36 =	vld [tilespmem:s2+$0xA60];
	[tilespmem:s2+$0x9F0] =	vst v3;
	v3 =	vmul.f32 v30, v32  }
0xb8: {  	v37 =	vld [tilespmem:s2+$0xA70];
	[tilespmem:s2+$0xA00] =	vst v2;
	v2 =	vmul.f32 v31, v32  }
0xb9: {  	v38 =	vld [tilespmem:s2+$0xA80];
	[tilespmem:s2+$0xA10] =	vst v3;
	v3 =	vmul.f32 v33, v32  }
0xba: {  	v39 =	vld [tilespmem:s2+$0xA90];
	[tilespmem:s2+$0xA20] =	vst v2;
	v2 =	vmul.f32 v34, v32  }
0xbb: {  	v40 =	vld [tilespmem:s2+$0xAA0];
	[tilespmem:s2+$0xA30] =	vst v3;
	v3 =	vmul.f32 v35, v32  }
0xbc: {  	v41 =	vbroadcast v1, $0xD;
	v42 =	vld [tilespmem:s2+$0xAB0];
	[tilespmem:s2+$0xA40] =	vst v2;
	v2 =	vmul.f32 v36, v32  }
0xbd: {  	v43 =	vld [tilespmem:s2+$0xAC0];
	[tilespmem:s2+$0xA50] =	vst v3;
	v3 =	vmul.f32 v37, v32  }
0xbe: {  	v44 =	vld [tilespmem:s2+$0xAD0];
	[tilespmem:s2+$0xA60] =	vst v2;
	v2 =	vmul.f32 v38, v41  }
0xbf: {  	v45 =	vld [tilespmem:s2+$0xAE0];
	[tilespmem:s2+$0xA70] =	vst v3;
	v3 =	vmul.f32 v39, v41  }
0xc0: {  	v46 =	vld [tilespmem:s2+$0xAF0];
	[tilespmem:s2+$0xA80] =	vst v2;
	v2 =	vmul.f32 v40, v41  }
0xc1: {  	v47 =	vld [tilespmem:s2+$0xB00];
	[tilespmem:s2+$0xA90] =	vst v3;
	v3 =	vmul.f32 v42, v41  }
0xc2: {  	v48 =	vld [tilespmem:s2+$0xB10];
	[tilespmem:s2+$0xAA0] =	vst v2;
	v2 =	vmul.f32 v43, v41  }
0xc3: {  	v49 =	vld [tilespmem:s2+$0xB20];
	[tilespmem:s2+$0xAB0] =	vst v3;
	v3 =	vmul.f32 v44, v41  }
0xc4: {  	v50 =	vbroadcast v1, $0xE;
	v51 =	vld [tilespmem:s2+$0xB30];
	[tilespmem:s2+$0xAC0] =	vst v2;
	v2 =	vmul.f32 v45, v41  }
0xc5: {  	v52 =	vld [tilespmem:s2+$0xB40];
	[tilespmem:s2+$0xAD0] =	vst v3;
	v3 =	vmul.f32 v46, v41  }
0xc6: {  	v53 =	vld [tilespmem:s2+$0xB50];
	[tilespmem:s2+$0xAE0] =	vst v2;
	v2 =	vmul.f32 v47, v50  }
0xc7: {  	v54 =	vld [tilespmem:s2+$0xB60];
	[tilespmem:s2+$0xAF0] =	vst v3;
	v3 =	vmul.f32 v48, v50  }
0xc8: {  	v55 =	vld [tilespmem:s2+$0xB70];
	[tilespmem:s2+$0xB00] =	vst v2;
	v2 =	vmul.f32 v49, v50  }
0xc9: {  	v56 =	vld [tilespmem:s2+$0xB80];
	[tilespmem:s2+$0xB10] =	vst v3;
	v3 =	vmul.f32 v51, v50  }
0xca: {  	v57 =	vld [tilespmem:s2+$0xB90];
	[tilespmem:s2+$0xB20] =	vst v2;
	v2 =	vmul.f32 v52, v50  }
0xcb: {  	v58 =	vld [tilespmem:s2+$0xBA0];
	[tilespmem:s2+$0xB30] =	vst v3;
	v3 =	vmul.f32 v53, v50  }
0xcc: {  	v1 =	vbroadcast v1, $0xF;
	v59 =	vld [tilespmem:s2+$0xBB0];
	[tilespmem:s2+$0xB40] =	vst v2;
	v2 =	vmul.f32 v54, v50  }
0xcd: {  	v60 =	vld [tilespmem:s2+$0xBC0];
	[tilespmem:s2+$0xB50] =	vst v3;
	v3 =	vmul.f32 v55, v50  }
0xce: {  	v61 =	vld [tilespmem:s2+$0xBD0];
	[tilespmem:s2+$0xB60] =	vst v2;
	v2 =	vmul.f32 v56, v1  }
0xcf: {  	v62 =	vld [tilespmem:s2+$0xBE0];
	[tilespmem:s2+$0xB70] =	vst v3;
	v3 =	vmul.f32 v57, v1  }
0xd0: {  	v63 =	vld [tilespmem:s2+$0xBF0];
	[tilespmem:s2+$0xB80] =	vst v2;
	v2 =	vmul.f32 v58, v1  }
0xd1: {  	[tilespmem:s2+$0xB90] =	vst v3;
	v3 =	vmul.f32 v59, v1  }
0xd2: {  	p0 =	sne.s32 s1, $0x7;
	[tilespmem:s2+$0xBA0] =	vst v2;
	v2 =	vmul.f32 v60, v1  }
.Ltmp1:
0xd3: {  	[tilespmem:s2+$0xBB0] =	vst v3;
	v3 =	vmul.f32 v61, v1;
	(pc) =	sbr.rel @p0 .LBB2_5-.Ltmp1, $4  }
0xd4: {  	[tilespmem:s2+$0xBC0] =	vst v2;
	v2 =	vmul.f32 v62, v1  }
0xd5: {  	[tilespmem:s2+$0xBD0] =	vst v3;
	v1 =	vmul.f32 v63, v1  }
0xd6: {  	[tilespmem:s2+$0xBE0] =	vst v2  }
0xd7: {  	s1 =	sadd.s32 $0x1, s1;
	[tilespmem:s2+$0xBF0] =	vst v1  }
0xd8: {  	[spmem:s3] =	stream.indirect.scatter.add.f32 [tilespmem:s20], [sflag:$0x3], $0x80, s4, s19, $0xb8;
	[tilespmem:$0x1BC80] =	vst v63  }
0xd9: {  	p0 =	seq.s32 s30, $0x27  }
0xda: {  	s1 =	sadd.s32 @!p0 s31, s13  }
0xdb: {  	_ =	swait.ge [sflag:s24], $0x4000;
	s2 =	simm.s32 @!p0 $0x200;
	s1 =	sshll.u32 @!p0 s1, $0x6  }
0xdc: {  	s31 =	simm.s32 @!p0 $0x140000;
	[sflag:s24] =	ssyncset.done $0x0;
	s1 =	sand.u32 @!p0 $0x1FFFFF80, s1  }
0xdd: {  	s8 =	simm.s32 @!p0 $0x0;
	[sflag:s24] =	ssyncadd.s32 $0xFFFFC000;
	s1 =	sadd.s32 @!p0 s5, s1  }
0xde: {  	[tilespmem:s8], [sflag:$0x5] =	stream.strided.gather @!p0 [hbm4b:s1+s2], $0x0, s31, s2, $0x38;
	[tilespmem:$0x1BC80] =	vst v63  }
0xdf: {  	_ = 	snop  }
0xe0: {  	[tilespmem:s8], [sflag:$0x5] =	stream.linear.gather @!p0 [hbm4b:s1+s8], $0x180, $0x38;
	[tilespmem:$0x1BC80] =	vst v63  }
0xe1: {  	s1 =	simm.s32 @!p0 $0x5  }
0xe2: {  	_ =	swait.ge @!p0 [sflag:s1], $0x180  }
0xe3: {  	[sflag:s1] =	ssyncset.done @!p0 $0x0  }
0xe4: {  	s2 =	simm.s32 @!p0 $0x400;
	[sflag:s1] =	ssyncadd.s32 @!p0 $0xFFFFFE80;
	s1 =	simm.s32 @!p0 $0x80  }
0xe5: {  	[tilespmem:s2], [sflag:$0x1] =	stream.indirect.gather @!p0 [hbm4b:s0+s1], $0x80, s1, s1, $0xb8;
	[tilespmem:$0x1BC80] =	vst v63  }
0xe6: {  	_ =	swait.ge [sflag:s25], $0x4000  }
0xe7: {  	[sflag:s25] =	ssyncset.done $0x0  }
0xe8: {  	s1 =	simm.s32 $0x0;
	[sflag:s25] =	ssyncadd.s32 $0xFFFFC000  }
.LBB2_7:
0xe9: {  	s2 =	sshll.u32 s1, $0x4  }
0xea: {  	s2 =	sand.u32 $0x3FFFFFF0, s2  }
0xeb: {  	s31 =	sshll.u32 s1, $0xB;
	v1 =	vld [tilespmem:s2+$0x300]  }
0xec: {  	s2 =	sand.u32 $0x3FFFF800, s31  }
0xed: {  	v2 =	vld [tilespmem:s2+$0x4400]  }
0xee: {  	v3 =	vld [tilespmem:s2+$0x4410]  }
0xef: {  	v4 =	vld [tilespmem:s2+$0x4420]  }
0xf0: {  	v6 =	vld [tilespmem:s2+$0x4430];
	v5 =	vbroadcast v1, $0x0  }
0xf1: {  	v7 =	vld [tilespmem:s2+$0x4440]  }
0xf2: {  	v8 =	vld [tilespmem:s2+$0x4450];
	v2 =	vmul.f32 v5, v2  }
0xf3: {  	v9 =	vld [tilespmem:s2+$0x4460];
	v3 =	vmul.f32 v3, v5  }
0xf4: {  	v34 =	vld [tilespmem:s2+$0x4470];
	[tilespmem:s2+$0x4400] =	vst v2;
	v2 =	vmul.f32 v4, v5  }
0xf5: {  	v35 =	vld [tilespmem:s2+$0x4480];
	[tilespmem:s2+$0x4410] =	vst v3;
	v3 =	vmul.f32 v6, v5  }
0xf6: {  	v36 =	vld [tilespmem:s2+$0x4490];
	[tilespmem:s2+$0x4420] =	vst v2;
	v2 =	vmul.f32 v7, v5  }
0xf7: {  	v37 =	vld [tilespmem:s2+$0x44A0];
	[tilespmem:s2+$0x4430] =	vst v3;
	v3 =	vmul.f32 v8, v5  }
0xf8: {  	v10 =	vld [tilespmem:s2+$0x44B0];
	v38 =	vbroadcast v1, $0x1;
	[tilespmem:s2+$0x4440] =	vst v2;
	v2 =	vmul.f32 v9, v5  }
0xf9: {  	v39 =	vld [tilespmem:s2+$0x44C0];
	[tilespmem:s2+$0x4450] =	vst v3;
	v3 =	vmul.f32 v34, v5  }
0xfa: {  	v40 =	vld [tilespmem:s2+$0x44D0];
	[tilespmem:s2+$0x4460] =	vst v2;
	v2 =	vmul.f32 v35, v38  }
0xfb: {  	v41 =	vld [tilespmem:s2+$0x44E0];
	[tilespmem:s2+$0x4470] =	vst v3;
	v3 =	vmul.f32 v36, v38  }
0xfc: {  	v42 =	vld [tilespmem:s2+$0x44F0];
	[tilespmem:s2+$0x4480] =	vst v2;
	v2 =	vmul.f32 v37, v38  }
0xfd: {  	v43 =	vld [tilespmem:s2+$0x4500];
	[tilespmem:s2+$0x4490] =	vst v3;
	v3 =	vmul.f32 v10, v38  }
0xfe: {  	v44 =	vld [tilespmem:s2+$0x4510];
	[tilespmem:s2+$0x44A0] =	vst v2;
	v2 =	vmul.f32 v39, v38  }
0xff: {  	v45 =	vld [tilespmem:s2+$0x4520];
	[tilespmem:s2+$0x44B0] =	vst v3;
	v3 =	vmul.f32 v40, v38  }
0x100: {  	v47 =	vld [tilespmem:s2+$0x4530];
	v46 =	vbroadcast v1, $0x2;
	[tilespmem:s2+$0x44C0] =	vst v2;
	v2 =	vmul.f32 v41, v38  }
0x101: {  	v48 =	vld [tilespmem:s2+$0x4540];
	[tilespmem:s2+$0x44D0] =	vst v3;
	v3 =	vmul.f32 v42, v38  }
0x102: {  	v49 =	vld [tilespmem:s2+$0x4550];
	[tilespmem:s2+$0x44E0] =	vst v2;
	v2 =	vmul.f32 v43, v46  }
0x103: {  	v50 =	vld [tilespmem:s2+$0x4560];
	[tilespmem:s2+$0x44F0] =	vst v3;
	v3 =	vmul.f32 v44, v46  }
0x104: {  	v51 =	vld [tilespmem:s2+$0x4570];
	[tilespmem:s2+$0x4500] =	vst v2;
	v2 =	vmul.f32 v45, v46  }
0x105: {  	v52 =	vld [tilespmem:s2+$0x4580];
	[tilespmem:s2+$0x4510] =	vst v3;
	v3 =	vmul.f32 v47, v46  }
0x106: {  	v53 =	vld [tilespmem:s2+$0x4590];
	[tilespmem:s2+$0x4520] =	vst v2;
	v2 =	vmul.f32 v48, v46  }
0x107: {  	v54 =	vld [tilespmem:s2+$0x45A0];
	[tilespmem:s2+$0x4530] =	vst v3;
	v3 =	vmul.f32 v49, v46  }
0x108: {  	v56 =	vld [tilespmem:s2+$0x45B0];
	v55 =	vbroadcast v1, $0x3;
	[tilespmem:s2+$0x4540] =	vst v2;
	v2 =	vmul.f32 v50, v46  }
0x109: {  	v57 =	vld [tilespmem:s2+$0x45C0];
	[tilespmem:s2+$0x4550] =	vst v3;
	v3 =	vmul.f32 v51, v46  }
0x10a: {  	v58 =	vld [tilespmem:s2+$0x45D0];
	[tilespmem:s2+$0x4560] =	vst v2;
	v2 =	vmul.f32 v52, v55  }
0x10b: {  	v59 =	vld [tilespmem:s2+$0x45E0];
	[tilespmem:s2+$0x4570] =	vst v3;
	v3 =	vmul.f32 v53, v55  }
0x10c: {  	v60 =	vld [tilespmem:s2+$0x45F0];
	[tilespmem:s2+$0x4580] =	vst v2;
	v2 =	vmul.f32 v54, v55  }
0x10d: {  	v61 =	vld [tilespmem:s2+$0x4600];
	[tilespmem:s2+$0x4590] =	vst v3;
	v3 =	vmul.f32 v56, v55  }
0x10e: {  	v62 =	vld [tilespmem:s2+$0x4610];
	[tilespmem:s2+$0x45A0] =	vst v2;
	v2 =	vmul.f32 v57, v55  }
0x10f: {  	v63 =	vld [tilespmem:s2+$0x4620];
	[tilespmem:s2+$0x45B0] =	vst v3;
	v3 =	vmul.f32 v58, v55  }
0x110: {  	v13 =	vld [tilespmem:s2+$0x4630];
	v12 =	vbroadcast v1, $0x4;
	[tilespmem:s2+$0x45C0] =	vst v2;
	v2 =	vmul.f32 v59, v55  }
0x111: {  	v14 =	vld [tilespmem:s2+$0x4640];
	[tilespmem:s2+$0x45D0] =	vst v3;
	v3 =	vmul.f32 v60, v55  }
0x112: {  	v15 =	vld [tilespmem:s2+$0x4650];
	[tilespmem:s2+$0x45E0] =	vst v2;
	v2 =	vmul.f32 v61, v12  }
0x113: {  	v16 =	vld [tilespmem:s2+$0x4660];
	[tilespmem:s2+$0x45F0] =	vst v3;
	v3 =	vmul.f32 v62, v12  }
0x114: {  	v17 =	vld [tilespmem:s2+$0x4670];
	[tilespmem:s2+$0x4600] =	vst v2;
	v2 =	vmul.f32 v63, v12  }
0x115: {  	v18 =	vld [tilespmem:s2+$0x4680];
	[tilespmem:s2+$0x4610] =	vst v3;
	v3 =	vmul.f32 v13, v12  }
0x116: {  	v19 =	vld [tilespmem:s2+$0x4690];
	[tilespmem:s2+$0x4620] =	vst v2;
	v2 =	vmul.f32 v14, v12  }
0x117: {  	v20 =	vld [tilespmem:s2+$0x46A0];
	[tilespmem:s2+$0x4630] =	vst v3;
	v3 =	vmul.f32 v15, v12  }
0x118: {  	v22 =	vld [tilespmem:s2+$0x46B0];
	v21 =	vbroadcast v1, $0x5;
	[tilespmem:s2+$0x4640] =	vst v2;
	v2 =	vmul.f32 v16, v12  }
0x119: {  	v23 =	vld [tilespmem:s2+$0x46C0];
	[tilespmem:s2+$0x4650] =	vst v3;
	v3 =	vmul.f32 v17, v12  }
0x11a: {  	v24 =	vld [tilespmem:s2+$0x46D0];
	[tilespmem:s2+$0x4660] =	vst v2;
	v2 =	vmul.f32 v18, v21  }
0x11b: {  	v25 =	vld [tilespmem:s2+$0x46E0];
	[tilespmem:s2+$0x4670] =	vst v3;
	v3 =	vmul.f32 v19, v21  }
0x11c: {  	v26 =	vld [tilespmem:s2+$0x46F0];
	[tilespmem:s2+$0x4680] =	vst v2;
	v2 =	vmul.f32 v20, v21  }
0x11d: {  	v27 =	vld [tilespmem:s2+$0x4700];
	[tilespmem:s2+$0x4690] =	vst v3;
	v3 =	vmul.f32 v22, v21  }
0x11e: {  	v28 =	vld [tilespmem:s2+$0x4710];
	[tilespmem:s2+$0x46A0] =	vst v2;
	v2 =	vmul.f32 v23, v21  }
0x11f: {  	v29 =	vld [tilespmem:s2+$0x4720];
	[tilespmem:s2+$0x46B0] =	vst v3;
	v3 =	vmul.f32 v24, v21  }
0x120: {  	v31 =	vld [tilespmem:s2+$0x4730];
	v30 =	vbroadcast v1, $0x6;
	[tilespmem:s2+$0x46C0] =	vst v2;
	v2 =	vmul.f32 v25, v21  }
0x121: {  	v32 =	vld [tilespmem:s2+$0x4740];
	[tilespmem:s2+$0x46D0] =	vst v3;
	v3 =	vmul.f32 v26, v21  }
0x122: {  	v33 =	vld [tilespmem:s2+$0x4750];
	[tilespmem:s2+$0x46E0] =	vst v2;
	v2 =	vmul.f32 v27, v30  }
0x123: {  	v34 =	vld [tilespmem:s2+$0x4760];
	[tilespmem:s2+$0x46F0] =	vst v3;
	v3 =	vmul.f32 v28, v30  }
0x124: {  	v35 =	vld [tilespmem:s2+$0x4770];
	[tilespmem:s2+$0x4700] =	vst v2;
	v2 =	vmul.f32 v29, v30  }
0x125: {  	v36 =	vld [tilespmem:s2+$0x4780];
	[tilespmem:s2+$0x4710] =	vst v3;
	v3 =	vmul.f32 v31, v30  }
0x126: {  	v37 =	vld [tilespmem:s2+$0x4790];
	[tilespmem:s2+$0x4720] =	vst v2;
	v2 =	vmul.f32 v32, v30  }
0x127: {  	v38 =	vld [tilespmem:s2+$0x47A0];
	[tilespmem:s2+$0x4730] =	vst v3;
	v3 =	vmul.f32 v33, v30  }
0x128: {  	v39 =	vbroadcast v1, $0x7;
	v40 =	vld [tilespmem:s2+$0x47B0];
	[tilespmem:s2+$0x4740] =	vst v2;
	v2 =	vmul.f32 v34, v30  }
0x129: {  	v41 =	vld [tilespmem:s2+$0x47C0];
	[tilespmem:s2+$0x4750] =	vst v3;
	v3 =	vmul.f32 v35, v30  }
0x12a: {  	v42 =	vld [tilespmem:s2+$0x47D0];
	[tilespmem:s2+$0x4760] =	vst v2;
	v2 =	vmul.f32 v36, v39  }
0x12b: {  	v43 =	vld [tilespmem:s2+$0x47E0];
	[tilespmem:s2+$0x4770] =	vst v3;
	v3 =	vmul.f32 v37, v39  }
0x12c: {  	v44 =	vld [tilespmem:s2+$0x47F0];
	[tilespmem:s2+$0x4780] =	vst v2;
	v2 =	vmul.f32 v38, v39  }
0x12d: {  	v45 =	vld [tilespmem:s2+$0x4800];
	[tilespmem:s2+$0x4790] =	vst v3;
	v3 =	vmul.f32 v40, v39  }
0x12e: {  	v46 =	vld [tilespmem:s2+$0x4810];
	[tilespmem:s2+$0x47A0] =	vst v2;
	v2 =	vmul.f32 v41, v39  }
0x12f: {  	v47 =	vld [tilespmem:s2+$0x4820];
	[tilespmem:s2+$0x47B0] =	vst v3;
	v3 =	vmul.f32 v42, v39  }
0x130: {  	v48 =	vbroadcast v1, $0x8;
	v49 =	vld [tilespmem:s2+$0x4830];
	[tilespmem:s2+$0x47C0] =	vst v2;
	v2 =	vmul.f32 v43, v39  }
0x131: {  	v50 =	vld [tilespmem:s2+$0x4840];
	[tilespmem:s2+$0x47D0] =	vst v3;
	v3 =	vmul.f32 v44, v39  }
0x132: {  	v51 =	vld [tilespmem:s2+$0x4850];
	[tilespmem:s2+$0x47E0] =	vst v2;
	v2 =	vmul.f32 v45, v48  }
0x133: {  	v52 =	vld [tilespmem:s2+$0x4860];
	[tilespmem:s2+$0x47F0] =	vst v3;
	v3 =	vmul.f32 v46, v48  }
0x134: {  	v53 =	vld [tilespmem:s2+$0x4870];
	[tilespmem:s2+$0x4800] =	vst v2;
	v2 =	vmul.f32 v47, v48  }
0x135: {  	v54 =	vld [tilespmem:s2+$0x4880];
	[tilespmem:s2+$0x4810] =	vst v3;
	v3 =	vmul.f32 v49, v48  }
0x136: {  	v55 =	vld [tilespmem:s2+$0x4890];
	[tilespmem:s2+$0x4820] =	vst v2;
	v2 =	vmul.f32 v50, v48  }
0x137: {  	v56 =	vld [tilespmem:s2+$0x48A0];
	[tilespmem:s2+$0x4830] =	vst v3;
	v3 =	vmul.f32 v51, v48  }
0x138: {  	v57 =	vbroadcast v1, $0x9;
	v58 =	vld [tilespmem:s2+$0x48B0];
	[tilespmem:s2+$0x4840] =	vst v2;
	v2 =	vmul.f32 v52, v48  }
0x139: {  	v59 =	vld [tilespmem:s2+$0x48C0];
	[tilespmem:s2+$0x4850] =	vst v3;
	v3 =	vmul.f32 v53, v48  }
0x13a: {  	v60 =	vld [tilespmem:s2+$0x48D0];
	[tilespmem:s2+$0x4860] =	vst v2;
	v2 =	vmul.f32 v54, v57  }
0x13b: {  	v61 =	vld [tilespmem:s2+$0x48E0];
	[tilespmem:s2+$0x4870] =	vst v3;
	v3 =	vmul.f32 v55, v57  }
0x13c: {  	v62 =	vld [tilespmem:s2+$0x48F0];
	[tilespmem:s2+$0x4880] =	vst v2;
	v2 =	vmul.f32 v56, v57  }
0x13d: {  	v63 =	vld [tilespmem:s2+$0x4900];
	[tilespmem:s2+$0x4890] =	vst v3;
	v3 =	vmul.f32 v58, v57  }
0x13e: {  	v12 =	vld [tilespmem:s2+$0x4910];
	[tilespmem:s2+$0x48A0] =	vst v2;
	v2 =	vmul.f32 v59, v57  }
0x13f: {  	v13 =	vld [tilespmem:s2+$0x4920];
	[tilespmem:s2+$0x48B0] =	vst v3;
	v3 =	vmul.f32 v60, v57  }
0x140: {  	v14 =	vbroadcast v1, $0xA;
	v15 =	vld [tilespmem:s2+$0x4930];
	[tilespmem:s2+$0x48C0] =	vst v2;
	v2 =	vmul.f32 v61, v57  }
0x141: {  	v16 =	vld [tilespmem:s2+$0x4940];
	[tilespmem:s2+$0x48D0] =	vst v3;
	v3 =	vmul.f32 v62, v57  }
0x142: {  	v17 =	vld [tilespmem:s2+$0x4950];
	[tilespmem:s2+$0x48E0] =	vst v2;
	v2 =	vmul.f32 v63, v14  }
0x143: {  	v18 =	vld [tilespmem:s2+$0x4960];
	[tilespmem:s2+$0x48F0] =	vst v3;
	v3 =	vmul.f32 v12, v14  }
0x144: {  	v19 =	vld [tilespmem:s2+$0x4970];
	[tilespmem:s2+$0x4900] =	vst v2;
	v2 =	vmul.f32 v13, v14  }
0x145: {  	v20 =	vld [tilespmem:s2+$0x4980];
	[tilespmem:s2+$0x4910] =	vst v3;
	v3 =	vmul.f32 v15, v14  }
0x146: {  	v21 =	vld [tilespmem:s2+$0x4990];
	[tilespmem:s2+$0x4920] =	vst v2;
	v2 =	vmul.f32 v16, v14  }
0x147: {  	v22 =	vld [tilespmem:s2+$0x49A0];
	[tilespmem:s2+$0x4930] =	vst v3;
	v3 =	vmul.f32 v17, v14  }
0x148: {  	v23 =	vbroadcast v1, $0xB;
	v24 =	vld [tilespmem:s2+$0x49B0];
	[tilespmem:s2+$0x4940] =	vst v2;
	v2 =	vmul.f32 v18, v14  }
0x149: {  	v25 =	vld [tilespmem:s2+$0x49C0];
	[tilespmem:s2+$0x4950] =	vst v3;
	v3 =	vmul.f32 v19, v14  }
0x14a: {  	v26 =	vld [tilespmem:s2+$0x49D0];
	[tilespmem:s2+$0x4960] =	vst v2;
	v2 =	vmul.f32 v20, v23  }
0x14b: {  	v27 =	vld [tilespmem:s2+$0x49E0];
	[tilespmem:s2+$0x4970] =	vst v3;
	v3 =	vmul.f32 v21, v23  }
0x14c: {  	v28 =	vld [tilespmem:s2+$0x49F0];
	[tilespmem:s2+$0x4980] =	vst v2;
	v2 =	vmul.f32 v22, v23  }
0x14d: {  	v29 =	vld [tilespmem:s2+$0x4A00];
	[tilespmem:s2+$0x4990] =	vst v3;
	v3 =	vmul.f32 v24, v23  }
0x14e: {  	v30 =	vld [tilespmem:s2+$0x4A10];
	[tilespmem:s2+$0x49A0] =	vst v2;
	v2 =	vmul.f32 v25, v23  }
0x14f: {  	v31 =	vld [tilespmem:s2+$0x4A20];
	[tilespmem:s2+$0x49B0] =	vst v3;
	v3 =	vmul.f32 v26, v23  }
0x150: {  	v32 =	vbroadcast v1, $0xC;
	v33 =	vld [tilespmem:s2+$0x4A30];
	[tilespmem:s2+$0x49C0] =	vst v2;
	v2 =	vmul.f32 v27, v23  }
0x151: {  	v34 =	vld [tilespmem:s2+$0x4A40];
	[tilespmem:s2+$0x49D0] =	vst v3;
	v3 =	vmul.f32 v28, v23  }
0x152: {  	v35 =	vld [tilespmem:s2+$0x4A50];
	[tilespmem:s2+$0x49E0] =	vst v2;
	v2 =	vmul.f32 v29, v32  }
0x153: {  	v36 =	vld [tilespmem:s2+$0x4A60];
	[tilespmem:s2+$0x49F0] =	vst v3;
	v3 =	vmul.f32 v30, v32  }
0x154: {  	v37 =	vld [tilespmem:s2+$0x4A70];
	[tilespmem:s2+$0x4A00] =	vst v2;
	v2 =	vmul.f32 v31, v32  }
0x155: {  	v38 =	vld [tilespmem:s2+$0x4A80];
	[tilespmem:s2+$0x4A10] =	vst v3;
	v3 =	vmul.f32 v33, v32  }
0x156: {  	v39 =	vld [tilespmem:s2+$0x4A90];
	[tilespmem:s2+$0x4A20] =	vst v2;
	v2 =	vmul.f32 v34, v32  }
0x157: {  	v40 =	vld [tilespmem:s2+$0x4AA0];
	[tilespmem:s2+$0x4A30] =	vst v3;
	v3 =	vmul.f32 v35, v32  }
0x158: {  	v41 =	vbroadcast v1, $0xD;
	v42 =	vld [tilespmem:s2+$0x4AB0];
	[tilespmem:s2+$0x4A40] =	vst v2;
	v2 =	vmul.f32 v36, v32  }
0x159: {  	v43 =	vld [tilespmem:s2+$0x4AC0];
	[tilespmem:s2+$0x4A50] =	vst v3;
	v3 =	vmul.f32 v37, v32  }
0x15a: {  	v44 =	vld [tilespmem:s2+$0x4AD0];
	[tilespmem:s2+$0x4A60] =	vst v2;
	v2 =	vmul.f32 v38, v41  }
0x15b: {  	v45 =	vld [tilespmem:s2+$0x4AE0];
	[tilespmem:s2+$0x4A70] =	vst v3;
	v3 =	vmul.f32 v39, v41  }
0x15c: {  	v46 =	vld [tilespmem:s2+$0x4AF0];
	[tilespmem:s2+$0x4A80] =	vst v2;
	v2 =	vmul.f32 v40, v41  }
0x15d: {  	v47 =	vld [tilespmem:s2+$0x4B00];
	[tilespmem:s2+$0x4A90] =	vst v3;
	v3 =	vmul.f32 v42, v41  }
0x15e: {  	v48 =	vld [tilespmem:s2+$0x4B10];
	[tilespmem:s2+$0x4AA0] =	vst v2;
	v2 =	vmul.f32 v43, v41  }
0x15f: {  	v49 =	vld [tilespmem:s2+$0x4B20];
	[tilespmem:s2+$0x4AB0] =	vst v3;
	v3 =	vmul.f32 v44, v41  }
0x160: {  	v50 =	vbroadcast v1, $0xE;
	v51 =	vld [tilespmem:s2+$0x4B30];
	[tilespmem:s2+$0x4AC0] =	vst v2;
	v2 =	vmul.f32 v45, v41  }
0x161: {  	v52 =	vld [tilespmem:s2+$0x4B40];
	[tilespmem:s2+$0x4AD0] =	vst v3;
	v3 =	vmul.f32 v46, v41  }
0x162: {  	v53 =	vld [tilespmem:s2+$0x4B50];
	[tilespmem:s2+$0x4AE0] =	vst v2;
	v2 =	vmul.f32 v47, v50  }
0x163: {  	v54 =	vld [tilespmem:s2+$0x4B60];
	[tilespmem:s2+$0x4AF0] =	vst v3;
	v3 =	vmul.f32 v48, v50  }
0x164: {  	v55 =	vld [tilespmem:s2+$0x4B70];
	[tilespmem:s2+$0x4B00] =	vst v2;
	v2 =	vmul.f32 v49, v50  }
0x165: {  	v56 =	vld [tilespmem:s2+$0x4B80];
	[tilespmem:s2+$0x4B10] =	vst v3;
	v3 =	vmul.f32 v51, v50  }
0x166: {  	v57 =	vld [tilespmem:s2+$0x4B90];
	[tilespmem:s2+$0x4B20] =	vst v2;
	v2 =	vmul.f32 v52, v50  }
0x167: {  	v58 =	vld [tilespmem:s2+$0x4BA0];
	[tilespmem:s2+$0x4B30] =	vst v3;
	v3 =	vmul.f32 v53, v50  }
0x168: {  	v1 =	vbroadcast v1, $0xF;
	v59 =	vld [tilespmem:s2+$0x4BB0];
	[tilespmem:s2+$0x4B40] =	vst v2;
	v2 =	vmul.f32 v54, v50  }
0x169: {  	v60 =	vld [tilespmem:s2+$0x4BC0];
	[tilespmem:s2+$0x4B50] =	vst v3;
	v3 =	vmul.f32 v55, v50  }
0x16a: {  	v61 =	vld [tilespmem:s2+$0x4BD0];
	[tilespmem:s2+$0x4B60] =	vst v2;
	v2 =	vmul.f32 v56, v1  }
0x16b: {  	v62 =	vld [tilespmem:s2+$0x4BE0];
	[tilespmem:s2+$0x4B70] =	vst v3;
	v3 =	vmul.f32 v57, v1  }
0x16c: {  	v63 =	vld [tilespmem:s2+$0x4BF0];
	[tilespmem:s2+$0x4B80] =	vst v2;
	v2 =	vmul.f32 v58, v1  }
0x16d: {  	[tilespmem:s2+$0x4B90] =	vst v3;
	v3 =	vmul.f32 v59, v1  }
0x16e: {  	p0 =	sne.s32 s1, $0x7;
	[tilespmem:s2+$0x4BA0] =	vst v2;
	v2 =	vmul.f32 v60, v1  }
.Ltmp2:
0x16f: {  	[tilespmem:s2+$0x4BB0] =	vst v3;
	v3 =	vmul.f32 v61, v1;
	(pc) =	sbr.rel @p0 .LBB2_7-.Ltmp2, $4  }
0x170: {  	[tilespmem:s2+$0x4BC0] =	vst v2;
	v2 =	vmul.f32 v62, v1  }
0x171: {  	[tilespmem:s2+$0x4BD0] =	vst v3;
	v1 =	vmul.f32 v63, v1  }
0x172: {  	[tilespmem:s2+$0x4BE0] =	vst v2  }
0x173: {  	s1 =	sadd.s32 $0x1, s1;
	[tilespmem:s2+$0x4BF0] =	vst v1  }
0x174: {  	s30 =	sadd.s32 $0x1, s30  }
0x175: {  	p0 =	sne.s32 s30, $0x28  }
.Ltmp3:
0x176: {  	_ = 	snop;
	(pc) =	sbr.rel @p0 .LBB2_4-.Ltmp3, $2  }
0x177: {  	_ =	sdelay $0x2  }
0x178: {  	[spmem:s3] =	stream.indirect.scatter.add.f32 [tilespmem:s21], [sflag:$0x4], $0x80, s16, s19, $0xb8;
	[tilespmem:$0x1BC80] =	vst v63  }
0x179: {  	_ =	swait.ge [sflag:s26], $0x4000;
	s1 =	stileid.u32  }
0x17a: {  	s2 =	sshrl.u32 s6, $0x3;
	s28 =	sadd.s32 $0x1, s28;
	[sflag:s26] =	ssyncset.done $0x0  }
0x17b: {  	s1 =	sshll.u32 s1, $0x6;
	p0 =	sne.s32 s28, s15;
	[sflag:s26] =	ssyncadd.s32 $0xFFFFC000  }
.Ltmp4:
0x17c: {  	s1 =	sor.u32 $0x1C05, s1;
	[bflag:$0x0] =	sbarrier.arrive $0xFFFF;
	(pc) =	sbr.rel @p0 .LBB2_1-.Ltmp4, $4  }
0x17d: {  	[hbm:s14], [sflag:s1] =	dma.local [spmem:s2], $0x2710  }
0x17e: {  	_ =	swait.ge [sflag:s18], $0x2710  }
0x17f: {  	[sflag:s18] =	ssyncset.done $0x0  }
0x180: {  	[sflag:s18] =	ssyncadd.s32 $0xFFFFD8F0  }
0x181: {  	_ =	sfence.sel $0x180000  }
0x182: {  	[bflag:$0x0] =	sbarrier.arrive $0xFFFF  }
0x183: {  	_ =	strace $0x90000047  }
0x184: {  	s0 =	stileid.u32;
	[bflag:$0x2] =	sbarrier.arrive $0xFFFF  }
0x185: {  	p0 =	sne.s32 s0, $0x0;
	s0 =	rddreg [dreg:$0x3]  }
0x186: {  	s0 =	sadd.s32 @!p0 $0x100000, s0  }
0x187: {  	[sflag:s0] =	ssyncadd.tile.s32 @!p0 $0x1;
	_ =	shalt  }
.Lfunc_end2:
_tile_overlayer_lowered:
.L_overlay_start_2:
0x188: {  	(tag) =	ssettag $0x2  }
0x189: {  	s0 =	rddreg [dreg:$0x0];
	s2 =	stileid.u32  }
0x18a: {  	s1 =	rddreg [dreg:$0x1];
	p0 =	sne.s32 s2, $0x0  }
0x18b: {  	s3 =	rddreg [dreg:$0x2];
	[bflag:$0x3] =	sbarrier.arrive $0xFFFF;
	s2 =	simm.s32 @!p0 $0x1C05  }
0x18c: {  	[timem:s3], [sflag:s2] =	dma.local @!p0 [hbm:s0], s1  }
0x18d: {  	s0 =	simm.s32 @!p0 $0x5  }
0x18e: {  	_ =	swait.ge @!p0 [sflag:s0], s1  }
0x18f: {  	s1 =	ssub.s32 @!p0 $0x0, s1;
	[sflag:s0] =	ssyncset.done @!p0 $0x0  }
0x190: {  	[sflag:s0] =	ssyncadd.s32 @!p0 s1  }
0x191: {  	[bflag:$0x3] =	sbarrier.arrive $0xFFFF  }
0x192: {  	_ =	shalt  }

</sc_bundles>
